<compile_context>
chip_gen: v7x
topology: tpu7x:2x2x1
jax: 0.10.2.dev20260603
libtpu: 0.0.44.dev20260713+nightly
codegen_flags: <defaults>
</compile_context>

<pallas_src>
import functools

import jax
import jax.numpy as jnp
from jax import lax
from jax.experimental import pallas as pl
from jax.experimental.pallas import tpu as pltpu
from jax.experimental.pallas import tpu_sc as plsc

EMBED_DIM = 64
NUM_CORES = 2
NUM_SUBCORES = 16
NUM_WORKERS = NUM_CORES * NUM_SUBCORES
CH = 256


@jax.jit
def _gather_t(ids_t, table2):
    T, S = ids_t.shape
    s_per_w = S // NUM_WORKERS
    halves = s_per_w // CH
    n_chunks = T * halves
    mesh = plsc.VectorSubcoreMesh(core_axis_name="c", subcore_axis_name="s")

    @functools.partial(
        pl.kernel,
        mesh=mesh,
        out_type=jax.ShapeDtypeStruct((T, EMBED_DIM, S), jnp.float32),
        scratch_types=[
            pltpu.VMEM((CH,), jnp.int32),
            pltpu.VMEM((CH,), jnp.int32),
            pltpu.VMEM((CH,), jnp.int32),
            pltpu.VMEM((CH,), jnp.int32),
            pltpu.VMEM((CH,), jnp.int32),
            pltpu.VMEM((CH,), jnp.int32),
            pltpu.VMEM((CH, 2 * EMBED_DIM), jnp.float32),
            pltpu.VMEM((CH, 2 * EMBED_DIM), jnp.float32),
            pltpu.VMEM((EMBED_DIM, CH), jnp.float32),
            pltpu.VMEM((EMBED_DIM, CH), jnp.float32),
            pltpu.SemaphoreType.DMA,
            pltpu.SemaphoreType.DMA,
            pltpu.SemaphoreType.DMA,
            pltpu.SemaphoreType.DMA,
        ],
        compiler_params=pltpu.CompilerParams(needs_layout_passes=False),
    )
    def k(ids_hbm, table_hbm, out_hbm,
          idx0, idx1, pix0, pix1, par0, par1, rows0, rows1, tr0, tr1,
          gsem0, gsem1, wsem0, wsem1):
        wid = lax.axis_index("s") * NUM_CORES + lax.axis_index("c")
        s0 = pl.multiple_of(wid * s_per_w, 8)
        idx = (idx0, idx1)
        pix = (pix0, pix1)
        par = (par0, par1)
        rows = (rows0, rows1)
        tr = (tr0, tr1)
        gsem = (gsem0, gsem1)
        wsem = (wsem0, wsem1)
        iota = lax.iota(jnp.int32, 16)
        rots = [jnp.where(iota + r < 16, iota + r, iota + r - 16)
                for r in range(16)]

        def ids_slice(c):
            t = c // halves
            return ids_hbm.at[t, pl.ds(s0 + (c % halves) * CH, CH)]

        def out_slice(c):
            t = c // halves
            return out_hbm.at[t, :, pl.ds(s0 + (c % halves) * CH, CH)]

        def prep_indices(b):
            for k16 in range(CH // 16):
                v = idx[b][pl.ds(16 * k16, 16)]
                pix[b][pl.ds(16 * k16, 16)] = lax.shift_right_logical(v, 1)
                par[b][pl.ds(16 * k16, 16)] = lax.shift_left(
                    lax.bitwise_and(v, 1), 6)

        def transpose(b):
            rbuf, tbuf, pbuf = rows[b], tr[b], par[b]

            @plsc.parallel_loop(0, CH, 16, unroll=2)
            def _(sb):
                srow = sb + iota
                pv = pbuf[pl.ds(sb, 16)]
                for d0 in range(0, EMBED_DIM, 16):
                    for r in range(0, 16):
                        dcol = d0 + rots[r]
                        vec = plsc.load_gather(rbuf, [srow, pv + dcol])
                        plsc.store_scatter(tbuf, [dcol, srow], vec)

        def stage(c, b):
            pltpu.make_async_copy(
                table_hbm.at[pix[b]], rows[b], gsem[b]
            ).wait()

            @pl.when(c + 1 < n_chunks)
            def _():
                o = 1 - b
                pltpu.sync_copy(ids_slice(c + 1), idx[o])
                prep_indices(o)
                pltpu.async_copy(table_hbm.at[pix[o]], rows[o], gsem[o])

            @pl.when(c >= 2)
            def _():
                pltpu.make_async_copy(tr[b], out_slice(c), wsem[b]).wait()

            transpose(b)
            pltpu.async_copy(tr[b], out_slice(c), wsem[b])

        pltpu.sync_copy(ids_slice(0), idx[0])
        prep_indices(0)
        pltpu.async_copy(table_hbm.at[pix[0]], rows[0], gsem[0])

        def body(i, carry):
            stage(2 * i, 0)
            stage(2 * i + 1, 1)
            return carry

        lax.fori_loop(0, n_chunks // 2, body, 0)

        pltpu.make_async_copy(tr[0], out_slice(n_chunks - 2), wsem[0]).wait()
        pltpu.make_async_copy(tr[1], out_slice(n_chunks - 1), wsem[1]).wait()

    return k(ids_t, table2)


def kernel(token_ids, embedding):
    table2 = embedding.reshape(500000, 2 * EMBED_DIM)
    out_t = _gather_t(token_ids.T, table2)
    return out_t.transpose(2, 0, 1)

# --- scband reference (transcript-rebuilt; emitter-appended) ---
"""Pipeline reference for scband-embedding-3341484556562 (READ-ONLY COPY).

The authoritative reference and input builder live on the scoring server;
editing this copy changes nothing except your own understanding.
"""

import jax, jax.numpy as jnp
import numpy as np

NUM_EMBEDDINGS = 1000000
EMBEDDING_DIM = 64

def setup_inputs(seed: int = 0) -> dict:
    key = jax.random.key(seed)
    k_idx, k_emb = jax.random.split(key)
    token_ids = jax.random.randint(k_idx, (16384, 50), 0, NUM_EMBEDDINGS, dtype=jnp.int64 if jax.config.jax_enable_x64 else jnp.int32)
    # trunc_normal_(mean=0, std=1, a=-3, b=3)
    embedding = jax.random.truncated_normal(k_emb, -3.0, 3.0, (NUM_EMBEDDINGS, EMBEDDING_DIM), dtype=jnp.float32)
    return {"token_ids": token_ids, "embedding": embedding}

def reference(token_ids, embedding):
    # Faithful translation of: self.embedding[token_ids, :]
    return jnp.take(embedding, token_ids, axis=0)

if __name__ == "__main__":
    import jax
    _d = setup_inputs()
    print(jax.jit(kernel)(*tuple(_d.values())))

</pallas_src>

<mosaic_0001>
#map = affine_map<(d0, d1) -> (0, 0)>
#map1 = affine_map<(d0, d1) -> (0, 0, 0)>
module attributes {stable_mosaic.version = 14 : i64} {
  func.func @k(%arg0: i32, %arg1: i32, %arg2: memref<50x16384xi32, #tpu.memory_space<hbm>>, %arg3: memref<500000x128xf32, #tpu.memory_space<hbm>>, %arg4: memref<50x64x16384xf32, #tpu.memory_space<hbm>>, %arg5: memref<256xi32, #tpu.memory_space<vmem>>, %arg6: memref<256xi32, #tpu.memory_space<vmem>>, %arg7: memref<256xi32, #tpu.memory_space<vmem>>, %arg8: memref<256xi32, #tpu.memory_space<vmem>>, %arg9: memref<256xi32, #tpu.memory_space<vmem>>, %arg10: memref<256xi32, #tpu.memory_space<vmem>>, %arg11: memref<256x128xf32, #tpu.memory_space<vmem>>, %arg12: memref<256x128xf32, #tpu.memory_space<vmem>>, %arg13: memref<64x256xf32, #tpu.memory_space<vmem>>, %arg14: memref<64x256xf32, #tpu.memory_space<vmem>>, %arg15: memref<!tpu.dma_semaphore, #tpu.memory_space<semaphore_mem>>, %arg16: memref<!tpu.dma_semaphore, #tpu.memory_space<semaphore_mem>>, %arg17: memref<!tpu.dma_semaphore, #tpu.memory_space<semaphore_mem>>, %arg18: memref<!tpu.dma_semaphore, #tpu.memory_space<semaphore_mem>>) attributes {dimension_semantics = [#tpu.dimension_semantics<core_parallel>, #tpu.dimension_semantics<subcore_parallel>], iteration_bounds = array<i64: 2, 16>, scalar_prefetch = 0 : i64, scratch_operands = 14 : i64, tpu.core_type = #tpu.core_type<sc_vector_subcore>, window_params = [{transform_indices = #map}, {transform_indices = #map}, {transform_indices = #map1}]} {
    %mul3A = arith.constant 2 : i32
    %mul3A_0 = arith.muli %arg1, %mul3A : i32
    %add3A = arith.addi %mul3A_0, %arg0 : i32
    %mul3A_1 = arith.constant 512 : i32
    %mul3A_2 = arith.muli %add3A, %mul3A_1 : i32
    %multiple_of3A = tpu.assume_multiple %mul3A_2, 8 : i32
    %iota3A = tpu.iota {dimensions = array<i32: 0>} : vector<16xi32>
    %add3A_3 = arith.constant 0 : i32
    %add3A_4 = vector.broadcast %add3A_3 : i32 to vector<16xi32>
    %add3A_5 = arith.addi %iota3A, %add3A_4 : vector<16xi32>
    %lt3A = arith.constant 16 : i32
    %lt3A_6 = vector.broadcast %lt3A : i32 to vector<16xi32>
    %lt3A_7 = arith.cmpi slt, %add3A_5, %lt3A_6 : vector<16xi32>
    %add3A_8 = arith.constant 0 : i32
    %add3A_9 = vector.broadcast %add3A_8 : i32 to vector<16xi32>
    %add3A_10 = arith.addi %iota3A, %add3A_9 : vector<16xi32>
    %add3A_11 = arith.constant 0 : i32
    %add3A_12 = vector.broadcast %add3A_11 : i32 to vector<16xi32>
    %add3A_13 = arith.addi %iota3A, %add3A_12 : vector<16xi32>
    %sub3A = arith.constant 16 : i32
    %sub3A_14 = vector.broadcast %sub3A : i32 to vector<16xi32>
    %sub3A_15 = arith.subi %add3A_13, %sub3A_14 : vector<16xi32>
    %select_n3A = arith.select %lt3A_7, %add3A_10, %sub3A_15 : vector<16xi1>, vector<16xi32>
    %add3A_16 = arith.constant 1 : i32
    %add3A_17 = vector.broadcast %add3A_16 : i32 to vector<16xi32>
    %add3A_18 = arith.addi %iota3A, %add3A_17 : vector<16xi32>
    %lt3A_19 = arith.constant 16 : i32
    %lt3A_20 = vector.broadcast %lt3A_19 : i32 to vector<16xi32>
    %lt3A_21 = arith.cmpi slt, %add3A_18, %lt3A_20 : vector<16xi32>
    %add3A_22 = arith.constant 1 : i32
    %add3A_23 = vector.broadcast %add3A_22 : i32 to vector<16xi32>
    %add3A_24 = arith.addi %iota3A, %add3A_23 : vector<16xi32>
    %add3A_25 = arith.constant 1 : i32
    %add3A_26 = vector.broadcast %add3A_25 : i32 to vector<16xi32>
    %add3A_27 = arith.addi %iota3A, %add3A_26 : vector<16xi32>
    %sub3A_28 = arith.constant 16 : i32
    %sub3A_29 = vector.broadcast %sub3A_28 : i32 to vector<16xi32>
    %sub3A_30 = arith.subi %add3A_27, %sub3A_29 : vector<16xi32>
    %select_n3A_31 = arith.select %lt3A_21, %add3A_24, %sub3A_30 : vector<16xi1>, vector<16xi32>
    %add3A_32 = arith.constant 2 : i32
    %add3A_33 = vector.broadcast %add3A_32 : i32 to vector<16xi32>
    %add3A_34 = arith.addi %iota3A, %add3A_33 : vector<16xi32>
    %lt3A_35 = arith.constant 16 : i32
    %lt3A_36 = vector.broadcast %lt3A_35 : i32 to vector<16xi32>
    %lt3A_37 = arith.cmpi slt, %add3A_34, %lt3A_36 : vector<16xi32>
    %add3A_38 = arith.constant 2 : i32
    %add3A_39 = vector.broadcast %add3A_38 : i32 to vector<16xi32>
    %add3A_40 = arith.addi %iota3A, %add3A_39 : vector<16xi32>
    %add3A_41 = arith.constant 2 : i32
    %add3A_42 = vector.broadcast %add3A_41 : i32 to vector<16xi32>
    %add3A_43 = arith.addi %iota3A, %add3A_42 : vector<16xi32>
    %sub3A_44 = arith.constant 16 : i32
    %sub3A_45 = vector.broadcast %sub3A_44 : i32 to vector<16xi32>
    %sub3A_46 = arith.subi %add3A_43, %sub3A_45 : vector<16xi32>
    %select_n3A_47 = arith.select %lt3A_37, %add3A_40, %sub3A_46 : vector<16xi1>, vector<16xi32>
    %add3A_48 = arith.constant 3 : i32
    %add3A_49 = vector.broadcast %add3A_48 : i32 to vector<16xi32>
    %add3A_50 = arith.addi %iota3A, %add3A_49 : vector<16xi32>
    %lt3A_51 = arith.constant 16 : i32
    %lt3A_52 = vector.broadcast %lt3A_51 : i32 to vector<16xi32>
    %lt3A_53 = arith.cmpi slt, %add3A_50, %lt3A_52 : vector<16xi32>
    %add3A_54 = arith.constant 3 : i32
    %add3A_55 = vector.broadcast %add3A_54 : i32 to vector<16xi32>
    %add3A_56 = arith.addi %iota3A, %add3A_55 : vector<16xi32>
    %add3A_57 = arith.constant 3 : i32
    %add3A_58 = vector.broadcast %add3A_57 : i32 to vector<16xi32>
    %add3A_59 = arith.addi %iota3A, %add3A_58 : vector<16xi32>
    %sub3A_60 = arith.constant 16 : i32
    %sub3A_61 = vector.broadcast %sub3A_60 : i32 to vector<16xi32>
    %sub3A_62 = arith.subi %add3A_59, %sub3A_61 : vector<16xi32>
    %select_n3A_63 = arith.select %lt3A_53, %add3A_56, %sub3A_62 : vector<16xi1>, vector<16xi32>
    %add3A_64 = arith.constant 4 : i32
    %add3A_65 = vector.broadcast %add3A_64 : i32 to vector<16xi32>
    %add3A_66 = arith.addi %iota3A, %add3A_65 : vector<16xi32>
    %lt3A_67 = arith.constant 16 : i32
    %lt3A_68 = vector.broadcast %lt3A_67 : i32 to vector<16xi32>
    %lt3A_69 = arith.cmpi slt, %add3A_66, %lt3A_68 : vector<16xi32>
    %add3A_70 = arith.constant 4 : i32
    %add3A_71 = vector.broadcast %add3A_70 : i32 to vector<16xi32>
    %add3A_72 = arith.addi %iota3A, %add3A_71 : vector<16xi32>
    %add3A_73 = arith.constant 4 : i32
    %add3A_74 = vector.broadcast %add3A_73 : i32 to vector<16xi32>
    %add3A_75 = arith.addi %iota3A, %add3A_74 : vector<16xi32>
    %sub3A_76 = arith.constant 16 : i32
    %sub3A_77 = vector.broadcast %sub3A_76 : i32 to vector<16xi32>
    %sub3A_78 = arith.subi %add3A_75, %sub3A_77 : vector<16xi32>
    %select_n3A_79 = arith.select %lt3A_69, %add3A_72, %sub3A_78 : vector<16xi1>, vector<16xi32>
    %add3A_80 = arith.constant 5 : i32
    %add3A_81 = vector.broadcast %add3A_80 : i32 to vector<16xi32>
    %add3A_82 = arith.addi %iota3A, %add3A_81 : vector<16xi32>
    %lt3A_83 = arith.constant 16 : i32
    %lt3A_84 = vector.broadcast %lt3A_83 : i32 to vector<16xi32>
    %lt3A_85 = arith.cmpi slt, %add3A_82, %lt3A_84 : vector<16xi32>
    %add3A_86 = arith.constant 5 : i32
    %add3A_87 = vector.broadcast %add3A_86 : i32 to vector<16xi32>
    %add3A_88 = arith.addi %iota3A, %add3A_87 : vector<16xi32>
    %add3A_89 = arith.constant 5 : i32
    %add3A_90 = vector.broadcast %add3A_89 : i32 to vector<16xi32>
    %add3A_91 = arith.addi %iota3A, %add3A_90 : vector<16xi32>
    %sub3A_92 = arith.constant 16 : i32
    %sub3A_93 = vector.broadcast %sub3A_92 : i32 to vector<16xi32>
    %sub3A_94 = arith.subi %add3A_91, %sub3A_93 : vector<16xi32>
    %select_n3A_95 = arith.select %lt3A_85, %add3A_88, %sub3A_94 : vector<16xi1>, vector<16xi32>
    %add3A_96 = arith.constant 6 : i32
    %add3A_97 = vector.broadcast %add3A_96 : i32 to vector<16xi32>
    %add3A_98 = arith.addi %iota3A, %add3A_97 : vector<16xi32>
    %lt3A_99 = arith.constant 16 : i32
    %lt3A_100 = vector.broadcast %lt3A_99 : i32 to vector<16xi32>
    %lt3A_101 = arith.cmpi slt, %add3A_98, %lt3A_100 : vector<16xi32>
    %add3A_102 = arith.constant 6 : i32
    %add3A_103 = vector.broadcast %add3A_102 : i32 to vector<16xi32>
    %add3A_104 = arith.addi %iota3A, %add3A_103 : vector<16xi32>
    %add3A_105 = arith.constant 6 : i32
    %add3A_106 = vector.broadcast %add3A_105 : i32 to vector<16xi32>
    %add3A_107 = arith.addi %iota3A, %add3A_106 : vector<16xi32>
    %sub3A_108 = arith.constant 16 : i32
    %sub3A_109 = vector.broadcast %sub3A_108 : i32 to vector<16xi32>
    %sub3A_110 = arith.subi %add3A_107, %sub3A_109 : vector<16xi32>
    %select_n3A_111 = arith.select %lt3A_101, %add3A_104, %sub3A_110 : vector<16xi1>, vector<16xi32>
    %add3A_112 = arith.constant 7 : i32
    %add3A_113 = vector.broadcast %add3A_112 : i32 to vector<16xi32>
    %add3A_114 = arith.addi %iota3A, %add3A_113 : vector<16xi32>
    %lt3A_115 = arith.constant 16 : i32
    %lt3A_116 = vector.broadcast %lt3A_115 : i32 to vector<16xi32>
    %lt3A_117 = arith.cmpi slt, %add3A_114, %lt3A_116 : vector<16xi32>
    %add3A_118 = arith.constant 7 : i32
    %add3A_119 = vector.broadcast %add3A_118 : i32 to vector<16xi32>
    %add3A_120 = arith.addi %iota3A, %add3A_119 : vector<16xi32>
    %add3A_121 = arith.constant 7 : i32
    %add3A_122 = vector.broadcast %add3A_121 : i32 to vector<16xi32>
    %add3A_123 = arith.addi %iota3A, %add3A_122 : vector<16xi32>
    %sub3A_124 = arith.constant 16 : i32
    %sub3A_125 = vector.broadcast %sub3A_124 : i32 to vector<16xi32>
    %sub3A_126 = arith.subi %add3A_123, %sub3A_125 : vector<16xi32>
    %select_n3A_127 = arith.select %lt3A_117, %add3A_120, %sub3A_126 : vector<16xi1>, vector<16xi32>
    %add3A_128 = arith.constant 8 : i32
    %add3A_129 = vector.broadcast %add3A_128 : i32 to vector<16xi32>
    %add3A_130 = arith.addi %iota3A, %add3A_129 : vector<16xi32>
    %lt3A_131 = arith.constant 16 : i32
    %lt3A_132 = vector.broadcast %lt3A_131 : i32 to vector<16xi32>
    %lt3A_133 = arith.cmpi slt, %add3A_130, %lt3A_132 : vector<16xi32>
    %add3A_134 = arith.constant 8 : i32
    %add3A_135 = vector.broadcast %add3A_134 : i32 to vector<16xi32>
    %add3A_136 = arith.addi %iota3A, %add3A_135 : vector<16xi32>
    %add3A_137 = arith.constant 8 : i32
    %add3A_138 = vector.broadcast %add3A_137 : i32 to vector<16xi32>
    %add3A_139 = arith.addi %iota3A, %add3A_138 : vector<16xi32>
    %sub3A_140 = arith.constant 16 : i32
    %sub3A_141 = vector.broadcast %sub3A_140 : i32 to vector<16xi32>
    %sub3A_142 = arith.subi %add3A_139, %sub3A_141 : vector<16xi32>
    %select_n3A_143 = arith.select %lt3A_133, %add3A_136, %sub3A_142 : vector<16xi1>, vector<16xi32>
    %add3A_144 = arith.constant 9 : i32
    %add3A_145 = vector.broadcast %add3A_144 : i32 to vector<16xi32>
    %add3A_146 = arith.addi %iota3A, %add3A_145 : vector<16xi32>
    %lt3A_147 = arith.constant 16 : i32
    %lt3A_148 = vector.broadcast %lt3A_147 : i32 to vector<16xi32>
    %lt3A_149 = arith.cmpi slt, %add3A_146, %lt3A_148 : vector<16xi32>
    %add3A_150 = arith.constant 9 : i32
    %add3A_151 = vector.broadcast %add3A_150 : i32 to vector<16xi32>
    %add3A_152 = arith.addi %iota3A, %add3A_151 : vector<16xi32>
    %add3A_153 = arith.constant 9 : i32
    %add3A_154 = vector.broadcast %add3A_153 : i32 to vector<16xi32>
    %add3A_155 = arith.addi %iota3A, %add3A_154 : vector<16xi32>
    %sub3A_156 = arith.constant 16 : i32
    %sub3A_157 = vector.broadcast %sub3A_156 : i32 to vector<16xi32>
    %sub3A_158 = arith.subi %add3A_155, %sub3A_157 : vector<16xi32>
    %select_n3A_159 = arith.select %lt3A_149, %add3A_152, %sub3A_158 : vector<16xi1>, vector<16xi32>
    %add3A_160 = arith.constant 10 : i32
    %add3A_161 = vector.broadcast %add3A_160 : i32 to vector<16xi32>
    %add3A_162 = arith.addi %iota3A, %add3A_161 : vector<16xi32>
    %lt3A_163 = arith.constant 16 : i32
    %lt3A_164 = vector.broadcast %lt3A_163 : i32 to vector<16xi32>
    %lt3A_165 = arith.cmpi slt, %add3A_162, %lt3A_164 : vector<16xi32>
    %add3A_166 = arith.constant 10 : i32
    %add3A_167 = vector.broadcast %add3A_166 : i32 to vector<16xi32>
    %add3A_168 = arith.addi %iota3A, %add3A_167 : vector<16xi32>
    %add3A_169 = arith.constant 10 : i32
    %add3A_170 = vector.broadcast %add3A_169 : i32 to vector<16xi32>
    %add3A_171 = arith.addi %iota3A, %add3A_170 : vector<16xi32>
    %sub3A_172 = arith.constant 16 : i32
    %sub3A_173 = vector.broadcast %sub3A_172 : i32 to vector<16xi32>
    %sub3A_174 = arith.subi %add3A_171, %sub3A_173 : vector<16xi32>
    %select_n3A_175 = arith.select %lt3A_165, %add3A_168, %sub3A_174 : vector<16xi1>, vector<16xi32>
    %add3A_176 = arith.constant 11 : i32
    %add3A_177 = vector.broadcast %add3A_176 : i32 to vector<16xi32>
    %add3A_178 = arith.addi %iota3A, %add3A_177 : vector<16xi32>
    %lt3A_179 = arith.constant 16 : i32
    %lt3A_180 = vector.broadcast %lt3A_179 : i32 to vector<16xi32>
    %lt3A_181 = arith.cmpi slt, %add3A_178, %lt3A_180 : vector<16xi32>
    %add3A_182 = arith.constant 11 : i32
    %add3A_183 = vector.broadcast %add3A_182 : i32 to vector<16xi32>
    %add3A_184 = arith.addi %iota3A, %add3A_183 : vector<16xi32>
    %add3A_185 = arith.constant 11 : i32
    %add3A_186 = vector.broadcast %add3A_185 : i32 to vector<16xi32>
    %add3A_187 = arith.addi %iota3A, %add3A_186 : vector<16xi32>
    %sub3A_188 = arith.constant 16 : i32
    %sub3A_189 = vector.broadcast %sub3A_188 : i32 to vector<16xi32>
    %sub3A_190 = arith.subi %add3A_187, %sub3A_189 : vector<16xi32>
    %select_n3A_191 = arith.select %lt3A_181, %add3A_184, %sub3A_190 : vector<16xi1>, vector<16xi32>
    %add3A_192 = arith.constant 12 : i32
    %add3A_193 = vector.broadcast %add3A_192 : i32 to vector<16xi32>
    %add3A_194 = arith.addi %iota3A, %add3A_193 : vector<16xi32>
    %lt3A_195 = arith.constant 16 : i32
    %lt3A_196 = vector.broadcast %lt3A_195 : i32 to vector<16xi32>
    %lt3A_197 = arith.cmpi slt, %add3A_194, %lt3A_196 : vector<16xi32>
    %add3A_198 = arith.constant 12 : i32
    %add3A_199 = vector.broadcast %add3A_198 : i32 to vector<16xi32>
    %add3A_200 = arith.addi %iota3A, %add3A_199 : vector<16xi32>
    %add3A_201 = arith.constant 12 : i32
    %add3A_202 = vector.broadcast %add3A_201 : i32 to vector<16xi32>
    %add3A_203 = arith.addi %iota3A, %add3A_202 : vector<16xi32>
    %sub3A_204 = arith.constant 16 : i32
    %sub3A_205 = vector.broadcast %sub3A_204 : i32 to vector<16xi32>
    %sub3A_206 = arith.subi %add3A_203, %sub3A_205 : vector<16xi32>
    %select_n3A_207 = arith.select %lt3A_197, %add3A_200, %sub3A_206 : vector<16xi1>, vector<16xi32>
    %add3A_208 = arith.constant 13 : i32
    %add3A_209 = vector.broadcast %add3A_208 : i32 to vector<16xi32>
    %add3A_210 = arith.addi %iota3A, %add3A_209 : vector<16xi32>
    %lt3A_211 = arith.constant 16 : i32
    %lt3A_212 = vector.broadcast %lt3A_211 : i32 to vector<16xi32>
    %lt3A_213 = arith.cmpi slt, %add3A_210, %lt3A_212 : vector<16xi32>
    %add3A_214 = arith.constant 13 : i32
    %add3A_215 = vector.broadcast %add3A_214 : i32 to vector<16xi32>
    %add3A_216 = arith.addi %iota3A, %add3A_215 : vector<16xi32>
    %add3A_217 = arith.constant 13 : i32
    %add3A_218 = vector.broadcast %add3A_217 : i32 to vector<16xi32>
    %add3A_219 = arith.addi %iota3A, %add3A_218 : vector<16xi32>
    %sub3A_220 = arith.constant 16 : i32
    %sub3A_221 = vector.broadcast %sub3A_220 : i32 to vector<16xi32>
    %sub3A_222 = arith.subi %add3A_219, %sub3A_221 : vector<16xi32>
    %select_n3A_223 = arith.select %lt3A_213, %add3A_216, %sub3A_222 : vector<16xi1>, vector<16xi32>
    %add3A_224 = arith.constant 14 : i32
    %add3A_225 = vector.broadcast %add3A_224 : i32 to vector<16xi32>
    %add3A_226 = arith.addi %iota3A, %add3A_225 : vector<16xi32>
    %lt3A_227 = arith.constant 16 : i32
    %lt3A_228 = vector.broadcast %lt3A_227 : i32 to vector<16xi32>
    %lt3A_229 = arith.cmpi slt, %add3A_226, %lt3A_228 : vector<16xi32>
    %add3A_230 = arith.constant 14 : i32
    %add3A_231 = vector.broadcast %add3A_230 : i32 to vector<16xi32>
    %add3A_232 = arith.addi %iota3A, %add3A_231 : vector<16xi32>
    %add3A_233 = arith.constant 14 : i32
    %add3A_234 = vector.broadcast %add3A_233 : i32 to vector<16xi32>
    %add3A_235 = arith.addi %iota3A, %add3A_234 : vector<16xi32>
    %sub3A_236 = arith.constant 16 : i32
    %sub3A_237 = vector.broadcast %sub3A_236 : i32 to vector<16xi32>
    %sub3A_238 = arith.subi %add3A_235, %sub3A_237 : vector<16xi32>
    %select_n3A_239 = arith.select %lt3A_229, %add3A_232, %sub3A_238 : vector<16xi1>, vector<16xi32>
    %add3A_240 = arith.constant 15 : i32
    %add3A_241 = vector.broadcast %add3A_240 : i32 to vector<16xi32>
    %add3A_242 = arith.addi %iota3A, %add3A_241 : vector<16xi32>
    %lt3A_243 = arith.constant 16 : i32
    %lt3A_244 = vector.broadcast %lt3A_243 : i32 to vector<16xi32>
    %lt3A_245 = arith.cmpi slt, %add3A_242, %lt3A_244 : vector<16xi32>
    %add3A_246 = arith.constant 15 : i32
    %add3A_247 = vector.broadcast %add3A_246 : i32 to vector<16xi32>
    %add3A_248 = arith.addi %iota3A, %add3A_247 : vector<16xi32>
    %add3A_249 = arith.constant 15 : i32
    %add3A_250 = vector.broadcast %add3A_249 : i32 to vector<16xi32>
    %add3A_251 = arith.addi %iota3A, %add3A_250 : vector<16xi32>
    %sub3A_252 = arith.constant 16 : i32
    %sub3A_253 = vector.broadcast %sub3A_252 : i32 to vector<16xi32>
    %sub3A_254 = arith.subi %add3A_251, %sub3A_253 : vector<16xi32>
    %select_n3A_255 = arith.select %lt3A_245, %add3A_248, %sub3A_254 : vector<16xi1>, vector<16xi32>
    %add3A_256 = arith.constant 0 : i32
    %add3A_257 = arith.addi %multiple_of3A, %add3A_256 : i32
    %run_scoped3A = arith.constant 0 : i32
    "tpu.region"() ({
      %run_scoped3A_517 = tpu.sem_alloc : memref<!tpu.dma_semaphore, #tpu.memory_space<semaphore_mem>>
      %dma_start3A_518 = tpu.memref_slice %arg2[%run_scoped3A, %add3A_257] : memref<50x16384xi32, #tpu.memory_space<hbm>> -> memref<1x256xi32, #tpu.memory_space<hbm>>
      %dma_start3A_519 = tpu.memref_squeeze %dma_start3A_518 : memref<1x256xi32, #tpu.memory_space<hbm>> -> memref<256xi32, #tpu.memory_space<hbm>>
      %dma_start3A_520 = tpu.memref_slice %arg2[%run_scoped3A, %add3A_257] : memref<50x16384xi32, #tpu.memory_space<hbm>> -> memref<1x256xi32, #tpu.memory_space<hbm>>
      %dma_start3A_521 = tpu.memref_squeeze %dma_start3A_520 : memref<1x256xi32, #tpu.memory_space<hbm>> -> memref<256xi32, #tpu.memory_space<hbm>>
      tpu.enqueue_dma source(%dma_start3A_521 : memref<256xi32, #tpu.memory_space<hbm>>) target(%arg5 : memref<256xi32, #tpu.memory_space<vmem>>) target_semaphore(%run_scoped3A_517 : memref<!tpu.dma_semaphore, #tpu.memory_space<semaphore_mem>>)
      %dma_wait3A_522 = tpu.memref_slice %arg2[%run_scoped3A, %add3A_257] : memref<50x16384xi32, #tpu.memory_space<hbm>> -> memref<1x256xi32, #tpu.memory_space<hbm>>
      %dma_wait3A_523 = tpu.memref_squeeze %dma_wait3A_522 : memref<1x256xi32, #tpu.memory_space<hbm>> -> memref<256xi32, #tpu.memory_space<hbm>>
      %dma_wait3A_524 = tpu.memref_slice %arg2[%run_scoped3A, %add3A_257] : memref<50x16384xi32, #tpu.memory_space<hbm>> -> memref<1x256xi32, #tpu.memory_space<hbm>>
      %dma_wait3A_525 = tpu.memref_squeeze %dma_wait3A_524 : memref<1x256xi32, #tpu.memory_space<hbm>> -> memref<256xi32, #tpu.memory_space<hbm>>
      tpu.wait_dma2 semaphore(%run_scoped3A_517 : memref<!tpu.dma_semaphore, #tpu.memory_space<semaphore_mem>>) src(%dma_wait3A_525 : memref<256xi32, #tpu.memory_space<hbm>>) dst(%arg5 : memref<256xi32, #tpu.memory_space<vmem>>)
      tpu.yield
    }) : () -> ()
    %get3A = arith.constant 0 : index
    %get3A_258 = tpu.vector_load %arg5[%get3A] {strides = array<i32>} : memref<256xi32, #tpu.memory_space<vmem>>, vector<16xi32>,
    %shift_right_logical3A = arith.constant 1 : i32
    %shift_right_logical3A_259 = vector.broadcast %shift_right_logical3A : i32 to vector<16xi32>
    %shift_right_logical3A_260 = arith.shrui %get3A_258, %shift_right_logical3A_259 : vector<16xi32>
    %swap3A = arith.constant 0 : index
    %swap3A_261 = tpu.vector_load %arg7[%swap3A] {strides = array<i32>} : memref<256xi32, #tpu.memory_space<vmem>>, vector<16xi32>,
    tpu.vector_store %arg7[%swap3A], %shift_right_logical3A_260 {strides = array<i32>} : memref<256xi32, #tpu.memory_space<vmem>>, vector<16xi32>,
    %and3A = arith.constant 1 : i32
    %and3A_262 = vector.broadcast %and3A : i32 to vector<16xi32>
    %and3A_263 = arith.andi %get3A_258, %and3A_262 : vector<16xi32>
    %shift_left3A = arith.constant 6 : i32
    %shift_left3A_264 = vector.broadcast %shift_left3A : i32 to vector<16xi32>
    %shift_left3A_265 = arith.shli %and3A_263, %shift_left3A_264 : vector<16xi32>
    %swap3A_266 = arith.constant 0 : index
    %swap3A_267 = tpu.vector_load %arg9[%swap3A_266] {strides = array<i32>} : memref<256xi32, #tpu.memory_space<vmem>>, vector<16xi32>,
    tpu.vector_store %arg9[%swap3A_266], %shift_left3A_265 {strides = array<i32>} : memref<256xi32, #tpu.memory_space<vmem>>, vector<16xi32>,
    %get3A_268 = arith.constant 16 : index
    %get3A_269 = tpu.vector_load %arg5[%get3A_268] {strides = array<i32>} : memref<256xi32, #tpu.memory_space<vmem>>, vector<16xi32>,
    %shift_right_logical3A_270 = arith.constant 1 : i32
    %shift_right_logical3A_271 = vector.broadcast %shift_right_logical3A_270 : i32 to vector<16xi32>
    %shift_right_logical3A_272 = arith.shrui %get3A_269, %shift_right_logical3A_271 : vector<16xi32>
    %swap3A_273 = arith.constant 16 : index
    %swap3A_274 = tpu.vector_load %arg7[%swap3A_273] {strides = array<i32>} : memref<256xi32, #tpu.memory_space<vmem>>, vector<16xi32>,
    tpu.vector_store %arg7[%swap3A_273], %shift_right_logical3A_272 {strides = array<i32>} : memref<256xi32, #tpu.memory_space<vmem>>, vector<16xi32>,
    %and3A_275 = arith.constant 1 : i32
    %and3A_276 = vector.broadcast %and3A_275 : i32 to vector<16xi32>
    %and3A_277 = arith.andi %get3A_269, %and3A_276 : vector<16xi32>
    %shift_left3A_278 = arith.constant 6 : i32
    %shift_left3A_279 = vector.broadcast %shift_left3A_278 : i32 to vector<16xi32>
    %shift_left3A_280 = arith.shli %and3A_277, %shift_left3A_279 : vector<16xi32>
    %swap3A_281 = arith.constant 16 : index
    %swap3A_282 = tpu.vector_load %arg9[%swap3A_281] {strides = array<i32>} : memref<256xi32, #tpu.memory_space<vmem>>, vector<16xi32>,
    tpu.vector_store %arg9[%swap3A_281], %shift_left3A_280 {strides = array<i32>} : memref<256xi32, #tpu.memory_space<vmem>>, vector<16xi32>,
    %get3A_283 = arith.constant 32 : index
    %get3A_284 = tpu.vector_load %arg5[%get3A_283] {strides = array<i32>} : memref<256xi32, #tpu.memory_space<vmem>>, vector<16xi32>,
    %shift_right_logical3A_285 = arith.constant 1 : i32
    %shift_right_logical3A_286 = vector.broadcast %shift_right_logical3A_285 : i32 to vector<16xi32>
    %shift_right_logical3A_287 = arith.shrui %get3A_284, %shift_right_logical3A_286 : vector<16xi32>
    %swap3A_288 = arith.constant 32 : index
    %swap3A_289 = tpu.vector_load %arg7[%swap3A_288] {strides = array<i32>} : memref<256xi32, #tpu.memory_space<vmem>>, vector<16xi32>,
    tpu.vector_store %arg7[%swap3A_288], %shift_right_logical3A_287 {strides = array<i32>} : memref<256xi32, #tpu.memory_space<vmem>>, vector<16xi32>,
    %and3A_290 = arith.constant 1 : i32
    %and3A_291 = vector.broadcast %and3A_290 : i32 to vector<16xi32>
    %and3A_292 = arith.andi %get3A_284, %and3A_291 : vector<16xi32>
    %shift_left3A_293 = arith.constant 6 : i32
    %shift_left3A_294 = vector.broadcast %shift_left3A_293 : i32 to vector<16xi32>
    %shift_left3A_295 = arith.shli %and3A_292, %shift_left3A_294 : vector<16xi32>
    %swap3A_296 = arith.constant 32 : index
    %swap3A_297 = tpu.vector_load %arg9[%swap3A_296] {strides = array<i32>} : memref<256xi32, #tpu.memory_space<vmem>>, vector<16xi32>,
    tpu.vector_store %arg9[%swap3A_296], %shift_left3A_295 {strides = array<i32>} : memref<256xi32, #tpu.memory_space<vmem>>, vector<16xi32>,
    %get3A_298 = arith.constant 48 : index
    %get3A_299 = tpu.vector_load %arg5[%get3A_298] {strides = array<i32>} : memref<256xi32, #tpu.memory_space<vmem>>, vector<16xi32>,
    %shift_right_logical3A_300 = arith.constant 1 : i32
    %shift_right_logical3A_301 = vector.broadcast %shift_right_logical3A_300 : i32 to vector<16xi32>
    %shift_right_logical3A_302 = arith.shrui %get3A_299, %shift_right_logical3A_301 : vector<16xi32>
    %swap3A_303 = arith.constant 48 : index
    %swap3A_304 = tpu.vector_load %arg7[%swap3A_303] {strides = array<i32>} : memref<256xi32, #tpu.memory_space<vmem>>, vector<16xi32>,
    tpu.vector_store %arg7[%swap3A_303], %shift_right_logical3A_302 {strides = array<i32>} : memref<256xi32, #tpu.memory_space<vmem>>, vector<16xi32>,
    %and3A_305 = arith.constant 1 : i32
    %and3A_306 = vector.broadcast %and3A_305 : i32 to vector<16xi32>
    %and3A_307 = arith.andi %get3A_299, %and3A_306 : vector<16xi32>
    %shift_left3A_308 = arith.constant 6 : i32
    %shift_left3A_309 = vector.broadcast %shift_left3A_308 : i32 to vector<16xi32>
    %shift_left3A_310 = arith.shli %and3A_307, %shift_left3A_309 : vector<16xi32>
    %swap3A_311 = arith.constant 48 : index
    %swap3A_312 = tpu.vector_load %arg9[%swap3A_311] {strides = array<i32>} : memref<256xi32, #tpu.memory_space<vmem>>, vector<16xi32>,
    tpu.vector_store %arg9[%swap3A_311], %shift_left3A_310 {strides = array<i32>} : memref<256xi32, #tpu.memory_space<vmem>>, vector<16xi32>,
    %get3A_313 = arith.constant 64 : index
    %get3A_314 = tpu.vector_load %arg5[%get3A_313] {strides = array<i32>} : memref<256xi32, #tpu.memory_space<vmem>>, vector<16xi32>,
    %shift_right_logical3A_315 = arith.constant 1 : i32
    %shift_right_logical3A_316 = vector.broadcast %shift_right_logical3A_315 : i32 to vector<16xi32>
    %shift_right_logical3A_317 = arith.shrui %get3A_314, %shift_right_logical3A_316 : vector<16xi32>
    %swap3A_318 = arith.constant 64 : index
    %swap3A_319 = tpu.vector_load %arg7[%swap3A_318] {strides = array<i32>} : memref<256xi32, #tpu.memory_space<vmem>>, vector<16xi32>,
    tpu.vector_store %arg7[%swap3A_318], %shift_right_logical3A_317 {strides = array<i32>} : memref<256xi32, #tpu.memory_space<vmem>>, vector<16xi32>,
    %and3A_320 = arith.constant 1 : i32
    %and3A_321 = vector.broadcast %and3A_320 : i32 to vector<16xi32>
    %and3A_322 = arith.andi %get3A_314, %and3A_321 : vector<16xi32>
    %shift_left3A_323 = arith.constant 6 : i32
    %shift_left3A_324 = vector.broadcast %shift_left3A_323 : i32 to vector<16xi32>
    %shift_left3A_325 = arith.shli %and3A_322, %shift_left3A_324 : vector<16xi32>
    %swap3A_326 = arith.constant 64 : index
    %swap3A_327 = tpu.vector_load %arg9[%swap3A_326] {strides = array<i32>} : memref<256xi32, #tpu.memory_space<vmem>>, vector<16xi32>,
    tpu.vector_store %arg9[%swap3A_326], %shift_left3A_325 {strides = array<i32>} : memref<256xi32, #tpu.memory_space<vmem>>, vector<16xi32>,
    %get3A_328 = arith.constant 80 : index
    %get3A_329 = tpu.vector_load %arg5[%get3A_328] {strides = array<i32>} : memref<256xi32, #tpu.memory_space<vmem>>, vector<16xi32>,
    %shift_right_logical3A_330 = arith.constant 1 : i32
    %shift_right_logical3A_331 = vector.broadcast %shift_right_logical3A_330 : i32 to vector<16xi32>
    %shift_right_logical3A_332 = arith.shrui %get3A_329, %shift_right_logical3A_331 : vector<16xi32>
    %swap3A_333 = arith.constant 80 : index
    %swap3A_334 = tpu.vector_load %arg7[%swap3A_333] {strides = array<i32>} : memref<256xi32, #tpu.memory_space<vmem>>, vector<16xi32>,
    tpu.vector_store %arg7[%swap3A_333], %shift_right_logical3A_332 {strides = array<i32>} : memref<256xi32, #tpu.memory_space<vmem>>, vector<16xi32>,
    %and3A_335 = arith.constant 1 : i32
    %and3A_336 = vector.broadcast %and3A_335 : i32 to vector<16xi32>
    %and3A_337 = arith.andi %get3A_329, %and3A_336 : vector<16xi32>
    %shift_left3A_338 = arith.constant 6 : i32
    %shift_left3A_339 = vector.broadcast %shift_left3A_338 : i32 to vector<16xi32>
    %shift_left3A_340 = arith.shli %and3A_337, %shift_left3A_339 : vector<16xi32>
    %swap3A_341 = arith.constant 80 : index
    %swap3A_342 = tpu.vector_load %arg9[%swap3A_341] {strides = array<i32>} : memref<256xi32, #tpu.memory_space<vmem>>, vector<16xi32>,
    tpu.vector_store %arg9[%swap3A_341], %shift_left3A_340 {strides = array<i32>} : memref<256xi32, #tpu.memory_space<vmem>>, vector<16xi32>,
    %get3A_343 = arith.constant 96 : index
    %get3A_344 = tpu.vector_load %arg5[%get3A_343] {strides = array<i32>} : memref<256xi32, #tpu.memory_space<vmem>>, vector<16xi32>,
    %shift_right_logical3A_345 = arith.constant 1 : i32
    %shift_right_logical3A_346 = vector.broadcast %shift_right_logical3A_345 : i32 to vector<16xi32>
    %shift_right_logical3A_347 = arith.shrui %get3A_344, %shift_right_logical3A_346 : vector<16xi32>
    %swap3A_348 = arith.constant 96 : index
    %swap3A_349 = tpu.vector_load %arg7[%swap3A_348] {strides = array<i32>} : memref<256xi32, #tpu.memory_space<vmem>>, vector<16xi32>,
    tpu.vector_store %arg7[%swap3A_348], %shift_right_logical3A_347 {strides = array<i32>} : memref<256xi32, #tpu.memory_space<vmem>>, vector<16xi32>,
    %and3A_350 = arith.constant 1 : i32
    %and3A_351 = vector.broadcast %and3A_350 : i32 to vector<16xi32>
    %and3A_352 = arith.andi %get3A_344, %and3A_351 : vector<16xi32>
    %shift_left3A_353 = arith.constant 6 : i32
    %shift_left3A_354 = vector.broadcast %shift_left3A_353 : i32 to vector<16xi32>
    %shift_left3A_355 = arith.shli %and3A_352, %shift_left3A_354 : vector<16xi32>
    %swap3A_356 = arith.constant 96 : index
    %swap3A_357 = tpu.vector_load %arg9[%swap3A_356] {strides = array<i32>} : memref<256xi32, #tpu.memory_space<vmem>>, vector<16xi32>,
    tpu.vector_store %arg9[%swap3A_356], %shift_left3A_355 {strides = array<i32>} : memref<256xi32, #tpu.memory_space<vmem>>, vector<16xi32>,
    %get3A_358 = arith.constant 112 : index
    %get3A_359 = tpu.vector_load %arg5[%get3A_358] {strides = array<i32>} : memref<256xi32, #tpu.memory_space<vmem>>, vector<16xi32>,
    %shift_right_logical3A_360 = arith.constant 1 : i32
    %shift_right_logical3A_361 = vector.broadcast %shift_right_logical3A_360 : i32 to vector<16xi32>
    %shift_right_logical3A_362 = arith.shrui %get3A_359, %shift_right_logical3A_361 : vector<16xi32>
    %swap3A_363 = arith.constant 112 : index
    %swap3A_364 = tpu.vector_load %arg7[%swap3A_363] {strides = array<i32>} : memref<256xi32, #tpu.memory_space<vmem>>, vector<16xi32>,
    tpu.vector_store %arg7[%swap3A_363], %shift_right_logical3A_362 {strides = array<i32>} : memref<256xi32, #tpu.memory_space<vmem>>, vector<16xi32>,
    %and3A_365 = arith.constant 1 : i32
    %and3A_366 = vector.broadcast %and3A_365 : i32 to vector<16xi32>
    %and3A_367 = arith.andi %get3A_359, %and3A_366 : vector<16xi32>
    %shift_left3A_368 = arith.constant 6 : i32
    %shift_left3A_369 = vector.broadcast %shift_left3A_368 : i32 to vector<16xi32>
    %shift_left3A_370 = arith.shli %and3A_367, %shift_left3A_369 : vector<16xi32>
    %swap3A_371 = arith.constant 112 : index
    %swap3A_372 = tpu.vector_load %arg9[%swap3A_371] {strides = array<i32>} : memref<256xi32, #tpu.memory_space<vmem>>, vector<16xi32>,
    tpu.vector_store %arg9[%swap3A_371], %shift_left3A_370 {strides = array<i32>} : memref<256xi32, #tpu.memory_space<vmem>>, vector<16xi32>,
    %get3A_373 = arith.constant 128 : index
    %get3A_374 = tpu.vector_load %arg5[%get3A_373] {strides = array<i32>} : memref<256xi32, #tpu.memory_space<vmem>>, vector<16xi32>,
    %shift_right_logical3A_375 = arith.constant 1 : i32
    %shift_right_logical3A_376 = vector.broadcast %shift_right_logical3A_375 : i32 to vector<16xi32>
    %shift_right_logical3A_377 = arith.shrui %get3A_374, %shift_right_logical3A_376 : vector<16xi32>
    %swap3A_378 = arith.constant 128 : index
    %swap3A_379 = tpu.vector_load %arg7[%swap3A_378] {strides = array<i32>} : memref<256xi32, #tpu.memory_space<vmem>>, vector<16xi32>,
    tpu.vector_store %arg7[%swap3A_378], %shift_right_logical3A_377 {strides = array<i32>} : memref<256xi32, #tpu.memory_space<vmem>>, vector<16xi32>,
    %and3A_380 = arith.constant 1 : i32
    %and3A_381 = vector.broadcast %and3A_380 : i32 to vector<16xi32>
    %and3A_382 = arith.andi %get3A_374, %and3A_381 : vector<16xi32>
    %shift_left3A_383 = arith.constant 6 : i32
    %shift_left3A_384 = vector.broadcast %shift_left3A_383 : i32 to vector<16xi32>
    %shift_left3A_385 = arith.shli %and3A_382, %shift_left3A_384 : vector<16xi32>
    %swap3A_386 = arith.constant 128 : index
    %swap3A_387 = tpu.vector_load %arg9[%swap3A_386] {strides = array<i32>} : memref<256xi32, #tpu.memory_space<vmem>>, vector<16xi32>,
    tpu.vector_store %arg9[%swap3A_386], %shift_left3A_385 {strides = array<i32>} : memref<256xi32, #tpu.memory_space<vmem>>, vector<16xi32>,
    %get3A_388 = arith.constant 144 : index
    %get3A_389 = tpu.vector_load %arg5[%get3A_388] {strides = array<i32>} : memref<256xi32, #tpu.memory_space<vmem>>, vector<16xi32>,
    %shift_right_logical3A_390 = arith.constant 1 : i32
    %shift_right_logical3A_391 = vector.broadcast %shift_right_logical3A_390 : i32 to vector<16xi32>
    %shift_right_logical3A_392 = arith.shrui %get3A_389, %shift_right_logical3A_391 : vector<16xi32>
    %swap3A_393 = arith.constant 144 : index
    %swap3A_394 = tpu.vector_load %arg7[%swap3A_393] {strides = array<i32>} : memref<256xi32, #tpu.memory_space<vmem>>, vector<16xi32>,
    tpu.vector_store %arg7[%swap3A_393], %shift_right_logical3A_392 {strides = array<i32>} : memref<256xi32, #tpu.memory_space<vmem>>, vector<16xi32>,
    %and3A_395 = arith.constant 1 : i32
    %and3A_396 = vector.broadcast %and3A_395 : i32 to vector<16xi32>
    %and3A_397 = arith.andi %get3A_389, %and3A_396 : vector<16xi32>
    %shift_left3A_398 = arith.constant 6 : i32
    %shift_left3A_399 = vector.broadcast %shift_left3A_398 : i32 to vector<16xi32>
    %shift_left3A_400 = arith.shli %and3A_397, %shift_left3A_399 : vector<16xi32>
    %swap3A_401 = arith.constant 144 : index
    %swap3A_402 = tpu.vector_load %arg9[%swap3A_401] {strides = array<i32>} : memref<256xi32, #tpu.memory_space<vmem>>, vector<16xi32>,
    tpu.vector_store %arg9[%swap3A_401], %shift_left3A_400 {strides = array<i32>} : memref<256xi32, #tpu.memory_space<vmem>>, vector<16xi32>,
    %get3A_403 = arith.constant 160 : index
    %get3A_404 = tpu.vector_load %arg5[%get3A_403] {strides = array<i32>} : memref<256xi32, #tpu.memory_space<vmem>>, vector<16xi32>,
    %shift_right_logical3A_405 = arith.constant 1 : i32
    %shift_right_logical3A_406 = vector.broadcast %shift_right_logical3A_405 : i32 to vector<16xi32>
    %shift_right_logical3A_407 = arith.shrui %get3A_404, %shift_right_logical3A_406 : vector<16xi32>
    %swap3A_408 = arith.constant 160 : index
    %swap3A_409 = tpu.vector_load %arg7[%swap3A_408] {strides = array<i32>} : memref<256xi32, #tpu.memory_space<vmem>>, vector<16xi32>,
    tpu.vector_store %arg7[%swap3A_408], %shift_right_logical3A_407 {strides = array<i32>} : memref<256xi32, #tpu.memory_space<vmem>>, vector<16xi32>,
    %and3A_410 = arith.constant 1 : i32
    %and3A_411 = vector.broadcast %and3A_410 : i32 to vector<16xi32>
    %and3A_412 = arith.andi %get3A_404, %and3A_411 : vector<16xi32>
    %shift_left3A_413 = arith.constant 6 : i32
    %shift_left3A_414 = vector.broadcast %shift_left3A_413 : i32 to vector<16xi32>
    %shift_left3A_415 = arith.shli %and3A_412, %shift_left3A_414 : vector<16xi32>
    %swap3A_416 = arith.constant 160 : index
    %swap3A_417 = tpu.vector_load %arg9[%swap3A_416] {strides = array<i32>} : memref<256xi32, #tpu.memory_space<vmem>>, vector<16xi32>,
    tpu.vector_store %arg9[%swap3A_416], %shift_left3A_415 {strides = array<i32>} : memref<256xi32, #tpu.memory_space<vmem>>, vector<16xi32>,
    %get3A_418 = arith.constant 176 : index
    %get3A_419 = tpu.vector_load %arg5[%get3A_418] {strides = array<i32>} : memref<256xi32, #tpu.memory_space<vmem>>, vector<16xi32>,
    %shift_right_logical3A_420 = arith.constant 1 : i32
    %shift_right_logical3A_421 = vector.broadcast %shift_right_logical3A_420 : i32 to vector<16xi32>
    %shift_right_logical3A_422 = arith.shrui %get3A_419, %shift_right_logical3A_421 : vector<16xi32>
    %swap3A_423 = arith.constant 176 : index
    %swap3A_424 = tpu.vector_load %arg7[%swap3A_423] {strides = array<i32>} : memref<256xi32, #tpu.memory_space<vmem>>, vector<16xi32>,
    tpu.vector_store %arg7[%swap3A_423], %shift_right_logical3A_422 {strides = array<i32>} : memref<256xi32, #tpu.memory_space<vmem>>, vector<16xi32>,
    %and3A_425 = arith.constant 1 : i32
    %and3A_426 = vector.broadcast %and3A_425 : i32 to vector<16xi32>
    %and3A_427 = arith.andi %get3A_419, %and3A_426 : vector<16xi32>
    %shift_left3A_428 = arith.constant 6 : i32
    %shift_left3A_429 = vector.broadcast %shift_left3A_428 : i32 to vector<16xi32>
    %shift_left3A_430 = arith.shli %and3A_427, %shift_left3A_429 : vector<16xi32>
    %swap3A_431 = arith.constant 176 : index
    %swap3A_432 = tpu.vector_load %arg9[%swap3A_431] {strides = array<i32>} : memref<256xi32, #tpu.memory_space<vmem>>, vector<16xi32>,
    tpu.vector_store %arg9[%swap3A_431], %shift_left3A_430 {strides = array<i32>} : memref<256xi32, #tpu.memory_space<vmem>>, vector<16xi32>,
    %get3A_433 = arith.constant 192 : index
    %get3A_434 = tpu.vector_load %arg5[%get3A_433] {strides = array<i32>} : memref<256xi32, #tpu.memory_space<vmem>>, vector<16xi32>,
    %shift_right_logical3A_435 = arith.constant 1 : i32
    %shift_right_logical3A_436 = vector.broadcast %shift_right_logical3A_435 : i32 to vector<16xi32>
    %shift_right_logical3A_437 = arith.shrui %get3A_434, %shift_right_logical3A_436 : vector<16xi32>
    %swap3A_438 = arith.constant 192 : index
    %swap3A_439 = tpu.vector_load %arg7[%swap3A_438] {strides = array<i32>} : memref<256xi32, #tpu.memory_space<vmem>>, vector<16xi32>,
    tpu.vector_store %arg7[%swap3A_438], %shift_right_logical3A_437 {strides = array<i32>} : memref<256xi32, #tpu.memory_space<vmem>>, vector<16xi32>,
    %and3A_440 = arith.constant 1 : i32
    %and3A_441 = vector.broadcast %and3A_440 : i32 to vector<16xi32>
    %and3A_442 = arith.andi %get3A_434, %and3A_441 : vector<16xi32>
    %shift_left3A_443 = arith.constant 6 : i32
    %shift_left3A_444 = vector.broadcast %shift_left3A_443 : i32 to vector<16xi32>
    %shift_left3A_445 = arith.shli %and3A_442, %shift_left3A_444 : vector<16xi32>
    %swap3A_446 = arith.constant 192 : index
    %swap3A_447 = tpu.vector_load %arg9[%swap3A_446] {strides = array<i32>} : memref<256xi32, #tpu.memory_space<vmem>>, vector<16xi32>,
    tpu.vector_store %arg9[%swap3A_446], %shift_left3A_445 {strides = array<i32>} : memref<256xi32, #tpu.memory_space<vmem>>, vector<16xi32>,
    %get3A_448 = arith.constant 208 : index
    %get3A_449 = tpu.vector_load %arg5[%get3A_448] {strides = array<i32>} : memref<256xi32, #tpu.memory_space<vmem>>, vector<16xi32>,
    %shift_right_logical3A_450 = arith.constant 1 : i32
    %shift_right_logical3A_451 = vector.broadcast %shift_right_logical3A_450 : i32 to vector<16xi32>
    %shift_right_logical3A_452 = arith.shrui %get3A_449, %shift_right_logical3A_451 : vector<16xi32>
    %swap3A_453 = arith.constant 208 : index
    %swap3A_454 = tpu.vector_load %arg7[%swap3A_453] {strides = array<i32>} : memref<256xi32, #tpu.memory_space<vmem>>, vector<16xi32>,
    tpu.vector_store %arg7[%swap3A_453], %shift_right_logical3A_452 {strides = array<i32>} : memref<256xi32, #tpu.memory_space<vmem>>, vector<16xi32>,
    %and3A_455 = arith.constant 1 : i32
    %and3A_456 = vector.broadcast %and3A_455 : i32 to vector<16xi32>
    %and3A_457 = arith.andi %get3A_449, %and3A_456 : vector<16xi32>
    %shift_left3A_458 = arith.constant 6 : i32
    %shift_left3A_459 = vector.broadcast %shift_left3A_458 : i32 to vector<16xi32>
    %shift_left3A_460 = arith.shli %and3A_457, %shift_left3A_459 : vector<16xi32>
    %swap3A_461 = arith.constant 208 : index
    %swap3A_462 = tpu.vector_load %arg9[%swap3A_461] {strides = array<i32>} : memref<256xi32, #tpu.memory_space<vmem>>, vector<16xi32>,
    tpu.vector_store %arg9[%swap3A_461], %shift_left3A_460 {strides = array<i32>} : memref<256xi32, #tpu.memory_space<vmem>>, vector<16xi32>,
    %get3A_463 = arith.constant 224 : index
    %get3A_464 = tpu.vector_load %arg5[%get3A_463] {strides = array<i32>} : memref<256xi32, #tpu.memory_space<vmem>>, vector<16xi32>,
    %shift_right_logical3A_465 = arith.constant 1 : i32
    %shift_right_logical3A_466 = vector.broadcast %shift_right_logical3A_465 : i32 to vector<16xi32>
    %shift_right_logical3A_467 = arith.shrui %get3A_464, %shift_right_logical3A_466 : vector<16xi32>
    %swap3A_468 = arith.constant 224 : index
    %swap3A_469 = tpu.vector_load %arg7[%swap3A_468] {strides = array<i32>} : memref<256xi32, #tpu.memory_space<vmem>>, vector<16xi32>,
    tpu.vector_store %arg7[%swap3A_468], %shift_right_logical3A_467 {strides = array<i32>} : memref<256xi32, #tpu.memory_space<vmem>>, vector<16xi32>,
    %and3A_470 = arith.constant 1 : i32
    %and3A_471 = vector.broadcast %and3A_470 : i32 to vector<16xi32>
    %and3A_472 = arith.andi %get3A_464, %and3A_471 : vector<16xi32>
    %shift_left3A_473 = arith.constant 6 : i32
    %shift_left3A_474 = vector.broadcast %shift_left3A_473 : i32 to vector<16xi32>
    %shift_left3A_475 = arith.shli %and3A_472, %shift_left3A_474 : vector<16xi32>
    %swap3A_476 = arith.constant 224 : index
    %swap3A_477 = tpu.vector_load %arg9[%swap3A_476] {strides = array<i32>} : memref<256xi32, #tpu.memory_space<vmem>>, vector<16xi32>,
    tpu.vector_store %arg9[%swap3A_476], %shift_left3A_475 {strides = array<i32>} : memref<256xi32, #tpu.memory_space<vmem>>, vector<16xi32>,
    %get3A_478 = arith.constant 240 : index
    %get3A_479 = tpu.vector_load %arg5[%get3A_478] {strides = array<i32>} : memref<256xi32, #tpu.memory_space<vmem>>, vector<16xi32>,
    %shift_right_logical3A_480 = arith.constant 1 : i32
    %shift_right_logical3A_481 = vector.broadcast %shift_right_logical3A_480 : i32 to vector<16xi32>
    %shift_right_logical3A_482 = arith.shrui %get3A_479, %shift_right_logical3A_481 : vector<16xi32>
    %swap3A_483 = arith.constant 240 : index
    %swap3A_484 = tpu.vector_load %arg7[%swap3A_483] {strides = array<i32>} : memref<256xi32, #tpu.memory_space<vmem>>, vector<16xi32>,
    tpu.vector_store %arg7[%swap3A_483], %shift_right_logical3A_482 {strides = array<i32>} : memref<256xi32, #tpu.memory_space<vmem>>, vector<16xi32>,
    %and3A_485 = arith.constant 1 : i32
    %and3A_486 = vector.broadcast %and3A_485 : i32 to vector<16xi32>
    %and3A_487 = arith.andi %get3A_479, %and3A_486 : vector<16xi32>
    %shift_left3A_488 = arith.constant 6 : i32
    %shift_left3A_489 = vector.broadcast %shift_left3A_488 : i32 to vector<16xi32>
    %shift_left3A_490 = arith.shli %and3A_487, %shift_left3A_489 : vector<16xi32>
    %swap3A_491 = arith.constant 240 : index
    %swap3A_492 = tpu.vector_load %arg9[%swap3A_491] {strides = array<i32>} : memref<256xi32, #tpu.memory_space<vmem>>, vector<16xi32>,
    tpu.vector_store %arg9[%swap3A_491], %shift_left3A_490 {strides = array<i32>} : memref<256xi32, #tpu.memory_space<vmem>>, vector<16xi32>,
    %dma_start3A = arith.constant 0 : i32
    %dma_start3A_493 = arith.constant 0 : i32
    %dma_start3A_494 = tpu.memref_slice %arg3[%dma_start3A, %dma_start3A_493] : memref<500000x128xf32, #tpu.memory_space<hbm>> -> memref<500000x128xf32, #tpu.memory_space<hbm>>
    tpu.enqueue_indirect_dma source(%dma_start3A_494 : memref<500000x128xf32, #tpu.memory_space<hbm>>) target(%arg11 : memref<256x128xf32, #tpu.memory_space<vmem>>) offsets(%arg7 : memref<256xi32, #tpu.memory_space<vmem>>) semaphore(%arg15 : memref<!tpu.dma_semaphore, #tpu.memory_space<semaphore_mem>>)
    %scan3A = arith.constant 0 : i32
    %scan3A_495 = arith.constant 0 : i32
    %scan3A_496 = arith.constant 50 : i32
    %scan3A_497 = arith.addi %scan3A_495, %scan3A_496 : i32
    %scan3A_498 = arith.constant 1 : i32
    scf.for %scan3A_517 = %scan3A_495 to %scan3A_497 step %scan3A_498  : i32 {
      %mul3A_518 = arith.constant 2 : i32
      %mul3A_519 = arith.muli %mul3A_518, %scan3A_517 : i32
      %dma_wait3A_520 = arith.constant 0 : i32
      %dma_wait3A_521 = arith.constant 0 : i32
      %dma_wait3A_522 = tpu.memref_slice %arg3[%dma_wait3A_520, %dma_wait3A_521] : memref<500000x128xf32, #tpu.memory_space<hbm>> -> memref<500000x128xf32, #tpu.memory_space<hbm>>
      tpu.wait_indirect_dma semaphore(%arg15 : memref<!tpu.dma_semaphore, #tpu.memory_space<semaphore_mem>>) src(%dma_wait3A_522 : memref<500000x128xf32, #tpu.memory_space<hbm>>) dst(%arg11 : memref<256x128xf32, #tpu.memory_space<vmem>>)
      %add3A_523 = arith.constant 1 : i32
      %add3A_524 = arith.addi %mul3A_519, %add3A_523 : i32
      %lt3A_525 = arith.constant 100 : i32
      %lt3A_526 = arith.cmpi slt, %add3A_524, %lt3A_525 : i32
      %convert_element_type3A = arith.extui %lt3A_526 : i1 to i32
      %cond3A = arith.constant 0 : i32
      %cond3A_527 = arith.cmpi ne, %convert_element_type3A, %cond3A : i32
      scf.if %cond3A_527 {
        %add3A_648 = arith.constant 1 : i32
        %add3A_649 = arith.addi %mul3A_519, %add3A_648 : i32
        %jit3A_650 = arith.constant 2 : i32
        %div3A_651 = arith.divsi %add3A_649, %jit3A_650 : i32
        %sign3A_652 = arith.constant 0 : i32
        %sign3A_653 = arith.cmpi sgt, %add3A_649, %sign3A_652 : i32
        %sign3A_654 = arith.extui %sign3A_653 : i1 to i32
        %sign3A_655 = arith.constant 0 : i32
        %sign3A_656 = arith.cmpi slt, %add3A_649, %sign3A_655 : i32
        %sign3A_657 = arith.extui %sign3A_656 : i1 to i32
        %sign3A_658 = arith.subi %sign3A_654, %sign3A_657 : i32
        %sign3A_659 = arith.constant 0 : i32
        %sign3A_660 = arith.cmpi sgt, %jit3A_650, %sign3A_659 : i32
        %sign3A_661 = arith.extui %sign3A_660 : i1 to i32
        %sign3A_662 = arith.constant 0 : i32
        %sign3A_663 = arith.cmpi slt, %jit3A_650, %sign3A_662 : i32
        %sign3A_664 = arith.extui %sign3A_663 : i1 to i32
        %sign3A_665 = arith.subi %sign3A_661, %sign3A_664 : i32
        %ne3A_666 = arith.cmpi ne, %sign3A_658, %sign3A_665 : i32
        %rem3A_667 = arith.remsi %add3A_649, %jit3A_650 : i32
        %ne3A_668 = arith.constant 0 : i32
        %ne3A_669 = arith.cmpi ne, %rem3A_667, %ne3A_668 : i32
        %and3A_670 = arith.andi %ne3A_666, %ne3A_669 : i1
        %sub3A_671 = arith.constant 1 : i32
        %sub3A_672 = arith.subi %div3A_651, %sub3A_671 : i32
        %select_n3A_673 = arith.select %and3A_670, %sub3A_672, %div3A_651 : i32
        %jit3A_674 = arith.constant 2 : i32
        %eq3A_675 = arith.constant 0 : i32
        %eq3A_676 = arith.cmpi eq, %jit3A_674, %eq3A_675 : i32
        %jit3A_677 = arith.constant 1 : i32
        %select_n3A_678 = arith.select %eq3A_676, %jit3A_677, %jit3A_674 : i32
        %rem3A_679 = arith.remsi %add3A_649, %select_n3A_678 : i32
        %ne3A_680 = arith.constant 0 : i32
        %ne3A_681 = arith.cmpi ne, %rem3A_679, %ne3A_680 : i32
        %lt3A_682 = arith.constant 0 : i32
        %lt3A_683 = arith.cmpi slt, %rem3A_679, %lt3A_682 : i32
        %lt3A_684 = arith.constant 0 : i32
        %lt3A_685 = arith.cmpi slt, %select_n3A_678, %lt3A_684 : i32
        %ne3A_686 = arith.xori %lt3A_683, %lt3A_685 : i1
        %and3A_687 = arith.andi %ne3A_686, %ne3A_681 : i1
        %add3A_688 = arith.addi %rem3A_679, %select_n3A_678 : i32
        %select_n3A_689 = arith.select %and3A_687, %add3A_688, %rem3A_679 : i32
        %mul3A_690 = arith.constant 256 : i32
        %mul3A_691 = arith.muli %select_n3A_689, %mul3A_690 : i32
        %add3A_692 = arith.addi %multiple_of3A, %mul3A_691 : i32
        "tpu.region"() ({
          %run_scoped3A_936 = tpu.sem_alloc : memref<!tpu.dma_semaphore, #tpu.memory_space<semaphore_mem>>
          %dma_start3A_937 = tpu.memref_slice %arg2[%select_n3A_673, %add3A_692] : memref<50x16384xi32, #tpu.memory_space<hbm>> -> memref<1x256xi32, #tpu.memory_space<hbm>>
          %dma_start3A_938 = tpu.memref_squeeze %dma_start3A_937 : memref<1x256xi32, #tpu.memory_space<hbm>> -> memref<256xi32, #tpu.memory_space<hbm>>
          %dma_start3A_939 = tpu.memref_slice %arg2[%select_n3A_673, %add3A_692] : memref<50x16384xi32, #tpu.memory_space<hbm>> -> memref<1x256xi32, #tpu.memory_space<hbm>>
          %dma_start3A_940 = tpu.memref_squeeze %dma_start3A_939 : memref<1x256xi32, #tpu.memory_space<hbm>> -> memref<256xi32, #tpu.memory_space<hbm>>
          tpu.enqueue_dma source(%dma_start3A_940 : memref<256xi32, #tpu.memory_space<hbm>>) target(%arg6 : memref<256xi32, #tpu.memory_space<vmem>>) target_semaphore(%run_scoped3A_936 : memref<!tpu.dma_semaphore, #tpu.memory_space<semaphore_mem>>)
          %dma_wait3A_941 = tpu.memref_slice %arg2[%select_n3A_673, %add3A_692] : memref<50x16384xi32, #tpu.memory_space<hbm>> -> memref<1x256xi32, #tpu.memory_space<hbm>>
          %dma_wait3A_942 = tpu.memref_squeeze %dma_wait3A_941 : memref<1x256xi32, #tpu.memory_space<hbm>> -> memref<256xi32, #tpu.memory_space<hbm>>
          %dma_wait3A_943 = tpu.memref_slice %arg2[%select_n3A_673, %add3A_692] : memref<50x16384xi32, #tpu.memory_space<hbm>> -> memref<1x256xi32, #tpu.memory_space<hbm>>
          %dma_wait3A_944 = tpu.memref_squeeze %dma_wait3A_943 : memref<1x256xi32, #tpu.memory_space<hbm>> -> memref<256xi32, #tpu.memory_space<hbm>>
          tpu.wait_dma2 semaphore(%run_scoped3A_936 : memref<!tpu.dma_semaphore, #tpu.memory_space<semaphore_mem>>) src(%dma_wait3A_944 : memref<256xi32, #tpu.memory_space<hbm>>) dst(%arg6 : memref<256xi32, #tpu.memory_space<vmem>>)
          tpu.yield
        }) : () -> ()
        %get3A_693 = arith.constant 0 : index
        %get3A_694 = tpu.vector_load %arg6[%get3A_693] {strides = array<i32>} : memref<256xi32, #tpu.memory_space<vmem>>, vector<16xi32>,
        %shift_right_logical3A_695 = arith.constant 1 : i32
        %shift_right_logical3A_696 = vector.broadcast %shift_right_logical3A_695 : i32 to vector<16xi32>
        %shift_right_logical3A_697 = arith.shrui %get3A_694, %shift_right_logical3A_696 : vector<16xi32>
        %swap3A_698 = arith.constant 0 : index
        %swap3A_699 = tpu.vector_load %arg8[%swap3A_698] {strides = array<i32>} : memref<256xi32, #tpu.memory_space<vmem>>, vector<16xi32>,
        tpu.vector_store %arg8[%swap3A_698], %shift_right_logical3A_697 {strides = array<i32>} : memref<256xi32, #tpu.memory_space<vmem>>, vector<16xi32>,
        %and3A_700 = arith.constant 1 : i32
        %and3A_701 = vector.broadcast %and3A_700 : i32 to vector<16xi32>
        %and3A_702 = arith.andi %get3A_694, %and3A_701 : vector<16xi32>
        %shift_left3A_703 = arith.constant 6 : i32
        %shift_left3A_704 = vector.broadcast %shift_left3A_703 : i32 to vector<16xi32>
        %shift_left3A_705 = arith.shli %and3A_702, %shift_left3A_704 : vector<16xi32>
        %swap3A_706 = arith.constant 0 : index
        %swap3A_707 = tpu.vector_load %arg10[%swap3A_706] {strides = array<i32>} : memref<256xi32, #tpu.memory_space<vmem>>, vector<16xi32>,
        tpu.vector_store %arg10[%swap3A_706], %shift_left3A_705 {strides = array<i32>} : memref<256xi32, #tpu.memory_space<vmem>>, vector<16xi32>,
        %get3A_708 = arith.constant 16 : index
        %get3A_709 = tpu.vector_load %arg6[%get3A_708] {strides = array<i32>} : memref<256xi32, #tpu.memory_space<vmem>>, vector<16xi32>,
        %shift_right_logical3A_710 = arith.constant 1 : i32
        %shift_right_logical3A_711 = vector.broadcast %shift_right_logical3A_710 : i32 to vector<16xi32>
        %shift_right_logical3A_712 = arith.shrui %get3A_709, %shift_right_logical3A_711 : vector<16xi32>
        %swap3A_713 = arith.constant 16 : index
        %swap3A_714 = tpu.vector_load %arg8[%swap3A_713] {strides = array<i32>} : memref<256xi32, #tpu.memory_space<vmem>>, vector<16xi32>,
        tpu.vector_store %arg8[%swap3A_713], %shift_right_logical3A_712 {strides = array<i32>} : memref<256xi32, #tpu.memory_space<vmem>>, vector<16xi32>,
        %and3A_715 = arith.constant 1 : i32
        %and3A_716 = vector.broadcast %and3A_715 : i32 to vector<16xi32>
        %and3A_717 = arith.andi %get3A_709, %and3A_716 : vector<16xi32>
        %shift_left3A_718 = arith.constant 6 : i32
        %shift_left3A_719 = vector.broadcast %shift_left3A_718 : i32 to vector<16xi32>
        %shift_left3A_720 = arith.shli %and3A_717, %shift_left3A_719 : vector<16xi32>
        %swap3A_721 = arith.constant 16 : index
        %swap3A_722 = tpu.vector_load %arg10[%swap3A_721] {strides = array<i32>} : memref<256xi32, #tpu.memory_space<vmem>>, vector<16xi32>,
        tpu.vector_store %arg10[%swap3A_721], %shift_left3A_720 {strides = array<i32>} : memref<256xi32, #tpu.memory_space<vmem>>, vector<16xi32>,
        %get3A_723 = arith.constant 32 : index
        %get3A_724 = tpu.vector_load %arg6[%get3A_723] {strides = array<i32>} : memref<256xi32, #tpu.memory_space<vmem>>, vector<16xi32>,
        %shift_right_logical3A_725 = arith.constant 1 : i32
        %shift_right_logical3A_726 = vector.broadcast %shift_right_logical3A_725 : i32 to vector<16xi32>
        %shift_right_logical3A_727 = arith.shrui %get3A_724, %shift_right_logical3A_726 : vector<16xi32>
        %swap3A_728 = arith.constant 32 : index
        %swap3A_729 = tpu.vector_load %arg8[%swap3A_728] {strides = array<i32>} : memref<256xi32, #tpu.memory_space<vmem>>, vector<16xi32>,
        tpu.vector_store %arg8[%swap3A_728], %shift_right_logical3A_727 {strides = array<i32>} : memref<256xi32, #tpu.memory_space<vmem>>, vector<16xi32>,
        %and3A_730 = arith.constant 1 : i32
        %and3A_731 = vector.broadcast %and3A_730 : i32 to vector<16xi32>
        %and3A_732 = arith.andi %get3A_724, %and3A_731 : vector<16xi32>
        %shift_left3A_733 = arith.constant 6 : i32
        %shift_left3A_734 = vector.broadcast %shift_left3A_733 : i32 to vector<16xi32>
        %shift_left3A_735 = arith.shli %and3A_732, %shift_left3A_734 : vector<16xi32>
        %swap3A_736 = arith.constant 32 : index
        %swap3A_737 = tpu.vector_load %arg10[%swap3A_736] {strides = array<i32>} : memref<256xi32, #tpu.memory_space<vmem>>, vector<16xi32>,
        tpu.vector_store %arg10[%swap3A_736], %shift_left3A_735 {strides = array<i32>} : memref<256xi32, #tpu.memory_space<vmem>>, vector<16xi32>,
        %get3A_738 = arith.constant 48 : index
        %get3A_739 = tpu.vector_load %arg6[%get3A_738] {strides = array<i32>} : memref<256xi32, #tpu.memory_space<vmem>>, vector<16xi32>,
        %shift_right_logical3A_740 = arith.constant 1 : i32
        %shift_right_logical3A_741 = vector.broadcast %shift_right_logical3A_740 : i32 to vector<16xi32>
        %shift_right_logical3A_742 = arith.shrui %get3A_739, %shift_right_logical3A_741 : vector<16xi32>
        %swap3A_743 = arith.constant 48 : index
        %swap3A_744 = tpu.vector_load %arg8[%swap3A_743] {strides = array<i32>} : memref<256xi32, #tpu.memory_space<vmem>>, vector<16xi32>,
        tpu.vector_store %arg8[%swap3A_743], %shift_right_logical3A_742 {strides = array<i32>} : memref<256xi32, #tpu.memory_space<vmem>>, vector<16xi32>,
        %and3A_745 = arith.constant 1 : i32
        %and3A_746 = vector.broadcast %and3A_745 : i32 to vector<16xi32>
        %and3A_747 = arith.andi %get3A_739, %and3A_746 : vector<16xi32>
        %shift_left3A_748 = arith.constant 6 : i32
        %shift_left3A_749 = vector.broadcast %shift_left3A_748 : i32 to vector<16xi32>
        %shift_left3A_750 = arith.shli %and3A_747, %shift_left3A_749 : vector<16xi32>
        %swap3A_751 = arith.constant 48 : index
        %swap3A_752 = tpu.vector_load %arg10[%swap3A_751] {strides = array<i32>} : memref<256xi32, #tpu.memory_space<vmem>>, vector<16xi32>,
        tpu.vector_store %arg10[%swap3A_751], %shift_left3A_750 {strides = array<i32>} : memref<256xi32, #tpu.memory_space<vmem>>, vector<16xi32>,
        %get3A_753 = arith.constant 64 : index
        %get3A_754 = tpu.vector_load %arg6[%get3A_753] {strides = array<i32>} : memref<256xi32, #tpu.memory_space<vmem>>, vector<16xi32>,
        %shift_right_logical3A_755 = arith.constant 1 : i32
        %shift_right_logical3A_756 = vector.broadcast %shift_right_logical3A_755 : i32 to vector<16xi32>
        %shift_right_logical3A_757 = arith.shrui %get3A_754, %shift_right_logical3A_756 : vector<16xi32>
        %swap3A_758 = arith.constant 64 : index
        %swap3A_759 = tpu.vector_load %arg8[%swap3A_758] {strides = array<i32>} : memref<256xi32, #tpu.memory_space<vmem>>, vector<16xi32>,
        tpu.vector_store %arg8[%swap3A_758], %shift_right_logical3A_757 {strides = array<i32>} : memref<256xi32, #tpu.memory_space<vmem>>, vector<16xi32>,
        %and3A_760 = arith.constant 1 : i32
        %and3A_761 = vector.broadcast %and3A_760 : i32 to vector<16xi32>
        %and3A_762 = arith.andi %get3A_754, %and3A_761 : vector<16xi32>
        %shift_left3A_763 = arith.constant 6 : i32
        %shift_left3A_764 = vector.broadcast %shift_left3A_763 : i32 to vector<16xi32>
        %shift_left3A_765 = arith.shli %and3A_762, %shift_left3A_764 : vector<16xi32>
        %swap3A_766 = arith.constant 64 : index
        %swap3A_767 = tpu.vector_load %arg10[%swap3A_766] {strides = array<i32>} : memref<256xi32, #tpu.memory_space<vmem>>, vector<16xi32>,
        tpu.vector_store %arg10[%swap3A_766], %shift_left3A_765 {strides = array<i32>} : memref<256xi32, #tpu.memory_space<vmem>>, vector<16xi32>,
        %get3A_768 = arith.constant 80 : index
        %get3A_769 = tpu.vector_load %arg6[%get3A_768] {strides = array<i32>} : memref<256xi32, #tpu.memory_space<vmem>>, vector<16xi32>,
        %shift_right_logical3A_770 = arith.constant 1 : i32
        %shift_right_logical3A_771 = vector.broadcast %shift_right_logical3A_770 : i32 to vector<16xi32>
        %shift_right_logical3A_772 = arith.shrui %get3A_769, %shift_right_logical3A_771 : vector<16xi32>
        %swap3A_773 = arith.constant 80 : index
        %swap3A_774 = tpu.vector_load %arg8[%swap3A_773] {strides = array<i32>} : memref<256xi32, #tpu.memory_space<vmem>>, vector<16xi32>,
        tpu.vector_store %arg8[%swap3A_773], %shift_right_logical3A_772 {strides = array<i32>} : memref<256xi32, #tpu.memory_space<vmem>>, vector<16xi32>,
        %and3A_775 = arith.constant 1 : i32
        %and3A_776 = vector.broadcast %and3A_775 : i32 to vector<16xi32>
        %and3A_777 = arith.andi %get3A_769, %and3A_776 : vector<16xi32>
        %shift_left3A_778 = arith.constant 6 : i32
        %shift_left3A_779 = vector.broadcast %shift_left3A_778 : i32 to vector<16xi32>
        %shift_left3A_780 = arith.shli %and3A_777, %shift_left3A_779 : vector<16xi32>
        %swap3A_781 = arith.constant 80 : index
        %swap3A_782 = tpu.vector_load %arg10[%swap3A_781] {strides = array<i32>} : memref<256xi32, #tpu.memory_space<vmem>>, vector<16xi32>,
        tpu.vector_store %arg10[%swap3A_781], %shift_left3A_780 {strides = array<i32>} : memref<256xi32, #tpu.memory_space<vmem>>, vector<16xi32>,
        %get3A_783 = arith.constant 96 : index
        %get3A_784 = tpu.vector_load %arg6[%get3A_783] {strides = array<i32>} : memref<256xi32, #tpu.memory_space<vmem>>, vector<16xi32>,
        %shift_right_logical3A_785 = arith.constant 1 : i32
        %shift_right_logical3A_786 = vector.broadcast %shift_right_logical3A_785 : i32 to vector<16xi32>
        %shift_right_logical3A_787 = arith.shrui %get3A_784, %shift_right_logical3A_786 : vector<16xi32>
        %swap3A_788 = arith.constant 96 : index
        %swap3A_789 = tpu.vector_load %arg8[%swap3A_788] {strides = array<i32>} : memref<256xi32, #tpu.memory_space<vmem>>, vector<16xi32>,
        tpu.vector_store %arg8[%swap3A_788], %shift_right_logical3A_787 {strides = array<i32>} : memref<256xi32, #tpu.memory_space<vmem>>, vector<16xi32>,
        %and3A_790 = arith.constant 1 : i32
        %and3A_791 = vector.broadcast %and3A_790 : i32 to vector<16xi32>
        %and3A_792 = arith.andi %get3A_784, %and3A_791 : vector<16xi32>
        %shift_left3A_793 = arith.constant 6 : i32
        %shift_left3A_794 = vector.broadcast %shift_left3A_793 : i32 to vector<16xi32>
        %shift_left3A_795 = arith.shli %and3A_792, %shift_left3A_794 : vector<16xi32>
        %swap3A_796 = arith.constant 96 : index
        %swap3A_797 = tpu.vector_load %arg10[%swap3A_796] {strides = array<i32>} : memref<256xi32, #tpu.memory_space<vmem>>, vector<16xi32>,
        tpu.vector_store %arg10[%swap3A_796], %shift_left3A_795 {strides = array<i32>} : memref<256xi32, #tpu.memory_space<vmem>>, vector<16xi32>,
        %get3A_798 = arith.constant 112 : index
        %get3A_799 = tpu.vector_load %arg6[%get3A_798] {strides = array<i32>} : memref<256xi32, #tpu.memory_space<vmem>>, vector<16xi32>,
        %shift_right_logical3A_800 = arith.constant 1 : i32
        %shift_right_logical3A_801 = vector.broadcast %shift_right_logical3A_800 : i32 to vector<16xi32>
        %shift_right_logical3A_802 = arith.shrui %get3A_799, %shift_right_logical3A_801 : vector<16xi32>
        %swap3A_803 = arith.constant 112 : index
        %swap3A_804 = tpu.vector_load %arg8[%swap3A_803] {strides = array<i32>} : memref<256xi32, #tpu.memory_space<vmem>>, vector<16xi32>,
        tpu.vector_store %arg8[%swap3A_803], %shift_right_logical3A_802 {strides = array<i32>} : memref<256xi32, #tpu.memory_space<vmem>>, vector<16xi32>,
        %and3A_805 = arith.constant 1 : i32
        %and3A_806 = vector.broadcast %and3A_805 : i32 to vector<16xi32>
        %and3A_807 = arith.andi %get3A_799, %and3A_806 : vector<16xi32>
        %shift_left3A_808 = arith.constant 6 : i32
        %shift_left3A_809 = vector.broadcast %shift_left3A_808 : i32 to vector<16xi32>
        %shift_left3A_810 = arith.shli %and3A_807, %shift_left3A_809 : vector<16xi32>
        %swap3A_811 = arith.constant 112 : index
        %swap3A_812 = tpu.vector_load %arg10[%swap3A_811] {strides = array<i32>} : memref<256xi32, #tpu.memory_space<vmem>>, vector<16xi32>,
        tpu.vector_store %arg10[%swap3A_811], %shift_left3A_810 {strides = array<i32>} : memref<256xi32, #tpu.memory_space<vmem>>, vector<16xi32>,
        %get3A_813 = arith.constant 128 : index
        %get3A_814 = tpu.vector_load %arg6[%get3A_813] {strides = array<i32>} : memref<256xi32, #tpu.memory_space<vmem>>, vector<16xi32>,
        %shift_right_logical3A_815 = arith.constant 1 : i32
        %shift_right_logical3A_816 = vector.broadcast %shift_right_logical3A_815 : i32 to vector<16xi32>
        %shift_right_logical3A_817 = arith.shrui %get3A_814, %shift_right_logical3A_816 : vector<16xi32>
        %swap3A_818 = arith.constant 128 : index
        %swap3A_819 = tpu.vector_load %arg8[%swap3A_818] {strides = array<i32>} : memref<256xi32, #tpu.memory_space<vmem>>, vector<16xi32>,
        tpu.vector_store %arg8[%swap3A_818], %shift_right_logical3A_817 {strides = array<i32>} : memref<256xi32, #tpu.memory_space<vmem>>, vector<16xi32>,
        %and3A_820 = arith.constant 1 : i32
        %and3A_821 = vector.broadcast %and3A_820 : i32 to vector<16xi32>
        %and3A_822 = arith.andi %get3A_814, %and3A_821 : vector<16xi32>
        %shift_left3A_823 = arith.constant 6 : i32
        %shift_left3A_824 = vector.broadcast %shift_left3A_823 : i32 to vector<16xi32>
        %shift_left3A_825 = arith.shli %and3A_822, %shift_left3A_824 : vector<16xi32>
        %swap3A_826 = arith.constant 128 : index
        %swap3A_827 = tpu.vector_load %arg10[%swap3A_826] {strides = array<i32>} : memref<256xi32, #tpu.memory_space<vmem>>, vector<16xi32>,
        tpu.vector_store %arg10[%swap3A_826], %shift_left3A_825 {strides = array<i32>} : memref<256xi32, #tpu.memory_space<vmem>>, vector<16xi32>,
        %get3A_828 = arith.constant 144 : index
        %get3A_829 = tpu.vector_load %arg6[%get3A_828] {strides = array<i32>} : memref<256xi32, #tpu.memory_space<vmem>>, vector<16xi32>,
        %shift_right_logical3A_830 = arith.constant 1 : i32
        %shift_right_logical3A_831 = vector.broadcast %shift_right_logical3A_830 : i32 to vector<16xi32>
        %shift_right_logical3A_832 = arith.shrui %get3A_829, %shift_right_logical3A_831 : vector<16xi32>
        %swap3A_833 = arith.constant 144 : index
        %swap3A_834 = tpu.vector_load %arg8[%swap3A_833] {strides = array<i32>} : memref<256xi32, #tpu.memory_space<vmem>>, vector<16xi32>,
        tpu.vector_store %arg8[%swap3A_833], %shift_right_logical3A_832 {strides = array<i32>} : memref<256xi32, #tpu.memory_space<vmem>>, vector<16xi32>,
        %and3A_835 = arith.constant 1 : i32
        %and3A_836 = vector.broadcast %and3A_835 : i32 to vector<16xi32>
        %and3A_837 = arith.andi %get3A_829, %and3A_836 : vector<16xi32>
        %shift_left3A_838 = arith.constant 6 : i32
        %shift_left3A_839 = vector.broadcast %shift_left3A_838 : i32 to vector<16xi32>
        %shift_left3A_840 = arith.shli %and3A_837, %shift_left3A_839 : vector<16xi32>
        %swap3A_841 = arith.constant 144 : index
        %swap3A_842 = tpu.vector_load %arg10[%swap3A_841] {strides = array<i32>} : memref<256xi32, #tpu.memory_space<vmem>>, vector<16xi32>,
        tpu.vector_store %arg10[%swap3A_841], %shift_left3A_840 {strides = array<i32>} : memref<256xi32, #tpu.memory_space<vmem>>, vector<16xi32>,
        %get3A_843 = arith.constant 160 : index
        %get3A_844 = tpu.vector_load %arg6[%get3A_843] {strides = array<i32>} : memref<256xi32, #tpu.memory_space<vmem>>, vector<16xi32>,
        %shift_right_logical3A_845 = arith.constant 1 : i32
        %shift_right_logical3A_846 = vector.broadcast %shift_right_logical3A_845 : i32 to vector<16xi32>
        %shift_right_logical3A_847 = arith.shrui %get3A_844, %shift_right_logical3A_846 : vector<16xi32>
        %swap3A_848 = arith.constant 160 : index
        %swap3A_849 = tpu.vector_load %arg8[%swap3A_848] {strides = array<i32>} : memref<256xi32, #tpu.memory_space<vmem>>, vector<16xi32>,
        tpu.vector_store %arg8[%swap3A_848], %shift_right_logical3A_847 {strides = array<i32>} : memref<256xi32, #tpu.memory_space<vmem>>, vector<16xi32>,
        %and3A_850 = arith.constant 1 : i32
        %and3A_851 = vector.broadcast %and3A_850 : i32 to vector<16xi32>
        %and3A_852 = arith.andi %get3A_844, %and3A_851 : vector<16xi32>
        %shift_left3A_853 = arith.constant 6 : i32
        %shift_left3A_854 = vector.broadcast %shift_left3A_853 : i32 to vector<16xi32>
        %shift_left3A_855 = arith.shli %and3A_852, %shift_left3A_854 : vector<16xi32>
        %swap3A_856 = arith.constant 160 : index
        %swap3A_857 = tpu.vector_load %arg10[%swap3A_856] {strides = array<i32>} : memref<256xi32, #tpu.memory_space<vmem>>, vector<16xi32>,
        tpu.vector_store %arg10[%swap3A_856], %shift_left3A_855 {strides = array<i32>} : memref<256xi32, #tpu.memory_space<vmem>>, vector<16xi32>,
        %get3A_858 = arith.constant 176 : index
        %get3A_859 = tpu.vector_load %arg6[%get3A_858] {strides = array<i32>} : memref<256xi32, #tpu.memory_space<vmem>>, vector<16xi32>,
        %shift_right_logical3A_860 = arith.constant 1 : i32
        %shift_right_logical3A_861 = vector.broadcast %shift_right_logical3A_860 : i32 to vector<16xi32>
        %shift_right_logical3A_862 = arith.shrui %get3A_859, %shift_right_logical3A_861 : vector<16xi32>
        %swap3A_863 = arith.constant 176 : index
        %swap3A_864 = tpu.vector_load %arg8[%swap3A_863] {strides = array<i32>} : memref<256xi32, #tpu.memory_space<vmem>>, vector<16xi32>,
        tpu.vector_store %arg8[%swap3A_863], %shift_right_logical3A_862 {strides = array<i32>} : memref<256xi32, #tpu.memory_space<vmem>>, vector<16xi32>,
        %and3A_865 = arith.constant 1 : i32
        %and3A_866 = vector.broadcast %and3A_865 : i32 to vector<16xi32>
        %and3A_867 = arith.andi %get3A_859, %and3A_866 : vector<16xi32>
        %shift_left3A_868 = arith.constant 6 : i32
        %shift_left3A_869 = vector.broadcast %shift_left3A_868 : i32 to vector<16xi32>
        %shift_left3A_870 = arith.shli %and3A_867, %shift_left3A_869 : vector<16xi32>
        %swap3A_871 = arith.constant 176 : index
        %swap3A_872 = tpu.vector_load %arg10[%swap3A_871] {strides = array<i32>} : memref<256xi32, #tpu.memory_space<vmem>>, vector<16xi32>,
        tpu.vector_store %arg10[%swap3A_871], %shift_left3A_870 {strides = array<i32>} : memref<256xi32, #tpu.memory_space<vmem>>, vector<16xi32>,
        %get3A_873 = arith.constant 192 : index
        %get3A_874 = tpu.vector_load %arg6[%get3A_873] {strides = array<i32>} : memref<256xi32, #tpu.memory_space<vmem>>, vector<16xi32>,
        %shift_right_logical3A_875 = arith.constant 1 : i32
        %shift_right_logical3A_876 = vector.broadcast %shift_right_logical3A_875 : i32 to vector<16xi32>
        %shift_right_logical3A_877 = arith.shrui %get3A_874, %shift_right_logical3A_876 : vector<16xi32>
        %swap3A_878 = arith.constant 192 : index
        %swap3A_879 = tpu.vector_load %arg8[%swap3A_878] {strides = array<i32>} : memref<256xi32, #tpu.memory_space<vmem>>, vector<16xi32>,
        tpu.vector_store %arg8[%swap3A_878], %shift_right_logical3A_877 {strides = array<i32>} : memref<256xi32, #tpu.memory_space<vmem>>, vector<16xi32>,
        %and3A_880 = arith.constant 1 : i32
        %and3A_881 = vector.broadcast %and3A_880 : i32 to vector<16xi32>
        %and3A_882 = arith.andi %get3A_874, %and3A_881 : vector<16xi32>
        %shift_left3A_883 = arith.constant 6 : i32
        %shift_left3A_884 = vector.broadcast %shift_left3A_883 : i32 to vector<16xi32>
        %shift_left3A_885 = arith.shli %and3A_882, %shift_left3A_884 : vector<16xi32>
        %swap3A_886 = arith.constant 192 : index
        %swap3A_887 = tpu.vector_load %arg10[%swap3A_886] {strides = array<i32>} : memref<256xi32, #tpu.memory_space<vmem>>, vector<16xi32>,
        tpu.vector_store %arg10[%swap3A_886], %shift_left3A_885 {strides = array<i32>} : memref<256xi32, #tpu.memory_space<vmem>>, vector<16xi32>,
        %get3A_888 = arith.constant 208 : index
        %get3A_889 = tpu.vector_load %arg6[%get3A_888] {strides = array<i32>} : memref<256xi32, #tpu.memory_space<vmem>>, vector<16xi32>,
        %shift_right_logical3A_890 = arith.constant 1 : i32
        %shift_right_logical3A_891 = vector.broadcast %shift_right_logical3A_890 : i32 to vector<16xi32>
        %shift_right_logical3A_892 = arith.shrui %get3A_889, %shift_right_logical3A_891 : vector<16xi32>
        %swap3A_893 = arith.constant 208 : index
        %swap3A_894 = tpu.vector_load %arg8[%swap3A_893] {strides = array<i32>} : memref<256xi32, #tpu.memory_space<vmem>>, vector<16xi32>,
        tpu.vector_store %arg8[%swap3A_893], %shift_right_logical3A_892 {strides = array<i32>} : memref<256xi32, #tpu.memory_space<vmem>>, vector<16xi32>,
        %and3A_895 = arith.constant 1 : i32
        %and3A_896 = vector.broadcast %and3A_895 : i32 to vector<16xi32>
        %and3A_897 = arith.andi %get3A_889, %and3A_896 : vector<16xi32>
        %shift_left3A_898 = arith.constant 6 : i32
        %shift_left3A_899 = vector.broadcast %shift_left3A_898 : i32 to vector<16xi32>
        %shift_left3A_900 = arith.shli %and3A_897, %shift_left3A_899 : vector<16xi32>
        %swap3A_901 = arith.constant 208 : index
        %swap3A_902 = tpu.vector_load %arg10[%swap3A_901] {strides = array<i32>} : memref<256xi32, #tpu.memory_space<vmem>>, vector<16xi32>,
        tpu.vector_store %arg10[%swap3A_901], %shift_left3A_900 {strides = array<i32>} : memref<256xi32, #tpu.memory_space<vmem>>, vector<16xi32>,
        %get3A_903 = arith.constant 224 : index
        %get3A_904 = tpu.vector_load %arg6[%get3A_903] {strides = array<i32>} : memref<256xi32, #tpu.memory_space<vmem>>, vector<16xi32>,
        %shift_right_logical3A_905 = arith.constant 1 : i32
        %shift_right_logical3A_906 = vector.broadcast %shift_right_logical3A_905 : i32 to vector<16xi32>
        %shift_right_logical3A_907 = arith.shrui %get3A_904, %shift_right_logical3A_906 : vector<16xi32>
        %swap3A_908 = arith.constant 224 : index
        %swap3A_909 = tpu.vector_load %arg8[%swap3A_908] {strides = array<i32>} : memref<256xi32, #tpu.memory_space<vmem>>, vector<16xi32>,
        tpu.vector_store %arg8[%swap3A_908], %shift_right_logical3A_907 {strides = array<i32>} : memref<256xi32, #tpu.memory_space<vmem>>, vector<16xi32>,
        %and3A_910 = arith.constant 1 : i32
        %and3A_911 = vector.broadcast %and3A_910 : i32 to vector<16xi32>
        %and3A_912 = arith.andi %get3A_904, %and3A_911 : vector<16xi32>
        %shift_left3A_913 = arith.constant 6 : i32
        %shift_left3A_914 = vector.broadcast %shift_left3A_913 : i32 to vector<16xi32>
        %shift_left3A_915 = arith.shli %and3A_912, %shift_left3A_914 : vector<16xi32>
        %swap3A_916 = arith.constant 224 : index
        %swap3A_917 = tpu.vector_load %arg10[%swap3A_916] {strides = array<i32>} : memref<256xi32, #tpu.memory_space<vmem>>, vector<16xi32>,
        tpu.vector_store %arg10[%swap3A_916], %shift_left3A_915 {strides = array<i32>} : memref<256xi32, #tpu.memory_space<vmem>>, vector<16xi32>,
        %get3A_918 = arith.constant 240 : index
        %get3A_919 = tpu.vector_load %arg6[%get3A_918] {strides = array<i32>} : memref<256xi32, #tpu.memory_space<vmem>>, vector<16xi32>,
        %shift_right_logical3A_920 = arith.constant 1 : i32
        %shift_right_logical3A_921 = vector.broadcast %shift_right_logical3A_920 : i32 to vector<16xi32>
        %shift_right_logical3A_922 = arith.shrui %get3A_919, %shift_right_logical3A_921 : vector<16xi32>
        %swap3A_923 = arith.constant 240 : index
        %swap3A_924 = tpu.vector_load %arg8[%swap3A_923] {strides = array<i32>} : memref<256xi32, #tpu.memory_space<vmem>>, vector<16xi32>,
        tpu.vector_store %arg8[%swap3A_923], %shift_right_logical3A_922 {strides = array<i32>} : memref<256xi32, #tpu.memory_space<vmem>>, vector<16xi32>,
        %and3A_925 = arith.constant 1 : i32
        %and3A_926 = vector.broadcast %and3A_925 : i32 to vector<16xi32>
        %and3A_927 = arith.andi %get3A_919, %and3A_926 : vector<16xi32>
        %shift_left3A_928 = arith.constant 6 : i32
        %shift_left3A_929 = vector.broadcast %shift_left3A_928 : i32 to vector<16xi32>
        %shift_left3A_930 = arith.shli %and3A_927, %shift_left3A_929 : vector<16xi32>
        %swap3A_931 = arith.constant 240 : index
        %swap3A_932 = tpu.vector_load %arg10[%swap3A_931] {strides = array<i32>} : memref<256xi32, #tpu.memory_space<vmem>>, vector<16xi32>,
        tpu.vector_store %arg10[%swap3A_931], %shift_left3A_930 {strides = array<i32>} : memref<256xi32, #tpu.memory_space<vmem>>, vector<16xi32>,
        %dma_start3A_933 = arith.constant 0 : i32
        %dma_start3A_934 = arith.constant 0 : i32
        %dma_start3A_935 = tpu.memref_slice %arg3[%dma_start3A_933, %dma_start3A_934] : memref<500000x128xf32, #tpu.memory_space<hbm>> -> memref<500000x128xf32, #tpu.memory_space<hbm>>
        tpu.enqueue_indirect_dma source(%dma_start3A_935 : memref<500000x128xf32, #tpu.memory_space<hbm>>) target(%arg12 : memref<256x128xf32, #tpu.memory_space<vmem>>) offsets(%arg8 : memref<256xi32, #tpu.memory_space<vmem>>) semaphore(%arg16 : memref<!tpu.dma_semaphore, #tpu.memory_space<semaphore_mem>>)
      } else {
      }
      %ge3A = arith.constant 2 : i32
      %ge3A_528 = arith.cmpi sge, %mul3A_519, %ge3A : i32
      %convert_element_type3A_529 = arith.extui %ge3A_528 : i1 to i32
      %cond3A_530 = arith.constant 0 : i32
      %cond3A_531 = arith.cmpi ne, %convert_element_type3A_529, %cond3A_530 : i32
      scf.if %cond3A_531 {
        %jit3A_648 = arith.constant 2 : i32
        %div3A_649 = arith.divsi %mul3A_519, %jit3A_648 : i32
        %sign3A_650 = arith.constant 0 : i32
        %sign3A_651 = arith.cmpi sgt, %mul3A_519, %sign3A_650 : i32
        %sign3A_652 = arith.extui %sign3A_651 : i1 to i32
        %sign3A_653 = arith.constant 0 : i32
        %sign3A_654 = arith.cmpi slt, %mul3A_519, %sign3A_653 : i32
        %sign3A_655 = arith.extui %sign3A_654 : i1 to i32
        %sign3A_656 = arith.subi %sign3A_652, %sign3A_655 : i32
        %sign3A_657 = arith.constant 0 : i32
        %sign3A_658 = arith.cmpi sgt, %jit3A_648, %sign3A_657 : i32
        %sign3A_659 = arith.extui %sign3A_658 : i1 to i32
        %sign3A_660 = arith.constant 0 : i32
        %sign3A_661 = arith.cmpi slt, %jit3A_648, %sign3A_660 : i32
        %sign3A_662 = arith.extui %sign3A_661 : i1 to i32
        %sign3A_663 = arith.subi %sign3A_659, %sign3A_662 : i32
        %ne3A_664 = arith.cmpi ne, %sign3A_656, %sign3A_663 : i32
        %rem3A_665 = arith.remsi %mul3A_519, %jit3A_648 : i32
        %ne3A_666 = arith.constant 0 : i32
        %ne3A_667 = arith.cmpi ne, %rem3A_665, %ne3A_666 : i32
        %and3A_668 = arith.andi %ne3A_664, %ne3A_667 : i1
        %sub3A_669 = arith.constant 1 : i32
        %sub3A_670 = arith.subi %div3A_649, %sub3A_669 : i32
        %select_n3A_671 = arith.select %and3A_668, %sub3A_670, %div3A_649 : i32
        %jit3A_672 = arith.constant 2 : i32
        %eq3A_673 = arith.constant 0 : i32
        %eq3A_674 = arith.cmpi eq, %jit3A_672, %eq3A_673 : i32
        %jit3A_675 = arith.constant 1 : i32
        %select_n3A_676 = arith.select %eq3A_674, %jit3A_675, %jit3A_672 : i32
        %rem3A_677 = arith.remsi %mul3A_519, %select_n3A_676 : i32
        %ne3A_678 = arith.constant 0 : i32
        %ne3A_679 = arith.cmpi ne, %rem3A_677, %ne3A_678 : i32
        %lt3A_680 = arith.constant 0 : i32
        %lt3A_681 = arith.cmpi slt, %rem3A_677, %lt3A_680 : i32
        %lt3A_682 = arith.constant 0 : i32
        %lt3A_683 = arith.cmpi slt, %select_n3A_676, %lt3A_682 : i32
        %ne3A_684 = arith.xori %lt3A_681, %lt3A_683 : i1
        %and3A_685 = arith.andi %ne3A_684, %ne3A_679 : i1
        %add3A_686 = arith.addi %rem3A_677, %select_n3A_676 : i32
        %select_n3A_687 = arith.select %and3A_685, %add3A_686, %rem3A_677 : i32
        %mul3A_688 = arith.constant 256 : i32
        %mul3A_689 = arith.muli %select_n3A_687, %mul3A_688 : i32
        %add3A_690 = arith.addi %multiple_of3A, %mul3A_689 : i32
        %dma_wait3A_691 = arith.constant 0 : i32
        %dma_wait3A_692 = tpu.memref_slice %arg4[%select_n3A_671, %dma_wait3A_691, %add3A_690] : memref<50x64x16384xf32, #tpu.memory_space<hbm>> -> memref<1x64x256xf32, #tpu.memory_space<hbm>>
        %dma_wait3A_693 = tpu.memref_squeeze %dma_wait3A_692 : memref<1x64x256xf32, #tpu.memory_space<hbm>> -> memref<64x256xf32, #tpu.memory_space<hbm>>
        %dma_wait3A_694 = arith.constant 0 : i32
        %dma_wait3A_695 = tpu.memref_slice %arg4[%select_n3A_671, %dma_wait3A_694, %add3A_690] : memref<50x64x16384xf32, #tpu.memory_space<hbm>> -> memref<1x64x256xf32, #tpu.memory_space<hbm>>
        %dma_wait3A_696 = tpu.memref_squeeze %dma_wait3A_695 : memref<1x64x256xf32, #tpu.memory_space<hbm>> -> memref<64x256xf32, #tpu.memory_space<hbm>>
        tpu.wait_dma2 semaphore(%arg17 : memref<!tpu.dma_semaphore, #tpu.memory_space<semaphore_mem>>) src(%arg13 : memref<64x256xf32, #tpu.memory_space<vmem>>) dst(%dma_wait3A_696 : memref<64x256xf32, #tpu.memory_space<hbm>>)
      } else {
      }
      %parallel_loop3A = arith.constant 0 : i32
      %parallel_loop3A_532 = arith.constant 256 : i32
      %parallel_loop3A_533 = arith.constant 16 : i32
      scf.for %parallel_loop3A_648 = %parallel_loop3A to %parallel_loop3A_532 step %parallel_loop3A_533  : i32 {
        %parallel_loop3A_649 = vector.broadcast %parallel_loop3A_648 : i32 to vector<16xi32>
        %parallel_loop3A_650 = arith.addi %parallel_loop3A_649, %iota3A : vector<16xi32>
        %parallel_loop3A_651 = arith.index_cast %parallel_loop3A_648 : i32 to index
        %parallel_loop3A_652 = tpu.vector_load %arg9[%parallel_loop3A_651] {strides = array<i32>} : memref<256xi32, #tpu.memory_space<vmem>>, vector<16xi32>,
        %parallel_loop3A_653 = arith.constant 0 : i32
        %parallel_loop3A_654 = vector.broadcast %parallel_loop3A_653 : i32 to vector<16xi32>
        %parallel_loop3A_655 = arith.addi %parallel_loop3A_654, %select_n3A : vector<16xi32>
        %parallel_loop3A_656 = arith.addi %parallel_loop3A_652, %parallel_loop3A_655 : vector<16xi32>
        %parallel_loop3A_657 = tpu.vector_load_idx %arg11[%parallel_loop3A_650, %parallel_loop3A_656] : memref<256x128xf32, #tpu.memory_space<vmem>>[vector<16xi32>, vector<16xi32>], vector<16xf32>,
        tpu.vector_store_idx %arg13[%parallel_loop3A_655, %parallel_loop3A_650], %parallel_loop3A_657 : memref<64x256xf32, #tpu.memory_space<vmem>>[vector<16xi32>, vector<16xi32>], vector<16xf32>,
        %parallel_loop3A_658 = arith.constant 0 : i32
        %parallel_loop3A_659 = vector.broadcast %parallel_loop3A_658 : i32 to vector<16xi32>
        %parallel_loop3A_660 = arith.addi %parallel_loop3A_659, %select_n3A_31 : vector<16xi32>
        %parallel_loop3A_661 = arith.addi %parallel_loop3A_652, %parallel_loop3A_660 : vector<16xi32>
        %parallel_loop3A_662 = tpu.vector_load_idx %arg11[%parallel_loop3A_650, %parallel_loop3A_661] : memref<256x128xf32, #tpu.memory_space<vmem>>[vector<16xi32>, vector<16xi32>], vector<16xf32>,
        tpu.vector_store_idx %arg13[%parallel_loop3A_660, %parallel_loop3A_650], %parallel_loop3A_662 : memref<64x256xf32, #tpu.memory_space<vmem>>[vector<16xi32>, vector<16xi32>], vector<16xf32>,
        %parallel_loop3A_663 = arith.constant 0 : i32
        %parallel_loop3A_664 = vector.broadcast %parallel_loop3A_663 : i32 to vector<16xi32>
        %parallel_loop3A_665 = arith.addi %parallel_loop3A_664, %select_n3A_47 : vector<16xi32>
        %parallel_loop3A_666 = arith.addi %parallel_loop3A_652, %parallel_loop3A_665 : vector<16xi32>
        %parallel_loop3A_667 = tpu.vector_load_idx %arg11[%parallel_loop3A_650, %parallel_loop3A_666] : memref<256x128xf32, #tpu.memory_space<vmem>>[vector<16xi32>, vector<16xi32>], vector<16xf32>,
        tpu.vector_store_idx %arg13[%parallel_loop3A_665, %parallel_loop3A_650], %parallel_loop3A_667 : memref<64x256xf32, #tpu.memory_space<vmem>>[vector<16xi32>, vector<16xi32>], vector<16xf32>,
        %parallel_loop3A_668 = arith.constant 0 : i32
        %parallel_loop3A_669 = vector.broadcast %parallel_loop3A_668 : i32 to vector<16xi32>
        %parallel_loop3A_670 = arith.addi %parallel_loop3A_669, %select_n3A_63 : vector<16xi32>
        %parallel_loop3A_671 = arith.addi %parallel_loop3A_652, %parallel_loop3A_670 : vector<16xi32>
        %parallel_loop3A_672 = tpu.vector_load_idx %arg11[%parallel_loop3A_650, %parallel_loop3A_671] : memref<256x128xf32, #tpu.memory_space<vmem>>[vector<16xi32>, vector<16xi32>], vector<16xf32>,
        tpu.vector_store_idx %arg13[%parallel_loop3A_670, %parallel_loop3A_650], %parallel_loop3A_672 : memref<64x256xf32, #tpu.memory_space<vmem>>[vector<16xi32>, vector<16xi32>], vector<16xf32>,
        %parallel_loop3A_673 = arith.constant 0 : i32
        %parallel_loop3A_674 = vector.broadcast %parallel_loop3A_673 : i32 to vector<16xi32>
        %parallel_loop3A_675 = arith.addi %parallel_loop3A_674, %select_n3A_79 : vector<16xi32>
        %parallel_loop3A_676 = arith.addi %parallel_loop3A_652, %parallel_loop3A_675 : vector<16xi32>
        %parallel_loop3A_677 = tpu.vector_load_idx %arg11[%parallel_loop3A_650, %parallel_loop3A_676] : memref<256x128xf32, #tpu.memory_space<vmem>>[vector<16xi32>, vector<16xi32>], vector<16xf32>,
        tpu.vector_store_idx %arg13[%parallel_loop3A_675, %parallel_loop3A_650], %parallel_loop3A_677 : memref<64x256xf32, #tpu.memory_space<vmem>>[vector<16xi32>, vector<16xi32>], vector<16xf32>,
        %parallel_loop3A_678 = arith.constant 0 : i32
        %parallel_loop3A_679 = vector.broadcast %parallel_loop3A_678 : i32 to vector<16xi32>
        %parallel_loop3A_680 = arith.addi %parallel_loop3A_679, %select_n3A_95 : vector<16xi32>
        %parallel_loop3A_681 = arith.addi %parallel_loop3A_652, %parallel_loop3A_680 : vector<16xi32>
        %parallel_loop3A_682 = tpu.vector_load_idx %arg11[%parallel_loop3A_650, %parallel_loop3A_681] : memref<256x128xf32, #tpu.memory_space<vmem>>[vector<16xi32>, vector<16xi32>], vector<16xf32>,
        tpu.vector_store_idx %arg13[%parallel_loop3A_680, %parallel_loop3A_650], %parallel_loop3A_682 : memref<64x256xf32, #tpu.memory_space<vmem>>[vector<16xi32>, vector<16xi32>], vector<16xf32>,
        %parallel_loop3A_683 = arith.constant 0 : i32
        %parallel_loop3A_684 = vector.broadcast %parallel_loop3A_683 : i32 to vector<16xi32>
        %parallel_loop3A_685 = arith.addi %parallel_loop3A_684, %select_n3A_111 : vector<16xi32>
        %parallel_loop3A_686 = arith.addi %parallel_loop3A_652, %parallel_loop3A_685 : vector<16xi32>
        %parallel_loop3A_687 = tpu.vector_load_idx %arg11[%parallel_loop3A_650, %parallel_loop3A_686] : memref<256x128xf32, #tpu.memory_space<vmem>>[vector<16xi32>, vector<16xi32>], vector<16xf32>,
        tpu.vector_store_idx %arg13[%parallel_loop3A_685, %parallel_loop3A_650], %parallel_loop3A_687 : memref<64x256xf32, #tpu.memory_space<vmem>>[vector<16xi32>, vector<16xi32>], vector<16xf32>,
        %parallel_loop3A_688 = arith.constant 0 : i32
        %parallel_loop3A_689 = vector.broadcast %parallel_loop3A_688 : i32 to vector<16xi32>
        %parallel_loop3A_690 = arith.addi %parallel_loop3A_689, %select_n3A_127 : vector<16xi32>
        %parallel_loop3A_691 = arith.addi %parallel_loop3A_652, %parallel_loop3A_690 : vector<16xi32>
        %parallel_loop3A_692 = tpu.vector_load_idx %arg11[%parallel_loop3A_650, %parallel_loop3A_691] : memref<256x128xf32, #tpu.memory_space<vmem>>[vector<16xi32>, vector<16xi32>], vector<16xf32>,
        tpu.vector_store_idx %arg13[%parallel_loop3A_690, %parallel_loop3A_650], %parallel_loop3A_692 : memref<64x256xf32, #tpu.memory_space<vmem>>[vector<16xi32>, vector<16xi32>], vector<16xf32>,
        %parallel_loop3A_693 = arith.constant 0 : i32
        %parallel_loop3A_694 = vector.broadcast %parallel_loop3A_693 : i32 to vector<16xi32>
        %parallel_loop3A_695 = arith.addi %parallel_loop3A_694, %select_n3A_143 : vector<16xi32>
        %parallel_loop3A_696 = arith.addi %parallel_loop3A_652, %parallel_loop3A_695 : vector<16xi32>
        %parallel_loop3A_697 = tpu.vector_load_idx %arg11[%parallel_loop3A_650, %parallel_loop3A_696] : memref<256x128xf32, #tpu.memory_space<vmem>>[vector<16xi32>, vector<16xi32>], vector<16xf32>,
        tpu.vector_store_idx %arg13[%parallel_loop3A_695, %parallel_loop3A_650], %parallel_loop3A_697 : memref<64x256xf32, #tpu.memory_space<vmem>>[vector<16xi32>, vector<16xi32>], vector<16xf32>,
        %parallel_loop3A_698 = arith.constant 0 : i32
        %parallel_loop3A_699 = vector.broadcast %parallel_loop3A_698 : i32 to vector<16xi32>
        %parallel_loop3A_700 = arith.addi %parallel_loop3A_699, %select_n3A_159 : vector<16xi32>
        %parallel_loop3A_701 = arith.addi %parallel_loop3A_652, %parallel_loop3A_700 : vector<16xi32>
        %parallel_loop3A_702 = tpu.vector_load_idx %arg11[%parallel_loop3A_650, %parallel_loop3A_701] : memref<256x128xf32, #tpu.memory_space<vmem>>[vector<16xi32>, vector<16xi32>], vector<16xf32>,
        tpu.vector_store_idx %arg13[%parallel_loop3A_700, %parallel_loop3A_650], %parallel_loop3A_702 : memref<64x256xf32, #tpu.memory_space<vmem>>[vector<16xi32>, vector<16xi32>], vector<16xf32>,
        %parallel_loop3A_703 = arith.constant 0 : i32
        %parallel_loop3A_704 = vector.broadcast %parallel_loop3A_703 : i32 to vector<16xi32>
        %parallel_loop3A_705 = arith.addi %parallel_loop3A_704, %select_n3A_175 : vector<16xi32>
        %parallel_loop3A_706 = arith.addi %parallel_loop3A_652, %parallel_loop3A_705 : vector<16xi32>
        %parallel_loop3A_707 = tpu.vector_load_idx %arg11[%parallel_loop3A_650, %parallel_loop3A_706] : memref<256x128xf32, #tpu.memory_space<vmem>>[vector<16xi32>, vector<16xi32>], vector<16xf32>,
        tpu.vector_store_idx %arg13[%parallel_loop3A_705, %parallel_loop3A_650], %parallel_loop3A_707 : memref<64x256xf32, #tpu.memory_space<vmem>>[vector<16xi32>, vector<16xi32>], vector<16xf32>,
        %parallel_loop3A_708 = arith.constant 0 : i32
        %parallel_loop3A_709 = vector.broadcast %parallel_loop3A_708 : i32 to vector<16xi32>
        %parallel_loop3A_710 = arith.addi %parallel_loop3A_709, %select_n3A_191 : vector<16xi32>
        %parallel_loop3A_711 = arith.addi %parallel_loop3A_652, %parallel_loop3A_710 : vector<16xi32>
        %parallel_loop3A_712 = tpu.vector_load_idx %arg11[%parallel_loop3A_650, %parallel_loop3A_711] : memref<256x128xf32, #tpu.memory_space<vmem>>[vector<16xi32>, vector<16xi32>], vector<16xf32>,
        tpu.vector_store_idx %arg13[%parallel_loop3A_710, %parallel_loop3A_650], %parallel_loop3A_712 : memref<64x256xf32, #tpu.memory_space<vmem>>[vector<16xi32>, vector<16xi32>], vector<16xf32>,
        %parallel_loop3A_713 = arith.constant 0 : i32
        %parallel_loop3A_714 = vector.broadcast %parallel_loop3A_713 : i32 to vector<16xi32>
        %parallel_loop3A_715 = arith.addi %parallel_loop3A_714, %select_n3A_207 : vector<16xi32>
        %parallel_loop3A_716 = arith.addi %parallel_loop3A_652, %parallel_loop3A_715 : vector<16xi32>
        %parallel_loop3A_717 = tpu.vector_load_idx %arg11[%parallel_loop3A_650, %parallel_loop3A_716] : memref<256x128xf32, #tpu.memory_space<vmem>>[vector<16xi32>, vector<16xi32>], vector<16xf32>,
        tpu.vector_store_idx %arg13[%parallel_loop3A_715, %parallel_loop3A_650], %parallel_loop3A_717 : memref<64x256xf32, #tpu.memory_space<vmem>>[vector<16xi32>, vector<16xi32>], vector<16xf32>,
        %parallel_loop3A_718 = arith.constant 0 : i32
        %parallel_loop3A_719 = vector.broadcast %parallel_loop3A_718 : i32 to vector<16xi32>
        %parallel_loop3A_720 = arith.addi %parallel_loop3A_719, %select_n3A_223 : vector<16xi32>
        %parallel_loop3A_721 = arith.addi %parallel_loop3A_652, %parallel_loop3A_720 : vector<16xi32>
        %parallel_loop3A_722 = tpu.vector_load_idx %arg11[%parallel_loop3A_650, %parallel_loop3A_721] : memref<256x128xf32, #tpu.memory_space<vmem>>[vector<16xi32>, vector<16xi32>], vector<16xf32>,
        tpu.vector_store_idx %arg13[%parallel_loop3A_720, %parallel_loop3A_650], %parallel_loop3A_722 : memref<64x256xf32, #tpu.memory_space<vmem>>[vector<16xi32>, vector<16xi32>], vector<16xf32>,
        %parallel_loop3A_723 = arith.constant 0 : i32
        %parallel_loop3A_724 = vector.broadcast %parallel_loop3A_723 : i32 to vector<16xi32>
        %parallel_loop3A_725 = arith.addi %parallel_loop3A_724, %select_n3A_239 : vector<16xi32>
        %parallel_loop3A_726 = arith.addi %parallel_loop3A_652, %parallel_loop3A_725 : vector<16xi32>
        %parallel_loop3A_727 = tpu.vector_load_idx %arg11[%parallel_loop3A_650, %parallel_loop3A_726] : memref<256x128xf32, #tpu.memory_space<vmem>>[vector<16xi32>, vector<16xi32>], vector<16xf32>,
        tpu.vector_store_idx %arg13[%parallel_loop3A_725, %parallel_loop3A_650], %parallel_loop3A_727 : memref<64x256xf32, #tpu.memory_space<vmem>>[vector<16xi32>, vector<16xi32>], vector<16xf32>,
        %parallel_loop3A_728 = arith.constant 0 : i32
        %parallel_loop3A_729 = vector.broadcast %parallel_loop3A_728 : i32 to vector<16xi32>
        %parallel_loop3A_730 = arith.addi %parallel_loop3A_729, %select_n3A_255 : vector<16xi32>
        %parallel_loop3A_731 = arith.addi %parallel_loop3A_652, %parallel_loop3A_730 : vector<16xi32>
        %parallel_loop3A_732 = tpu.vector_load_idx %arg11[%parallel_loop3A_650, %parallel_loop3A_731] : memref<256x128xf32, #tpu.memory_space<vmem>>[vector<16xi32>, vector<16xi32>], vector<16xf32>,
        tpu.vector_store_idx %arg13[%parallel_loop3A_730, %parallel_loop3A_650], %parallel_loop3A_732 : memref<64x256xf32, #tpu.memory_space<vmem>>[vector<16xi32>, vector<16xi32>], vector<16xf32>,
        %parallel_loop3A_733 = arith.constant 16 : i32
        %parallel_loop3A_734 = vector.broadcast %parallel_loop3A_733 : i32 to vector<16xi32>
        %parallel_loop3A_735 = arith.addi %parallel_loop3A_734, %select_n3A : vector<16xi32>
        %parallel_loop3A_736 = arith.addi %parallel_loop3A_652, %parallel_loop3A_735 : vector<16xi32>
        %parallel_loop3A_737 = tpu.vector_load_idx %arg11[%parallel_loop3A_650, %parallel_loop3A_736] : memref<256x128xf32, #tpu.memory_space<vmem>>[vector<16xi32>, vector<16xi32>], vector<16xf32>,
        tpu.vector_store_idx %arg13[%parallel_loop3A_735, %parallel_loop3A_650], %parallel_loop3A_737 : memref<64x256xf32, #tpu.memory_space<vmem>>[vector<16xi32>, vector<16xi32>], vector<16xf32>,
        %parallel_loop3A_738 = arith.constant 16 : i32
        %parallel_loop3A_739 = vector.broadcast %parallel_loop3A_738 : i32 to vector<16xi32>
        %parallel_loop3A_740 = arith.addi %parallel_loop3A_739, %select_n3A_31 : vector<16xi32>
        %parallel_loop3A_741 = arith.addi %parallel_loop3A_652, %parallel_loop3A_740 : vector<16xi32>
        %parallel_loop3A_742 = tpu.vector_load_idx %arg11[%parallel_loop3A_650, %parallel_loop3A_741] : memref<256x128xf32, #tpu.memory_space<vmem>>[vector<16xi32>, vector<16xi32>], vector<16xf32>,
        tpu.vector_store_idx %arg13[%parallel_loop3A_740, %parallel_loop3A_650], %parallel_loop3A_742 : memref<64x256xf32, #tpu.memory_space<vmem>>[vector<16xi32>, vector<16xi32>], vector<16xf32>,
        %parallel_loop3A_743 = arith.constant 16 : i32
        %parallel_loop3A_744 = vector.broadcast %parallel_loop3A_743 : i32 to vector<16xi32>
        %parallel_loop3A_745 = arith.addi %parallel_loop3A_744, %select_n3A_47 : vector<16xi32>
        %parallel_loop3A_746 = arith.addi %parallel_loop3A_652, %parallel_loop3A_745 : vector<16xi32>
        %parallel_loop3A_747 = tpu.vector_load_idx %arg11[%parallel_loop3A_650, %parallel_loop3A_746] : memref<256x128xf32, #tpu.memory_space<vmem>>[vector<16xi32>, vector<16xi32>], vector<16xf32>,
        tpu.vector_store_idx %arg13[%parallel_loop3A_745, %parallel_loop3A_650], %parallel_loop3A_747 : memref<64x256xf32, #tpu.memory_space<vmem>>[vector<16xi32>, vector<16xi32>], vector<16xf32>,
        %parallel_loop3A_748 = arith.constant 16 : i32
        %parallel_loop3A_749 = vector.broadcast %parallel_loop3A_748 : i32 to vector<16xi32>
        %parallel_loop3A_750 = arith.addi %parallel_loop3A_749, %select_n3A_63 : vector<16xi32>
        %parallel_loop3A_751 = arith.addi %parallel_loop3A_652, %parallel_loop3A_750 : vector<16xi32>
        %parallel_loop3A_752 = tpu.vector_load_idx %arg11[%parallel_loop3A_650, %parallel_loop3A_751] : memref<256x128xf32, #tpu.memory_space<vmem>>[vector<16xi32>, vector<16xi32>], vector<16xf32>,
        tpu.vector_store_idx %arg13[%parallel_loop3A_750, %parallel_loop3A_650], %parallel_loop3A_752 : memref<64x256xf32, #tpu.memory_space<vmem>>[vector<16xi32>, vector<16xi32>], vector<16xf32>,
        %parallel_loop3A_753 = arith.constant 16 : i32
        %parallel_loop3A_754 = vector.broadcast %parallel_loop3A_753 : i32 to vector<16xi32>
        %parallel_loop3A_755 = arith.addi %parallel_loop3A_754, %select_n3A_79 : vector<16xi32>
        %parallel_loop3A_756 = arith.addi %parallel_loop3A_652, %parallel_loop3A_755 : vector<16xi32>
        %parallel_loop3A_757 = tpu.vector_load_idx %arg11[%parallel_loop3A_650, %parallel_loop3A_756] : memref<256x128xf32, #tpu.memory_space<vmem>>[vector<16xi32>, vector<16xi32>], vector<16xf32>,
        tpu.vector_store_idx %arg13[%parallel_loop3A_755, %parallel_loop3A_650], %parallel_loop3A_757 : memref<64x256xf32, #tpu.memory_space<vmem>>[vector<16xi32>, vector<16xi32>], vector<16xf32>,
        %parallel_loop3A_758 = arith.constant 16 : i32
        %parallel_loop3A_759 = vector.broadcast %parallel_loop3A_758 : i32 to vector<16xi32>
        %parallel_loop3A_760 = arith.addi %parallel_loop3A_759, %select_n3A_95 : vector<16xi32>
        %parallel_loop3A_761 = arith.addi %parallel_loop3A_652, %parallel_loop3A_760 : vector<16xi32>
        %parallel_loop3A_762 = tpu.vector_load_idx %arg11[%parallel_loop3A_650, %parallel_loop3A_761] : memref<256x128xf32, #tpu.memory_space<vmem>>[vector<16xi32>, vector<16xi32>], vector<16xf32>,
        tpu.vector_store_idx %arg13[%parallel_loop3A_760, %parallel_loop3A_650], %parallel_loop3A_762 : memref<64x256xf32, #tpu.memory_space<vmem>>[vector<16xi32>, vector<16xi32>], vector<16xf32>,
        %parallel_loop3A_763 = arith.constant 16 : i32
        %parallel_loop3A_764 = vector.broadcast %parallel_loop3A_763 : i32 to vector<16xi32>
        %parallel_loop3A_765 = arith.addi %parallel_loop3A_764, %select_n3A_111 : vector<16xi32>
        %parallel_loop3A_766 = arith.addi %parallel_loop3A_652, %parallel_loop3A_765 : vector<16xi32>
        %parallel_loop3A_767 = tpu.vector_load_idx %arg11[%parallel_loop3A_650, %parallel_loop3A_766] : memref<256x128xf32, #tpu.memory_space<vmem>>[vector<16xi32>, vector<16xi32>], vector<16xf32>,
        tpu.vector_store_idx %arg13[%parallel_loop3A_765, %parallel_loop3A_650], %parallel_loop3A_767 : memref<64x256xf32, #tpu.memory_space<vmem>>[vector<16xi32>, vector<16xi32>], vector<16xf32>,
        %parallel_loop3A_768 = arith.constant 16 : i32
        %parallel_loop3A_769 = vector.broadcast %parallel_loop3A_768 : i32 to vector<16xi32>
        %parallel_loop3A_770 = arith.addi %parallel_loop3A_769, %select_n3A_127 : vector<16xi32>
        %parallel_loop3A_771 = arith.addi %parallel_loop3A_652, %parallel_loop3A_770 : vector<16xi32>
        %parallel_loop3A_772 = tpu.vector_load_idx %arg11[%parallel_loop3A_650, %parallel_loop3A_771] : memref<256x128xf32, #tpu.memory_space<vmem>>[vector<16xi32>, vector<16xi32>], vector<16xf32>,
        tpu.vector_store_idx %arg13[%parallel_loop3A_770, %parallel_loop3A_650], %parallel_loop3A_772 : memref<64x256xf32, #tpu.memory_space<vmem>>[vector<16xi32>, vector<16xi32>], vector<16xf32>,
        %parallel_loop3A_773 = arith.constant 16 : i32
        %parallel_loop3A_774 = vector.broadcast %parallel_loop3A_773 : i32 to vector<16xi32>
        %parallel_loop3A_775 = arith.addi %parallel_loop3A_774, %select_n3A_143 : vector<16xi32>
        %parallel_loop3A_776 = arith.addi %parallel_loop3A_652, %parallel_loop3A_775 : vector<16xi32>
        %parallel_loop3A_777 = tpu.vector_load_idx %arg11[%parallel_loop3A_650, %parallel_loop3A_776] : memref<256x128xf32, #tpu.memory_space<vmem>>[vector<16xi32>, vector<16xi32>], vector<16xf32>,
        tpu.vector_store_idx %arg13[%parallel_loop3A_775, %parallel_loop3A_650], %parallel_loop3A_777 : memref<64x256xf32, #tpu.memory_space<vmem>>[vector<16xi32>, vector<16xi32>], vector<16xf32>,
        %parallel_loop3A_778 = arith.constant 16 : i32
        %parallel_loop3A_779 = vector.broadcast %parallel_loop3A_778 : i32 to vector<16xi32>
        %parallel_loop3A_780 = arith.addi %parallel_loop3A_779, %select_n3A_159 : vector<16xi32>
        %parallel_loop3A_781 = arith.addi %parallel_loop3A_652, %parallel_loop3A_780 : vector<16xi32>
        %parallel_loop3A_782 = tpu.vector_load_idx %arg11[%parallel_loop3A_650, %parallel_loop3A_781] : memref<256x128xf32, #tpu.memory_space<vmem>>[vector<16xi32>, vector<16xi32>], vector<16xf32>,
        tpu.vector_store_idx %arg13[%parallel_loop3A_780, %parallel_loop3A_650], %parallel_loop3A_782 : memref<64x256xf32, #tpu.memory_space<vmem>>[vector<16xi32>, vector<16xi32>], vector<16xf32>,
        %parallel_loop3A_783 = arith.constant 16 : i32
        %parallel_loop3A_784 = vector.broadcast %parallel_loop3A_783 : i32 to vector<16xi32>
        %parallel_loop3A_785 = arith.addi %parallel_loop3A_784, %select_n3A_175 : vector<16xi32>
        %parallel_loop3A_786 = arith.addi %parallel_loop3A_652, %parallel_loop3A_785 : vector<16xi32>
        %parallel_loop3A_787 = tpu.vector_load_idx %arg11[%parallel_loop3A_650, %parallel_loop3A_786] : memref<256x128xf32, #tpu.memory_space<vmem>>[vector<16xi32>, vector<16xi32>], vector<16xf32>,
        tpu.vector_store_idx %arg13[%parallel_loop3A_785, %parallel_loop3A_650], %parallel_loop3A_787 : memref<64x256xf32, #tpu.memory_space<vmem>>[vector<16xi32>, vector<16xi32>], vector<16xf32>,
        %parallel_loop3A_788 = arith.constant 16 : i32
        %parallel_loop3A_789 = vector.broadcast %parallel_loop3A_788 : i32 to vector<16xi32>
        %parallel_loop3A_790 = arith.addi %parallel_loop3A_789, %select_n3A_191 : vector<16xi32>
        %parallel_loop3A_791 = arith.addi %parallel_loop3A_652, %parallel_loop3A_790 : vector<16xi32>
        %parallel_loop3A_792 = tpu.vector_load_idx %arg11[%parallel_loop3A_650, %parallel_loop3A_791] : memref<256x128xf32, #tpu.memory_space<vmem>>[vector<16xi32>, vector<16xi32>], vector<16xf32>,
        tpu.vector_store_idx %arg13[%parallel_loop3A_790, %parallel_loop3A_650], %parallel_loop3A_792 : memref<64x256xf32, #tpu.memory_space<vmem>>[vector<16xi32>, vector<16xi32>], vector<16xf32>,
        %parallel_loop3A_793 = arith.constant 16 : i32
        %parallel_loop3A_794 = vector.broadcast %parallel_loop3A_793 : i32 to vector<16xi32>
        %parallel_loop3A_795 = arith.addi %parallel_loop3A_794, %select_n3A_207 : vector<16xi32>
        %parallel_loop3A_796 = arith.addi %parallel_loop3A_652, %parallel_loop3A_795 : vector<16xi32>
        %parallel_loop3A_797 = tpu.vector_load_idx %arg11[%parallel_loop3A_650, %parallel_loop3A_796] : memref<256x128xf32, #tpu.memory_space<vmem>>[vector<16xi32>, vector<16xi32>], vector<16xf32>,
        tpu.vector_store_idx %arg13[%parallel_loop3A_795, %parallel_loop3A_650], %parallel_loop3A_797 : memref<64x256xf32, #tpu.memory_space<vmem>>[vector<16xi32>, vector<16xi32>], vector<16xf32>,
        %parallel_loop3A_798 = arith.constant 16 : i32
        %parallel_loop3A_799 = vector.broadcast %parallel_loop3A_798 : i32 to vector<16xi32>
        %parallel_loop3A_800 = arith.addi %parallel_loop3A_799, %select_n3A_223 : vector<16xi32>
        %parallel_loop3A_801 = arith.addi %parallel_loop3A_652, %parallel_loop3A_800 : vector<16xi32>
        %parallel_loop3A_802 = tpu.vector_load_idx %arg11[%parallel_loop3A_650, %parallel_loop3A_801] : memref<256x128xf32, #tpu.memory_space<vmem>>[vector<16xi32>, vector<16xi32>], vector<16xf32>,
        tpu.vector_store_idx %arg13[%parallel_loop3A_800, %parallel_loop3A_650], %parallel_loop3A_802 : memref<64x256xf32, #tpu.memory_space<vmem>>[vector<16xi32>, vector<16xi32>], vector<16xf32>,
        %parallel_loop3A_803 = arith.constant 16 : i32
        %parallel_loop3A_804 = vector.broadcast %parallel_loop3A_803 : i32 to vector<16xi32>
        %parallel_loop3A_805 = arith.addi %parallel_loop3A_804, %select_n3A_239 : vector<16xi32>
        %parallel_loop3A_806 = arith.addi %parallel_loop3A_652, %parallel_loop3A_805 : vector<16xi32>
        %parallel_loop3A_807 = tpu.vector_load_idx %arg11[%parallel_loop3A_650, %parallel_loop3A_806] : memref<256x128xf32, #tpu.memory_space<vmem>>[vector<16xi32>, vector<16xi32>], vector<16xf32>,
        tpu.vector_store_idx %arg13[%parallel_loop3A_805, %parallel_loop3A_650], %parallel_loop3A_807 : memref<64x256xf32, #tpu.memory_space<vmem>>[vector<16xi32>, vector<16xi32>], vector<16xf32>,
        %parallel_loop3A_808 = arith.constant 16 : i32
        %parallel_loop3A_809 = vector.broadcast %parallel_loop3A_808 : i32 to vector<16xi32>
        %parallel_loop3A_810 = arith.addi %parallel_loop3A_809, %select_n3A_255 : vector<16xi32>
        %parallel_loop3A_811 = arith.addi %parallel_loop3A_652, %parallel_loop3A_810 : vector<16xi32>
        %parallel_loop3A_812 = tpu.vector_load_idx %arg11[%parallel_loop3A_650, %parallel_loop3A_811] : memref<256x128xf32, #tpu.memory_space<vmem>>[vector<16xi32>, vector<16xi32>], vector<16xf32>,
        tpu.vector_store_idx %arg13[%parallel_loop3A_810, %parallel_loop3A_650], %parallel_loop3A_812 : memref<64x256xf32, #tpu.memory_space<vmem>>[vector<16xi32>, vector<16xi32>], vector<16xf32>,
        %parallel_loop3A_813 = arith.constant 32 : i32
        %parallel_loop3A_814 = vector.broadcast %parallel_loop3A_813 : i32 to vector<16xi32>
        %parallel_loop3A_815 = arith.addi %parallel_loop3A_814, %select_n3A : vector<16xi32>
        %parallel_loop3A_816 = arith.addi %parallel_loop3A_652, %parallel_loop3A_815 : vector<16xi32>
        %parallel_loop3A_817 = tpu.vector_load_idx %arg11[%parallel_loop3A_650, %parallel_loop3A_816] : memref<256x128xf32, #tpu.memory_space<vmem>>[vector<16xi32>, vector<16xi32>], vector<16xf32>,
        tpu.vector_store_idx %arg13[%parallel_loop3A_815, %parallel_loop3A_650], %parallel_loop3A_817 : memref<64x256xf32, #tpu.memory_space<vmem>>[vector<16xi32>, vector<16xi32>], vector<16xf32>,
        %parallel_loop3A_818 = arith.constant 32 : i32
        %parallel_loop3A_819 = vector.broadcast %parallel_loop3A_818 : i32 to vector<16xi32>
        %parallel_loop3A_820 = arith.addi %parallel_loop3A_819, %select_n3A_31 : vector<16xi32>
        %parallel_loop3A_821 = arith.addi %parallel_loop3A_652, %parallel_loop3A_820 : vector<16xi32>
        %parallel_loop3A_822 = tpu.vector_load_idx %arg11[%parallel_loop3A_650, %parallel_loop3A_821] : memref<256x128xf32, #tpu.memory_space<vmem>>[vector<16xi32>, vector<16xi32>], vector<16xf32>,
        tpu.vector_store_idx %arg13[%parallel_loop3A_820, %parallel_loop3A_650], %parallel_loop3A_822 : memref<64x256xf32, #tpu.memory_space<vmem>>[vector<16xi32>, vector<16xi32>], vector<16xf32>,
        %parallel_loop3A_823 = arith.constant 32 : i32
        %parallel_loop3A_824 = vector.broadcast %parallel_loop3A_823 : i32 to vector<16xi32>
        %parallel_loop3A_825 = arith.addi %parallel_loop3A_824, %select_n3A_47 : vector<16xi32>
        %parallel_loop3A_826 = arith.addi %parallel_loop3A_652, %parallel_loop3A_825 : vector<16xi32>
        %parallel_loop3A_827 = tpu.vector_load_idx %arg11[%parallel_loop3A_650, %parallel_loop3A_826] : memref<256x128xf32, #tpu.memory_space<vmem>>[vector<16xi32>, vector<16xi32>], vector<16xf32>,
        tpu.vector_store_idx %arg13[%parallel_loop3A_825, %parallel_loop3A_650], %parallel_loop3A_827 : memref<64x256xf32, #tpu.memory_space<vmem>>[vector<16xi32>, vector<16xi32>], vector<16xf32>,
        %parallel_loop3A_828 = arith.constant 32 : i32
        %parallel_loop3A_829 = vector.broadcast %parallel_loop3A_828 : i32 to vector<16xi32>
        %parallel_loop3A_830 = arith.addi %parallel_loop3A_829, %select_n3A_63 : vector<16xi32>
        %parallel_loop3A_831 = arith.addi %parallel_loop3A_652, %parallel_loop3A_830 : vector<16xi32>
        %parallel_loop3A_832 = tpu.vector_load_idx %arg11[%parallel_loop3A_650, %parallel_loop3A_831] : memref<256x128xf32, #tpu.memory_space<vmem>>[vector<16xi32>, vector<16xi32>], vector<16xf32>,
        tpu.vector_store_idx %arg13[%parallel_loop3A_830, %parallel_loop3A_650], %parallel_loop3A_832 : memref<64x256xf32, #tpu.memory_space<vmem>>[vector<16xi32>, vector<16xi32>], vector<16xf32>,
        %parallel_loop3A_833 = arith.constant 32 : i32
        %parallel_loop3A_834 = vector.broadcast %parallel_loop3A_833 : i32 to vector<16xi32>
        %parallel_loop3A_835 = arith.addi %parallel_loop3A_834, %select_n3A_79 : vector<16xi32>
        %parallel_loop3A_836 = arith.addi %parallel_loop3A_652, %parallel_loop3A_835 : vector<16xi32>
        %parallel_loop3A_837 = tpu.vector_load_idx %arg11[%parallel_loop3A_650, %parallel_loop3A_836] : memref<256x128xf32, #tpu.memory_space<vmem>>[vector<16xi32>, vector<16xi32>], vector<16xf32>,
        tpu.vector_store_idx %arg13[%parallel_loop3A_835, %parallel_loop3A_650], %parallel_loop3A_837 : memref<64x256xf32, #tpu.memory_space<vmem>>[vector<16xi32>, vector<16xi32>], vector<16xf32>,
        %parallel_loop3A_838 = arith.constant 32 : i32
        %parallel_loop3A_839 = vector.broadcast %parallel_loop3A_838 : i32 to vector<16xi32>
        %parallel_loop3A_840 = arith.addi %parallel_loop3A_839, %select_n3A_95 : vector<16xi32>
        %parallel_loop3A_841 = arith.addi %parallel_loop3A_652, %parallel_loop3A_840 : vector<16xi32>
        %parallel_loop3A_842 = tpu.vector_load_idx %arg11[%parallel_loop3A_650, %parallel_loop3A_841] : memref<256x128xf32, #tpu.memory_space<vmem>>[vector<16xi32>, vector<16xi32>], vector<16xf32>,
        tpu.vector_store_idx %arg13[%parallel_loop3A_840, %parallel_loop3A_650], %parallel_loop3A_842 : memref<64x256xf32, #tpu.memory_space<vmem>>[vector<16xi32>, vector<16xi32>], vector<16xf32>,
        %parallel_loop3A_843 = arith.constant 32 : i32
        %parallel_loop3A_844 = vector.broadcast %parallel_loop3A_843 : i32 to vector<16xi32>
        %parallel_loop3A_845 = arith.addi %parallel_loop3A_844, %select_n3A_111 : vector<16xi32>
        %parallel_loop3A_846 = arith.addi %parallel_loop3A_652, %parallel_loop3A_845 : vector<16xi32>
        %parallel_loop3A_847 = tpu.vector_load_idx %arg11[%parallel_loop3A_650, %parallel_loop3A_846] : memref<256x128xf32, #tpu.memory_space<vmem>>[vector<16xi32>, vector<16xi32>], vector<16xf32>,
        tpu.vector_store_idx %arg13[%parallel_loop3A_845, %parallel_loop3A_650], %parallel_loop3A_847 : memref<64x256xf32, #tpu.memory_space<vmem>>[vector<16xi32>, vector<16xi32>], vector<16xf32>,
        %parallel_loop3A_848 = arith.constant 32 : i32
        %parallel_loop3A_849 = vector.broadcast %parallel_loop3A_848 : i32 to vector<16xi32>
        %parallel_loop3A_850 = arith.addi %parallel_loop3A_849, %select_n3A_127 : vector<16xi32>
        %parallel_loop3A_851 = arith.addi %parallel_loop3A_652, %parallel_loop3A_850 : vector<16xi32>
        %parallel_loop3A_852 = tpu.vector_load_idx %arg11[%parallel_loop3A_650, %parallel_loop3A_851] : memref<256x128xf32, #tpu.memory_space<vmem>>[vector<16xi32>, vector<16xi32>], vector<16xf32>,
        tpu.vector_store_idx %arg13[%parallel_loop3A_850, %parallel_loop3A_650], %parallel_loop3A_852 : memref<64x256xf32, #tpu.memory_space<vmem>>[vector<16xi32>, vector<16xi32>], vector<16xf32>,
        %parallel_loop3A_853 = arith.constant 32 : i32
        %parallel_loop3A_854 = vector.broadcast %parallel_loop3A_853 : i32 to vector<16xi32>
        %parallel_loop3A_855 = arith.addi %parallel_loop3A_854, %select_n3A_143 : vector<16xi32>
        %parallel_loop3A_856 = arith.addi %parallel_loop3A_652, %parallel_loop3A_855 : vector<16xi32>
        %parallel_loop3A_857 = tpu.vector_load_idx %arg11[%parallel_loop3A_650, %parallel_loop3A_856] : memref<256x128xf32, #tpu.memory_space<vmem>>[vector<16xi32>, vector<16xi32>], vector<16xf32>,
        tpu.vector_store_idx %arg13[%parallel_loop3A_855, %parallel_loop3A_650], %parallel_loop3A_857 : memref<64x256xf32, #tpu.memory_space<vmem>>[vector<16xi32>, vector<16xi32>], vector<16xf32>,
        %parallel_loop3A_858 = arith.constant 32 : i32
        %parallel_loop3A_859 = vector.broadcast %parallel_loop3A_858 : i32 to vector<16xi32>
        %parallel_loop3A_860 = arith.addi %parallel_loop3A_859, %select_n3A_159 : vector<16xi32>
        %parallel_loop3A_861 = arith.addi %parallel_loop3A_652, %parallel_loop3A_860 : vector<16xi32>
        %parallel_loop3A_862 = tpu.vector_load_idx %arg11[%parallel_loop3A_650, %parallel_loop3A_861] : memref<256x128xf32, #tpu.memory_space<vmem>>[vector<16xi32>, vector<16xi32>], vector<16xf32>,
        tpu.vector_store_idx %arg13[%parallel_loop3A_860, %parallel_loop3A_650], %parallel_loop3A_862 : memref<64x256xf32, #tpu.memory_space<vmem>>[vector<16xi32>, vector<16xi32>], vector<16xf32>,
        %parallel_loop3A_863 = arith.constant 32 : i32
        %parallel_loop3A_864 = vector.broadcast %parallel_loop3A_863 : i32 to vector<16xi32>
        %parallel_loop3A_865 = arith.addi %parallel_loop3A_864, %select_n3A_175 : vector<16xi32>
        %parallel_loop3A_866 = arith.addi %parallel_loop3A_652, %parallel_loop3A_865 : vector<16xi32>
        %parallel_loop3A_867 = tpu.vector_load_idx %arg11[%parallel_loop3A_650, %parallel_loop3A_866] : memref<256x128xf32, #tpu.memory_space<vmem>>[vector<16xi32>, vector<16xi32>], vector<16xf32>,
        tpu.vector_store_idx %arg13[%parallel_loop3A_865, %parallel_loop3A_650], %parallel_loop3A_867 : memref<64x256xf32, #tpu.memory_space<vmem>>[vector<16xi32>, vector<16xi32>], vector<16xf32>,
        %parallel_loop3A_868 = arith.constant 32 : i32
        %parallel_loop3A_869 = vector.broadcast %parallel_loop3A_868 : i32 to vector<16xi32>
        %parallel_loop3A_870 = arith.addi %parallel_loop3A_869, %select_n3A_191 : vector<16xi32>
        %parallel_loop3A_871 = arith.addi %parallel_loop3A_652, %parallel_loop3A_870 : vector<16xi32>
        %parallel_loop3A_872 = tpu.vector_load_idx %arg11[%parallel_loop3A_650, %parallel_loop3A_871] : memref<256x128xf32, #tpu.memory_space<vmem>>[vector<16xi32>, vector<16xi32>], vector<16xf32>,
        tpu.vector_store_idx %arg13[%parallel_loop3A_870, %parallel_loop3A_650], %parallel_loop3A_872 : memref<64x256xf32, #tpu.memory_space<vmem>>[vector<16xi32>, vector<16xi32>], vector<16xf32>,
        %parallel_loop3A_873 = arith.constant 32 : i32
        %parallel_loop3A_874 = vector.broadcast %parallel_loop3A_873 : i32 to vector<16xi32>
        %parallel_loop3A_875 = arith.addi %parallel_loop3A_874, %select_n3A_207 : vector<16xi32>
        %parallel_loop3A_876 = arith.addi %parallel_loop3A_652, %parallel_loop3A_875 : vector<16xi32>
        %parallel_loop3A_877 = tpu.vector_load_idx %arg11[%parallel_loop3A_650, %parallel_loop3A_876] : memref<256x128xf32, #tpu.memory_space<vmem>>[vector<16xi32>, vector<16xi32>], vector<16xf32>,
        tpu.vector_store_idx %arg13[%parallel_loop3A_875, %parallel_loop3A_650], %parallel_loop3A_877 : memref<64x256xf32, #tpu.memory_space<vmem>>[vector<16xi32>, vector<16xi32>], vector<16xf32>,
        %parallel_loop3A_878 = arith.constant 32 : i32
        %parallel_loop3A_879 = vector.broadcast %parallel_loop3A_878 : i32 to vector<16xi32>
        %parallel_loop3A_880 = arith.addi %parallel_loop3A_879, %select_n3A_223 : vector<16xi32>
        %parallel_loop3A_881 = arith.addi %parallel_loop3A_652, %parallel_loop3A_880 : vector<16xi32>
        %parallel_loop3A_882 = tpu.vector_load_idx %arg11[%parallel_loop3A_650, %parallel_loop3A_881] : memref<256x128xf32, #tpu.memory_space<vmem>>[vector<16xi32>, vector<16xi32>], vector<16xf32>,
        tpu.vector_store_idx %arg13[%parallel_loop3A_880, %parallel_loop3A_650], %parallel_loop3A_882 : memref<64x256xf32, #tpu.memory_space<vmem>>[vector<16xi32>, vector<16xi32>], vector<16xf32>,
        %parallel_loop3A_883 = arith.constant 32 : i32
        %parallel_loop3A_884 = vector.broadcast %parallel_loop3A_883 : i32 to vector<16xi32>
        %parallel_loop3A_885 = arith.addi %parallel_loop3A_884, %select_n3A_239 : vector<16xi32>
        %parallel_loop3A_886 = arith.addi %parallel_loop3A_652, %parallel_loop3A_885 : vector<16xi32>
        %parallel_loop3A_887 = tpu.vector_load_idx %arg11[%parallel_loop3A_650, %parallel_loop3A_886] : memref<256x128xf32, #tpu.memory_space<vmem>>[vector<16xi32>, vector<16xi32>], vector<16xf32>,
        tpu.vector_store_idx %arg13[%parallel_loop3A_885, %parallel_loop3A_650], %parallel_loop3A_887 : memref<64x256xf32, #tpu.memory_space<vmem>>[vector<16xi32>, vector<16xi32>], vector<16xf32>,
        %parallel_loop3A_888 = arith.constant 32 : i32
        %parallel_loop3A_889 = vector.broadcast %parallel_loop3A_888 : i32 to vector<16xi32>
        %parallel_loop3A_890 = arith.addi %parallel_loop3A_889, %select_n3A_255 : vector<16xi32>
        %parallel_loop3A_891 = arith.addi %parallel_loop3A_652, %parallel_loop3A_890 : vector<16xi32>
        %parallel_loop3A_892 = tpu.vector_load_idx %arg11[%parallel_loop3A_650, %parallel_loop3A_891] : memref<256x128xf32, #tpu.memory_space<vmem>>[vector<16xi32>, vector<16xi32>], vector<16xf32>,
        tpu.vector_store_idx %arg13[%parallel_loop3A_890, %parallel_loop3A_650], %parallel_loop3A_892 : memref<64x256xf32, #tpu.memory_space<vmem>>[vector<16xi32>, vector<16xi32>], vector<16xf32>,
        %parallel_loop3A_893 = arith.constant 48 : i32
        %parallel_loop3A_894 = vector.broadcast %parallel_loop3A_893 : i32 to vector<16xi32>
        %parallel_loop3A_895 = arith.addi %parallel_loop3A_894, %select_n3A : vector<16xi32>
        %parallel_loop3A_896 = arith.addi %parallel_loop3A_652, %parallel_loop3A_895 : vector<16xi32>
        %parallel_loop3A_897 = tpu.vector_load_idx %arg11[%parallel_loop3A_650, %parallel_loop3A_896] : memref<256x128xf32, #tpu.memory_space<vmem>>[vector<16xi32>, vector<16xi32>], vector<16xf32>,
        tpu.vector_store_idx %arg13[%parallel_loop3A_895, %parallel_loop3A_650], %parallel_loop3A_897 : memref<64x256xf32, #tpu.memory_space<vmem>>[vector<16xi32>, vector<16xi32>], vector<16xf32>,
        %parallel_loop3A_898 = arith.constant 48 : i32
        %parallel_loop3A_899 = vector.broadcast %parallel_loop3A_898 : i32 to vector<16xi32>
        %parallel_loop3A_900 = arith.addi %parallel_loop3A_899, %select_n3A_31 : vector<16xi32>
        %parallel_loop3A_901 = arith.addi %parallel_loop3A_652, %parallel_loop3A_900 : vector<16xi32>
        %parallel_loop3A_902 = tpu.vector_load_idx %arg11[%parallel_loop3A_650, %parallel_loop3A_901] : memref<256x128xf32, #tpu.memory_space<vmem>>[vector<16xi32>, vector<16xi32>], vector<16xf32>,
        tpu.vector_store_idx %arg13[%parallel_loop3A_900, %parallel_loop3A_650], %parallel_loop3A_902 : memref<64x256xf32, #tpu.memory_space<vmem>>[vector<16xi32>, vector<16xi32>], vector<16xf32>,
        %parallel_loop3A_903 = arith.constant 48 : i32
        %parallel_loop3A_904 = vector.broadcast %parallel_loop3A_903 : i32 to vector<16xi32>
        %parallel_loop3A_905 = arith.addi %parallel_loop3A_904, %select_n3A_47 : vector<16xi32>
        %parallel_loop3A_906 = arith.addi %parallel_loop3A_652, %parallel_loop3A_905 : vector<16xi32>
        %parallel_loop3A_907 = tpu.vector_load_idx %arg11[%parallel_loop3A_650, %parallel_loop3A_906] : memref<256x128xf32, #tpu.memory_space<vmem>>[vector<16xi32>, vector<16xi32>], vector<16xf32>,
        tpu.vector_store_idx %arg13[%parallel_loop3A_905, %parallel_loop3A_650], %parallel_loop3A_907 : memref<64x256xf32, #tpu.memory_space<vmem>>[vector<16xi32>, vector<16xi32>], vector<16xf32>,
        %parallel_loop3A_908 = arith.constant 48 : i32
        %parallel_loop3A_909 = vector.broadcast %parallel_loop3A_908 : i32 to vector<16xi32>
        %parallel_loop3A_910 = arith.addi %parallel_loop3A_909, %select_n3A_63 : vector<16xi32>
        %parallel_loop3A_911 = arith.addi %parallel_loop3A_652, %parallel_loop3A_910 : vector<16xi32>
        %parallel_loop3A_912 = tpu.vector_load_idx %arg11[%parallel_loop3A_650, %parallel_loop3A_911] : memref<256x128xf32, #tpu.memory_space<vmem>>[vector<16xi32>, vector<16xi32>], vector<16xf32>,
        tpu.vector_store_idx %arg13[%parallel_loop3A_910, %parallel_loop3A_650], %parallel_loop3A_912 : memref<64x256xf32, #tpu.memory_space<vmem>>[vector<16xi32>, vector<16xi32>], vector<16xf32>,
        %parallel_loop3A_913 = arith.constant 48 : i32
        %parallel_loop3A_914 = vector.broadcast %parallel_loop3A_913 : i32 to vector<16xi32>
        %parallel_loop3A_915 = arith.addi %parallel_loop3A_914, %select_n3A_79 : vector<16xi32>
        %parallel_loop3A_916 = arith.addi %parallel_loop3A_652, %parallel_loop3A_915 : vector<16xi32>
        %parallel_loop3A_917 = tpu.vector_load_idx %arg11[%parallel_loop3A_650, %parallel_loop3A_916] : memref<256x128xf32, #tpu.memory_space<vmem>>[vector<16xi32>, vector<16xi32>], vector<16xf32>,
        tpu.vector_store_idx %arg13[%parallel_loop3A_915, %parallel_loop3A_650], %parallel_loop3A_917 : memref<64x256xf32, #tpu.memory_space<vmem>>[vector<16xi32>, vector<16xi32>], vector<16xf32>,
        %parallel_loop3A_918 = arith.constant 48 : i32
        %parallel_loop3A_919 = vector.broadcast %parallel_loop3A_918 : i32 to vector<16xi32>
        %parallel_loop3A_920 = arith.addi %parallel_loop3A_919, %select_n3A_95 : vector<16xi32>
        %parallel_loop3A_921 = arith.addi %parallel_loop3A_652, %parallel_loop3A_920 : vector<16xi32>
        %parallel_loop3A_922 = tpu.vector_load_idx %arg11[%parallel_loop3A_650, %parallel_loop3A_921] : memref<256x128xf32, #tpu.memory_space<vmem>>[vector<16xi32>, vector<16xi32>], vector<16xf32>,
        tpu.vector_store_idx %arg13[%parallel_loop3A_920, %parallel_loop3A_650], %parallel_loop3A_922 : memref<64x256xf32, #tpu.memory_space<vmem>>[vector<16xi32>, vector<16xi32>], vector<16xf32>,
        %parallel_loop3A_923 = arith.constant 48 : i32
        %parallel_loop3A_924 = vector.broadcast %parallel_loop3A_923 : i32 to vector<16xi32>
        %parallel_loop3A_925 = arith.addi %parallel_loop3A_924, %select_n3A_111 : vector<16xi32>
        %parallel_loop3A_926 = arith.addi %parallel_loop3A_652, %parallel_loop3A_925 : vector<16xi32>
        %parallel_loop3A_927 = tpu.vector_load_idx %arg11[%parallel_loop3A_650, %parallel_loop3A_926] : memref<256x128xf32, #tpu.memory_space<vmem>>[vector<16xi32>, vector<16xi32>], vector<16xf32>,
        tpu.vector_store_idx %arg13[%parallel_loop3A_925, %parallel_loop3A_650], %parallel_loop3A_927 : memref<64x256xf32, #tpu.memory_space<vmem>>[vector<16xi32>, vector<16xi32>], vector<16xf32>,
        %parallel_loop3A_928 = arith.constant 48 : i32
        %parallel_loop3A_929 = vector.broadcast %parallel_loop3A_928 : i32 to vector<16xi32>
        %parallel_loop3A_930 = arith.addi %parallel_loop3A_929, %select_n3A_127 : vector<16xi32>
        %parallel_loop3A_931 = arith.addi %parallel_loop3A_652, %parallel_loop3A_930 : vector<16xi32>
        %parallel_loop3A_932 = tpu.vector_load_idx %arg11[%parallel_loop3A_650, %parallel_loop3A_931] : memref<256x128xf32, #tpu.memory_space<vmem>>[vector<16xi32>, vector<16xi32>], vector<16xf32>,
        tpu.vector_store_idx %arg13[%parallel_loop3A_930, %parallel_loop3A_650], %parallel_loop3A_932 : memref<64x256xf32, #tpu.memory_space<vmem>>[vector<16xi32>, vector<16xi32>], vector<16xf32>,
        %parallel_loop3A_933 = arith.constant 48 : i32
        %parallel_loop3A_934 = vector.broadcast %parallel_loop3A_933 : i32 to vector<16xi32>
        %parallel_loop3A_935 = arith.addi %parallel_loop3A_934, %select_n3A_143 : vector<16xi32>
        %parallel_loop3A_936 = arith.addi %parallel_loop3A_652, %parallel_loop3A_935 : vector<16xi32>
        %parallel_loop3A_937 = tpu.vector_load_idx %arg11[%parallel_loop3A_650, %parallel_loop3A_936] : memref<256x128xf32, #tpu.memory_space<vmem>>[vector<16xi32>, vector<16xi32>], vector<16xf32>,
        tpu.vector_store_idx %arg13[%parallel_loop3A_935, %parallel_loop3A_650], %parallel_loop3A_937 : memref<64x256xf32, #tpu.memory_space<vmem>>[vector<16xi32>, vector<16xi32>], vector<16xf32>,
        %parallel_loop3A_938 = arith.constant 48 : i32
        %parallel_loop3A_939 = vector.broadcast %parallel_loop3A_938 : i32 to vector<16xi32>
        %parallel_loop3A_940 = arith.addi %parallel_loop3A_939, %select_n3A_159 : vector<16xi32>
        %parallel_loop3A_941 = arith.addi %parallel_loop3A_652, %parallel_loop3A_940 : vector<16xi32>
        %parallel_loop3A_942 = tpu.vector_load_idx %arg11[%parallel_loop3A_650, %parallel_loop3A_941] : memref<256x128xf32, #tpu.memory_space<vmem>>[vector<16xi32>, vector<16xi32>], vector<16xf32>,
        tpu.vector_store_idx %arg13[%parallel_loop3A_940, %parallel_loop3A_650], %parallel_loop3A_942 : memref<64x256xf32, #tpu.memory_space<vmem>>[vector<16xi32>, vector<16xi32>], vector<16xf32>,
        %parallel_loop3A_943 = arith.constant 48 : i32
        %parallel_loop3A_944 = vector.broadcast %parallel_loop3A_943 : i32 to vector<16xi32>
        %parallel_loop3A_945 = arith.addi %parallel_loop3A_944, %select_n3A_175 : vector<16xi32>
        %parallel_loop3A_946 = arith.addi %parallel_loop3A_652, %parallel_loop3A_945 : vector<16xi32>
        %parallel_loop3A_947 = tpu.vector_load_idx %arg11[%parallel_loop3A_650, %parallel_loop3A_946] : memref<256x128xf32, #tpu.memory_space<vmem>>[vector<16xi32>, vector<16xi32>], vector<16xf32>,
        tpu.vector_store_idx %arg13[%parallel_loop3A_945, %parallel_loop3A_650], %parallel_loop3A_947 : memref<64x256xf32, #tpu.memory_space<vmem>>[vector<16xi32>, vector<16xi32>], vector<16xf32>,
        %parallel_loop3A_948 = arith.constant 48 : i32
        %parallel_loop3A_949 = vector.broadcast %parallel_loop3A_948 : i32 to vector<16xi32>
        %parallel_loop3A_950 = arith.addi %parallel_loop3A_949, %select_n3A_191 : vector<16xi32>
        %parallel_loop3A_951 = arith.addi %parallel_loop3A_652, %parallel_loop3A_950 : vector<16xi32>
        %parallel_loop3A_952 = tpu.vector_load_idx %arg11[%parallel_loop3A_650, %parallel_loop3A_951] : memref<256x128xf32, #tpu.memory_space<vmem>>[vector<16xi32>, vector<16xi32>], vector<16xf32>,
        tpu.vector_store_idx %arg13[%parallel_loop3A_950, %parallel_loop3A_650], %parallel_loop3A_952 : memref<64x256xf32, #tpu.memory_space<vmem>>[vector<16xi32>, vector<16xi32>], vector<16xf32>,
        %parallel_loop3A_953 = arith.constant 48 : i32
        %parallel_loop3A_954 = vector.broadcast %parallel_loop3A_953 : i32 to vector<16xi32>
        %parallel_loop3A_955 = arith.addi %parallel_loop3A_954, %select_n3A_207 : vector<16xi32>
        %parallel_loop3A_956 = arith.addi %parallel_loop3A_652, %parallel_loop3A_955 : vector<16xi32>
        %parallel_loop3A_957 = tpu.vector_load_idx %arg11[%parallel_loop3A_650, %parallel_loop3A_956] : memref<256x128xf32, #tpu.memory_space<vmem>>[vector<16xi32>, vector<16xi32>], vector<16xf32>,
        tpu.vector_store_idx %arg13[%parallel_loop3A_955, %parallel_loop3A_650], %parallel_loop3A_957 : memref<64x256xf32, #tpu.memory_space<vmem>>[vector<16xi32>, vector<16xi32>], vector<16xf32>,
        %parallel_loop3A_958 = arith.constant 48 : i32
        %parallel_loop3A_959 = vector.broadcast %parallel_loop3A_958 : i32 to vector<16xi32>
        %parallel_loop3A_960 = arith.addi %parallel_loop3A_959, %select_n3A_223 : vector<16xi32>
        %parallel_loop3A_961 = arith.addi %parallel_loop3A_652, %parallel_loop3A_960 : vector<16xi32>
        %parallel_loop3A_962 = tpu.vector_load_idx %arg11[%parallel_loop3A_650, %parallel_loop3A_961] : memref<256x128xf32, #tpu.memory_space<vmem>>[vector<16xi32>, vector<16xi32>], vector<16xf32>,
        tpu.vector_store_idx %arg13[%parallel_loop3A_960, %parallel_loop3A_650], %parallel_loop3A_962 : memref<64x256xf32, #tpu.memory_space<vmem>>[vector<16xi32>, vector<16xi32>], vector<16xf32>,
        %parallel_loop3A_963 = arith.constant 48 : i32
        %parallel_loop3A_964 = vector.broadcast %parallel_loop3A_963 : i32 to vector<16xi32>
        %parallel_loop3A_965 = arith.addi %parallel_loop3A_964, %select_n3A_239 : vector<16xi32>
        %parallel_loop3A_966 = arith.addi %parallel_loop3A_652, %parallel_loop3A_965 : vector<16xi32>
        %parallel_loop3A_967 = tpu.vector_load_idx %arg11[%parallel_loop3A_650, %parallel_loop3A_966] : memref<256x128xf32, #tpu.memory_space<vmem>>[vector<16xi32>, vector<16xi32>], vector<16xf32>,
        tpu.vector_store_idx %arg13[%parallel_loop3A_965, %parallel_loop3A_650], %parallel_loop3A_967 : memref<64x256xf32, #tpu.memory_space<vmem>>[vector<16xi32>, vector<16xi32>], vector<16xf32>,
        %parallel_loop3A_968 = arith.constant 48 : i32
        %parallel_loop3A_969 = vector.broadcast %parallel_loop3A_968 : i32 to vector<16xi32>
        %parallel_loop3A_970 = arith.addi %parallel_loop3A_969, %select_n3A_255 : vector<16xi32>
        %parallel_loop3A_971 = arith.addi %parallel_loop3A_652, %parallel_loop3A_970 : vector<16xi32>
        %parallel_loop3A_972 = tpu.vector_load_idx %arg11[%parallel_loop3A_650, %parallel_loop3A_971] : memref<256x128xf32, #tpu.memory_space<vmem>>[vector<16xi32>, vector<16xi32>], vector<16xf32>,
        tpu.vector_store_idx %arg13[%parallel_loop3A_970, %parallel_loop3A_650], %parallel_loop3A_972 : memref<64x256xf32, #tpu.memory_space<vmem>>[vector<16xi32>, vector<16xi32>], vector<16xf32>,
      } {sc.loop_unroll_factor = 2 : i64, sc.parallel_access}
      %jit3A = arith.constant 2 : i32
      %div3A = arith.divsi %mul3A_519, %jit3A : i32
      %sign3A = arith.constant 0 : i32
      %sign3A_534 = arith.cmpi sgt, %mul3A_519, %sign3A : i32
      %sign3A_535 = arith.extui %sign3A_534 : i1 to i32
      %sign3A_536 = arith.constant 0 : i32
      %sign3A_537 = arith.cmpi slt, %mul3A_519, %sign3A_536 : i32
      %sign3A_538 = arith.extui %sign3A_537 : i1 to i32
      %sign3A_539 = arith.subi %sign3A_535, %sign3A_538 : i32
      %sign3A_540 = arith.constant 0 : i32
      %sign3A_541 = arith.cmpi sgt, %jit3A, %sign3A_540 : i32
      %sign3A_542 = arith.extui %sign3A_541 : i1 to i32
      %sign3A_543 = arith.constant 0 : i32
      %sign3A_544 = arith.cmpi slt, %jit3A, %sign3A_543 : i32
      %sign3A_545 = arith.extui %sign3A_544 : i1 to i32
      %sign3A_546 = arith.subi %sign3A_542, %sign3A_545 : i32
      %ne3A = arith.cmpi ne, %sign3A_539, %sign3A_546 : i32
      %rem3A = arith.remsi %mul3A_519, %jit3A : i32
      %ne3A_547 = arith.constant 0 : i32
      %ne3A_548 = arith.cmpi ne, %rem3A, %ne3A_547 : i32
      %and3A_549 = arith.andi %ne3A, %ne3A_548 : i1
      %sub3A_550 = arith.constant 1 : i32
      %sub3A_551 = arith.subi %div3A, %sub3A_550 : i32
      %select_n3A_552 = arith.select %and3A_549, %sub3A_551, %div3A : i32
      %jit3A_553 = arith.constant 2 : i32
      %eq3A = arith.constant 0 : i32
      %eq3A_554 = arith.cmpi eq, %jit3A_553, %eq3A : i32
      %jit3A_555 = arith.constant 1 : i32
      %select_n3A_556 = arith.select %eq3A_554, %jit3A_555, %jit3A_553 : i32
      %rem3A_557 = arith.remsi %mul3A_519, %select_n3A_556 : i32
      %ne3A_558 = arith.constant 0 : i32
      %ne3A_559 = arith.cmpi ne, %rem3A_557, %ne3A_558 : i32
      %lt3A_560 = arith.constant 0 : i32
      %lt3A_561 = arith.cmpi slt, %rem3A_557, %lt3A_560 : i32
      %lt3A_562 = arith.constant 0 : i32
      %lt3A_563 = arith.cmpi slt, %select_n3A_556, %lt3A_562 : i32
      %ne3A_564 = arith.xori %lt3A_561, %lt3A_563 : i1
      %and3A_565 = arith.andi %ne3A_564, %ne3A_559 : i1
      %add3A_566 = arith.addi %rem3A_557, %select_n3A_556 : i32
      %select_n3A_567 = arith.select %and3A_565, %add3A_566, %rem3A_557 : i32
      %mul3A_568 = arith.constant 256 : i32
      %mul3A_569 = arith.muli %select_n3A_567, %mul3A_568 : i32
      %add3A_570 = arith.addi %multiple_of3A, %mul3A_569 : i32
      %dma_start3A_571 = arith.constant 0 : i32
      %dma_start3A_572 = tpu.memref_slice %arg4[%select_n3A_552, %dma_start3A_571, %add3A_570] : memref<50x64x16384xf32, #tpu.memory_space<hbm>> -> memref<1x64x256xf32, #tpu.memory_space<hbm>>
      %dma_start3A_573 = tpu.memref_squeeze %dma_start3A_572 : memref<1x64x256xf32, #tpu.memory_space<hbm>> -> memref<64x256xf32, #tpu.memory_space<hbm>>
      %dma_start3A_574 = arith.constant 0 : i32
      %dma_start3A_575 = tpu.memref_slice %arg4[%select_n3A_552, %dma_start3A_574, %add3A_570] : memref<50x64x16384xf32, #tpu.memory_space<hbm>> -> memref<1x64x256xf32, #tpu.memory_space<hbm>>
      %dma_start3A_576 = tpu.memref_squeeze %dma_start3A_575 : memref<1x64x256xf32, #tpu.memory_space<hbm>> -> memref<64x256xf32, #tpu.memory_space<hbm>>
      tpu.enqueue_dma source(%arg13 : memref<64x256xf32, #tpu.memory_space<vmem>>) target(%dma_start3A_576 : memref<64x256xf32, #tpu.memory_space<hbm>>) target_semaphore(%arg17 : memref<!tpu.dma_semaphore, #tpu.memory_space<semaphore_mem>>)
      %mul3A_577 = arith.constant 2 : i32
      %mul3A_578 = arith.muli %mul3A_577, %scan3A_517 : i32
      %add3A_579 = arith.constant 1 : i32
      %add3A_580 = arith.addi %mul3A_578, %add3A_579 : i32
      %dma_wait3A_581 = arith.constant 0 : i32
      %dma_wait3A_582 = arith.constant 0 : i32
      %dma_wait3A_583 = tpu.memref_slice %arg3[%dma_wait3A_581, %dma_wait3A_582] : memref<500000x128xf32, #tpu.memory_space<hbm>> -> memref<500000x128xf32, #tpu.memory_space<hbm>>
      tpu.wait_indirect_dma semaphore(%arg16 : memref<!tpu.dma_semaphore, #tpu.memory_space<semaphore_mem>>) src(%dma_wait3A_583 : memref<500000x128xf32, #tpu.memory_space<hbm>>) dst(%arg12 : memref<256x128xf32, #tpu.memory_space<vmem>>)
      %add3A_584 = arith.constant 1 : i32
      %add3A_585 = arith.addi %add3A_580, %add3A_584 : i32
      %lt3A_586 = arith.constant 100 : i32
      %lt3A_587 = arith.cmpi slt, %add3A_585, %lt3A_586 : i32
      %convert_element_type3A_588 = arith.extui %lt3A_587 : i1 to i32
      %cond3A_589 = arith.constant 0 : i32
      %cond3A_590 = arith.cmpi ne, %convert_element_type3A_588, %cond3A_589 : i32
      scf.if %cond3A_590 {
        %add3A_648 = arith.constant 1 : i32
        %add3A_649 = arith.addi %add3A_580, %add3A_648 : i32
        %jit3A_650 = arith.constant 2 : i32
        %div3A_651 = arith.divsi %add3A_649, %jit3A_650 : i32
        %sign3A_652 = arith.constant 0 : i32
        %sign3A_653 = arith.cmpi sgt, %add3A_649, %sign3A_652 : i32
        %sign3A_654 = arith.extui %sign3A_653 : i1 to i32
        %sign3A_655 = arith.constant 0 : i32
        %sign3A_656 = arith.cmpi slt, %add3A_649, %sign3A_655 : i32
        %sign3A_657 = arith.extui %sign3A_656 : i1 to i32
        %sign3A_658 = arith.subi %sign3A_654, %sign3A_657 : i32
        %sign3A_659 = arith.constant 0 : i32
        %sign3A_660 = arith.cmpi sgt, %jit3A_650, %sign3A_659 : i32
        %sign3A_661 = arith.extui %sign3A_660 : i1 to i32
        %sign3A_662 = arith.constant 0 : i32
        %sign3A_663 = arith.cmpi slt, %jit3A_650, %sign3A_662 : i32
        %sign3A_664 = arith.extui %sign3A_663 : i1 to i32
        %sign3A_665 = arith.subi %sign3A_661, %sign3A_664 : i32
        %ne3A_666 = arith.cmpi ne, %sign3A_658, %sign3A_665 : i32
        %rem3A_667 = arith.remsi %add3A_649, %jit3A_650 : i32
        %ne3A_668 = arith.constant 0 : i32
        %ne3A_669 = arith.cmpi ne, %rem3A_667, %ne3A_668 : i32
        %and3A_670 = arith.andi %ne3A_666, %ne3A_669 : i1
        %sub3A_671 = arith.constant 1 : i32
        %sub3A_672 = arith.subi %div3A_651, %sub3A_671 : i32
        %select_n3A_673 = arith.select %and3A_670, %sub3A_672, %div3A_651 : i32
        %jit3A_674 = arith.constant 2 : i32
        %eq3A_675 = arith.constant 0 : i32
        %eq3A_676 = arith.cmpi eq, %jit3A_674, %eq3A_675 : i32
        %jit3A_677 = arith.constant 1 : i32
        %select_n3A_678 = arith.select %eq3A_676, %jit3A_677, %jit3A_674 : i32
        %rem3A_679 = arith.remsi %add3A_649, %select_n3A_678 : i32
        %ne3A_680 = arith.constant 0 : i32
        %ne3A_681 = arith.cmpi ne, %rem3A_679, %ne3A_680 : i32
        %lt3A_682 = arith.constant 0 : i32
        %lt3A_683 = arith.cmpi slt, %rem3A_679, %lt3A_682 : i32
        %lt3A_684 = arith.constant 0 : i32
        %lt3A_685 = arith.cmpi slt, %select_n3A_678, %lt3A_684 : i32
        %ne3A_686 = arith.xori %lt3A_683, %lt3A_685 : i1
        %and3A_687 = arith.andi %ne3A_686, %ne3A_681 : i1
        %add3A_688 = arith.addi %rem3A_679, %select_n3A_678 : i32
        %select_n3A_689 = arith.select %and3A_687, %add3A_688, %rem3A_679 : i32
        %mul3A_690 = arith.constant 256 : i32
        %mul3A_691 = arith.muli %select_n3A_689, %mul3A_690 : i32
        %add3A_692 = arith.addi %multiple_of3A, %mul3A_691 : i32
        "tpu.region"() ({
          %run_scoped3A_936 = tpu.sem_alloc : memref<!tpu.dma_semaphore, #tpu.memory_space<semaphore_mem>>
          %dma_start3A_937 = tpu.memref_slice %arg2[%select_n3A_673, %add3A_692] : memref<50x16384xi32, #tpu.memory_space<hbm>> -> memref<1x256xi32, #tpu.memory_space<hbm>>
          %dma_start3A_938 = tpu.memref_squeeze %dma_start3A_937 : memref<1x256xi32, #tpu.memory_space<hbm>> -> memref<256xi32, #tpu.memory_space<hbm>>
          %dma_start3A_939 = tpu.memref_slice %arg2[%select_n3A_673, %add3A_692] : memref<50x16384xi32, #tpu.memory_space<hbm>> -> memref<1x256xi32, #tpu.memory_space<hbm>>
          %dma_start3A_940 = tpu.memref_squeeze %dma_start3A_939 : memref<1x256xi32, #tpu.memory_space<hbm>> -> memref<256xi32, #tpu.memory_space<hbm>>
          tpu.enqueue_dma source(%dma_start3A_940 : memref<256xi32, #tpu.memory_space<hbm>>) target(%arg5 : memref<256xi32, #tpu.memory_space<vmem>>) target_semaphore(%run_scoped3A_936 : memref<!tpu.dma_semaphore, #tpu.memory_space<semaphore_mem>>)
          %dma_wait3A_941 = tpu.memref_slice %arg2[%select_n3A_673, %add3A_692] : memref<50x16384xi32, #tpu.memory_space<hbm>> -> memref<1x256xi32, #tpu.memory_space<hbm>>
          %dma_wait3A_942 = tpu.memref_squeeze %dma_wait3A_941 : memref<1x256xi32, #tpu.memory_space<hbm>> -> memref<256xi32, #tpu.memory_space<hbm>>
          %dma_wait3A_943 = tpu.memref_slice %arg2[%select_n3A_673, %add3A_692] : memref<50x16384xi32, #tpu.memory_space<hbm>> -> memref<1x256xi32, #tpu.memory_space<hbm>>
          %dma_wait3A_944 = tpu.memref_squeeze %dma_wait3A_943 : memref<1x256xi32, #tpu.memory_space<hbm>> -> memref<256xi32, #tpu.memory_space<hbm>>
          tpu.wait_dma2 semaphore(%run_scoped3A_936 : memref<!tpu.dma_semaphore, #tpu.memory_space<semaphore_mem>>) src(%dma_wait3A_944 : memref<256xi32, #tpu.memory_space<hbm>>) dst(%arg5 : memref<256xi32, #tpu.memory_space<vmem>>)
          tpu.yield
        }) : () -> ()
        %get3A_693 = arith.constant 0 : index
        %get3A_694 = tpu.vector_load %arg5[%get3A_693] {strides = array<i32>} : memref<256xi32, #tpu.memory_space<vmem>>, vector<16xi32>,
        %shift_right_logical3A_695 = arith.constant 1 : i32
        %shift_right_logical3A_696 = vector.broadcast %shift_right_logical3A_695 : i32 to vector<16xi32>
        %shift_right_logical3A_697 = arith.shrui %get3A_694, %shift_right_logical3A_696 : vector<16xi32>
        %swap3A_698 = arith.constant 0 : index
        %swap3A_699 = tpu.vector_load %arg7[%swap3A_698] {strides = array<i32>} : memref<256xi32, #tpu.memory_space<vmem>>, vector<16xi32>,
        tpu.vector_store %arg7[%swap3A_698], %shift_right_logical3A_697 {strides = array<i32>} : memref<256xi32, #tpu.memory_space<vmem>>, vector<16xi32>,
        %and3A_700 = arith.constant 1 : i32
        %and3A_701 = vector.broadcast %and3A_700 : i32 to vector<16xi32>
        %and3A_702 = arith.andi %get3A_694, %and3A_701 : vector<16xi32>
        %shift_left3A_703 = arith.constant 6 : i32
        %shift_left3A_704 = vector.broadcast %shift_left3A_703 : i32 to vector<16xi32>
        %shift_left3A_705 = arith.shli %and3A_702, %shift_left3A_704 : vector<16xi32>
        %swap3A_706 = arith.constant 0 : index
        %swap3A_707 = tpu.vector_load %arg9[%swap3A_706] {strides = array<i32>} : memref<256xi32, #tpu.memory_space<vmem>>, vector<16xi32>,
        tpu.vector_store %arg9[%swap3A_706], %shift_left3A_705 {strides = array<i32>} : memref<256xi32, #tpu.memory_space<vmem>>, vector<16xi32>,
        %get3A_708 = arith.constant 16 : index
        %get3A_709 = tpu.vector_load %arg5[%get3A_708] {strides = array<i32>} : memref<256xi32, #tpu.memory_space<vmem>>, vector<16xi32>,
        %shift_right_logical3A_710 = arith.constant 1 : i32
        %shift_right_logical3A_711 = vector.broadcast %shift_right_logical3A_710 : i32 to vector<16xi32>
        %shift_right_logical3A_712 = arith.shrui %get3A_709, %shift_right_logical3A_711 : vector<16xi32>
        %swap3A_713 = arith.constant 16 : index
        %swap3A_714 = tpu.vector_load %arg7[%swap3A_713] {strides = array<i32>} : memref<256xi32, #tpu.memory_space<vmem>>, vector<16xi32>,
        tpu.vector_store %arg7[%swap3A_713], %shift_right_logical3A_712 {strides = array<i32>} : memref<256xi32, #tpu.memory_space<vmem>>, vector<16xi32>,
        %and3A_715 = arith.constant 1 : i32
        %and3A_716 = vector.broadcast %and3A_715 : i32 to vector<16xi32>
        %and3A_717 = arith.andi %get3A_709, %and3A_716 : vector<16xi32>
        %shift_left3A_718 = arith.constant 6 : i32
        %shift_left3A_719 = vector.broadcast %shift_left3A_718 : i32 to vector<16xi32>
        %shift_left3A_720 = arith.shli %and3A_717, %shift_left3A_719 : vector<16xi32>
        %swap3A_721 = arith.constant 16 : index
        %swap3A_722 = tpu.vector_load %arg9[%swap3A_721] {strides = array<i32>} : memref<256xi32, #tpu.memory_space<vmem>>, vector<16xi32>,
        tpu.vector_store %arg9[%swap3A_721], %shift_left3A_720 {strides = array<i32>} : memref<256xi32, #tpu.memory_space<vmem>>, vector<16xi32>,
        %get3A_723 = arith.constant 32 : index
        %get3A_724 = tpu.vector_load %arg5[%get3A_723] {strides = array<i32>} : memref<256xi32, #tpu.memory_space<vmem>>, vector<16xi32>,
        %shift_right_logical3A_725 = arith.constant 1 : i32
        %shift_right_logical3A_726 = vector.broadcast %shift_right_logical3A_725 : i32 to vector<16xi32>
        %shift_right_logical3A_727 = arith.shrui %get3A_724, %shift_right_logical3A_726 : vector<16xi32>
        %swap3A_728 = arith.constant 32 : index
        %swap3A_729 = tpu.vector_load %arg7[%swap3A_728] {strides = array<i32>} : memref<256xi32, #tpu.memory_space<vmem>>, vector<16xi32>,
        tpu.vector_store %arg7[%swap3A_728], %shift_right_logical3A_727 {strides = array<i32>} : memref<256xi32, #tpu.memory_space<vmem>>, vector<16xi32>,
        %and3A_730 = arith.constant 1 : i32
        %and3A_731 = vector.broadcast %and3A_730 : i32 to vector<16xi32>
        %and3A_732 = arith.andi %get3A_724, %and3A_731 : vector<16xi32>
        %shift_left3A_733 = arith.constant 6 : i32
        %shift_left3A_734 = vector.broadcast %shift_left3A_733 : i32 to vector<16xi32>
        %shift_left3A_735 = arith.shli %and3A_732, %shift_left3A_734 : vector<16xi32>
        %swap3A_736 = arith.constant 32 : index
        %swap3A_737 = tpu.vector_load %arg9[%swap3A_736] {strides = array<i32>} : memref<256xi32, #tpu.memory_space<vmem>>, vector<16xi32>,
        tpu.vector_store %arg9[%swap3A_736], %shift_left3A_735 {strides = array<i32>} : memref<256xi32, #tpu.memory_space<vmem>>, vector<16xi32>,
        %get3A_738 = arith.constant 48 : index
        %get3A_739 = tpu.vector_load %arg5[%get3A_738] {strides = array<i32>} : memref<256xi32, #tpu.memory_space<vmem>>, vector<16xi32>,
        %shift_right_logical3A_740 = arith.constant 1 : i32
        %shift_right_logical3A_741 = vector.broadcast %shift_right_logical3A_740 : i32 to vector<16xi32>
        %shift_right_logical3A_742 = arith.shrui %get3A_739, %shift_right_logical3A_741 : vector<16xi32>
        %swap3A_743 = arith.constant 48 : index
        %swap3A_744 = tpu.vector_load %arg7[%swap3A_743] {strides = array<i32>} : memref<256xi32, #tpu.memory_space<vmem>>, vector<16xi32>,
        tpu.vector_store %arg7[%swap3A_743], %shift_right_logical3A_742 {strides = array<i32>} : memref<256xi32, #tpu.memory_space<vmem>>, vector<16xi32>,
        %and3A_745 = arith.constant 1 : i32
        %and3A_746 = vector.broadcast %and3A_745 : i32 to vector<16xi32>
        %and3A_747 = arith.andi %get3A_739, %and3A_746 : vector<16xi32>
        %shift_left3A_748 = arith.constant 6 : i32
        %shift_left3A_749 = vector.broadcast %shift_left3A_748 : i32 to vector<16xi32>
        %shift_left3A_750 = arith.shli %and3A_747, %shift_left3A_749 : vector<16xi32>
        %swap3A_751 = arith.constant 48 : index
        %swap3A_752 = tpu.vector_load %arg9[%swap3A_751] {strides = array<i32>} : memref<256xi32, #tpu.memory_space<vmem>>, vector<16xi32>,
        tpu.vector_store %arg9[%swap3A_751], %shift_left3A_750 {strides = array<i32>} : memref<256xi32, #tpu.memory_space<vmem>>, vector<16xi32>,
        %get3A_753 = arith.constant 64 : index
        %get3A_754 = tpu.vector_load %arg5[%get3A_753] {strides = array<i32>} : memref<256xi32, #tpu.memory_space<vmem>>, vector<16xi32>,
        %shift_right_logical3A_755 = arith.constant 1 : i32
        %shift_right_logical3A_756 = vector.broadcast %shift_right_logical3A_755 : i32 to vector<16xi32>
        %shift_right_logical3A_757 = arith.shrui %get3A_754, %shift_right_logical3A_756 : vector<16xi32>
        %swap3A_758 = arith.constant 64 : index
        %swap3A_759 = tpu.vector_load %arg7[%swap3A_758] {strides = array<i32>} : memref<256xi32, #tpu.memory_space<vmem>>, vector<16xi32>,
        tpu.vector_store %arg7[%swap3A_758], %shift_right_logical3A_757 {strides = array<i32>} : memref<256xi32, #tpu.memory_space<vmem>>, vector<16xi32>,
        %and3A_760 = arith.constant 1 : i32
        %and3A_761 = vector.broadcast %and3A_760 : i32 to vector<16xi32>
        %and3A_762 = arith.andi %get3A_754, %and3A_761 : vector<16xi32>
        %shift_left3A_763 = arith.constant 6 : i32
        %shift_left3A_764 = vector.broadcast %shift_left3A_763 : i32 to vector<16xi32>
        %shift_left3A_765 = arith.shli %and3A_762, %shift_left3A_764 : vector<16xi32>
        %swap3A_766 = arith.constant 64 : index
        %swap3A_767 = tpu.vector_load %arg9[%swap3A_766] {strides = array<i32>} : memref<256xi32, #tpu.memory_space<vmem>>, vector<16xi32>,
        tpu.vector_store %arg9[%swap3A_766], %shift_left3A_765 {strides = array<i32>} : memref<256xi32, #tpu.memory_space<vmem>>, vector<16xi32>,
        %get3A_768 = arith.constant 80 : index
        %get3A_769 = tpu.vector_load %arg5[%get3A_768] {strides = array<i32>} : memref<256xi32, #tpu.memory_space<vmem>>, vector<16xi32>,
        %shift_right_logical3A_770 = arith.constant 1 : i32
        %shift_right_logical3A_771 = vector.broadcast %shift_right_logical3A_770 : i32 to vector<16xi32>
        %shift_right_logical3A_772 = arith.shrui %get3A_769, %shift_right_logical3A_771 : vector<16xi32>
        %swap3A_773 = arith.constant 80 : index
        %swap3A_774 = tpu.vector_load %arg7[%swap3A_773] {strides = array<i32>} : memref<256xi32, #tpu.memory_space<vmem>>, vector<16xi32>,
        tpu.vector_store %arg7[%swap3A_773], %shift_right_logical3A_772 {strides = array<i32>} : memref<256xi32, #tpu.memory_space<vmem>>, vector<16xi32>,
        %and3A_775 = arith.constant 1 : i32
        %and3A_776 = vector.broadcast %and3A_775 : i32 to vector<16xi32>
        %and3A_777 = arith.andi %get3A_769, %and3A_776 : vector<16xi32>
        %shift_left3A_778 = arith.constant 6 : i32
        %shift_left3A_779 = vector.broadcast %shift_left3A_778 : i32 to vector<16xi32>
        %shift_left3A_780 = arith.shli %and3A_777, %shift_left3A_779 : vector<16xi32>
        %swap3A_781 = arith.constant 80 : index
        %swap3A_782 = tpu.vector_load %arg9[%swap3A_781] {strides = array<i32>} : memref<256xi32, #tpu.memory_space<vmem>>, vector<16xi32>,
        tpu.vector_store %arg9[%swap3A_781], %shift_left3A_780 {strides = array<i32>} : memref<256xi32, #tpu.memory_space<vmem>>, vector<16xi32>,
        %get3A_783 = arith.constant 96 : index
        %get3A_784 = tpu.vector_load %arg5[%get3A_783] {strides = array<i32>} : memref<256xi32, #tpu.memory_space<vmem>>, vector<16xi32>,
        %shift_right_logical3A_785 = arith.constant 1 : i32
        %shift_right_logical3A_786 = vector.broadcast %shift_right_logical3A_785 : i32 to vector<16xi32>
        %shift_right_logical3A_787 = arith.shrui %get3A_784, %shift_right_logical3A_786 : vector<16xi32>
        %swap3A_788 = arith.constant 96 : index
        %swap3A_789 = tpu.vector_load %arg7[%swap3A_788] {strides = array<i32>} : memref<256xi32, #tpu.memory_space<vmem>>, vector<16xi32>,
        tpu.vector_store %arg7[%swap3A_788], %shift_right_logical3A_787 {strides = array<i32>} : memref<256xi32, #tpu.memory_space<vmem>>, vector<16xi32>,
        %and3A_790 = arith.constant 1 : i32
        %and3A_791 = vector.broadcast %and3A_790 : i32 to vector<16xi32>
        %and3A_792 = arith.andi %get3A_784, %and3A_791 : vector<16xi32>
        %shift_left3A_793 = arith.constant 6 : i32
        %shift_left3A_794 = vector.broadcast %shift_left3A_793 : i32 to vector<16xi32>
        %shift_left3A_795 = arith.shli %and3A_792, %shift_left3A_794 : vector<16xi32>
        %swap3A_796 = arith.constant 96 : index
        %swap3A_797 = tpu.vector_load %arg9[%swap3A_796] {strides = array<i32>} : memref<256xi32, #tpu.memory_space<vmem>>, vector<16xi32>,
        tpu.vector_store %arg9[%swap3A_796], %shift_left3A_795 {strides = array<i32>} : memref<256xi32, #tpu.memory_space<vmem>>, vector<16xi32>,
        %get3A_798 = arith.constant 112 : index
        %get3A_799 = tpu.vector_load %arg5[%get3A_798] {strides = array<i32>} : memref<256xi32, #tpu.memory_space<vmem>>, vector<16xi32>,
        %shift_right_logical3A_800 = arith.constant 1 : i32
        %shift_right_logical3A_801 = vector.broadcast %shift_right_logical3A_800 : i32 to vector<16xi32>
        %shift_right_logical3A_802 = arith.shrui %get3A_799, %shift_right_logical3A_801 : vector<16xi32>
        %swap3A_803 = arith.constant 112 : index
        %swap3A_804 = tpu.vector_load %arg7[%swap3A_803] {strides = array<i32>} : memref<256xi32, #tpu.memory_space<vmem>>, vector<16xi32>,
        tpu.vector_store %arg7[%swap3A_803], %shift_right_logical3A_802 {strides = array<i32>} : memref<256xi32, #tpu.memory_space<vmem>>, vector<16xi32>,
        %and3A_805 = arith.constant 1 : i32
        %and3A_806 = vector.broadcast %and3A_805 : i32 to vector<16xi32>
        %and3A_807 = arith.andi %get3A_799, %and3A_806 : vector<16xi32>
        %shift_left3A_808 = arith.constant 6 : i32
        %shift_left3A_809 = vector.broadcast %shift_left3A_808 : i32 to vector<16xi32>
        %shift_left3A_810 = arith.shli %and3A_807, %shift_left3A_809 : vector<16xi32>
        %swap3A_811 = arith.constant 112 : index
        %swap3A_812 = tpu.vector_load %arg9[%swap3A_811] {strides = array<i32>} : memref<256xi32, #tpu.memory_space<vmem>>, vector<16xi32>,
        tpu.vector_store %arg9[%swap3A_811], %shift_left3A_810 {strides = array<i32>} : memref<256xi32, #tpu.memory_space<vmem>>, vector<16xi32>,
        %get3A_813 = arith.constant 128 : index
        %get3A_814 = tpu.vector_load %arg5[%get3A_813] {strides = array<i32>} : memref<256xi32, #tpu.memory_space<vmem>>, vector<16xi32>,
        %shift_right_logical3A_815 = arith.constant 1 : i32
        %shift_right_logical3A_816 = vector.broadcast %shift_right_logical3A_815 : i32 to vector<16xi32>
        %shift_right_logical3A_817 = arith.shrui %get3A_814, %shift_right_logical3A_816 : vector<16xi32>
        %swap3A_818 = arith.constant 128 : index
        %swap3A_819 = tpu.vector_load %arg7[%swap3A_818] {strides = array<i32>} : memref<256xi32, #tpu.memory_space<vmem>>, vector<16xi32>,
        tpu.vector_store %arg7[%swap3A_818], %shift_right_logical3A_817 {strides = array<i32>} : memref<256xi32, #tpu.memory_space<vmem>>, vector<16xi32>,
        %and3A_820 = arith.constant 1 : i32
        %and3A_821 = vector.broadcast %and3A_820 : i32 to vector<16xi32>
        %and3A_822 = arith.andi %get3A_814, %and3A_821 : vector<16xi32>
        %shift_left3A_823 = arith.constant 6 : i32
        %shift_left3A_824 = vector.broadcast %shift_left3A_823 : i32 to vector<16xi32>
        %shift_left3A_825 = arith.shli %and3A_822, %shift_left3A_824 : vector<16xi32>
        %swap3A_826 = arith.constant 128 : index
        %swap3A_827 = tpu.vector_load %arg9[%swap3A_826] {strides = array<i32>} : memref<256xi32, #tpu.memory_space<vmem>>, vector<16xi32>,
        tpu.vector_store %arg9[%swap3A_826], %shift_left3A_825 {strides = array<i32>} : memref<256xi32, #tpu.memory_space<vmem>>, vector<16xi32>,
        %get3A_828 = arith.constant 144 : index
        %get3A_829 = tpu.vector_load %arg5[%get3A_828] {strides = array<i32>} : memref<256xi32, #tpu.memory_space<vmem>>, vector<16xi32>,
        %shift_right_logical3A_830 = arith.constant 1 : i32
        %shift_right_logical3A_831 = vector.broadcast %shift_right_logical3A_830 : i32 to vector<16xi32>
        %shift_right_logical3A_832 = arith.shrui %get3A_829, %shift_right_logical3A_831 : vector<16xi32>
        %swap3A_833 = arith.constant 144 : index
        %swap3A_834 = tpu.vector_load %arg7[%swap3A_833] {strides = array<i32>} : memref<256xi32, #tpu.memory_space<vmem>>, vector<16xi32>,
        tpu.vector_store %arg7[%swap3A_833], %shift_right_logical3A_832 {strides = array<i32>} : memref<256xi32, #tpu.memory_space<vmem>>, vector<16xi32>,
        %and3A_835 = arith.constant 1 : i32
        %and3A_836 = vector.broadcast %and3A_835 : i32 to vector<16xi32>
        %and3A_837 = arith.andi %get3A_829, %and3A_836 : vector<16xi32>
        %shift_left3A_838 = arith.constant 6 : i32
        %shift_left3A_839 = vector.broadcast %shift_left3A_838 : i32 to vector<16xi32>
        %shift_left3A_840 = arith.shli %and3A_837, %shift_left3A_839 : vector<16xi32>
        %swap3A_841 = arith.constant 144 : index
        %swap3A_842 = tpu.vector_load %arg9[%swap3A_841] {strides = array<i32>} : memref<256xi32, #tpu.memory_space<vmem>>, vector<16xi32>,
        tpu.vector_store %arg9[%swap3A_841], %shift_left3A_840 {strides = array<i32>} : memref<256xi32, #tpu.memory_space<vmem>>, vector<16xi32>,
        %get3A_843 = arith.constant 160 : index
        %get3A_844 = tpu.vector_load %arg5[%get3A_843] {strides = array<i32>} : memref<256xi32, #tpu.memory_space<vmem>>, vector<16xi32>,
        %shift_right_logical3A_845 = arith.constant 1 : i32
        %shift_right_logical3A_846 = vector.broadcast %shift_right_logical3A_845 : i32 to vector<16xi32>
        %shift_right_logical3A_847 = arith.shrui %get3A_844, %shift_right_logical3A_846 : vector<16xi32>
        %swap3A_848 = arith.constant 160 : index
        %swap3A_849 = tpu.vector_load %arg7[%swap3A_848] {strides = array<i32>} : memref<256xi32, #tpu.memory_space<vmem>>, vector<16xi32>,
        tpu.vector_store %arg7[%swap3A_848], %shift_right_logical3A_847 {strides = array<i32>} : memref<256xi32, #tpu.memory_space<vmem>>, vector<16xi32>,
        %and3A_850 = arith.constant 1 : i32
        %and3A_851 = vector.broadcast %and3A_850 : i32 to vector<16xi32>
        %and3A_852 = arith.andi %get3A_844, %and3A_851 : vector<16xi32>
        %shift_left3A_853 = arith.constant 6 : i32
        %shift_left3A_854 = vector.broadcast %shift_left3A_853 : i32 to vector<16xi32>
        %shift_left3A_855 = arith.shli %and3A_852, %shift_left3A_854 : vector<16xi32>
        %swap3A_856 = arith.constant 160 : index
        %swap3A_857 = tpu.vector_load %arg9[%swap3A_856] {strides = array<i32>} : memref<256xi32, #tpu.memory_space<vmem>>, vector<16xi32>,
        tpu.vector_store %arg9[%swap3A_856], %shift_left3A_855 {strides = array<i32>} : memref<256xi32, #tpu.memory_space<vmem>>, vector<16xi32>,
        %get3A_858 = arith.constant 176 : index
        %get3A_859 = tpu.vector_load %arg5[%get3A_858] {strides = array<i32>} : memref<256xi32, #tpu.memory_space<vmem>>, vector<16xi32>,
        %shift_right_logical3A_860 = arith.constant 1 : i32
        %shift_right_logical3A_861 = vector.broadcast %shift_right_logical3A_860 : i32 to vector<16xi32>
        %shift_right_logical3A_862 = arith.shrui %get3A_859, %shift_right_logical3A_861 : vector<16xi32>
        %swap3A_863 = arith.constant 176 : index
        %swap3A_864 = tpu.vector_load %arg7[%swap3A_863] {strides = array<i32>} : memref<256xi32, #tpu.memory_space<vmem>>, vector<16xi32>,
        tpu.vector_store %arg7[%swap3A_863], %shift_right_logical3A_862 {strides = array<i32>} : memref<256xi32, #tpu.memory_space<vmem>>, vector<16xi32>,
        %and3A_865 = arith.constant 1 : i32
        %and3A_866 = vector.broadcast %and3A_865 : i32 to vector<16xi32>
        %and3A_867 = arith.andi %get3A_859, %and3A_866 : vector<16xi32>
        %shift_left3A_868 = arith.constant 6 : i32
        %shift_left3A_869 = vector.broadcast %shift_left3A_868 : i32 to vector<16xi32>
        %shift_left3A_870 = arith.shli %and3A_867, %shift_left3A_869 : vector<16xi32>
        %swap3A_871 = arith.constant 176 : index
        %swap3A_872 = tpu.vector_load %arg9[%swap3A_871] {strides = array<i32>} : memref<256xi32, #tpu.memory_space<vmem>>, vector<16xi32>,
        tpu.vector_store %arg9[%swap3A_871], %shift_left3A_870 {strides = array<i32>} : memref<256xi32, #tpu.memory_space<vmem>>, vector<16xi32>,
        %get3A_873 = arith.constant 192 : index
        %get3A_874 = tpu.vector_load %arg5[%get3A_873] {strides = array<i32>} : memref<256xi32, #tpu.memory_space<vmem>>, vector<16xi32>,
        %shift_right_logical3A_875 = arith.constant 1 : i32
        %shift_right_logical3A_876 = vector.broadcast %shift_right_logical3A_875 : i32 to vector<16xi32>
        %shift_right_logical3A_877 = arith.shrui %get3A_874, %shift_right_logical3A_876 : vector<16xi32>
        %swap3A_878 = arith.constant 192 : index
        %swap3A_879 = tpu.vector_load %arg7[%swap3A_878] {strides = array<i32>} : memref<256xi32, #tpu.memory_space<vmem>>, vector<16xi32>,
        tpu.vector_store %arg7[%swap3A_878], %shift_right_logical3A_877 {strides = array<i32>} : memref<256xi32, #tpu.memory_space<vmem>>, vector<16xi32>,
        %and3A_880 = arith.constant 1 : i32
        %and3A_881 = vector.broadcast %and3A_880 : i32 to vector<16xi32>
        %and3A_882 = arith.andi %get3A_874, %and3A_881 : vector<16xi32>
        %shift_left3A_883 = arith.constant 6 : i32
        %shift_left3A_884 = vector.broadcast %shift_left3A_883 : i32 to vector<16xi32>
        %shift_left3A_885 = arith.shli %and3A_882, %shift_left3A_884 : vector<16xi32>
        %swap3A_886 = arith.constant 192 : index
        %swap3A_887 = tpu.vector_load %arg9[%swap3A_886] {strides = array<i32>} : memref<256xi32, #tpu.memory_space<vmem>>, vector<16xi32>,
        tpu.vector_store %arg9[%swap3A_886], %shift_left3A_885 {strides = array<i32>} : memref<256xi32, #tpu.memory_space<vmem>>, vector<16xi32>,
        %get3A_888 = arith.constant 208 : index
        %get3A_889 = tpu.vector_load %arg5[%get3A_888] {strides = array<i32>} : memref<256xi32, #tpu.memory_space<vmem>>, vector<16xi32>,
        %shift_right_logical3A_890 = arith.constant 1 : i32
        %shift_right_logical3A_891 = vector.broadcast %shift_right_logical3A_890 : i32 to vector<16xi32>
        %shift_right_logical3A_892 = arith.shrui %get3A_889, %shift_right_logical3A_891 : vector<16xi32>
        %swap3A_893 = arith.constant 208 : index
        %swap3A_894 = tpu.vector_load %arg7[%swap3A_893] {strides = array<i32>} : memref<256xi32, #tpu.memory_space<vmem>>, vector<16xi32>,
        tpu.vector_store %arg7[%swap3A_893], %shift_right_logical3A_892 {strides = array<i32>} : memref<256xi32, #tpu.memory_space<vmem>>, vector<16xi32>,
        %and3A_895 = arith.constant 1 : i32
        %and3A_896 = vector.broadcast %and3A_895 : i32 to vector<16xi32>
        %and3A_897 = arith.andi %get3A_889, %and3A_896 : vector<16xi32>
        %shift_left3A_898 = arith.constant 6 : i32
        %shift_left3A_899 = vector.broadcast %shift_left3A_898 : i32 to vector<16xi32>
        %shift_left3A_900 = arith.shli %and3A_897, %shift_left3A_899 : vector<16xi32>
        %swap3A_901 = arith.constant 208 : index
        %swap3A_902 = tpu.vector_load %arg9[%swap3A_901] {strides = array<i32>} : memref<256xi32, #tpu.memory_space<vmem>>, vector<16xi32>,
        tpu.vector_store %arg9[%swap3A_901], %shift_left3A_900 {strides = array<i32>} : memref<256xi32, #tpu.memory_space<vmem>>, vector<16xi32>,
        %get3A_903 = arith.constant 224 : index
        %get3A_904 = tpu.vector_load %arg5[%get3A_903] {strides = array<i32>} : memref<256xi32, #tpu.memory_space<vmem>>, vector<16xi32>,
        %shift_right_logical3A_905 = arith.constant 1 : i32
        %shift_right_logical3A_906 = vector.broadcast %shift_right_logical3A_905 : i32 to vector<16xi32>
        %shift_right_logical3A_907 = arith.shrui %get3A_904, %shift_right_logical3A_906 : vector<16xi32>
        %swap3A_908 = arith.constant 224 : index
        %swap3A_909 = tpu.vector_load %arg7[%swap3A_908] {strides = array<i32>} : memref<256xi32, #tpu.memory_space<vmem>>, vector<16xi32>,
        tpu.vector_store %arg7[%swap3A_908], %shift_right_logical3A_907 {strides = array<i32>} : memref<256xi32, #tpu.memory_space<vmem>>, vector<16xi32>,
        %and3A_910 = arith.constant 1 : i32
        %and3A_911 = vector.broadcast %and3A_910 : i32 to vector<16xi32>
        %and3A_912 = arith.andi %get3A_904, %and3A_911 : vector<16xi32>
        %shift_left3A_913 = arith.constant 6 : i32
        %shift_left3A_914 = vector.broadcast %shift_left3A_913 : i32 to vector<16xi32>
        %shift_left3A_915 = arith.shli %and3A_912, %shift_left3A_914 : vector<16xi32>
        %swap3A_916 = arith.constant 224 : index
        %swap3A_917 = tpu.vector_load %arg9[%swap3A_916] {strides = array<i32>} : memref<256xi32, #tpu.memory_space<vmem>>, vector<16xi32>,
        tpu.vector_store %arg9[%swap3A_916], %shift_left3A_915 {strides = array<i32>} : memref<256xi32, #tpu.memory_space<vmem>>, vector<16xi32>,
        %get3A_918 = arith.constant 240 : index
        %get3A_919 = tpu.vector_load %arg5[%get3A_918] {strides = array<i32>} : memref<256xi32, #tpu.memory_space<vmem>>, vector<16xi32>,
        %shift_right_logical3A_920 = arith.constant 1 : i32
        %shift_right_logical3A_921 = vector.broadcast %shift_right_logical3A_920 : i32 to vector<16xi32>
        %shift_right_logical3A_922 = arith.shrui %get3A_919, %shift_right_logical3A_921 : vector<16xi32>
        %swap3A_923 = arith.constant 240 : index
        %swap3A_924 = tpu.vector_load %arg7[%swap3A_923] {strides = array<i32>} : memref<256xi32, #tpu.memory_space<vmem>>, vector<16xi32>,
        tpu.vector_store %arg7[%swap3A_923], %shift_right_logical3A_922 {strides = array<i32>} : memref<256xi32, #tpu.memory_space<vmem>>, vector<16xi32>,
        %and3A_925 = arith.constant 1 : i32
        %and3A_926 = vector.broadcast %and3A_925 : i32 to vector<16xi32>
        %and3A_927 = arith.andi %get3A_919, %and3A_926 : vector<16xi32>
        %shift_left3A_928 = arith.constant 6 : i32
        %shift_left3A_929 = vector.broadcast %shift_left3A_928 : i32 to vector<16xi32>
        %shift_left3A_930 = arith.shli %and3A_927, %shift_left3A_929 : vector<16xi32>
        %swap3A_931 = arith.constant 240 : index
        %swap3A_932 = tpu.vector_load %arg9[%swap3A_931] {strides = array<i32>} : memref<256xi32, #tpu.memory_space<vmem>>, vector<16xi32>,
        tpu.vector_store %arg9[%swap3A_931], %shift_left3A_930 {strides = array<i32>} : memref<256xi32, #tpu.memory_space<vmem>>, vector<16xi32>,
        %dma_start3A_933 = arith.constant 0 : i32
        %dma_start3A_934 = arith.constant 0 : i32
        %dma_start3A_935 = tpu.memref_slice %arg3[%dma_start3A_933, %dma_start3A_934] : memref<500000x128xf32, #tpu.memory_space<hbm>> -> memref<500000x128xf32, #tpu.memory_space<hbm>>
        tpu.enqueue_indirect_dma source(%dma_start3A_935 : memref<500000x128xf32, #tpu.memory_space<hbm>>) target(%arg11 : memref<256x128xf32, #tpu.memory_space<vmem>>) offsets(%arg7 : memref<256xi32, #tpu.memory_space<vmem>>) semaphore(%arg15 : memref<!tpu.dma_semaphore, #tpu.memory_space<semaphore_mem>>)
      } else {
      }
      %ge3A_591 = arith.constant 2 : i32
      %ge3A_592 = arith.cmpi sge, %add3A_580, %ge3A_591 : i32
      %convert_element_type3A_593 = arith.extui %ge3A_592 : i1 to i32
      %cond3A_594 = arith.constant 0 : i32
      %cond3A_595 = arith.cmpi ne, %convert_element_type3A_593, %cond3A_594 : i32
      scf.if %cond3A_595 {
        %jit3A_648 = arith.constant 2 : i32
        %div3A_649 = arith.divsi %add3A_580, %jit3A_648 : i32
        %sign3A_650 = arith.constant 0 : i32
        %sign3A_651 = arith.cmpi sgt, %add3A_580, %sign3A_650 : i32
        %sign3A_652 = arith.extui %sign3A_651 : i1 to i32
        %sign3A_653 = arith.constant 0 : i32
        %sign3A_654 = arith.cmpi slt, %add3A_580, %sign3A_653 : i32
        %sign3A_655 = arith.extui %sign3A_654 : i1 to i32
        %sign3A_656 = arith.subi %sign3A_652, %sign3A_655 : i32
        %sign3A_657 = arith.constant 0 : i32
        %sign3A_658 = arith.cmpi sgt, %jit3A_648, %sign3A_657 : i32
        %sign3A_659 = arith.extui %sign3A_658 : i1 to i32
        %sign3A_660 = arith.constant 0 : i32
        %sign3A_661 = arith.cmpi slt, %jit3A_648, %sign3A_660 : i32
        %sign3A_662 = arith.extui %sign3A_661 : i1 to i32
        %sign3A_663 = arith.subi %sign3A_659, %sign3A_662 : i32
        %ne3A_664 = arith.cmpi ne, %sign3A_656, %sign3A_663 : i32
        %rem3A_665 = arith.remsi %add3A_580, %jit3A_648 : i32
        %ne3A_666 = arith.constant 0 : i32
        %ne3A_667 = arith.cmpi ne, %rem3A_665, %ne3A_666 : i32
        %and3A_668 = arith.andi %ne3A_664, %ne3A_667 : i1
        %sub3A_669 = arith.constant 1 : i32
        %sub3A_670 = arith.subi %div3A_649, %sub3A_669 : i32
        %select_n3A_671 = arith.select %and3A_668, %sub3A_670, %div3A_649 : i32
        %jit3A_672 = arith.constant 2 : i32
        %eq3A_673 = arith.constant 0 : i32
        %eq3A_674 = arith.cmpi eq, %jit3A_672, %eq3A_673 : i32
        %jit3A_675 = arith.constant 1 : i32
        %select_n3A_676 = arith.select %eq3A_674, %jit3A_675, %jit3A_672 : i32
        %rem3A_677 = arith.remsi %add3A_580, %select_n3A_676 : i32
        %ne3A_678 = arith.constant 0 : i32
        %ne3A_679 = arith.cmpi ne, %rem3A_677, %ne3A_678 : i32
        %lt3A_680 = arith.constant 0 : i32
        %lt3A_681 = arith.cmpi slt, %rem3A_677, %lt3A_680 : i32
        %lt3A_682 = arith.constant 0 : i32
        %lt3A_683 = arith.cmpi slt, %select_n3A_676, %lt3A_682 : i32
        %ne3A_684 = arith.xori %lt3A_681, %lt3A_683 : i1
        %and3A_685 = arith.andi %ne3A_684, %ne3A_679 : i1
        %add3A_686 = arith.addi %rem3A_677, %select_n3A_676 : i32
        %select_n3A_687 = arith.select %and3A_685, %add3A_686, %rem3A_677 : i32
        %mul3A_688 = arith.constant 256 : i32
        %mul3A_689 = arith.muli %select_n3A_687, %mul3A_688 : i32
        %add3A_690 = arith.addi %multiple_of3A, %mul3A_689 : i32
        %dma_wait3A_691 = arith.constant 0 : i32
        %dma_wait3A_692 = tpu.memref_slice %arg4[%select_n3A_671, %dma_wait3A_691, %add3A_690] : memref<50x64x16384xf32, #tpu.memory_space<hbm>> -> memref<1x64x256xf32, #tpu.memory_space<hbm>>
        %dma_wait3A_693 = tpu.memref_squeeze %dma_wait3A_692 : memref<1x64x256xf32, #tpu.memory_space<hbm>> -> memref<64x256xf32, #tpu.memory_space<hbm>>
        %dma_wait3A_694 = arith.constant 0 : i32
        %dma_wait3A_695 = tpu.memref_slice %arg4[%select_n3A_671, %dma_wait3A_694, %add3A_690] : memref<50x64x16384xf32, #tpu.memory_space<hbm>> -> memref<1x64x256xf32, #tpu.memory_space<hbm>>
        %dma_wait3A_696 = tpu.memref_squeeze %dma_wait3A_695 : memref<1x64x256xf32, #tpu.memory_space<hbm>> -> memref<64x256xf32, #tpu.memory_space<hbm>>
        tpu.wait_dma2 semaphore(%arg18 : memref<!tpu.dma_semaphore, #tpu.memory_space<semaphore_mem>>) src(%arg14 : memref<64x256xf32, #tpu.memory_space<vmem>>) dst(%dma_wait3A_696 : memref<64x256xf32, #tpu.memory_space<hbm>>)
      } else {
      }
      %parallel_loop3A_596 = arith.constant 0 : i32
      %parallel_loop3A_597 = arith.constant 256 : i32
      %parallel_loop3A_598 = arith.constant 16 : i32
      scf.for %parallel_loop3A_648 = %parallel_loop3A_596 to %parallel_loop3A_597 step %parallel_loop3A_598  : i32 {
        %parallel_loop3A_649 = vector.broadcast %parallel_loop3A_648 : i32 to vector<16xi32>
        %parallel_loop3A_650 = arith.addi %parallel_loop3A_649, %iota3A : vector<16xi32>
        %parallel_loop3A_651 = arith.index_cast %parallel_loop3A_648 : i32 to index
        %parallel_loop3A_652 = tpu.vector_load %arg10[%parallel_loop3A_651] {strides = array<i32>} : memref<256xi32, #tpu.memory_space<vmem>>, vector<16xi32>,
        %parallel_loop3A_653 = arith.constant 0 : i32
        %parallel_loop3A_654 = vector.broadcast %parallel_loop3A_653 : i32 to vector<16xi32>
        %parallel_loop3A_655 = arith.addi %parallel_loop3A_654, %select_n3A : vector<16xi32>
        %parallel_loop3A_656 = arith.addi %parallel_loop3A_652, %parallel_loop3A_655 : vector<16xi32>
        %parallel_loop3A_657 = tpu.vector_load_idx %arg12[%parallel_loop3A_650, %parallel_loop3A_656] : memref<256x128xf32, #tpu.memory_space<vmem>>[vector<16xi32>, vector<16xi32>], vector<16xf32>,
        tpu.vector_store_idx %arg14[%parallel_loop3A_655, %parallel_loop3A_650], %parallel_loop3A_657 : memref<64x256xf32, #tpu.memory_space<vmem>>[vector<16xi32>, vector<16xi32>], vector<16xf32>,
        %parallel_loop3A_658 = arith.constant 0 : i32
        %parallel_loop3A_659 = vector.broadcast %parallel_loop3A_658 : i32 to vector<16xi32>
        %parallel_loop3A_660 = arith.addi %parallel_loop3A_659, %select_n3A_31 : vector<16xi32>
        %parallel_loop3A_661 = arith.addi %parallel_loop3A_652, %parallel_loop3A_660 : vector<16xi32>
        %parallel_loop3A_662 = tpu.vector_load_idx %arg12[%parallel_loop3A_650, %parallel_loop3A_661] : memref<256x128xf32, #tpu.memory_space<vmem>>[vector<16xi32>, vector<16xi32>], vector<16xf32>,
        tpu.vector_store_idx %arg14[%parallel_loop3A_660, %parallel_loop3A_650], %parallel_loop3A_662 : memref<64x256xf32, #tpu.memory_space<vmem>>[vector<16xi32>, vector<16xi32>], vector<16xf32>,
        %parallel_loop3A_663 = arith.constant 0 : i32
        %parallel_loop3A_664 = vector.broadcast %parallel_loop3A_663 : i32 to vector<16xi32>
        %parallel_loop3A_665 = arith.addi %parallel_loop3A_664, %select_n3A_47 : vector<16xi32>
        %parallel_loop3A_666 = arith.addi %parallel_loop3A_652, %parallel_loop3A_665 : vector<16xi32>
        %parallel_loop3A_667 = tpu.vector_load_idx %arg12[%parallel_loop3A_650, %parallel_loop3A_666] : memref<256x128xf32, #tpu.memory_space<vmem>>[vector<16xi32>, vector<16xi32>], vector<16xf32>,
        tpu.vector_store_idx %arg14[%parallel_loop3A_665, %parallel_loop3A_650], %parallel_loop3A_667 : memref<64x256xf32, #tpu.memory_space<vmem>>[vector<16xi32>, vector<16xi32>], vector<16xf32>,
        %parallel_loop3A_668 = arith.constant 0 : i32
        %parallel_loop3A_669 = vector.broadcast %parallel_loop3A_668 : i32 to vector<16xi32>
        %parallel_loop3A_670 = arith.addi %parallel_loop3A_669, %select_n3A_63 : vector<16xi32>
        %parallel_loop3A_671 = arith.addi %parallel_loop3A_652, %parallel_loop3A_670 : vector<16xi32>
        %parallel_loop3A_672 = tpu.vector_load_idx %arg12[%parallel_loop3A_650, %parallel_loop3A_671] : memref<256x128xf32, #tpu.memory_space<vmem>>[vector<16xi32>, vector<16xi32>], vector<16xf32>,
        tpu.vector_store_idx %arg14[%parallel_loop3A_670, %parallel_loop3A_650], %parallel_loop3A_672 : memref<64x256xf32, #tpu.memory_space<vmem>>[vector<16xi32>, vector<16xi32>], vector<16xf32>,
        %parallel_loop3A_673 = arith.constant 0 : i32
        %parallel_loop3A_674 = vector.broadcast %parallel_loop3A_673 : i32 to vector<16xi32>
        %parallel_loop3A_675 = arith.addi %parallel_loop3A_674, %select_n3A_79 : vector<16xi32>
        %parallel_loop3A_676 = arith.addi %parallel_loop3A_652, %parallel_loop3A_675 : vector<16xi32>
        %parallel_loop3A_677 = tpu.vector_load_idx %arg12[%parallel_loop3A_650, %parallel_loop3A_676] : memref<256x128xf32, #tpu.memory_space<vmem>>[vector<16xi32>, vector<16xi32>], vector<16xf32>,
        tpu.vector_store_idx %arg14[%parallel_loop3A_675, %parallel_loop3A_650], %parallel_loop3A_677 : memref<64x256xf32, #tpu.memory_space<vmem>>[vector<16xi32>, vector<16xi32>], vector<16xf32>,
        %parallel_loop3A_678 = arith.constant 0 : i32
        %parallel_loop3A_679 = vector.broadcast %parallel_loop3A_678 : i32 to vector<16xi32>
        %parallel_loop3A_680 = arith.addi %parallel_loop3A_679, %select_n3A_95 : vector<16xi32>
        %parallel_loop3A_681 = arith.addi %parallel_loop3A_652, %parallel_loop3A_680 : vector<16xi32>
        %parallel_loop3A_682 = tpu.vector_load_idx %arg12[%parallel_loop3A_650, %parallel_loop3A_681] : memref<256x128xf32, #tpu.memory_space<vmem>>[vector<16xi32>, vector<16xi32>], vector<16xf32>,
        tpu.vector_store_idx %arg14[%parallel_loop3A_680, %parallel_loop3A_650], %parallel_loop3A_682 : memref<64x256xf32, #tpu.memory_space<vmem>>[vector<16xi32>, vector<16xi32>], vector<16xf32>,
        %parallel_loop3A_683 = arith.constant 0 : i32
        %parallel_loop3A_684 = vector.broadcast %parallel_loop3A_683 : i32 to vector<16xi32>
        %parallel_loop3A_685 = arith.addi %parallel_loop3A_684, %select_n3A_111 : vector<16xi32>
        %parallel_loop3A_686 = arith.addi %parallel_loop3A_652, %parallel_loop3A_685 : vector<16xi32>
        %parallel_loop3A_687 = tpu.vector_load_idx %arg12[%parallel_loop3A_650, %parallel_loop3A_686] : memref<256x128xf32, #tpu.memory_space<vmem>>[vector<16xi32>, vector<16xi32>], vector<16xf32>,
        tpu.vector_store_idx %arg14[%parallel_loop3A_685, %parallel_loop3A_650], %parallel_loop3A_687 : memref<64x256xf32, #tpu.memory_space<vmem>>[vector<16xi32>, vector<16xi32>], vector<16xf32>,
        %parallel_loop3A_688 = arith.constant 0 : i32
        %parallel_loop3A_689 = vector.broadcast %parallel_loop3A_688 : i32 to vector<16xi32>
        %parallel_loop3A_690 = arith.addi %parallel_loop3A_689, %select_n3A_127 : vector<16xi32>
        %parallel_loop3A_691 = arith.addi %parallel_loop3A_652, %parallel_loop3A_690 : vector<16xi32>
        %parallel_loop3A_692 = tpu.vector_load_idx %arg12[%parallel_loop3A_650, %parallel_loop3A_691] : memref<256x128xf32, #tpu.memory_space<vmem>>[vector<16xi32>, vector<16xi32>], vector<16xf32>,
        tpu.vector_store_idx %arg14[%parallel_loop3A_690, %parallel_loop3A_650], %parallel_loop3A_692 : memref<64x256xf32, #tpu.memory_space<vmem>>[vector<16xi32>, vector<16xi32>], vector<16xf32>,
        %parallel_loop3A_693 = arith.constant 0 : i32
        %parallel_loop3A_694 = vector.broadcast %parallel_loop3A_693 : i32 to vector<16xi32>
        %parallel_loop3A_695 = arith.addi %parallel_loop3A_694, %select_n3A_143 : vector<16xi32>
        %parallel_loop3A_696 = arith.addi %parallel_loop3A_652, %parallel_loop3A_695 : vector<16xi32>
        %parallel_loop3A_697 = tpu.vector_load_idx %arg12[%parallel_loop3A_650, %parallel_loop3A_696] : memref<256x128xf32, #tpu.memory_space<vmem>>[vector<16xi32>, vector<16xi32>], vector<16xf32>,
        tpu.vector_store_idx %arg14[%parallel_loop3A_695, %parallel_loop3A_650], %parallel_loop3A_697 : memref<64x256xf32, #tpu.memory_space<vmem>>[vector<16xi32>, vector<16xi32>], vector<16xf32>,
        %parallel_loop3A_698 = arith.constant 0 : i32
        %parallel_loop3A_699 = vector.broadcast %parallel_loop3A_698 : i32 to vector<16xi32>
        %parallel_loop3A_700 = arith.addi %parallel_loop3A_699, %select_n3A_159 : vector<16xi32>
        %parallel_loop3A_701 = arith.addi %parallel_loop3A_652, %parallel_loop3A_700 : vector<16xi32>
        %parallel_loop3A_702 = tpu.vector_load_idx %arg12[%parallel_loop3A_650, %parallel_loop3A_701] : memref<256x128xf32, #tpu.memory_space<vmem>>[vector<16xi32>, vector<16xi32>], vector<16xf32>,
        tpu.vector_store_idx %arg14[%parallel_loop3A_700, %parallel_loop3A_650], %parallel_loop3A_702 : memref<64x256xf32, #tpu.memory_space<vmem>>[vector<16xi32>, vector<16xi32>], vector<16xf32>,
        %parallel_loop3A_703 = arith.constant 0 : i32
        %parallel_loop3A_704 = vector.broadcast %parallel_loop3A_703 : i32 to vector<16xi32>
        %parallel_loop3A_705 = arith.addi %parallel_loop3A_704, %select_n3A_175 : vector<16xi32>
        %parallel_loop3A_706 = arith.addi %parallel_loop3A_652, %parallel_loop3A_705 : vector<16xi32>
        %parallel_loop3A_707 = tpu.vector_load_idx %arg12[%parallel_loop3A_650, %parallel_loop3A_706] : memref<256x128xf32, #tpu.memory_space<vmem>>[vector<16xi32>, vector<16xi32>], vector<16xf32>,
        tpu.vector_store_idx %arg14[%parallel_loop3A_705, %parallel_loop3A_650], %parallel_loop3A_707 : memref<64x256xf32, #tpu.memory_space<vmem>>[vector<16xi32>, vector<16xi32>], vector<16xf32>,
        %parallel_loop3A_708 = arith.constant 0 : i32
        %parallel_loop3A_709 = vector.broadcast %parallel_loop3A_708 : i32 to vector<16xi32>
        %parallel_loop3A_710 = arith.addi %parallel_loop3A_709, %select_n3A_191 : vector<16xi32>
        %parallel_loop3A_711 = arith.addi %parallel_loop3A_652, %parallel_loop3A_710 : vector<16xi32>
        %parallel_loop3A_712 = tpu.vector_load_idx %arg12[%parallel_loop3A_650, %parallel_loop3A_711] : memref<256x128xf32, #tpu.memory_space<vmem>>[vector<16xi32>, vector<16xi32>], vector<16xf32>,
        tpu.vector_store_idx %arg14[%parallel_loop3A_710, %parallel_loop3A_650], %parallel_loop3A_712 : memref<64x256xf32, #tpu.memory_space<vmem>>[vector<16xi32>, vector<16xi32>], vector<16xf32>,
        %parallel_loop3A_713 = arith.constant 0 : i32
        %parallel_loop3A_714 = vector.broadcast %parallel_loop3A_713 : i32 to vector<16xi32>
        %parallel_loop3A_715 = arith.addi %parallel_loop3A_714, %select_n3A_207 : vector<16xi32>
        %parallel_loop3A_716 = arith.addi %parallel_loop3A_652, %parallel_loop3A_715 : vector<16xi32>
        %parallel_loop3A_717 = tpu.vector_load_idx %arg12[%parallel_loop3A_650, %parallel_loop3A_716] : memref<256x128xf32, #tpu.memory_space<vmem>>[vector<16xi32>, vector<16xi32>], vector<16xf32>,
        tpu.vector_store_idx %arg14[%parallel_loop3A_715, %parallel_loop3A_650], %parallel_loop3A_717 : memref<64x256xf32, #tpu.memory_space<vmem>>[vector<16xi32>, vector<16xi32>], vector<16xf32>,
        %parallel_loop3A_718 = arith.constant 0 : i32
        %parallel_loop3A_719 = vector.broadcast %parallel_loop3A_718 : i32 to vector<16xi32>
        %parallel_loop3A_720 = arith.addi %parallel_loop3A_719, %select_n3A_223 : vector<16xi32>
        %parallel_loop3A_721 = arith.addi %parallel_loop3A_652, %parallel_loop3A_720 : vector<16xi32>
        %parallel_loop3A_722 = tpu.vector_load_idx %arg12[%parallel_loop3A_650, %parallel_loop3A_721] : memref<256x128xf32, #tpu.memory_space<vmem>>[vector<16xi32>, vector<16xi32>], vector<16xf32>,
        tpu.vector_store_idx %arg14[%parallel_loop3A_720, %parallel_loop3A_650], %parallel_loop3A_722 : memref<64x256xf32, #tpu.memory_space<vmem>>[vector<16xi32>, vector<16xi32>], vector<16xf32>,
        %parallel_loop3A_723 = arith.constant 0 : i32
        %parallel_loop3A_724 = vector.broadcast %parallel_loop3A_723 : i32 to vector<16xi32>
        %parallel_loop3A_725 = arith.addi %parallel_loop3A_724, %select_n3A_239 : vector<16xi32>
        %parallel_loop3A_726 = arith.addi %parallel_loop3A_652, %parallel_loop3A_725 : vector<16xi32>
        %parallel_loop3A_727 = tpu.vector_load_idx %arg12[%parallel_loop3A_650, %parallel_loop3A_726] : memref<256x128xf32, #tpu.memory_space<vmem>>[vector<16xi32>, vector<16xi32>], vector<16xf32>,
        tpu.vector_store_idx %arg14[%parallel_loop3A_725, %parallel_loop3A_650], %parallel_loop3A_727 : memref<64x256xf32, #tpu.memory_space<vmem>>[vector<16xi32>, vector<16xi32>], vector<16xf32>,
        %parallel_loop3A_728 = arith.constant 0 : i32
        %parallel_loop3A_729 = vector.broadcast %parallel_loop3A_728 : i32 to vector<16xi32>
        %parallel_loop3A_730 = arith.addi %parallel_loop3A_729, %select_n3A_255 : vector<16xi32>
        %parallel_loop3A_731 = arith.addi %parallel_loop3A_652, %parallel_loop3A_730 : vector<16xi32>
        %parallel_loop3A_732 = tpu.vector_load_idx %arg12[%parallel_loop3A_650, %parallel_loop3A_731] : memref<256x128xf32, #tpu.memory_space<vmem>>[vector<16xi32>, vector<16xi32>], vector<16xf32>,
        tpu.vector_store_idx %arg14[%parallel_loop3A_730, %parallel_loop3A_650], %parallel_loop3A_732 : memref<64x256xf32, #tpu.memory_space<vmem>>[vector<16xi32>, vector<16xi32>], vector<16xf32>,
        %parallel_loop3A_733 = arith.constant 16 : i32
        %parallel_loop3A_734 = vector.broadcast %parallel_loop3A_733 : i32 to vector<16xi32>
        %parallel_loop3A_735 = arith.addi %parallel_loop3A_734, %select_n3A : vector<16xi32>
        %parallel_loop3A_736 = arith.addi %parallel_loop3A_652, %parallel_loop3A_735 : vector<16xi32>
        %parallel_loop3A_737 = tpu.vector_load_idx %arg12[%parallel_loop3A_650, %parallel_loop3A_736] : memref<256x128xf32, #tpu.memory_space<vmem>>[vector<16xi32>, vector<16xi32>], vector<16xf32>,
        tpu.vector_store_idx %arg14[%parallel_loop3A_735, %parallel_loop3A_650], %parallel_loop3A_737 : memref<64x256xf32, #tpu.memory_space<vmem>>[vector<16xi32>, vector<16xi32>], vector<16xf32>,
        %parallel_loop3A_738 = arith.constant 16 : i32
        %parallel_loop3A_739 = vector.broadcast %parallel_loop3A_738 : i32 to vector<16xi32>
        %parallel_loop3A_740 = arith.addi %parallel_loop3A_739, %select_n3A_31 : vector<16xi32>
        %parallel_loop3A_741 = arith.addi %parallel_loop3A_652, %parallel_loop3A_740 : vector<16xi32>
        %parallel_loop3A_742 = tpu.vector_load_idx %arg12[%parallel_loop3A_650, %parallel_loop3A_741] : memref<256x128xf32, #tpu.memory_space<vmem>>[vector<16xi32>, vector<16xi32>], vector<16xf32>,
        tpu.vector_store_idx %arg14[%parallel_loop3A_740, %parallel_loop3A_650], %parallel_loop3A_742 : memref<64x256xf32, #tpu.memory_space<vmem>>[vector<16xi32>, vector<16xi32>], vector<16xf32>,
        %parallel_loop3A_743 = arith.constant 16 : i32
        %parallel_loop3A_744 = vector.broadcast %parallel_loop3A_743 : i32 to vector<16xi32>
        %parallel_loop3A_745 = arith.addi %parallel_loop3A_744, %select_n3A_47 : vector<16xi32>
        %parallel_loop3A_746 = arith.addi %parallel_loop3A_652, %parallel_loop3A_745 : vector<16xi32>
        %parallel_loop3A_747 = tpu.vector_load_idx %arg12[%parallel_loop3A_650, %parallel_loop3A_746] : memref<256x128xf32, #tpu.memory_space<vmem>>[vector<16xi32>, vector<16xi32>], vector<16xf32>,
        tpu.vector_store_idx %arg14[%parallel_loop3A_745, %parallel_loop3A_650], %parallel_loop3A_747 : memref<64x256xf32, #tpu.memory_space<vmem>>[vector<16xi32>, vector<16xi32>], vector<16xf32>,
        %parallel_loop3A_748 = arith.constant 16 : i32
        %parallel_loop3A_749 = vector.broadcast %parallel_loop3A_748 : i32 to vector<16xi32>
        %parallel_loop3A_750 = arith.addi %parallel_loop3A_749, %select_n3A_63 : vector<16xi32>
        %parallel_loop3A_751 = arith.addi %parallel_loop3A_652, %parallel_loop3A_750 : vector<16xi32>
        %parallel_loop3A_752 = tpu.vector_load_idx %arg12[%parallel_loop3A_650, %parallel_loop3A_751] : memref<256x128xf32, #tpu.memory_space<vmem>>[vector<16xi32>, vector<16xi32>], vector<16xf32>,
        tpu.vector_store_idx %arg14[%parallel_loop3A_750, %parallel_loop3A_650], %parallel_loop3A_752 : memref<64x256xf32, #tpu.memory_space<vmem>>[vector<16xi32>, vector<16xi32>], vector<16xf32>,
        %parallel_loop3A_753 = arith.constant 16 : i32
        %parallel_loop3A_754 = vector.broadcast %parallel_loop3A_753 : i32 to vector<16xi32>
        %parallel_loop3A_755 = arith.addi %parallel_loop3A_754, %select_n3A_79 : vector<16xi32>
        %parallel_loop3A_756 = arith.addi %parallel_loop3A_652, %parallel_loop3A_755 : vector<16xi32>
        %parallel_loop3A_757 = tpu.vector_load_idx %arg12[%parallel_loop3A_650, %parallel_loop3A_756] : memref<256x128xf32, #tpu.memory_space<vmem>>[vector<16xi32>, vector<16xi32>], vector<16xf32>,
        tpu.vector_store_idx %arg14[%parallel_loop3A_755, %parallel_loop3A_650], %parallel_loop3A_757 : memref<64x256xf32, #tpu.memory_space<vmem>>[vector<16xi32>, vector<16xi32>], vector<16xf32>,
        %parallel_loop3A_758 = arith.constant 16 : i32
        %parallel_loop3A_759 = vector.broadcast %parallel_loop3A_758 : i32 to vector<16xi32>
        %parallel_loop3A_760 = arith.addi %parallel_loop3A_759, %select_n3A_95 : vector<16xi32>
        %parallel_loop3A_761 = arith.addi %parallel_loop3A_652, %parallel_loop3A_760 : vector<16xi32>
        %parallel_loop3A_762 = tpu.vector_load_idx %arg12[%parallel_loop3A_650, %parallel_loop3A_761] : memref<256x128xf32, #tpu.memory_space<vmem>>[vector<16xi32>, vector<16xi32>], vector<16xf32>,
        tpu.vector_store_idx %arg14[%parallel_loop3A_760, %parallel_loop3A_650], %parallel_loop3A_762 : memref<64x256xf32, #tpu.memory_space<vmem>>[vector<16xi32>, vector<16xi32>], vector<16xf32>,
        %parallel_loop3A_763 = arith.constant 16 : i32
        %parallel_loop3A_764 = vector.broadcast %parallel_loop3A_763 : i32 to vector<16xi32>
        %parallel_loop3A_765 = arith.addi %parallel_loop3A_764, %select_n3A_111 : vector<16xi32>
        %parallel_loop3A_766 = arith.addi %parallel_loop3A_652, %parallel_loop3A_765 : vector<16xi32>
        %parallel_loop3A_767 = tpu.vector_load_idx %arg12[%parallel_loop3A_650, %parallel_loop3A_766] : memref<256x128xf32, #tpu.memory_space<vmem>>[vector<16xi32>, vector<16xi32>], vector<16xf32>,
        tpu.vector_store_idx %arg14[%parallel_loop3A_765, %parallel_loop3A_650], %parallel_loop3A_767 : memref<64x256xf32, #tpu.memory_space<vmem>>[vector<16xi32>, vector<16xi32>], vector<16xf32>,
        %parallel_loop3A_768 = arith.constant 16 : i32
        %parallel_loop3A_769 = vector.broadcast %parallel_loop3A_768 : i32 to vector<16xi32>
        %parallel_loop3A_770 = arith.addi %parallel_loop3A_769, %select_n3A_127 : vector<16xi32>
        %parallel_loop3A_771 = arith.addi %parallel_loop3A_652, %parallel_loop3A_770 : vector<16xi32>
        %parallel_loop3A_772 = tpu.vector_load_idx %arg12[%parallel_loop3A_650, %parallel_loop3A_771] : memref<256x128xf32, #tpu.memory_space<vmem>>[vector<16xi32>, vector<16xi32>], vector<16xf32>,
        tpu.vector_store_idx %arg14[%parallel_loop3A_770, %parallel_loop3A_650], %parallel_loop3A_772 : memref<64x256xf32, #tpu.memory_space<vmem>>[vector<16xi32>, vector<16xi32>], vector<16xf32>,
        %parallel_loop3A_773 = arith.constant 16 : i32
        %parallel_loop3A_774 = vector.broadcast %parallel_loop3A_773 : i32 to vector<16xi32>
        %parallel_loop3A_775 = arith.addi %parallel_loop3A_774, %select_n3A_143 : vector<16xi32>
        %parallel_loop3A_776 = arith.addi %parallel_loop3A_652, %parallel_loop3A_775 : vector<16xi32>
        %parallel_loop3A_777 = tpu.vector_load_idx %arg12[%parallel_loop3A_650, %parallel_loop3A_776] : memref<256x128xf32, #tpu.memory_space<vmem>>[vector<16xi32>, vector<16xi32>], vector<16xf32>,
        tpu.vector_store_idx %arg14[%parallel_loop3A_775, %parallel_loop3A_650], %parallel_loop3A_777 : memref<64x256xf32, #tpu.memory_space<vmem>>[vector<16xi32>, vector<16xi32>], vector<16xf32>,
        %parallel_loop3A_778 = arith.constant 16 : i32
        %parallel_loop3A_779 = vector.broadcast %parallel_loop3A_778 : i32 to vector<16xi32>
        %parallel_loop3A_780 = arith.addi %parallel_loop3A_779, %select_n3A_159 : vector<16xi32>
        %parallel_loop3A_781 = arith.addi %parallel_loop3A_652, %parallel_loop3A_780 : vector<16xi32>
        %parallel_loop3A_782 = tpu.vector_load_idx %arg12[%parallel_loop3A_650, %parallel_loop3A_781] : memref<256x128xf32, #tpu.memory_space<vmem>>[vector<16xi32>, vector<16xi32>], vector<16xf32>,
        tpu.vector_store_idx %arg14[%parallel_loop3A_780, %parallel_loop3A_650], %parallel_loop3A_782 : memref<64x256xf32, #tpu.memory_space<vmem>>[vector<16xi32>, vector<16xi32>], vector<16xf32>,
        %parallel_loop3A_783 = arith.constant 16 : i32
        %parallel_loop3A_784 = vector.broadcast %parallel_loop3A_783 : i32 to vector<16xi32>
        %parallel_loop3A_785 = arith.addi %parallel_loop3A_784, %select_n3A_175 : vector<16xi32>
        %parallel_loop3A_786 = arith.addi %parallel_loop3A_652, %parallel_loop3A_785 : vector<16xi32>
        %parallel_loop3A_787 = tpu.vector_load_idx %arg12[%parallel_loop3A_650, %parallel_loop3A_786] : memref<256x128xf32, #tpu.memory_space<vmem>>[vector<16xi32>, vector<16xi32>], vector<16xf32>,
        tpu.vector_store_idx %arg14[%parallel_loop3A_785, %parallel_loop3A_650], %parallel_loop3A_787 : memref<64x256xf32, #tpu.memory_space<vmem>>[vector<16xi32>, vector<16xi32>], vector<16xf32>,
        %parallel_loop3A_788 = arith.constant 16 : i32
        %parallel_loop3A_789 = vector.broadcast %parallel_loop3A_788 : i32 to vector<16xi32>
        %parallel_loop3A_790 = arith.addi %parallel_loop3A_789, %select_n3A_191 : vector<16xi32>
        %parallel_loop3A_791 = arith.addi %parallel_loop3A_652, %parallel_loop3A_790 : vector<16xi32>
        %parallel_loop3A_792 = tpu.vector_load_idx %arg12[%parallel_loop3A_650, %parallel_loop3A_791] : memref<256x128xf32, #tpu.memory_space<vmem>>[vector<16xi32>, vector<16xi32>], vector<16xf32>,
        tpu.vector_store_idx %arg14[%parallel_loop3A_790, %parallel_loop3A_650], %parallel_loop3A_792 : memref<64x256xf32, #tpu.memory_space<vmem>>[vector<16xi32>, vector<16xi32>], vector<16xf32>,
        %parallel_loop3A_793 = arith.constant 16 : i32
        %parallel_loop3A_794 = vector.broadcast %parallel_loop3A_793 : i32 to vector<16xi32>
        %parallel_loop3A_795 = arith.addi %parallel_loop3A_794, %select_n3A_207 : vector<16xi32>
        %parallel_loop3A_796 = arith.addi %parallel_loop3A_652, %parallel_loop3A_795 : vector<16xi32>
        %parallel_loop3A_797 = tpu.vector_load_idx %arg12[%parallel_loop3A_650, %parallel_loop3A_796] : memref<256x128xf32, #tpu.memory_space<vmem>>[vector<16xi32>, vector<16xi32>], vector<16xf32>,
        tpu.vector_store_idx %arg14[%parallel_loop3A_795, %parallel_loop3A_650], %parallel_loop3A_797 : memref<64x256xf32, #tpu.memory_space<vmem>>[vector<16xi32>, vector<16xi32>], vector<16xf32>,
        %parallel_loop3A_798 = arith.constant 16 : i32
        %parallel_loop3A_799 = vector.broadcast %parallel_loop3A_798 : i32 to vector<16xi32>
        %parallel_loop3A_800 = arith.addi %parallel_loop3A_799, %select_n3A_223 : vector<16xi32>
        %parallel_loop3A_801 = arith.addi %parallel_loop3A_652, %parallel_loop3A_800 : vector<16xi32>
        %parallel_loop3A_802 = tpu.vector_load_idx %arg12[%parallel_loop3A_650, %parallel_loop3A_801] : memref<256x128xf32, #tpu.memory_space<vmem>>[vector<16xi32>, vector<16xi32>], vector<16xf32>,
        tpu.vector_store_idx %arg14[%parallel_loop3A_800, %parallel_loop3A_650], %parallel_loop3A_802 : memref<64x256xf32, #tpu.memory_space<vmem>>[vector<16xi32>, vector<16xi32>], vector<16xf32>,
        %parallel_loop3A_803 = arith.constant 16 : i32
        %parallel_loop3A_804 = vector.broadcast %parallel_loop3A_803 : i32 to vector<16xi32>
        %parallel_loop3A_805 = arith.addi %parallel_loop3A_804, %select_n3A_239 : vector<16xi32>
        %parallel_loop3A_806 = arith.addi %parallel_loop3A_652, %parallel_loop3A_805 : vector<16xi32>
        %parallel_loop3A_807 = tpu.vector_load_idx %arg12[%parallel_loop3A_650, %parallel_loop3A_806] : memref<256x128xf32, #tpu.memory_space<vmem>>[vector<16xi32>, vector<16xi32>], vector<16xf32>,
        tpu.vector_store_idx %arg14[%parallel_loop3A_805, %parallel_loop3A_650], %parallel_loop3A_807 : memref<64x256xf32, #tpu.memory_space<vmem>>[vector<16xi32>, vector<16xi32>], vector<16xf32>,
        %parallel_loop3A_808 = arith.constant 16 : i32
        %parallel_loop3A_809 = vector.broadcast %parallel_loop3A_808 : i32 to vector<16xi32>
        %parallel_loop3A_810 = arith.addi %parallel_loop3A_809, %select_n3A_255 : vector<16xi32>
        %parallel_loop3A_811 = arith.addi %parallel_loop3A_652, %parallel_loop3A_810 : vector<16xi32>
        %parallel_loop3A_812 = tpu.vector_load_idx %arg12[%parallel_loop3A_650, %parallel_loop3A_811] : memref<256x128xf32, #tpu.memory_space<vmem>>[vector<16xi32>, vector<16xi32>], vector<16xf32>,
        tpu.vector_store_idx %arg14[%parallel_loop3A_810, %parallel_loop3A_650], %parallel_loop3A_812 : memref<64x256xf32, #tpu.memory_space<vmem>>[vector<16xi32>, vector<16xi32>], vector<16xf32>,
        %parallel_loop3A_813 = arith.constant 32 : i32
        %parallel_loop3A_814 = vector.broadcast %parallel_loop3A_813 : i32 to vector<16xi32>
        %parallel_loop3A_815 = arith.addi %parallel_loop3A_814, %select_n3A : vector<16xi32>
        %parallel_loop3A_816 = arith.addi %parallel_loop3A_652, %parallel_loop3A_815 : vector<16xi32>
        %parallel_loop3A_817 = tpu.vector_load_idx %arg12[%parallel_loop3A_650, %parallel_loop3A_816] : memref<256x128xf32, #tpu.memory_space<vmem>>[vector<16xi32>, vector<16xi32>], vector<16xf32>,
        tpu.vector_store_idx %arg14[%parallel_loop3A_815, %parallel_loop3A_650], %parallel_loop3A_817 : memref<64x256xf32, #tpu.memory_space<vmem>>[vector<16xi32>, vector<16xi32>], vector<16xf32>,
        %parallel_loop3A_818 = arith.constant 32 : i32
        %parallel_loop3A_819 = vector.broadcast %parallel_loop3A_818 : i32 to vector<16xi32>
        %parallel_loop3A_820 = arith.addi %parallel_loop3A_819, %select_n3A_31 : vector<16xi32>
        %parallel_loop3A_821 = arith.addi %parallel_loop3A_652, %parallel_loop3A_820 : vector<16xi32>
        %parallel_loop3A_822 = tpu.vector_load_idx %arg12[%parallel_loop3A_650, %parallel_loop3A_821] : memref<256x128xf32, #tpu.memory_space<vmem>>[vector<16xi32>, vector<16xi32>], vector<16xf32>,
        tpu.vector_store_idx %arg14[%parallel_loop3A_820, %parallel_loop3A_650], %parallel_loop3A_822 : memref<64x256xf32, #tpu.memory_space<vmem>>[vector<16xi32>, vector<16xi32>], vector<16xf32>,
        %parallel_loop3A_823 = arith.constant 32 : i32
        %parallel_loop3A_824 = vector.broadcast %parallel_loop3A_823 : i32 to vector<16xi32>
        %parallel_loop3A_825 = arith.addi %parallel_loop3A_824, %select_n3A_47 : vector<16xi32>
        %parallel_loop3A_826 = arith.addi %parallel_loop3A_652, %parallel_loop3A_825 : vector<16xi32>
        %parallel_loop3A_827 = tpu.vector_load_idx %arg12[%parallel_loop3A_650, %parallel_loop3A_826] : memref<256x128xf32, #tpu.memory_space<vmem>>[vector<16xi32>, vector<16xi32>], vector<16xf32>,
        tpu.vector_store_idx %arg14[%parallel_loop3A_825, %parallel_loop3A_650], %parallel_loop3A_827 : memref<64x256xf32, #tpu.memory_space<vmem>>[vector<16xi32>, vector<16xi32>], vector<16xf32>,
        %parallel_loop3A_828 = arith.constant 32 : i32
        %parallel_loop3A_829 = vector.broadcast %parallel_loop3A_828 : i32 to vector<16xi32>
        %parallel_loop3A_830 = arith.addi %parallel_loop3A_829, %select_n3A_63 : vector<16xi32>
        %parallel_loop3A_831 = arith.addi %parallel_loop3A_652, %parallel_loop3A_830 : vector<16xi32>
        %parallel_loop3A_832 = tpu.vector_load_idx %arg12[%parallel_loop3A_650, %parallel_loop3A_831] : memref<256x128xf32, #tpu.memory_space<vmem>>[vector<16xi32>, vector<16xi32>], vector<16xf32>,
        tpu.vector_store_idx %arg14[%parallel_loop3A_830, %parallel_loop3A_650], %parallel_loop3A_832 : memref<64x256xf32, #tpu.memory_space<vmem>>[vector<16xi32>, vector<16xi32>], vector<16xf32>,
        %parallel_loop3A_833 = arith.constant 32 : i32
        %parallel_loop3A_834 = vector.broadcast %parallel_loop3A_833 : i32 to vector<16xi32>
        %parallel_loop3A_835 = arith.addi %parallel_loop3A_834, %select_n3A_79 : vector<16xi32>
        %parallel_loop3A_836 = arith.addi %parallel_loop3A_652, %parallel_loop3A_835 : vector<16xi32>
        %parallel_loop3A_837 = tpu.vector_load_idx %arg12[%parallel_loop3A_650, %parallel_loop3A_836] : memref<256x128xf32, #tpu.memory_space<vmem>>[vector<16xi32>, vector<16xi32>], vector<16xf32>,
        tpu.vector_store_idx %arg14[%parallel_loop3A_835, %parallel_loop3A_650], %parallel_loop3A_837 : memref<64x256xf32, #tpu.memory_space<vmem>>[vector<16xi32>, vector<16xi32>], vector<16xf32>,
        %parallel_loop3A_838 = arith.constant 32 : i32
        %parallel_loop3A_839 = vector.broadcast %parallel_loop3A_838 : i32 to vector<16xi32>
        %parallel_loop3A_840 = arith.addi %parallel_loop3A_839, %select_n3A_95 : vector<16xi32>
        %parallel_loop3A_841 = arith.addi %parallel_loop3A_652, %parallel_loop3A_840 : vector<16xi32>
        %parallel_loop3A_842 = tpu.vector_load_idx %arg12[%parallel_loop3A_650, %parallel_loop3A_841] : memref<256x128xf32, #tpu.memory_space<vmem>>[vector<16xi32>, vector<16xi32>], vector<16xf32>,
        tpu.vector_store_idx %arg14[%parallel_loop3A_840, %parallel_loop3A_650], %parallel_loop3A_842 : memref<64x256xf32, #tpu.memory_space<vmem>>[vector<16xi32>, vector<16xi32>], vector<16xf32>,
        %parallel_loop3A_843 = arith.constant 32 : i32
        %parallel_loop3A_844 = vector.broadcast %parallel_loop3A_843 : i32 to vector<16xi32>
        %parallel_loop3A_845 = arith.addi %parallel_loop3A_844, %select_n3A_111 : vector<16xi32>
        %parallel_loop3A_846 = arith.addi %parallel_loop3A_652, %parallel_loop3A_845 : vector<16xi32>
        %parallel_loop3A_847 = tpu.vector_load_idx %arg12[%parallel_loop3A_650, %parallel_loop3A_846] : memref<256x128xf32, #tpu.memory_space<vmem>>[vector<16xi32>, vector<16xi32>], vector<16xf32>,
        tpu.vector_store_idx %arg14[%parallel_loop3A_845, %parallel_loop3A_650], %parallel_loop3A_847 : memref<64x256xf32, #tpu.memory_space<vmem>>[vector<16xi32>, vector<16xi32>], vector<16xf32>,
        %parallel_loop3A_848 = arith.constant 32 : i32
        %parallel_loop3A_849 = vector.broadcast %parallel_loop3A_848 : i32 to vector<16xi32>
        %parallel_loop3A_850 = arith.addi %parallel_loop3A_849, %select_n3A_127 : vector<16xi32>
        %parallel_loop3A_851 = arith.addi %parallel_loop3A_652, %parallel_loop3A_850 : vector<16xi32>
        %parallel_loop3A_852 = tpu.vector_load_idx %arg12[%parallel_loop3A_650, %parallel_loop3A_851] : memref<256x128xf32, #tpu.memory_space<vmem>>[vector<16xi32>, vector<16xi32>], vector<16xf32>,
        tpu.vector_store_idx %arg14[%parallel_loop3A_850, %parallel_loop3A_650], %parallel_loop3A_852 : memref<64x256xf32, #tpu.memory_space<vmem>>[vector<16xi32>, vector<16xi32>], vector<16xf32>,
        %parallel_loop3A_853 = arith.constant 32 : i32
        %parallel_loop3A_854 = vector.broadcast %parallel_loop3A_853 : i32 to vector<16xi32>
        %parallel_loop3A_855 = arith.addi %parallel_loop3A_854, %select_n3A_143 : vector<16xi32>
        %parallel_loop3A_856 = arith.addi %parallel_loop3A_652, %parallel_loop3A_855 : vector<16xi32>
        %parallel_loop3A_857 = tpu.vector_load_idx %arg12[%parallel_loop3A_650, %parallel_loop3A_856] : memref<256x128xf32, #tpu.memory_space<vmem>>[vector<16xi32>, vector<16xi32>], vector<16xf32>,
        tpu.vector_store_idx %arg14[%parallel_loop3A_855, %parallel_loop3A_650], %parallel_loop3A_857 : memref<64x256xf32, #tpu.memory_space<vmem>>[vector<16xi32>, vector<16xi32>], vector<16xf32>,
        %parallel_loop3A_858 = arith.constant 32 : i32
        %parallel_loop3A_859 = vector.broadcast %parallel_loop3A_858 : i32 to vector<16xi32>
        %parallel_loop3A_860 = arith.addi %parallel_loop3A_859, %select_n3A_159 : vector<16xi32>
        %parallel_loop3A_861 = arith.addi %parallel_loop3A_652, %parallel_loop3A_860 : vector<16xi32>
        %parallel_loop3A_862 = tpu.vector_load_idx %arg12[%parallel_loop3A_650, %parallel_loop3A_861] : memref<256x128xf32, #tpu.memory_space<vmem>>[vector<16xi32>, vector<16xi32>], vector<16xf32>,
        tpu.vector_store_idx %arg14[%parallel_loop3A_860, %parallel_loop3A_650], %parallel_loop3A_862 : memref<64x256xf32, #tpu.memory_space<vmem>>[vector<16xi32>, vector<16xi32>], vector<16xf32>,
        %parallel_loop3A_863 = arith.constant 32 : i32
        %parallel_loop3A_864 = vector.broadcast %parallel_loop3A_863 : i32 to vector<16xi32>
        %parallel_loop3A_865 = arith.addi %parallel_loop3A_864, %select_n3A_175 : vector<16xi32>
        %parallel_loop3A_866 = arith.addi %parallel_loop3A_652, %parallel_loop3A_865 : vector<16xi32>
        %parallel_loop3A_867 = tpu.vector_load_idx %arg12[%parallel_loop3A_650, %parallel_loop3A_866] : memref<256x128xf32, #tpu.memory_space<vmem>>[vector<16xi32>, vector<16xi32>], vector<16xf32>,
        tpu.vector_store_idx %arg14[%parallel_loop3A_865, %parallel_loop3A_650], %parallel_loop3A_867 : memref<64x256xf32, #tpu.memory_space<vmem>>[vector<16xi32>, vector<16xi32>], vector<16xf32>,
        %parallel_loop3A_868 = arith.constant 32 : i32
        %parallel_loop3A_869 = vector.broadcast %parallel_loop3A_868 : i32 to vector<16xi32>
        %parallel_loop3A_870 = arith.addi %parallel_loop3A_869, %select_n3A_191 : vector<16xi32>
        %parallel_loop3A_871 = arith.addi %parallel_loop3A_652, %parallel_loop3A_870 : vector<16xi32>
        %parallel_loop3A_872 = tpu.vector_load_idx %arg12[%parallel_loop3A_650, %parallel_loop3A_871] : memref<256x128xf32, #tpu.memory_space<vmem>>[vector<16xi32>, vector<16xi32>], vector<16xf32>,
        tpu.vector_store_idx %arg14[%parallel_loop3A_870, %parallel_loop3A_650], %parallel_loop3A_872 : memref<64x256xf32, #tpu.memory_space<vmem>>[vector<16xi32>, vector<16xi32>], vector<16xf32>,
        %parallel_loop3A_873 = arith.constant 32 : i32
        %parallel_loop3A_874 = vector.broadcast %parallel_loop3A_873 : i32 to vector<16xi32>
        %parallel_loop3A_875 = arith.addi %parallel_loop3A_874, %select_n3A_207 : vector<16xi32>
        %parallel_loop3A_876 = arith.addi %parallel_loop3A_652, %parallel_loop3A_875 : vector<16xi32>
        %parallel_loop3A_877 = tpu.vector_load_idx %arg12[%parallel_loop3A_650, %parallel_loop3A_876] : memref<256x128xf32, #tpu.memory_space<vmem>>[vector<16xi32>, vector<16xi32>], vector<16xf32>,
        tpu.vector_store_idx %arg14[%parallel_loop3A_875, %parallel_loop3A_650], %parallel_loop3A_877 : memref<64x256xf32, #tpu.memory_space<vmem>>[vector<16xi32>, vector<16xi32>], vector<16xf32>,
        %parallel_loop3A_878 = arith.constant 32 : i32
        %parallel_loop3A_879 = vector.broadcast %parallel_loop3A_878 : i32 to vector<16xi32>
        %parallel_loop3A_880 = arith.addi %parallel_loop3A_879, %select_n3A_223 : vector<16xi32>
        %parallel_loop3A_881 = arith.addi %parallel_loop3A_652, %parallel_loop3A_880 : vector<16xi32>
        %parallel_loop3A_882 = tpu.vector_load_idx %arg12[%parallel_loop3A_650, %parallel_loop3A_881] : memref<256x128xf32, #tpu.memory_space<vmem>>[vector<16xi32>, vector<16xi32>], vector<16xf32>,
        tpu.vector_store_idx %arg14[%parallel_loop3A_880, %parallel_loop3A_650], %parallel_loop3A_882 : memref<64x256xf32, #tpu.memory_space<vmem>>[vector<16xi32>, vector<16xi32>], vector<16xf32>,
        %parallel_loop3A_883 = arith.constant 32 : i32
        %parallel_loop3A_884 = vector.broadcast %parallel_loop3A_883 : i32 to vector<16xi32>
        %parallel_loop3A_885 = arith.addi %parallel_loop3A_884, %select_n3A_239 : vector<16xi32>
        %parallel_loop3A_886 = arith.addi %parallel_loop3A_652, %parallel_loop3A_885 : vector<16xi32>
        %parallel_loop3A_887 = tpu.vector_load_idx %arg12[%parallel_loop3A_650, %parallel_loop3A_886] : memref<256x128xf32, #tpu.memory_space<vmem>>[vector<16xi32>, vector<16xi32>], vector<16xf32>,
        tpu.vector_store_idx %arg14[%parallel_loop3A_885, %parallel_loop3A_650], %parallel_loop3A_887 : memref<64x256xf32, #tpu.memory_space<vmem>>[vector<16xi32>, vector<16xi32>], vector<16xf32>,
        %parallel_loop3A_888 = arith.constant 32 : i32
        %parallel_loop3A_889 = vector.broadcast %parallel_loop3A_888 : i32 to vector<16xi32>
        %parallel_loop3A_890 = arith.addi %parallel_loop3A_889, %select_n3A_255 : vector<16xi32>
        %parallel_loop3A_891 = arith.addi %parallel_loop3A_652, %parallel_loop3A_890 : vector<16xi32>
        %parallel_loop3A_892 = tpu.vector_load_idx %arg12[%parallel_loop3A_650, %parallel_loop3A_891] : memref<256x128xf32, #tpu.memory_space<vmem>>[vector<16xi32>, vector<16xi32>], vector<16xf32>,
        tpu.vector_store_idx %arg14[%parallel_loop3A_890, %parallel_loop3A_650], %parallel_loop3A_892 : memref<64x256xf32, #tpu.memory_space<vmem>>[vector<16xi32>, vector<16xi32>], vector<16xf32>,
        %parallel_loop3A_893 = arith.constant 48 : i32
        %parallel_loop3A_894 = vector.broadcast %parallel_loop3A_893 : i32 to vector<16xi32>
        %parallel_loop3A_895 = arith.addi %parallel_loop3A_894, %select_n3A : vector<16xi32>
        %parallel_loop3A_896 = arith.addi %parallel_loop3A_652, %parallel_loop3A_895 : vector<16xi32>
        %parallel_loop3A_897 = tpu.vector_load_idx %arg12[%parallel_loop3A_650, %parallel_loop3A_896] : memref<256x128xf32, #tpu.memory_space<vmem>>[vector<16xi32>, vector<16xi32>], vector<16xf32>,
        tpu.vector_store_idx %arg14[%parallel_loop3A_895, %parallel_loop3A_650], %parallel_loop3A_897 : memref<64x256xf32, #tpu.memory_space<vmem>>[vector<16xi32>, vector<16xi32>], vector<16xf32>,
        %parallel_loop3A_898 = arith.constant 48 : i32
        %parallel_loop3A_899 = vector.broadcast %parallel_loop3A_898 : i32 to vector<16xi32>
        %parallel_loop3A_900 = arith.addi %parallel_loop3A_899, %select_n3A_31 : vector<16xi32>
        %parallel_loop3A_901 = arith.addi %parallel_loop3A_652, %parallel_loop3A_900 : vector<16xi32>
        %parallel_loop3A_902 = tpu.vector_load_idx %arg12[%parallel_loop3A_650, %parallel_loop3A_901] : memref<256x128xf32, #tpu.memory_space<vmem>>[vector<16xi32>, vector<16xi32>], vector<16xf32>,
        tpu.vector_store_idx %arg14[%parallel_loop3A_900, %parallel_loop3A_650], %parallel_loop3A_902 : memref<64x256xf32, #tpu.memory_space<vmem>>[vector<16xi32>, vector<16xi32>], vector<16xf32>,
        %parallel_loop3A_903 = arith.constant 48 : i32
        %parallel_loop3A_904 = vector.broadcast %parallel_loop3A_903 : i32 to vector<16xi32>
        %parallel_loop3A_905 = arith.addi %parallel_loop3A_904, %select_n3A_47 : vector<16xi32>
        %parallel_loop3A_906 = arith.addi %parallel_loop3A_652, %parallel_loop3A_905 : vector<16xi32>
        %parallel_loop3A_907 = tpu.vector_load_idx %arg12[%parallel_loop3A_650, %parallel_loop3A_906] : memref<256x128xf32, #tpu.memory_space<vmem>>[vector<16xi32>, vector<16xi32>], vector<16xf32>,
        tpu.vector_store_idx %arg14[%parallel_loop3A_905, %parallel_loop3A_650], %parallel_loop3A_907 : memref<64x256xf32, #tpu.memory_space<vmem>>[vector<16xi32>, vector<16xi32>], vector<16xf32>,
        %parallel_loop3A_908 = arith.constant 48 : i32
        %parallel_loop3A_909 = vector.broadcast %parallel_loop3A_908 : i32 to vector<16xi32>
        %parallel_loop3A_910 = arith.addi %parallel_loop3A_909, %select_n3A_63 : vector<16xi32>
        %parallel_loop3A_911 = arith.addi %parallel_loop3A_652, %parallel_loop3A_910 : vector<16xi32>
        %parallel_loop3A_912 = tpu.vector_load_idx %arg12[%parallel_loop3A_650, %parallel_loop3A_911] : memref<256x128xf32, #tpu.memory_space<vmem>>[vector<16xi32>, vector<16xi32>], vector<16xf32>,
        tpu.vector_store_idx %arg14[%parallel_loop3A_910, %parallel_loop3A_650], %parallel_loop3A_912 : memref<64x256xf32, #tpu.memory_space<vmem>>[vector<16xi32>, vector<16xi32>], vector<16xf32>,
        %parallel_loop3A_913 = arith.constant 48 : i32
        %parallel_loop3A_914 = vector.broadcast %parallel_loop3A_913 : i32 to vector<16xi32>
        %parallel_loop3A_915 = arith.addi %parallel_loop3A_914, %select_n3A_79 : vector<16xi32>
        %parallel_loop3A_916 = arith.addi %parallel_loop3A_652, %parallel_loop3A_915 : vector<16xi32>
        %parallel_loop3A_917 = tpu.vector_load_idx %arg12[%parallel_loop3A_650, %parallel_loop3A_916] : memref<256x128xf32, #tpu.memory_space<vmem>>[vector<16xi32>, vector<16xi32>], vector<16xf32>,
        tpu.vector_store_idx %arg14[%parallel_loop3A_915, %parallel_loop3A_650], %parallel_loop3A_917 : memref<64x256xf32, #tpu.memory_space<vmem>>[vector<16xi32>, vector<16xi32>], vector<16xf32>,
        %parallel_loop3A_918 = arith.constant 48 : i32
        %parallel_loop3A_919 = vector.broadcast %parallel_loop3A_918 : i32 to vector<16xi32>
        %parallel_loop3A_920 = arith.addi %parallel_loop3A_919, %select_n3A_95 : vector<16xi32>
        %parallel_loop3A_921 = arith.addi %parallel_loop3A_652, %parallel_loop3A_920 : vector<16xi32>
        %parallel_loop3A_922 = tpu.vector_load_idx %arg12[%parallel_loop3A_650, %parallel_loop3A_921] : memref<256x128xf32, #tpu.memory_space<vmem>>[vector<16xi32>, vector<16xi32>], vector<16xf32>,
        tpu.vector_store_idx %arg14[%parallel_loop3A_920, %parallel_loop3A_650], %parallel_loop3A_922 : memref<64x256xf32, #tpu.memory_space<vmem>>[vector<16xi32>, vector<16xi32>], vector<16xf32>,
        %parallel_loop3A_923 = arith.constant 48 : i32
        %parallel_loop3A_924 = vector.broadcast %parallel_loop3A_923 : i32 to vector<16xi32>
        %parallel_loop3A_925 = arith.addi %parallel_loop3A_924, %select_n3A_111 : vector<16xi32>
        %parallel_loop3A_926 = arith.addi %parallel_loop3A_652, %parallel_loop3A_925 : vector<16xi32>
        %parallel_loop3A_927 = tpu.vector_load_idx %arg12[%parallel_loop3A_650, %parallel_loop3A_926] : memref<256x128xf32, #tpu.memory_space<vmem>>[vector<16xi32>, vector<16xi32>], vector<16xf32>,
        tpu.vector_store_idx %arg14[%parallel_loop3A_925, %parallel_loop3A_650], %parallel_loop3A_927 : memref<64x256xf32, #tpu.memory_space<vmem>>[vector<16xi32>, vector<16xi32>], vector<16xf32>,
        %parallel_loop3A_928 = arith.constant 48 : i32
        %parallel_loop3A_929 = vector.broadcast %parallel_loop3A_928 : i32 to vector<16xi32>
        %parallel_loop3A_930 = arith.addi %parallel_loop3A_929, %select_n3A_127 : vector<16xi32>
        %parallel_loop3A_931 = arith.addi %parallel_loop3A_652, %parallel_loop3A_930 : vector<16xi32>
        %parallel_loop3A_932 = tpu.vector_load_idx %arg12[%parallel_loop3A_650, %parallel_loop3A_931] : memref<256x128xf32, #tpu.memory_space<vmem>>[vector<16xi32>, vector<16xi32>], vector<16xf32>,
        tpu.vector_store_idx %arg14[%parallel_loop3A_930, %parallel_loop3A_650], %parallel_loop3A_932 : memref<64x256xf32, #tpu.memory_space<vmem>>[vector<16xi32>, vector<16xi32>], vector<16xf32>,
        %parallel_loop3A_933 = arith.constant 48 : i32
        %parallel_loop3A_934 = vector.broadcast %parallel_loop3A_933 : i32 to vector<16xi32>
        %parallel_loop3A_935 = arith.addi %parallel_loop3A_934, %select_n3A_143 : vector<16xi32>
        %parallel_loop3A_936 = arith.addi %parallel_loop3A_652, %parallel_loop3A_935 : vector<16xi32>
        %parallel_loop3A_937 = tpu.vector_load_idx %arg12[%parallel_loop3A_650, %parallel_loop3A_936] : memref<256x128xf32, #tpu.memory_space<vmem>>[vector<16xi32>, vector<16xi32>], vector<16xf32>,
        tpu.vector_store_idx %arg14[%parallel_loop3A_935, %parallel_loop3A_650], %parallel_loop3A_937 : memref<64x256xf32, #tpu.memory_space<vmem>>[vector<16xi32>, vector<16xi32>], vector<16xf32>,
        %parallel_loop3A_938 = arith.constant 48 : i32
        %parallel_loop3A_939 = vector.broadcast %parallel_loop3A_938 : i32 to vector<16xi32>
        %parallel_loop3A_940 = arith.addi %parallel_loop3A_939, %select_n3A_159 : vector<16xi32>
        %parallel_loop3A_941 = arith.addi %parallel_loop3A_652, %parallel_loop3A_940 : vector<16xi32>
        %parallel_loop3A_942 = tpu.vector_load_idx %arg12[%parallel_loop3A_650, %parallel_loop3A_941] : memref<256x128xf32, #tpu.memory_space<vmem>>[vector<16xi32>, vector<16xi32>], vector<16xf32>,
        tpu.vector_store_idx %arg14[%parallel_loop3A_940, %parallel_loop3A_650], %parallel_loop3A_942 : memref<64x256xf32, #tpu.memory_space<vmem>>[vector<16xi32>, vector<16xi32>], vector<16xf32>,
        %parallel_loop3A_943 = arith.constant 48 : i32
        %parallel_loop3A_944 = vector.broadcast %parallel_loop3A_943 : i32 to vector<16xi32>
        %parallel_loop3A_945 = arith.addi %parallel_loop3A_944, %select_n3A_175 : vector<16xi32>
        %parallel_loop3A_946 = arith.addi %parallel_loop3A_652, %parallel_loop3A_945 : vector<16xi32>
        %parallel_loop3A_947 = tpu.vector_load_idx %arg12[%parallel_loop3A_650, %parallel_loop3A_946] : memref<256x128xf32, #tpu.memory_space<vmem>>[vector<16xi32>, vector<16xi32>], vector<16xf32>,
        tpu.vector_store_idx %arg14[%parallel_loop3A_945, %parallel_loop3A_650], %parallel_loop3A_947 : memref<64x256xf32, #tpu.memory_space<vmem>>[vector<16xi32>, vector<16xi32>], vector<16xf32>,
        %parallel_loop3A_948 = arith.constant 48 : i32
        %parallel_loop3A_949 = vector.broadcast %parallel_loop3A_948 : i32 to vector<16xi32>
        %parallel_loop3A_950 = arith.addi %parallel_loop3A_949, %select_n3A_191 : vector<16xi32>
        %parallel_loop3A_951 = arith.addi %parallel_loop3A_652, %parallel_loop3A_950 : vector<16xi32>
        %parallel_loop3A_952 = tpu.vector_load_idx %arg12[%parallel_loop3A_650, %parallel_loop3A_951] : memref<256x128xf32, #tpu.memory_space<vmem>>[vector<16xi32>, vector<16xi32>], vector<16xf32>,
        tpu.vector_store_idx %arg14[%parallel_loop3A_950, %parallel_loop3A_650], %parallel_loop3A_952 : memref<64x256xf32, #tpu.memory_space<vmem>>[vector<16xi32>, vector<16xi32>], vector<16xf32>,
        %parallel_loop3A_953 = arith.constant 48 : i32
        %parallel_loop3A_954 = vector.broadcast %parallel_loop3A_953 : i32 to vector<16xi32>
        %parallel_loop3A_955 = arith.addi %parallel_loop3A_954, %select_n3A_207 : vector<16xi32>
        %parallel_loop3A_956 = arith.addi %parallel_loop3A_652, %parallel_loop3A_955 : vector<16xi32>
        %parallel_loop3A_957 = tpu.vector_load_idx %arg12[%parallel_loop3A_650, %parallel_loop3A_956] : memref<256x128xf32, #tpu.memory_space<vmem>>[vector<16xi32>, vector<16xi32>], vector<16xf32>,
        tpu.vector_store_idx %arg14[%parallel_loop3A_955, %parallel_loop3A_650], %parallel_loop3A_957 : memref<64x256xf32, #tpu.memory_space<vmem>>[vector<16xi32>, vector<16xi32>], vector<16xf32>,
        %parallel_loop3A_958 = arith.constant 48 : i32
        %parallel_loop3A_959 = vector.broadcast %parallel_loop3A_958 : i32 to vector<16xi32>
        %parallel_loop3A_960 = arith.addi %parallel_loop3A_959, %select_n3A_223 : vector<16xi32>
        %parallel_loop3A_961 = arith.addi %parallel_loop3A_652, %parallel_loop3A_960 : vector<16xi32>
        %parallel_loop3A_962 = tpu.vector_load_idx %arg12[%parallel_loop3A_650, %parallel_loop3A_961] : memref<256x128xf32, #tpu.memory_space<vmem>>[vector<16xi32>, vector<16xi32>], vector<16xf32>,
        tpu.vector_store_idx %arg14[%parallel_loop3A_960, %parallel_loop3A_650], %parallel_loop3A_962 : memref<64x256xf32, #tpu.memory_space<vmem>>[vector<16xi32>, vector<16xi32>], vector<16xf32>,
        %parallel_loop3A_963 = arith.constant 48 : i32
        %parallel_loop3A_964 = vector.broadcast %parallel_loop3A_963 : i32 to vector<16xi32>
        %parallel_loop3A_965 = arith.addi %parallel_loop3A_964, %select_n3A_239 : vector<16xi32>
        %parallel_loop3A_966 = arith.addi %parallel_loop3A_652, %parallel_loop3A_965 : vector<16xi32>
        %parallel_loop3A_967 = tpu.vector_load_idx %arg12[%parallel_loop3A_650, %parallel_loop3A_966] : memref<256x128xf32, #tpu.memory_space<vmem>>[vector<16xi32>, vector<16xi32>], vector<16xf32>,
        tpu.vector_store_idx %arg14[%parallel_loop3A_965, %parallel_loop3A_650], %parallel_loop3A_967 : memref<64x256xf32, #tpu.memory_space<vmem>>[vector<16xi32>, vector<16xi32>], vector<16xf32>,
        %parallel_loop3A_968 = arith.constant 48 : i32
        %parallel_loop3A_969 = vector.broadcast %parallel_loop3A_968 : i32 to vector<16xi32>
        %parallel_loop3A_970 = arith.addi %parallel_loop3A_969, %select_n3A_255 : vector<16xi32>
        %parallel_loop3A_971 = arith.addi %parallel_loop3A_652, %parallel_loop3A_970 : vector<16xi32>
        %parallel_loop3A_972 = tpu.vector_load_idx %arg12[%parallel_loop3A_650, %parallel_loop3A_971] : memref<256x128xf32, #tpu.memory_space<vmem>>[vector<16xi32>, vector<16xi32>], vector<16xf32>,
        tpu.vector_store_idx %arg14[%parallel_loop3A_970, %parallel_loop3A_650], %parallel_loop3A_972 : memref<64x256xf32, #tpu.memory_space<vmem>>[vector<16xi32>, vector<16xi32>], vector<16xf32>,
      } {sc.loop_unroll_factor = 2 : i64, sc.parallel_access}
      %jit3A_599 = arith.constant 2 : i32
      %div3A_600 = arith.divsi %add3A_580, %jit3A_599 : i32
      %sign3A_601 = arith.constant 0 : i32
      %sign3A_602 = arith.cmpi sgt, %add3A_580, %sign3A_601 : i32
      %sign3A_603 = arith.extui %sign3A_602 : i1 to i32
      %sign3A_604 = arith.constant 0 : i32
      %sign3A_605 = arith.cmpi slt, %add3A_580, %sign3A_604 : i32
      %sign3A_606 = arith.extui %sign3A_605 : i1 to i32
      %sign3A_607 = arith.subi %sign3A_603, %sign3A_606 : i32
      %sign3A_608 = arith.constant 0 : i32
      %sign3A_609 = arith.cmpi sgt, %jit3A_599, %sign3A_608 : i32
      %sign3A_610 = arith.extui %sign3A_609 : i1 to i32
      %sign3A_611 = arith.constant 0 : i32
      %sign3A_612 = arith.cmpi slt, %jit3A_599, %sign3A_611 : i32
      %sign3A_613 = arith.extui %sign3A_612 : i1 to i32
      %sign3A_614 = arith.subi %sign3A_610, %sign3A_613 : i32
      %ne3A_615 = arith.cmpi ne, %sign3A_607, %sign3A_614 : i32
      %rem3A_616 = arith.remsi %add3A_580, %jit3A_599 : i32
      %ne3A_617 = arith.constant 0 : i32
      %ne3A_618 = arith.cmpi ne, %rem3A_616, %ne3A_617 : i32
      %and3A_619 = arith.andi %ne3A_615, %ne3A_618 : i1
      %sub3A_620 = arith.constant 1 : i32
      %sub3A_621 = arith.subi %div3A_600, %sub3A_620 : i32
      %select_n3A_622 = arith.select %and3A_619, %sub3A_621, %div3A_600 : i32
      %jit3A_623 = arith.constant 2 : i32
      %eq3A_624 = arith.constant 0 : i32
      %eq3A_625 = arith.cmpi eq, %jit3A_623, %eq3A_624 : i32
      %jit3A_626 = arith.constant 1 : i32
      %select_n3A_627 = arith.select %eq3A_625, %jit3A_626, %jit3A_623 : i32
      %rem3A_628 = arith.remsi %add3A_580, %select_n3A_627 : i32
      %ne3A_629 = arith.constant 0 : i32
      %ne3A_630 = arith.cmpi ne, %rem3A_628, %ne3A_629 : i32
      %lt3A_631 = arith.constant 0 : i32
      %lt3A_632 = arith.cmpi slt, %rem3A_628, %lt3A_631 : i32
      %lt3A_633 = arith.constant 0 : i32
      %lt3A_634 = arith.cmpi slt, %select_n3A_627, %lt3A_633 : i32
      %ne3A_635 = arith.xori %lt3A_632, %lt3A_634 : i1
      %and3A_636 = arith.andi %ne3A_635, %ne3A_630 : i1
      %add3A_637 = arith.addi %rem3A_628, %select_n3A_627 : i32
      %select_n3A_638 = arith.select %and3A_636, %add3A_637, %rem3A_628 : i32
      %mul3A_639 = arith.constant 256 : i32
      %mul3A_640 = arith.muli %select_n3A_638, %mul3A_639 : i32
      %add3A_641 = arith.addi %multiple_of3A, %mul3A_640 : i32
      %dma_start3A_642 = arith.constant 0 : i32
      %dma_start3A_643 = tpu.memref_slice %arg4[%select_n3A_622, %dma_start3A_642, %add3A_641] : memref<50x64x16384xf32, #tpu.memory_space<hbm>> -> memref<1x64x256xf32, #tpu.memory_space<hbm>>
      %dma_start3A_644 = tpu.memref_squeeze %dma_start3A_643 : memref<1x64x256xf32, #tpu.memory_space<hbm>> -> memref<64x256xf32, #tpu.memory_space<hbm>>
      %dma_start3A_645 = arith.constant 0 : i32
      %dma_start3A_646 = tpu.memref_slice %arg4[%select_n3A_622, %dma_start3A_645, %add3A_641] : memref<50x64x16384xf32, #tpu.memory_space<hbm>> -> memref<1x64x256xf32, #tpu.memory_space<hbm>>
      %dma_start3A_647 = tpu.memref_squeeze %dma_start3A_646 : memref<1x64x256xf32, #tpu.memory_space<hbm>> -> memref<64x256xf32, #tpu.memory_space<hbm>>
      tpu.enqueue_dma source(%arg14 : memref<64x256xf32, #tpu.memory_space<vmem>>) target(%dma_start3A_647 : memref<64x256xf32, #tpu.memory_space<hbm>>) target_semaphore(%arg18 : memref<!tpu.dma_semaphore, #tpu.memory_space<semaphore_mem>>)
    }
    %scan3A_499 = arith.constant 50 : i32
    %add3A_500 = arith.constant 0 : i32
    %add3A_501 = arith.addi %multiple_of3A, %add3A_500 : i32
    %dma_wait3A = arith.constant 49 : i32
    %dma_wait3A_502 = arith.constant 0 : i32
    %dma_wait3A_503 = tpu.memref_slice %arg4[%dma_wait3A, %dma_wait3A_502, %add3A_501] : memref<50x64x16384xf32, #tpu.memory_space<hbm>> -> memref<1x64x256xf32, #tpu.memory_space<hbm>>
    %dma_wait3A_504 = tpu.memref_squeeze %dma_wait3A_503 : memref<1x64x256xf32, #tpu.memory_space<hbm>> -> memref<64x256xf32, #tpu.memory_space<hbm>>
    %dma_wait3A_505 = arith.constant 0 : i32
    %dma_wait3A_506 = tpu.memref_slice %arg4[%dma_wait3A, %dma_wait3A_505, %add3A_501] : memref<50x64x16384xf32, #tpu.memory_space<hbm>> -> memref<1x64x256xf32, #tpu.memory_space<hbm>>
    %dma_wait3A_507 = tpu.memref_squeeze %dma_wait3A_506 : memref<1x64x256xf32, #tpu.memory_space<hbm>> -> memref<64x256xf32, #tpu.memory_space<hbm>>
    tpu.wait_dma2 semaphore(%arg17 : memref<!tpu.dma_semaphore, #tpu.memory_space<semaphore_mem>>) src(%arg13 : memref<64x256xf32, #tpu.memory_space<vmem>>) dst(%dma_wait3A_507 : memref<64x256xf32, #tpu.memory_space<hbm>>)
    %add3A_508 = arith.constant 256 : i32
    %add3A_509 = arith.addi %multiple_of3A, %add3A_508 : i32
    %dma_wait3A_510 = arith.constant 49 : i32
    %dma_wait3A_511 = arith.constant 0 : i32
    %dma_wait3A_512 = tpu.memref_slice %arg4[%dma_wait3A_510, %dma_wait3A_511, %add3A_509] : memref<50x64x16384xf32, #tpu.memory_space<hbm>> -> memref<1x64x256xf32, #tpu.memory_space<hbm>>
    %dma_wait3A_513 = tpu.memref_squeeze %dma_wait3A_512 : memref<1x64x256xf32, #tpu.memory_space<hbm>> -> memref<64x256xf32, #tpu.memory_space<hbm>>
    %dma_wait3A_514 = arith.constant 0 : i32
    %dma_wait3A_515 = tpu.memref_slice %arg4[%dma_wait3A_510, %dma_wait3A_514, %add3A_509] : memref<50x64x16384xf32, #tpu.memory_space<hbm>> -> memref<1x64x256xf32, #tpu.memory_space<hbm>>
    %dma_wait3A_516 = tpu.memref_squeeze %dma_wait3A_515 : memref<1x64x256xf32, #tpu.memory_space<hbm>> -> memref<64x256xf32, #tpu.memory_space<hbm>>
    tpu.wait_dma2 semaphore(%arg18 : memref<!tpu.dma_semaphore, #tpu.memory_space<semaphore_mem>>) src(%arg14 : memref<64x256xf32, #tpu.memory_space<vmem>>) dst(%dma_wait3A_516 : memref<64x256xf32, #tpu.memory_space<hbm>>)
    return
  }
}

</mosaic_0001>

<sc_bundles>
// kernel: _gather_t.3.cloned.1.call-start
scs
__scs_entry_jumppad:
0x0: {  	(pc) =	sbr.rel $0x88, $3  }
0x1: {  	(tag) =	ssettag $0x0;
	lr =	simm.s32 $0x1  }
0x2: {  	[smem:$0x3F9F] =	sst lr;
	_ =	strace $0xD0000000  }
0x3: {  	_ = 	snop  }
0x4: {  	_ = 	snop  }
0x5: {  	_ = 	snop  }
0x6: {  	_ = 	snop  }
0x7: {  	_ = 	snop  }
__scs_overlays_trampoline_lowered:
0x8: {  	[smem:$0x3FAE] =	sst s0  }
0x9: {  	[smem:$0x3FAF] =	sst s1  }
0xa: {  	[smem:$0x3FB0] =	sst s2  }
0xb: {  	[smem:$0x3FB1] =	sst s3  }
0xc: {  	[smem:$0x3FB2] =	sst s4  }
0xd: {  	[smem:$0x3FB3] =	sst s5  }
0xe: {  	[smem:$0x3FB4] =	sst s6  }
0xf: {  	[smem:$0x3FB5] =	sst s7  }
0x10: {  	[smem:$0x3FB6] =	sst s8  }
0x11: {  	[smem:$0x3FB7] =	sst s9;
	s0 =	simm.s32 @!p0 $0x0  }
0x12: {  	s1 =	sld [smem:$0x3F9D];
	s0 =	simm.s32 @p0 $0x1  }
0x13: {  	[smem:$0x3FB8] =	sst s0;
	s0 =	simm.s32 @!p1 $0x0  }
0x14: {  	s2 =	sld [smem:$0x3F9C];
	s0 =	simm.s32 @p1 $0x1  }
0x15: {  	[smem:$0x3FB9] =	sst s0;
	s0 =	simm.s32 @!p2 $0x0  }
0x16: {  	s3 =	sld [smem:$0x3FDB];
	s0 =	simm.s32 @p2 $0x1  }
0x17: {  	s4 =	simm.s32 $0x1BF5;
	[smem:$0x3FBB] =	sst s0  }
0x18: {  	s0 =	sld [smem:$0x3F9E];
	_ =	swait.ge [sflag:s4], $0x0  }
0x19: {  	s7 =	sld [smem:$0x3F9F]  }
0x1a: {  	s8 =	sadd.s32 $0xFFFFE003, lr  }
0x1b: {  	s9 =	sadd.s32 $0xFFFFFEF7, lr;
	s5 =	simm.s32 $0xFFFFFFFF;
	p2 =	slt.u32 s8, $0xFFFFF086  }
0x1c: {  	p1 =	slt.u32 s9, $0xF7A;
	s5 =	simm.s32 @!p2 $0x0  }
0x1d: {  	s5 =	simm.s32 @p1 $0x1;
	p0 =	seq.s32 s7, s2  }
0x1e: {  	s7 =	smul.u32 @!p0 $0xF7A, s2;
	p2 =	seq.s32 @!p0 s5, $0x0  }
0x1f: {  	s9 =	smul.u32 $0xF7A, s1;
	s8 =	simm.s32 @!p0 $0x1BF5;
	p2 =	por !p2, p0  }
0x20: {  	[sflag:s8] =	ssyncset.s32 @!p0 $0xFFFFF086;
	s6 =	sadd.s32 @!p0 s3, s7;
	s7 =	simm.s32 @!p0 $0x108  }
0x21: {  	s3 =	sadd.s32 s3, s9;
	s6 =	sadd.s32 @!p0 $0x88, s6;
	s7 =	simm.s32 @p2 $0x1082  }
0x22: {  	[simem:s7], [sflag:s8] =	dma.local @!p0 [hbm:s6], $0xF7A  }
0x23: {  	s9 =	sor.u32 $0xD0000000, s2;
	s6 =	simm.s32 $0x108;
	_ =	swait.ge @!p0 [sflag:s8], $0x0  }
0x24: {  	s3 =	sadd.s32 $0x88, s3;
	s6 =	simm.s32 @!p1 $0x1082;
	[sflag:s4] =	ssyncset.s32 $0xFFFFF086  }
0x25: {  	[simem:s6], [sflag:s4] =	dma.local [hbm:s3], $0xF7A  }
0x26: {  	[smem:$0x3F9F] =	sst s1;
	(tag) =	ssettag s2;
	_ =	strace s9  }
0x27: {  	s1 =	sld [smem:$0x3FAF]  }
0x28: {  	s2 =	sld [smem:$0x3FB0]  }
0x29: {  	s4 =	sld [smem:$0x3FB2]  }
0x2a: {  	p0 =	seq.s32 s5, $0x0;
	s5 =	sld [smem:$0x3FB3]  }
0x2b: {  	s6 =	sld [smem:$0x3FB4]  }
0x2c: {  	s7 =	sld [smem:$0x3FB5]  }
0x2d: {  	s3 =	simm.s32 $0x108;
	s8 =	sld [smem:$0x3FB6]  }
0x2e: {  	s3 =	simm.s32 @!p0 $0x1082;
	s9 =	sld [smem:$0x3FB7]  }
0x2f: {  	lr =	sadd.s32 s0, s3;
	s0 =	sld [smem:$0x3FAE]  }
0x30: {  	s3 =	sld [smem:$0x3FB1]  }
0x31: {  	[smem:$0x3FBA] =	sst s10  }
0x32: {  	s10 =	sld [smem:$0x3FB8];
	_ =	sdelay $0x3  }
0x33: {  	p0 =	seq.s32 s10, $0x1;
	s10 =	sld [smem:$0x3FBA];
	_ =	sdelay $0x3  }
0x34: {  	[smem:$0x3FBA] =	sst s10  }
0x35: {  	s10 =	sld [smem:$0x3FB9];
	_ =	sdelay $0x3  }
0x36: {  	p1 =	seq.s32 s10, $0x1;
	s10 =	sld [smem:$0x3FBA];
	_ =	sdelay $0x3  }
0x37: {  	[smem:$0x3FBA] =	sst s10  }
0x38: {  	s10 =	sld [smem:$0x3FBB]  }
0x39: {  	_ = 	snop;
	(pc) =	sbr.ind lr, $3  }
0x3a: {  	_ = 	snop  }
0x3b: {  	_ = 	snop  }
0x3c: {  	p2 =	seq.s32 s10, $0x1;
	s10 =	sld [smem:$0x3FBA]  }
0x3d: {  	_ =	shalt  }
0x3e: {  	_ =	shalt  }
0x3f: {  	_ =	shalt  }
0x40: {  	_ =	shalt  }
0x41: {  	_ =	shalt  }
0x42: {  	_ =	shalt  }
0x43: {  	_ =	shalt  }
0x44: {  	_ =	shalt  }
0x45: {  	_ =	shalt  }
0x46: {  	_ =	shalt  }
0x47: {  	_ =	shalt  }
0x48: {  	_ =	shalt  }
0x49: {  	_ =	shalt  }
0x4a: {  	_ =	shalt  }
0x4b: {  	_ =	shalt  }
0x4c: {  	_ =	shalt  }
0x4d: {  	_ =	shalt  }
0x4e: {  	_ =	shalt  }
0x4f: {  	_ =	shalt  }
0x50: {  	_ =	shalt  }
0x51: {  	_ =	shalt  }
0x52: {  	_ =	shalt  }
0x53: {  	_ =	shalt  }
0x54: {  	_ =	shalt  }
0x55: {  	_ =	shalt  }
0x56: {  	_ =	shalt  }
0x57: {  	_ =	shalt  }
0x58: {  	_ =	shalt  }
0x59: {  	_ =	shalt  }
0x5a: {  	_ =	shalt  }
0x5b: {  	_ =	shalt  }
0x5c: {  	_ =	shalt  }
0x5d: {  	_ =	shalt  }
0x5e: {  	_ =	shalt  }
0x5f: {  	_ =	shalt  }
0x60: {  	_ =	shalt  }
0x61: {  	_ =	shalt  }
0x62: {  	_ =	shalt  }
0x63: {  	_ =	shalt  }
0x64: {  	_ =	shalt  }
0x65: {  	_ =	shalt  }
0x66: {  	_ =	shalt  }
0x67: {  	_ =	shalt  }
0x68: {  	_ =	shalt  }
0x69: {  	_ =	shalt  }
0x6a: {  	_ =	shalt  }
0x6b: {  	_ =	shalt  }
0x6c: {  	_ =	shalt  }
0x6d: {  	_ =	shalt  }
0x6e: {  	_ =	shalt  }
0x6f: {  	_ =	shalt  }
0x70: {  	_ =	shalt  }
0x71: {  	_ =	shalt  }
0x72: {  	_ =	shalt  }
0x73: {  	_ =	shalt  }
0x74: {  	_ =	shalt  }
0x75: {  	_ =	shalt  }
0x76: {  	_ =	shalt  }
0x77: {  	_ =	shalt  }
0x78: {  	_ =	shalt  }
0x79: {  	_ =	shalt  }
0x7a: {  	_ =	shalt  }
0x7b: {  	_ =	shalt  }
0x7c: {  	_ =	shalt  }
0x7d: {  	_ =	shalt  }
0x7e: {  	_ =	shalt  }
0x7f: {  	_ =	shalt  }
0x80: {  	_ =	shalt  }
0x81: {  	_ =	shalt  }
0x82: {  	_ =	shalt  }
0x83: {  	_ =	shalt  }
0x84: {  	_ =	shalt  }
0x85: {  	_ =	shalt  }
0x86: {  	_ =	shalt  }
0x87: {  	_ =	shalt  }
.Lfunc_end0:
.L_simem_size_0:
called_computation_lowered:
.L_overlay_start_0:
0x88: {  	s2 =	sld [smem:$0x3FD9]  }
0x89: {  	s3 =	sld [smem:$0x3FFE];
	_ =	sdelay $0x1  }
0x8a: {  	s1 =	srdreg.scid  }
0x8b: {  	s0 =	sand.u32 $0x1, s1  }
0x8c: {  	s18 =	sshll.u32 s0, $0xA;
	s2 =	sadd.s32 s3, s2  }
0x8d: {  	s2 =	sadd.s32 s2, s18  }
0x8e: {  	[smem:$0x3FC6] =	sst s2  }
0x8f: {  	_ = 	snop  }
0x90: {  	s2 =	sld [smem:$0x3FC9]  }
0x91: {  	s19 =	sld [smem:$0x3FC8]  }
0x92: {  	s4 =	sld [smem:$0x3FD0];
	(tm) =	ssettm $0x1  }
0x93: {  	s5 =	sld [smem:$0x3FFB];
	_ =	sdelay $0x3  }
0x94: {  	_ =	strace s5  }
0x95: {  	s5 =	sld [smem:$0x3FFC];
	_ =	sdelay $0x3  }
0x96: {  	_ =	strace s5  }
0x97: {  	s5 =	sld [smem:$0x3FFD];
	_ =	sdelay $0x3  }
0x98: {  	_ =	strace s5  }
0x99: {  	_ =	strace $0x8FFFFFFF  }
0x9a: {  	s20 =	sld [smem:$0x3FDB];
	_ =	sdelay $0x1  }
0x9b: {  	s6 =	simm.s32 $_scs_section_size  }
0x9c: {  	s7 =	simm.s32 $_size__tile_overlayer_lowered;
	s8 =	simm.s32 $_tile_overlayer_lowered  }
0x9d: {  	s23 =	simm.s32 $0x1BFF;
	s22 =	sshll.u32 s8, $0x1;
	s5 =	sadd.s32 s6, s20  }
0x9e: {  	s9 =	simm.s32 $0x0;
	s21 =	sshll.u32 s7, $0x1;
	s7 =	sadd.s32 s22, s5  }
0x9f: {  	[timem:s9], [sflag:s23] =	dma.local [hbm:s7], s21  }
0xa0: {  	_ =	swait.ge [sflag:s23], s21  }
0xa1: {  	s6 =	ssub.s32 $0x0, s21;
	[sflag:s23] =	ssyncset.done $0x0  }
0xa2: {  	[sflag:s23] =	ssyncadd.s32 s6;
	_ =	sdelay $0x1  }
0xa3: {  	s24 =	simm.s32 $0x1B8B  }
0xa4: {  	_ =	swait.ge [sflag:s24], $0x1  }
0xa5: {  	[sflag:s24] =	ssyncset.done $0x0  }
0xa6: {  	s25 =	simm.s32 $0x1B8E;
	[sflag:s24] =	ssyncadd.s32 $0xFFFFFFFF  }
0xa7: {  	s26 =	simm.s32 $execute0_lowered;
	[smem:$0x3FD2] =	sst s25  }
0xa8: {  	s6 =	sshll.u32 s26, $0x1;
	_ =	strace $0x80000046;
	[dreg:$0x1] =	wrdreg $0xFFFFFFFF  }
0xa9: {  	s28 =	simm.s32 $_size_execute0_lowered;
	s5 =	sadd.s32 s5, s6;
	[dreg:$0x0] =	wrdreg $0x0  }
0xaa: {  	s6 =	sshll.u32 s28, $0x1;
	[dreg:$0x2] =	wrdreg s5  }
0xab: {  	[dreg:$0x3] =	wrdreg s6  }
0xac: {  	[dreg:$0x4] =	wrdreg $0xC0  }
0xad: {  	_ =	task [dreg:s9], $0x5FFFF  }
0xae: {  	[dreg:$0x1] =	wrdreg $0xFFFFFFFF  }
0xaf: {  	[dreg:$0x0] =	wrdreg $0x60  }
0xb0: {  	[dreg:$0x2] =	wrdreg s2  }
0xb1: {  	[dreg:$0x3] =	wrdreg s19  }
0xb2: {  	[dreg:$0x4] =	wrdreg s4  }
0xb3: {  	[dreg:$0x5] =	wrdreg $0x9  }
0xb4: {  	_ =	task.clear_ibuf [dreg:s9], $0x6FFFF;
	_ =	strace $0x90000046  }
0xb5: {  	s29 =	simm.s32 $0x9;
	_ =	strace $0x80000048  }
0xb6: {  	_ =	swait.ge [sflag:s29], $0x1  }
0xb7: {  	[sflag:s29] =	ssyncadd.s32 $0xFFFFFFFF  }
0xb8: {  	_ =	strace $0x90000048  }
0xb9: {  	_ =	sfence  }
0xba: {  	s30 =	sld [smem:$0x0];
	_ =	sdelay $0x2  }
0xbb: {  	s31 =	sshll.u32 s1, $0xD;
	s1 =	sshrl.u32 s1, $0x2  }
0xbc: {  	s3 =	sand.u32 $0x4000, s31;
	s1 =	sadd.s32 s1, s30  }
0xbd: {  	s0 =	sor.u32 s3, s0;
	s1 =	sshll.u32 s1, $0x11  }
0xbe: {  	s0 =	sor.u32 s1, s0  }
0xbf: {  	s0 =	sadd.s32 $0x8F2B, s0  }
0xc0: {  	[sflag:s0] =	ssyncadd.remote.s32 $0x1  }
0xc1: {  	_ =	sfence.sel $0xFFFF  }
0xc2: {  	[dreg:$0x0] =	wrdreg $0xFFFFFFFF;
	(pc) =	sbr.abs _section_cstart, $3  }
0xc3: {  	[dreg:$0x1] =	wrdreg $0xFFFFFFFF  }
0xc4: {  	_ =	task.clear_ibuf [dreg:s9], $0x2FFFF;
	_ =	strace $0x9FFFFFFF  }
0xc5: {  	(tm) =	ssettm $0x7FFFFFFF  }
tec
execute0_lowered:
.L_overlay_start_1:
0x0: {  	(tag) =	ssettag $0x1  }
0x1: {  	vm14 =	vcmask $0x300  }
0x2: {  	v0 =	vimm.s32 $0xB80;
	vm13 =	vcmask $0x704;
	vm12 =	vcmask $0xB08  }
0x3: {  	vm11 =	vcmask $0xF0C;
	vm10 =	vcmask $0x1310;
	vm9 =	vcmask $0x1714  }
0x4: {  	vm7 =	vcmask $0x1B18;
	vm8 =	vcmask $0x1F1C;
	vm6 =	vcmask $0x2320  }
0x5: {  	v1 =	vimm.s32 $0x0;
	vm5 =	vcmask $0x2724;
	vm4 =	vcmask $0x2B28  }
0x6: {  	vm3 =	vcmask $0x2F2C;
	vm2 =	vcmask $0x3330;
	v2 =	vimm.s32 $0xFEDCBA9  }
0x7: {  	v3 =	vimm.s32 $0x87654321;
	vm1 =	vcmask $0x3734;
	vm0 =	vcmask $0x3B38  }
0x8: {  	v12 =	vimm.s32 $0x80;
	v32 =	vimm.s32 $0x10FEDCBA;
	v33 =	vimm.s32 $0x98765432  }
0x9: {  	v4 =	vimm.s32 $0x100;
	v38 =	vimm.s32 $0x210FEDCB;
	v39 =	vimm.s32 $0xA9876543  }
0xa: {  	v41 =	vimm.s32 $0x180;
	v46 =	vimm.s32 $0x3210FEDC;
	v47 =	vimm.s32 $0x200  }
0xb: {  	v48 =	vimm.s32 $0xBA987654;
	v52 =	vimm.s32 $0x43210FED;
	v53 =	vimm.s32 $0xCBA98765  }
0xc: {  	v55 =	vimm.s32 $0x280;
	v56 =	vimm.s32 $0x543210FE;
	v59 =	vimm.s32 $0xFEDCBA98  }
0xd: {  	v60 =	vimm.s32 $0x300;
	v61 =	vimm.s32 $0x76543210;
	v62 =	vimm.s32 $0x380  }
0xe: {  	v63 =	vimm.s32 $0x800;
	v6 =	vimm.s32 $0x880;
	v7 =	vimm.s32 $0x900  }
0xf: {  	v8 =	vimm.s32 $0x980;
	v9 =	vimm.s32 $0xA00;
	v10 =	vimm.s32 $0xA80  }
0x10: {  	v11 =	vimm.s32 $0xB00;
	v15 =	vimm.s32 $0x1100;
	v16 =	vimm.s32 $0x1180  }
0x11: {  	v17 =	vimm.s32 $0x1200;
	v18 =	vimm.s32 $0x1280;
	v19 =	vimm.s32 $0x1300  }
0x12: {  	v20 =	vimm.s32 $0x1380;
	v21 =	vimm.s32 $0x1800;
	v22 =	vimm.s32 $0x1880  }
0x13: {  	v23 =	vimm.s32 $0x1900;
	v24 =	vimm.s32 $0x1980;
	v25 =	vimm.s32 $0x1A00  }
0x14: {  	v26 =	vimm.s32 $0x1A80;
	v27 =	vimm.s32 $0x1B00;
	v28 =	vimm.s32 $0x2B80  }
0x15: {  	v29 =	vimm.s32 $0x2000;
	v30 =	vimm.s32 $0x2080;
	v31 =	vimm.s32 $0x2100  }
0x16: {  	v0 =	vsel vm14, $0x0, v0;
	v1 =	vsel vm14, $0x80, v1;
	v2 =	vunpack.c.l.s4.s8 v2  }
0x17: {  	v3 =	vunpack.c.l.s4.s8 v3;
	v14 =	vsel vm14, $0x100, v12;
	v34 =	vsel vm14, $0x180, v4  }
0x18: {  	v6 =	vsel vm14, $0x900, v6;
	v7 =	vsel vm14, $0x980, v7;
	v8 =	vsel vm14, $0xA00, v8  }
0x19: {  	v9 =	vsel vm14, $0xA80, v9;
	v10 =	vsel vm14, $0xB00, v10;
	v11 =	vsel vm14, $0xB80, v11  }
0x1a: {  	v12 =	vimm.s32 $0x1B80;
	v15 =	vsel vm14, $0x1180, v15;
	v16 =	vsel vm14, $0x1200, v16  }
0x1b: {  	v17 =	vsel vm14, $0x1280, v17;
	v18 =	vsel vm14, $0x1300, v18;
	v19 =	vsel vm14, $0x1380, v19  }
0x1c: {  	v20 =	vsel vm14, $0x1800, v20;
	v21 =	vsel vm14, $0x1880, v21;
	v22 =	vsel vm14, $0x1900, v22  }
0x1d: {  	v23 =	vsel vm14, $0x1980, v23;
	v24 =	vsel vm14, $0x1A00, v24;
	v25 =	vsel vm14, $0x1A80, v25  }
0x1e: {  	v26 =	vsel vm14, $0x1B00, v26;
	v27 =	vsel vm14, $0x1B80, v27;
	v28 =	vsel vm14, $0x2000, v28  }
0x1f: {  	v29 =	vsel vm14, $0x2080, v29;
	v30 =	vsel vm14, $0x2100, v30;
	v0 =	vsel vm13, $0x80, v0  }
0x20: {  	v31 =	vsel vm14, $0x2180, v31;
	v1 =	vsel vm13, $0x100, v1;
	v0 =	vsel vm12, $0x100, v0  }
0x21: {  	v1 =	vsel vm12, $0x180, v1;
	v2 =	vunpack.c.0.s8.s32 v2;
	v3 =	vunpack.c.0.s8.s32 v3  }
0x22: {  	v12 =	vsel vm14, $0x1000, v12;
	v0 =	vsel vm11, $0x180, v0;
	v1 =	vsel vm11, $0x200, v1  }
0x23: {  	v0 =	vsel vm10, $0x200, v0;
	v1 =	vsel vm10, $0x280, v1;
	[tilespmem:$0x1F730] =	vst v2;
	v2 =	vcombine.low v3, v2  }
0x24: {  	[tilespmem:$0x1F740] =	vst v3;
	v3 =	vunpack.c.l.s4.s8 v33;
	v33 =	vimm.s32 $0x2200;
	v0 =	vsel vm9, $0x280, v0  }
0x25: {  	v1 =	vsel vm9, $0x300, v1;
	v33 =	vsel vm14, $0x2280, v33;
	v0 =	vsel vm7, $0x300, v0  }
0x26: {  	v1 =	vsel vm7, $0x380, v1;
	v2 =	vand.u32 $0xF, v2;
	v3 =	vunpack.c.0.s8.s32 v3  }
0x27: {  	v0 =	vsel vm8, $0x380, v0;
	v1 =	vsel vm8, $0x800, v1;
	[tilespmem:$0x1FBD0] =	vst v2;
	v2 =	vunpack.c.l.s4.s8 v32  }
0x28: {  	v32 =	vimm.s32 $0x2180;
	v0 =	vsel vm6, $0x800, v0;
	v1 =	vsel vm6, $0x880, v1  }
0x29: {  	v32 =	vsel vm14, $0x2200, v32;
	v0 =	vsel vm5, $0x880, v0;
	v1 =	vsel vm5, $0x900, v1  }
0x2a: {  	v5 =	vunpack.c.0.s8.s32 v2;
	v2 =	vsel vm13, $0x200, v34;
	v34 =	vimm.s32 $0x2280  }
0x2b: {  	v0 =	vsel vm4, $0x900, v0;
	v13 =	vsel vm4, $0x980, v1;
	v1 =	vsel vm13, $0x180, v14  }
0x2c: {  	v2 =	vsel vm12, $0x280, v2;
	v14 =	vimm.s32 $0x1080;
	v34 =	vsel vm14, $0x2300, v34  }
0x2d: {  	[tilespmem:$0x1F760] =	vst v3;
	v0 =	vsel vm3, $0x980, v0;
	v1 =	vsel vm12, $0x200, v1;
	v3 =	vcombine.low v3, v5  }
0x2e: {  	[tilespmem:$0x1F750] =	vst v5;
	v2 =	vsel vm11, $0x300, v2;
	v5 =	vunpack.c.l.s4.s8 v61;
	v14 =	vsel vm14, $0x1100, v14  }
0x2f: {  	v0 =	vsel vm2, $0xA00, v0;
	v1 =	vsel vm11, $0x280, v1;
	v36 =	vsel vm10, $0x380, v2  }
0x30: {  	v2 =	vunpack.c.l.s4.s8 v38;
	v38 =	vimm.s32 $0x2880;
	v0 =	vsel vm1, $0xA80, v0  }
0x31: {  	v1 =	vsel vm10, $0x300, v1;
	v37 =	vand.u32 $0xF, v3;
	v3 =	vunpack.c.l.s4.s8 v39  }
0x32: {  	v5 =	vunpack.c.0.s8.s32 v5;
	v38 =	vsel vm14, $0x2900, v38;
	v39 =	vimm.s32 $0x2900  }
0x33: {  	v0 =	vsel vm0, $0xB00, v0;
	v1 =	vsel vm9, $0x380, v1;
	v40 =	vunpack.c.0.s8.s32 v2  }
0x34: {  	[tilespmem:$0x1FC00] =	vst v37;
	v2 =	vsel vm14, $0x200, v41;
	v37 =	vimm.s32 $0x2800;
	v39 =	vsel vm14, $0x2980, v39  }
0x35: {  	v41 =	vimm.s32 $0x2A00;
	[tilespmem:$0x1FBC0] =	vst v0;
	v0 =	vsel vm3, $0xA00, v13;
	v1 =	vsel vm7, $0x800, v1  }
0x36: {  	v3 =	vunpack.c.0.s8.s32 v3;
	v2 =	vsel vm13, $0x280, v2;
	v13 =	vimm.s32 $0x1000  }
0x37: {  	v37 =	vsel vm14, $0x2880, v37;
	v41 =	vsel vm14, $0x2A80, v41;
	v0 =	vsel vm2, $0xA80, v0  }
0x38: {  	v1 =	vsel vm8, $0x880, v1;
	v2 =	vsel vm12, $0x300, v2;
	v13 =	vsel vm14, $0x1080, v13  }
0x39: {  	v0 =	vsel vm1, $0xB00, v0;
	v1 =	vsel vm6, $0x900, v1;
	[tilespmem:$0x1F780] =	vst v3;
	v3 =	vcombine.low v3, v40  }
0x3a: {  	[tilespmem:$0x1F770] =	vst v40;
	v43 =	vsel vm11, $0x380, v2;
	v2 =	vsel vm14, $0x280, v47;
	v40 =	vimm.s32 $0x2980  }
0x3b: {  	v47 =	vimm.s32 $0x3100;
	v0 =	vsel vm0, $0xB80, v0;
	v35 =	vsel vm5, $0x980, v1  }
0x3c: {  	v1 =	vsel vm9, $0x800, v36;
	v45 =	vsel vm10, $0x800, v43;
	v2 =	vsel vm13, $0x300, v2  }
0x3d: {  	v36 =	vimm.s32 $0x2380;
	v40 =	vsel vm14, $0x2A00, v40;
	v43 =	vimm.s32 $0x2B00  }
0x3e: {  	v47 =	vsel vm14, $0x3180, v47;
	[tilespmem:$0x1FBE0] =	vst v0;
	v0 =	vsel vm4, $0xA00, v35;
	v1 =	vsel vm7, $0x880, v1  }
0x3f: {  	v44 =	vand.u32 $0xF, v3;
	v3 =	vunpack.c.l.s4.s8 v48;
	v2 =	vsel vm12, $0x380, v2  }
0x40: {  	v35 =	vimm.s32 $0x2300;
	v36 =	vsel vm14, $0x2800, v36;
	v43 =	vsel vm14, $0x2B80, v43  }
0x41: {  	v48 =	vimm.s32 $0x3180;
	v0 =	vsel vm3, $0xA80, v0;
	v1 =	vsel vm8, $0x900, v1  }
0x42: {  	v50 =	vsel vm11, $0x800, v2;
	v2 =	vunpack.c.l.s4.s8 v52;
	v35 =	vsel vm14, $0x2380, v35  }
0x43: {  	[tilespmem:$0x1FC40] =	vst v44;
	v44 =	vimm.s32 $0x3B80;
	v48 =	vsel vm14, $0x3200, v48;
	v52 =	vimm.s32 $0x3380  }
0x44: {  	v0 =	vsel vm2, $0xB00, v0;
	v1 =	vsel vm6, $0x980, v1;
	v51 =	vunpack.c.0.s8.s32 v3  }
0x45: {  	v3 =	vunpack.c.l.s4.s8 v53;
	v44 =	vsel vm14, $0x3000, v44;
	v53 =	vimm.s32 $0x3800  }
0x46: {  	v52 =	vsel vm14, $0x3800, v52;
	v1 =	vsel vm5, $0xA00, v1;
	v2 =	vunpack.c.0.s8.s32 v2  }
0x47: {  	v0 =	vsel vm1, $0xB80, v0;
	v1 =	vsel vm4, $0xA80, v1;
	v3 =	vunpack.c.0.s8.s32 v3  }
0x48: {  	v53 =	vsel vm14, $0x3880, v53;
	v0 =	vsel vm0, $0x0, v0;
	v1 =	vsel vm3, $0xB00, v1;
	[tilespmem:$0x1F7C0] =	vst v2  }
0x49: {  	v1 =	vsel vm2, $0xB80, v1;
	[tilespmem:$0x1F7D0] =	vst v3;
	v2 =	vcombine.low v3, v2;
	v3 =	vunpack.c.l.s4.s8 v59  }
0x4a: {  	v59 =	vimm.s32 $0x3B00;
	v42 =	vsel vm1, $0x0, v1;
	v1 =	vunpack.c.l.s4.s8 v46  }
0x4b: {  	[tilespmem:$0x1FC20] =	vst v0;
	v46 =	vimm.s32 $0x3080;
	v59 =	vsel vm14, $0x3B80, v59;
	v0 =	vsel vm0, $0x80, v42  }
0x4c: {  	v2 =	vand.u32 $0xF, v2;
	v3 =	vunpack.c.0.s8.s32 v3;
	v42 =	vimm.s32 $0x2A80  }
0x4d: {  	v46 =	vsel vm14, $0x3100, v46;
	[tilespmem:$0x1F790] =	vst v0;
	v0 =	vsel vm9, $0x880, v45;
	v49 =	vunpack.c.0.s8.s32 v1  }
0x4e: {  	v1 =	vsel vm10, $0x880, v50;
	v42 =	vsel vm14, $0x2B00, v42;
	v45 =	vimm.s32 $0x3000  }
0x4f: {  	v50 =	vimm.s32 $0x3280;
	v0 =	vsel vm7, $0x900, v0;
	v1 =	vsel vm9, $0x900, v1  }
0x50: {  	v3 =	vand.u32 $0xF, v3;
	v45 =	vsel vm14, $0x3080, v45;
	v50 =	vsel vm14, $0x3300, v50  }
0x51: {  	v0 =	vsel vm8, $0x980, v0;
	v1 =	vsel vm7, $0x980, v1;
	v4 =	vcombine.low v51, v49  }
0x52: {  	[tilespmem:$0x1F7A0] =	vst v49;
	v3 =	vcombine.low v3, v5;
	v5 =	vsel vm14, $0x880, v63;
	v49 =	vimm.s32 $0x3200  }
0x53: {  	[tilespmem:$0x1F7B0] =	vst v51;
	v51 =	vimm.s32 $0x3300;
	v0 =	vsel vm6, $0xA00, v0;
	v1 =	vsel vm8, $0xA00, v1  }
0x54: {  	v49 =	vsel vm14, $0x3280, v49;
	v51 =	vsel vm14, $0x3380, v51;
	v0 =	vsel vm5, $0xA80, v0  }
0x55: {  	v1 =	vsel vm6, $0xA80, v1;
	v4 =	vand.u32 $0xF, v4;
	[tilespmem:$0x1FCD0] =	vst v3;
	v3 =	vsel vm14, $0x800, v62  }
0x56: {  	v0 =	vsel vm4, $0xB00, v0;
	[tilespmem:$0x1FC70] =	vst v4;
	v1 =	vsel vm5, $0xB00, v1;
	v4 =	vsel vm14, $0x380, v60  }
0x57: {  	v60 =	vimm.s32 $0xDCBA9876;
	v3 =	vsel vm13, $0x880, v3;
	v0 =	vsel vm3, $0xB80, v0  }
0x58: {  	v1 =	vsel vm4, $0xB80, v1;
	v4 =	vsel vm13, $0x800, v4;
	v60 =	vunpack.c.l.s4.s8 v60  }
0x59: {  	v0 =	vsel vm2, $0x0, v0;
	v54 =	vsel vm3, $0x0, v1;
	v1 =	vsel vm14, $0x300, v55  }
0x5a: {  	v4 =	vsel vm12, $0x880, v4;
	v55 =	vimm.s32 $0x3900;
	v0 =	vsel vm1, $0x80, v0  }
0x5b: {  	v57 =	vsel vm13, $0x380, v1;
	v1 =	vunpack.c.l.s4.s8 v56;
	v4 =	vsel vm11, $0x900, v4  }
0x5c: {  	v56 =	vimm.s32 $0x3980;
	v55 =	vsel vm14, $0x3980, v55;
	v60 =	vunpack.c.0.s8.s32 v60  }
0x5d: {  	v0 =	vsel vm0, $0x100, v0;
	v58 =	vsel vm12, $0x800, v57;
	v56 =	vsel vm14, $0x3A00, v56  }
0x5e: {  	v57 =	vimm.s32 $0x3A00;
	v4 =	vsel vm10, $0x980, v4;
	[tilespmem:$0x1FC90] =	vst v0;
	v0 =	vsel vm2, $0x80, v54  }
0x5f: {  	[tilespmem:$0x1FCB0] =	vst v2;
	v2 =	vsel vm11, $0x880, v58;
	v54 =	vimm.s32 $0x3880;
	v57 =	vsel vm14, $0x3A80, v57  }
0x60: {  	v58 =	vimm.s32 $0x3A80;
	v61 =	vunpack.c.0.s8.s32 v1;
	v2 =	vsel vm10, $0x900, v2  }
0x61: {  	v4 =	vsel vm9, $0xA00, v4;
	v0 =	vsel vm1, $0x100, v0;
	v2 =	vsel vm9, $0x980, v2  }
0x62: {  	v54 =	vsel vm14, $0x3900, v54;
	v63 =	vcombine.low v60, v61;
	v2 =	vsel vm7, $0xA00, v2  }
0x63: {  	v58 =	vsel vm14, $0x3B00, v58;
	v0 =	vsel vm0, $0x180, v0;
	v2 =	vsel vm8, $0xA80, v2  }
0x64: {  	v62 =	vand.u32 $0xF, v63;
	v1 =	vsel vm6, $0xB00, v2;
	v2 =	vsel vm7, $0xA80, v4  }
0x65: {  	v4 =	vsel vm13, $0x900, v5;
	v5 =	vsel vm13, $0x980, v6;
	v6 =	vsel vm13, $0xA00, v7  }
0x66: {  	v7 =	vsel vm13, $0xA80, v8;
	v8 =	vsel vm13, $0xB00, v9;
	v9 =	vsel vm13, $0xB80, v10  }
0x67: {  	v10 =	vsel vm13, $0x0, v11;
	v11 =	vsel vm13, $0x1080, v12;
	v12 =	vsel vm13, $0x1100, v13  }
0x68: {  	v13 =	vsel vm13, $0x1180, v14;
	v14 =	vsel vm13, $0x1200, v15;
	v15 =	vsel vm13, $0x1280, v16  }
0x69: {  	v16 =	vsel vm13, $0x1300, v17;
	v17 =	vsel vm13, $0x1380, v18;
	v18 =	vsel vm13, $0x1800, v19  }
0x6a: {  	v19 =	vsel vm13, $0x1880, v20;
	v20 =	vsel vm13, $0x1900, v21;
	v21 =	vsel vm13, $0x1980, v22  }
0x6b: {  	v22 =	vsel vm13, $0x1A00, v23;
	v23 =	vsel vm13, $0x1A80, v24;
	v24 =	vsel vm13, $0x1B00, v25  }
0x6c: {  	v25 =	vsel vm13, $0x1B80, v26;
	v26 =	vsel vm13, $0x1000, v27;
	v27 =	vsel vm13, $0x2080, v28  }
0x6d: {  	v28 =	vsel vm13, $0x2100, v29;
	v29 =	vsel vm13, $0x2180, v30;
	v30 =	vsel vm13, $0x2200, v31  }
0x6e: {  	v31 =	vsel vm13, $0x2280, v32;
	v32 =	vsel vm13, $0x2300, v33;
	v33 =	vsel vm13, $0x2380, v34  }
0x6f: {  	v34 =	vsel vm13, $0x2800, v35;
	v35 =	vsel vm13, $0x2880, v36;
	v36 =	vsel vm13, $0x2900, v37  }
0x70: {  	v37 =	vsel vm13, $0x2980, v38;
	v38 =	vsel vm13, $0x2A00, v39;
	v39 =	vsel vm13, $0x2A80, v40  }
0x71: {  	v40 =	vsel vm13, $0x2B00, v41;
	v41 =	vsel vm13, $0x2B80, v42;
	v42 =	vsel vm13, $0x2000, v43  }
0x72: {  	v43 =	vsel vm13, $0x3080, v44;
	v44 =	vsel vm13, $0x3100, v45;
	v45 =	vsel vm13, $0x3180, v46  }
0x73: {  	v46 =	vsel vm13, $0x3200, v47;
	v47 =	vsel vm13, $0x3280, v48;
	v48 =	vsel vm13, $0x3300, v49  }
0x74: {  	v49 =	vsel vm13, $0x3380, v50;
	v50 =	vsel vm13, $0x3800, v51;
	v51 =	vsel vm13, $0x3880, v52  }
0x75: {  	v52 =	vsel vm13, $0x3900, v53;
	v53 =	vsel vm13, $0x3980, v54;
	v54 =	vsel vm13, $0x3A00, v55  }
0x76: {  	v55 =	vsel vm13, $0x3A80, v56;
	v56 =	vsel vm13, $0x3B00, v57;
	v57 =	vsel vm13, $0x3B80, v58  }
0x77: {  	v58 =	vsel vm13, $0x3000, v59;
	[tilespmem:$0x1F800] =	vst v62;
	v62 =	vimm.s32 $0x6543210F;
	v1 =	vsel vm5, $0xB80, v1  }
0x78: {  	[tilespmem:$0x1F7E0] =	vst v61;
	v61 =	vsel vm8, $0xB00, v2;
	v2 =	vsel vm12, $0x900, v3;
	v3 =	vsel vm12, $0x980, v4  }
0x79: {  	v4 =	vsel vm12, $0xA00, v5;
	v5 =	vsel vm12, $0xA80, v6;
	v6 =	vsel vm12, $0xB00, v7  }
0x7a: {  	v7 =	vsel vm12, $0xB80, v8;
	v8 =	vsel vm12, $0x0, v9;
	v9 =	vsel vm12, $0x80, v10  }
0x7b: {  	v10 =	vsel vm12, $0x1100, v11;
	v11 =	vsel vm12, $0x1180, v12;
	v12 =	vsel vm12, $0x1200, v13  }
0x7c: {  	v13 =	vsel vm12, $0x1280, v14;
	v14 =	vsel vm12, $0x1300, v15;
	v15 =	vsel vm12, $0x1380, v16  }
0x7d: {  	v16 =	vsel vm12, $0x1800, v17;
	v17 =	vsel vm12, $0x1880, v18;
	v18 =	vsel vm12, $0x1900, v19  }
0x7e: {  	v19 =	vsel vm12, $0x1980, v20;
	v20 =	vsel vm12, $0x1A00, v21;
	v21 =	vsel vm12, $0x1A80, v22  }
0x7f: {  	v22 =	vsel vm12, $0x1B00, v23;
	v23 =	vsel vm12, $0x1B80, v24;
	v24 =	vsel vm12, $0x1000, v25  }
0x80: {  	v25 =	vsel vm12, $0x1080, v26;
	v26 =	vsel vm12, $0x2100, v27;
	v27 =	vsel vm12, $0x2180, v28  }
0x81: {  	v28 =	vsel vm12, $0x2200, v29;
	v29 =	vsel vm12, $0x2280, v30;
	v30 =	vsel vm12, $0x2300, v31  }
0x82: {  	v31 =	vsel vm12, $0x2380, v32;
	v32 =	vsel vm12, $0x2800, v33;
	v33 =	vsel vm12, $0x2880, v34  }
0x83: {  	v34 =	vsel vm12, $0x2900, v35;
	v35 =	vsel vm12, $0x2980, v36;
	v36 =	vsel vm12, $0x2A00, v37  }
0x84: {  	v37 =	vsel vm12, $0x2A80, v38;
	v38 =	vsel vm12, $0x2B00, v39;
	v39 =	vsel vm12, $0x2B80, v40  }
0x85: {  	v40 =	vsel vm12, $0x2000, v41;
	v41 =	vsel vm12, $0x2080, v42;
	v42 =	vsel vm12, $0x3100, v43  }
0x86: {  	v43 =	vsel vm12, $0x3180, v44;
	v44 =	vsel vm12, $0x3200, v45;
	v45 =	vsel vm12, $0x3280, v46  }
0x87: {  	v46 =	vsel vm12, $0x3300, v47;
	v47 =	vsel vm12, $0x3380, v48;
	v48 =	vsel vm12, $0x3800, v49  }
0x88: {  	v49 =	vsel vm12, $0x3880, v50;
	v63 =	vsel vm12, $0x3900, v51;
	v51 =	vsel vm12, $0x3980, v52  }
0x89: {  	v52 =	vsel vm12, $0x3A00, v53;
	v53 =	vsel vm12, $0x3A80, v54;
	v54 =	vsel vm12, $0x3B00, v55  }
0x8a: {  	[tilespmem:$0x1F7F0] =	vst v60;
	v55 =	vsel vm12, $0x3B80, v56;
	v60 =	vsel vm4, $0x0, v1;
	v1 =	vsel vm6, $0xB80, v61  }
0x8b: {  	v61 =	vsel vm12, $0x3080, v58;
	v58 =	vunpack.c.l.s4.s8 v62;
	v2 =	vsel vm11, $0x980, v2  }
0x8c: {  	v3 =	vsel vm11, $0xA00, v3;
	v4 =	vsel vm11, $0xA80, v4;
	v5 =	vsel vm11, $0xB00, v5  }
0x8d: {  	v6 =	vsel vm11, $0xB80, v6;
	v7 =	vsel vm11, $0x0, v7;
	v8 =	vsel vm11, $0x80, v8  }
0x8e: {  	v9 =	vsel vm11, $0x100, v9;
	v10 =	vsel vm11, $0x1180, v10;
	v11 =	vsel vm11, $0x1200, v11  }
0x8f: {  	v12 =	vsel vm11, $0x1280, v12;
	v13 =	vsel vm11, $0x1300, v13;
	v14 =	vsel vm11, $0x1380, v14  }
0x90: {  	v15 =	vsel vm11, $0x1800, v15;
	v16 =	vsel vm11, $0x1880, v16;
	v17 =	vsel vm11, $0x1900, v17  }
0x91: {  	v18 =	vsel vm11, $0x1980, v18;
	v19 =	vsel vm11, $0x1A00, v19;
	v20 =	vsel vm11, $0x1A80, v20  }
0x92: {  	v21 =	vsel vm11, $0x1B00, v21;
	v22 =	vsel vm11, $0x1B80, v22;
	v23 =	vsel vm11, $0x1000, v23  }
0x93: {  	v24 =	vsel vm11, $0x1080, v24;
	v25 =	vsel vm11, $0x1100, v25;
	v26 =	vsel vm11, $0x2180, v26  }
0x94: {  	v27 =	vsel vm11, $0x2200, v27;
	v28 =	vsel vm11, $0x2280, v28;
	v29 =	vsel vm11, $0x2300, v29  }
0x95: {  	v30 =	vsel vm11, $0x2380, v30;
	v31 =	vsel vm11, $0x2800, v31;
	v32 =	vsel vm11, $0x2880, v32  }
0x96: {  	v33 =	vsel vm11, $0x2900, v33;
	v34 =	vsel vm11, $0x2980, v34;
	v35 =	vsel vm11, $0x2A00, v35  }
0x97: {  	v36 =	vsel vm11, $0x2A80, v36;
	v37 =	vsel vm11, $0x2B00, v37;
	v38 =	vsel vm11, $0x2B80, v38  }
0x98: {  	v39 =	vsel vm11, $0x2000, v39;
	v40 =	vsel vm11, $0x2080, v40;
	v41 =	vsel vm11, $0x2100, v41  }
0x99: {  	v42 =	vsel vm11, $0x3180, v42;
	v43 =	vsel vm11, $0x3200, v43;
	v44 =	vsel vm11, $0x3280, v44  }
0x9a: {  	v45 =	vsel vm11, $0x3300, v45;
	v59 =	vsel vm11, $0x3380, v46;
	v47 =	vsel vm11, $0x3800, v47  }
0x9b: {  	v48 =	vsel vm11, $0x3880, v48;
	v49 =	vsel vm11, $0x3900, v49;
	v63 =	vsel vm11, $0x3980, v63  }
0x9c: {  	v50 =	vsel vm11, $0x3A00, v51;
	v52 =	vsel vm11, $0x3A80, v52;
	v53 =	vsel vm11, $0x3B00, v53  }
0x9d: {  	v54 =	vsel vm11, $0x3B80, v54;
	v55 =	vsel vm11, $0x3000, v55;
	v51 =	vimm.s32 $0xEDCBA987  }
0x9e: {  	[tilespmem:$0x1FD10] =	vst v0;
	v0 =	vsel vm3, $0x80, v60;
	v60 =	vsel vm12, $0x3000, v57;
	v1 =	vsel vm5, $0x0, v1  }
0x9f: {  	v57 =	vsel vm11, $0x3100, v61;
	v62 =	vunpack.c.l.s4.s8 v51;
	v2 =	vsel vm10, $0xA00, v2  }
0xa0: {  	v46 =	vsel vm10, $0x1280, v11;
	v11 =	vsel vm10, $0x1800, v14;
	v14 =	vsel vm10, $0x1980, v17  }
0xa1: {  	[tilespmem:$0x1F810] =	vst v63;
	v17 =	vsel vm10, $0x2380, v29;
	v29 =	vsel vm10, $0x2180, v41;
	v41 =	vsel vm10, $0x3B80, v53  }
0xa2: {  	[tilespmem:$0x1F820] =	vst v50;
	v0 =	vsel vm2, $0x100, v0;
	v56 =	vsel vm11, $0x3080, v60;
	v1 =	vsel vm4, $0x80, v1  }
0xa3: {  	v50 =	vunpack.c.0.s8.s32 v58;
	v63 =	vsel vm9, $0xA80, v2;
	v2 =	vsel vm10, $0x80, v7;
	[tilespmem:$0x1F930] =	vst v11  }
0xa4: {  	[tilespmem:$0x1F960] =	vst v14;
	v7 =	vsel vm10, $0x1A80, v19;
	v11 =	vsel vm10, $0x1080, v23;
	v14 =	vsel vm10, $0x2200, v26  }
0xa5: {  	v19 =	vsel vm10, $0x2880, v31;
	v23 =	vsel vm10, $0x2A80, v35;
	v26 =	vsel vm10, $0x2000, v38  }
0xa6: {  	v31 =	vsel vm10, $0x3280, v43;
	v35 =	vsel vm10, $0x3880, v47;
	v43 =	vsel vm10, $0x3080, v55  }
0xa7: {  	v17 =	vsel vm9, $0x2800, v17;
	v29 =	vsel vm9, $0x2200, v29;
	v41 =	vsel vm9, $0x3000, v41  }
0xa8: {  	v60 =	vsel vm1, $0x180, v0;
	v1 =	vsel vm3, $0x100, v1;
	v51 =	vunpack.c.0.s8.s32 v62  }
0xa9: {  	v61 =	vsel vm7, $0xB00, v63;
	v62 =	vsel vm10, $0xA80, v3;
	v63 =	vsel vm10, $0xB00, v4  }
0xaa: {  	v0 =	vsel vm10, $0xB80, v5;
	v3 =	vsel vm10, $0x100, v8;
	v4 =	vsel vm10, $0x180, v9  }
0xab: {  	v5 =	vsel vm10, $0x1200, v10;
	v9 =	vsel vm10, $0x1300, v12;
	v10 =	vsel vm10, $0x1380, v13  }
0xac: {  	v12 =	vsel vm10, $0x1880, v15;
	v13 =	vsel vm10, $0x1900, v16;
	v8 =	vsel vm10, $0x1B00, v20  }
0xad: {  	v15 =	vsel vm10, $0x2280, v27;
	v16 =	vsel vm10, $0x2300, v28;
	v20 =	vsel vm10, $0x2900, v32  }
0xae: {  	v27 =	vsel vm10, $0x2080, v39;
	v28 =	vsel vm10, $0x2100, v40;
	v32 =	vsel vm10, $0x3300, v44  }
0xaf: {  	v40 =	vsel vm10, $0x3B00, v52;
	v44 =	vsel vm10, $0x3100, v56;
	v2 =	vsel vm9, $0x100, v2  }
0xb0: {  	v7 =	vsel vm9, $0x1B00, v7;
	v11 =	vsel vm9, $0x1100, v11;
	v14 =	vsel vm9, $0x2280, v14  }
0xb1: {  	v19 =	vsel vm9, $0x2900, v19;
	v23 =	vsel vm9, $0x2B00, v23;
	v26 =	vsel vm9, $0x2080, v26  }
0xb2: {  	v31 =	vsel vm9, $0x3300, v31;
	v35 =	vsel vm9, $0x3900, v35;
	v43 =	vsel vm9, $0x3100, v43  }
0xb3: {  	v17 =	vsel vm7, $0x2880, v17;
	v29 =	vsel vm7, $0x2280, v29;
	v41 =	vsel vm7, $0x3080, v41;
	[tilespmem:$0x1F910] =	vst v9  }
0xb4: {  	v58 =	vsel vm2, $0x180, v1;
	v1 =	vsel vm10, $0x0, v6;
	[tilespmem:$0x1F920] =	vst v10;
	v6 =	vsel vm10, $0x1A00, v18  }
0xb5: {  	[tilespmem:$0x1F940] =	vst v12;
	v9 =	vsel vm10, $0x1B80, v21;
	v10 =	vsel vm10, $0x1000, v22;
	v12 =	vsel vm10, $0x1100, v24  }
0xb6: {  	[tilespmem:$0x1F950] =	vst v13;
	v13 =	vsel vm10, $0x1180, v25;
	v18 =	vsel vm10, $0x2800, v30;
	v21 =	vsel vm10, $0x2980, v33  }
0xb7: {  	v22 =	vsel vm10, $0x2A00, v34;
	v24 =	vsel vm10, $0x2B00, v36;
	v25 =	vsel vm10, $0x2B80, v37  }
0xb8: {  	v30 =	vsel vm10, $0x3200, v42;
	v33 =	vsel vm10, $0x3380, v45;
	v34 =	vsel vm10, $0x3800, v59  }
0xb9: {  	v36 =	vsel vm10, $0x3900, v48;
	v37 =	vsel vm10, $0x3980, v49;
	v42 =	vsel vm10, $0x3000, v54  }
0xba: {  	v45 =	vsel vm10, $0x3180, v57;
	v59 =	vsel vm0, $0x200, v60;
	v61 =	vsel vm8, $0xB80, v61  }
0xbb: {  	v54 =	vsel vm9, $0xB00, v62;
	v55 =	vsel vm9, $0xB80, v63;
	v0 =	vsel vm9, $0x0, v0  }
0xbc: {  	v2 =	vsel vm7, $0x180, v2;
	v8 =	vsel vm9, $0x1B80, v8;
	v15 =	vsel vm9, $0x2300, v15  }
0xbd: {  	v16 =	vsel vm9, $0x2380, v16;
	v20 =	vsel vm9, $0x2980, v20;
	v27 =	vsel vm9, $0x2100, v27  }
0xbe: {  	v32 =	vsel vm9, $0x3380, v32;
	v40 =	vsel vm9, $0x3B80, v40;
	v44 =	vsel vm9, $0x3180, v44  }
0xbf: {  	v7 =	vsel vm7, $0x1B80, v7;
	v11 =	vsel vm7, $0x1180, v11;
	v14 =	vsel vm7, $0x2300, v14  }
0xc0: {  	v17 =	vsel vm8, $0x2900, v17;
	v19 =	vsel vm7, $0x2980, v19;
	v23 =	vsel vm7, $0x2B80, v23  }
0xc1: {  	v26 =	vsel vm7, $0x2100, v26;
	v29 =	vsel vm8, $0x2300, v29;
	v31 =	vsel vm7, $0x3380, v31  }
0xc2: {  	v35 =	vsel vm7, $0x3980, v35;
	v41 =	vsel vm8, $0x3100, v41;
	v43 =	vsel vm7, $0x3180, v43  }
0xc3: {  	v57 =	vcombine.low v51, v50;
	v60 =	vsel vm1, $0x200, v58;
	v53 =	vsel vm6, $0x0, v61  }
0xc4: {  	v0 =	vsel vm7, $0x80, v0;
	v1 =	vsel vm9, $0x80, v1;
	v2 =	vsel vm8, $0x200, v2  }
0xc5: {  	[tilespmem:$0x1F840] =	vst v51;
	v61 =	vsel vm9, $0x180, v3;
	v51 =	vsel vm9, $0x1300, v46;
	v6 =	vsel vm9, $0x1A80, v6  }
0xc6: {  	v9 =	vsel vm9, $0x1000, v9;
	v10 =	vsel vm9, $0x1080, v10;
	v12 =	vsel vm9, $0x1180, v12  }
0xc7: {  	v13 =	vsel vm9, $0x1200, v13;
	v18 =	vsel vm9, $0x2880, v18;
	v21 =	vsel vm9, $0x2A00, v21  }
0xc8: {  	v22 =	vsel vm9, $0x2A80, v22;
	v24 =	vsel vm9, $0x2B80, v24;
	v25 =	vsel vm9, $0x2000, v25  }
0xc9: {  	v33 =	vsel vm9, $0x3800, v33;
	v34 =	vsel vm9, $0x3880, v34;
	v36 =	vsel vm9, $0x3980, v36  }
0xca: {  	v37 =	vsel vm9, $0x3A00, v37;
	v42 =	vsel vm9, $0x3080, v42;
	v45 =	vsel vm9, $0x3200, v45  }
0xcb: {  	v8 =	vsel vm7, $0x1000, v8;
	v7 =	vsel vm8, $0x1000, v7;
	v11 =	vsel vm8, $0x1200, v11  }
0xcc: {  	v14 =	vsel vm8, $0x2380, v14;
	v15 =	vsel vm7, $0x2380, v15;
	v16 =	vsel vm7, $0x2800, v16  }
0xcd: {  	v20 =	vsel vm7, $0x2A00, v20;
	v19 =	vsel vm8, $0x2A00, v19;
	v23 =	vsel vm8, $0x2000, v23  }
0xce: {  	v26 =	vsel vm8, $0x2180, v26;
	v27 =	vsel vm7, $0x2180, v27;
	v32 =	vsel vm7, $0x3800, v32  }
0xcf: {  	v31 =	vsel vm8, $0x3800, v31;
	v35 =	vsel vm8, $0x3A00, v35;
	v40 =	vsel vm7, $0x3000, v40  }
0xd0: {  	v44 =	vsel vm7, $0x3200, v44;
	v43 =	vsel vm8, $0x3200, v43;
	v17 =	vsel vm6, $0x2980, v17  }
0xd1: {  	v41 =	vsel vm6, $0x3180, v41;
	v52 =	vsel vm0, $0x280, v60;
	v0 =	vsel vm8, $0x100, v0  }
0xd2: {  	v1 =	vsel vm7, $0x100, v1;
	v2 =	vsel vm6, $0x280, v2;
	v6 =	vsel vm7, $0x1B00, v6  }
0xd3: {  	v8 =	vsel vm8, $0x1080, v8;
	v9 =	vsel vm7, $0x1080, v9;
	v10 =	vsel vm7, $0x1100, v10  }
0xd4: {  	v12 =	vsel vm7, $0x1200, v12;
	v13 =	vsel vm7, $0x1280, v13;
	v15 =	vsel vm8, $0x2800, v15  }
0xd5: {  	v16 =	vsel vm8, $0x2880, v16;
	v18 =	vsel vm7, $0x2900, v18;
	v20 =	vsel vm8, $0x2A80, v20  }
0xd6: {  	v21 =	vsel vm7, $0x2A80, v21;
	v22 =	vsel vm7, $0x2B00, v22;
	v24 =	vsel vm7, $0x2000, v24  }
0xd7: {  	v25 =	vsel vm7, $0x2080, v25;
	v27 =	vsel vm8, $0x2200, v27;
	v32 =	vsel vm8, $0x3880, v32  }
0xd8: {  	v33 =	vsel vm7, $0x3880, v33;
	v34 =	vsel vm7, $0x3900, v34;
	v36 =	vsel vm7, $0x3A00, v36  }
0xd9: {  	v37 =	vsel vm7, $0x3A80, v37;
	v40 =	vsel vm8, $0x3080, v40;
	v42 =	vsel vm7, $0x3100, v42  }
0xda: {  	v44 =	vsel vm8, $0x3280, v44;
	v45 =	vsel vm7, $0x3280, v45;
	v7 =	vsel vm6, $0x1080, v7  }
0xdb: {  	v11 =	vsel vm6, $0x1280, v11;
	v14 =	vsel vm6, $0x2800, v14;
	v19 =	vsel vm6, $0x2A80, v19  }
0xdc: {  	v23 =	vsel vm6, $0x2080, v23;
	v26 =	vsel vm6, $0x2200, v26;
	v31 =	vsel vm6, $0x3880, v31  }
0xdd: {  	v35 =	vsel vm6, $0x3A80, v35;
	v43 =	vsel vm6, $0x3280, v43;
	v17 =	vsel vm5, $0x2A00, v17  }
0xde: {  	v41 =	vsel vm5, $0x3200, v41;
	v47 =	vand.u32 $0xF, v57;
	v0 =	vsel vm6, $0x180, v0  }
0xdf: {  	v1 =	vsel vm8, $0x180, v1;
	v2 =	vsel vm5, $0x300, v2;
	v6 =	vsel vm8, $0x1B80, v6  }
0xe0: {  	v9 =	vsel vm8, $0x1100, v9;
	v10 =	vsel vm8, $0x1180, v10;
	v12 =	vsel vm8, $0x1280, v12  }
0xe1: {  	v13 =	vsel vm8, $0x1300, v13;
	v18 =	vsel vm8, $0x2980, v18;
	v21 =	vsel vm8, $0x2B00, v21  }
0xe2: {  	v22 =	vsel vm8, $0x2B80, v22;
	v24 =	vsel vm8, $0x2080, v24;
	v25 =	vsel vm8, $0x2100, v25  }
0xe3: {  	v33 =	vsel vm8, $0x3900, v33;
	v34 =	vsel vm8, $0x3980, v34;
	v36 =	vsel vm8, $0x3A80, v36  }
0xe4: {  	v37 =	vsel vm8, $0x3B00, v37;
	v42 =	vsel vm8, $0x3180, v42;
	v45 =	vsel vm8, $0x3300, v45  }
0xe5: {  	v8 =	vsel vm6, $0x1100, v8;
	v15 =	vsel vm6, $0x2880, v15;
	v16 =	vsel vm6, $0x2900, v16  }
0xe6: {  	v20 =	vsel vm6, $0x2B00, v20;
	v27 =	vsel vm6, $0x2280, v27;
	v32 =	vsel vm6, $0x3900, v32  }
0xe7: {  	v40 =	vsel vm6, $0x3100, v40;
	v44 =	vsel vm6, $0x3300, v44;
	v7 =	vsel vm5, $0x1100, v7  }
0xe8: {  	v11 =	vsel vm5, $0x1300, v11;
	v14 =	vsel vm5, $0x2880, v14;
	v19 =	vsel vm5, $0x2B00, v19  }
0xe9: {  	v23 =	vsel vm5, $0x2100, v23;
	v26 =	vsel vm5, $0x2280, v26;
	v31 =	vsel vm5, $0x3900, v31  }
0xea: {  	v35 =	vsel vm5, $0x3B00, v35;
	v43 =	vsel vm5, $0x3300, v43;
	v17 =	vsel vm4, $0x2A80, v17  }
0xeb: {  	v41 =	vsel vm4, $0x3280, v41;
	[tilespmem:$0x1F860] =	vst v47;
	v47 =	vsel vm5, $0x80, v53;
	v0 =	vsel vm5, $0x200, v0  }
0xec: {  	v1 =	vsel vm6, $0x200, v1;
	v60 =	vsel vm4, $0x380, v2;
	v2 =	vsel vm7, $0x200, v61  }
0xed: {  	v61 =	vimm.s32 $0x101F1E1D;
	v6 =	vsel vm6, $0x1000, v6;
	v9 =	vsel vm6, $0x1180, v9  }
0xee: {  	v10 =	vsel vm6, $0x1200, v10;
	v12 =	vsel vm6, $0x1300, v12;
	v13 =	vsel vm6, $0x1380, v13  }
0xef: {  	v18 =	vsel vm6, $0x2A00, v18;
	v21 =	vsel vm6, $0x2B80, v21;
	v22 =	vsel vm6, $0x2000, v22  }
0xf0: {  	v24 =	vsel vm6, $0x2100, v24;
	v25 =	vsel vm6, $0x2180, v25;
	v33 =	vsel vm6, $0x3980, v33  }
0xf1: {  	v34 =	vsel vm6, $0x3A00, v34;
	v36 =	vsel vm6, $0x3B00, v36;
	v37 =	vsel vm6, $0x3B80, v37  }
0xf2: {  	v42 =	vsel vm6, $0x3200, v42;
	v45 =	vsel vm6, $0x3380, v45;
	v8 =	vsel vm5, $0x1180, v8  }
0xf3: {  	v48 =	vld [tilespmem:$0x1F810];
	v15 =	vsel vm5, $0x2900, v15;
	v16 =	vsel vm5, $0x2980, v16;
	v20 =	vsel vm5, $0x2B80, v20  }
0xf4: {  	v49 =	vld [tilespmem:$0x1F820];
	v27 =	vsel vm5, $0x2300, v27;
	v32 =	vsel vm5, $0x3980, v32;
	v40 =	vsel vm5, $0x3180, v40  }
0xf5: {  	v44 =	vsel vm5, $0x3380, v44;
	v7 =	vsel vm4, $0x1180, v7;
	v11 =	vsel vm4, $0x1380, v11  }
0xf6: {  	v14 =	vsel vm4, $0x2900, v14;
	v19 =	vsel vm4, $0x2B80, v19;
	v23 =	vsel vm4, $0x2180, v23  }
0xf7: {  	v26 =	vsel vm4, $0x2300, v26;
	v31 =	vsel vm4, $0x3980, v31;
	v35 =	vsel vm4, $0x3B80, v35  }
0xf8: {  	v43 =	vsel vm4, $0x3380, v43;
	v17 =	vsel vm3, $0x2B00, v17;
	v41 =	vsel vm3, $0x3300, v41  }
0xf9: {  	v38 =	vsel vm10, $0x3A00, v48;
	v39 =	vsel vm10, $0x3A80, v49;
	v47 =	vsel vm4, $0x100, v47  }
0xfa: {  	v48 =	vsel vm7, $0xB80, v54;
	v49 =	vsel vm7, $0x0, v55;
	v0 =	vsel vm4, $0x280, v0  }
0xfb: {  	v1 =	vsel vm5, $0x280, v1;
	v2 =	vsel vm8, $0x280, v2;
	v6 =	vsel vm5, $0x1080, v6  }
0xfc: {  	v9 =	vsel vm5, $0x1200, v9;
	v10 =	vsel vm5, $0x1280, v10;
	v12 =	vsel vm5, $0x1380, v12  }
0xfd: {  	v13 =	vsel vm5, $0x1800, v13;
	v18 =	vsel vm5, $0x2A80, v18;
	v21 =	vsel vm5, $0x2000, v21  }
0xfe: {  	v22 =	vsel vm5, $0x2080, v22;
	v24 =	vsel vm5, $0x2180, v24;
	v25 =	vsel vm5, $0x2200, v25  }
0xff: {  	v33 =	vsel vm5, $0x3A00, v33;
	v34 =	vsel vm5, $0x3A80, v34;
	v36 =	vsel vm5, $0x3B80, v36  }
0x100: {  	v37 =	vsel vm5, $0x3000, v37;
	v42 =	vsel vm5, $0x3280, v42;
	v8 =	vsel vm4, $0x1200, v8  }
0x101: {  	v15 =	vsel vm4, $0x2980, v15;
	v16 =	vsel vm4, $0x2A00, v16;
	v20 =	vsel vm4, $0x2000, v20  }
0x102: {  	v32 =	vsel vm4, $0x3A00, v32;
	v40 =	vsel vm4, $0x3200, v40;
	v7 =	vsel vm3, $0x1200, v7  }
0x103: {  	v11 =	vsel vm3, $0x1800, v11;
	v14 =	vsel vm3, $0x2980, v14;
	v19 =	vsel vm3, $0x2000, v19  }
0x104: {  	v23 =	vsel vm3, $0x2200, v23;
	v26 =	vsel vm3, $0x2380, v26;
	v35 =	vsel vm3, $0x3000, v35  }
0x105: {  	v43 =	vsel vm3, $0x3800, v43;
	v17 =	vsel vm2, $0x2B80, v17;
	v41 =	vsel vm2, $0x3380, v41  }
0x106: {  	v47 =	vsel vm3, $0x180, v47;
	v48 =	vsel vm8, $0x0, v48;
	v49 =	vsel vm8, $0x80, v49  }
0x107: {  	[tilespmem:$0x1F850] =	vst v59;
	v0 =	vsel vm3, $0x300, v0;
	v59 =	vsel vm4, $0x300, v1;
	v1 =	vsel vm3, $0x800, v60  }
0x108: {  	v63 =	vsel vm6, $0x300, v2;
	v38 =	vsel vm9, $0x3A80, v38;
	v39 =	vsel vm9, $0x3B00, v39  }
0x109: {  	v60 =	vimm.s32 $0x1C1B1A19;
	v6 =	vsel vm4, $0x1100, v6;
	v9 =	vsel vm4, $0x1280, v9  }
0x10a: {  	v10 =	vsel vm4, $0x1300, v10;
	v12 =	vsel vm4, $0x1800, v12;
	v13 =	vsel vm4, $0x1880, v13  }
0x10b: {  	v18 =	vsel vm4, $0x2B00, v18;
	v21 =	vsel vm4, $0x2080, v21;
	v22 =	vsel vm4, $0x2100, v22  }
0x10c: {  	v24 =	vsel vm4, $0x2200, v24;
	v25 =	vsel vm4, $0x2280, v25;
	v33 =	vsel vm4, $0x3A80, v33  }
0x10d: {  	v34 =	vsel vm4, $0x3B00, v34;
	v36 =	vsel vm4, $0x3000, v36;
	v37 =	vsel vm4, $0x3080, v37  }
0x10e: {  	v42 =	vsel vm4, $0x3300, v42;
	v8 =	vsel vm3, $0x1280, v8;
	v15 =	vsel vm3, $0x2A00, v15  }
0x10f: {  	v16 =	vsel vm3, $0x2A80, v16;
	v20 =	vsel vm3, $0x2080, v20;
	v32 =	vsel vm3, $0x3A80, v32  }
0x110: {  	v40 =	vsel vm3, $0x3280, v40;
	v7 =	vsel vm2, $0x1280, v7;
	v11 =	vsel vm2, $0x1880, v11  }
0x111: {  	v14 =	vsel vm2, $0x2A00, v14;
	v19 =	vsel vm2, $0x2080, v19;
	v23 =	vsel vm2, $0x2280, v23  }
0x112: {  	v26 =	vsel vm2, $0x2800, v26;
	v35 =	vsel vm2, $0x3080, v35;
	v43 =	vsel vm2, $0x3880, v43  }
0x113: {  	v47 =	vsel vm2, $0x200, v47;
	v48 =	vsel vm6, $0x80, v48;
	v49 =	vsel vm6, $0x100, v49  }
0x114: {  	v0 =	vsel vm2, $0x380, v0;
	v1 =	vsel vm2, $0x880, v1;
	v38 =	vsel vm7, $0x3B00, v38  }
0x115: {  	v39 =	vsel vm7, $0x3B80, v39;
	v6 =	vsel vm3, $0x1180, v6;
	v9 =	vsel vm3, $0x1300, v9  }
0x116: {  	v10 =	vsel vm3, $0x1380, v10;
	v12 =	vsel vm3, $0x1880, v12;
	v13 =	vsel vm3, $0x1900, v13  }
0x117: {  	v18 =	vsel vm3, $0x2B80, v18;
	v21 =	vsel vm3, $0x2100, v21;
	v22 =	vsel vm3, $0x2180, v22  }
0x118: {  	v24 =	vsel vm3, $0x2280, v24;
	v25 =	vsel vm3, $0x2300, v25;
	v33 =	vsel vm3, $0x3B00, v33  }
0x119: {  	v34 =	vsel vm3, $0x3B80, v34;
	v36 =	vsel vm3, $0x3080, v36;
	v37 =	vsel vm3, $0x3100, v37  }
0x11a: {  	v42 =	vsel vm3, $0x3380, v42;
	v8 =	vsel vm2, $0x1300, v8;
	v15 =	vsel vm2, $0x2A80, v15  }
0x11b: {  	v16 =	vsel vm2, $0x2B00, v16;
	v20 =	vsel vm2, $0x2100, v20;
	v32 =	vsel vm2, $0x3B00, v32  }
0x11c: {  	v40 =	vsel vm2, $0x3300, v40;
	v47 =	vsel vm1, $0x280, v47;
	v48 =	vsel vm5, $0x100, v48  }
0x11d: {  	v49 =	vsel vm5, $0x180, v49;
	v0 =	vsel vm1, $0x800, v0;
	v1 =	vsel vm1, $0x900, v1  }
0x11e: {  	v38 =	vsel vm8, $0x3B80, v38;
	v39 =	vsel vm8, $0x3000, v39;
	v6 =	vsel vm2, $0x1200, v6  }
0x11f: {  	v9 =	vsel vm2, $0x1380, v9;
	v10 =	vsel vm2, $0x1800, v10;
	v12 =	vsel vm2, $0x1900, v12  }
0x120: {  	v13 =	vsel vm2, $0x1980, v13;
	v18 =	vsel vm2, $0x2000, v18;
	v21 =	vsel vm2, $0x2180, v21  }
0x121: {  	v22 =	vsel vm2, $0x2200, v22;
	v24 =	vsel vm2, $0x2300, v24;
	v25 =	vsel vm2, $0x2380, v25  }
0x122: {  	v33 =	vsel vm2, $0x3B80, v33;
	v34 =	vsel vm2, $0x3000, v34;
	v36 =	vsel vm2, $0x3100, v36  }
0x123: {  	v37 =	vsel vm2, $0x3180, v37;
	v42 =	vsel vm2, $0x3800, v42;
	v47 =	vsel vm0, $0x300, v47  }
0x124: {  	v56 =	vsel vm4, $0x180, v48;
	v57 =	vsel vm4, $0x200, v49;
	v0 =	vsel vm0, $0x880, v0  }
0x125: {  	v62 =	vsel vm0, $0x980, v1;
	v38 =	vsel vm6, $0x3000, v38;
	v39 =	vsel vm6, $0x3080, v39;
	[tilespmem:$0x1F880] =	vst v47  }
0x126: {  	v47 =	vsel vm3, $0x200, v56;
	v48 =	vsel vm3, $0x280, v57;
	[tilespmem:$0x1F8B0] =	vst v0;
	v0 =	vsel vm3, $0x380, v59  }
0x127: {  	[tilespmem:$0x1F8D0] =	vst v62;
	v62 =	vimm.s32 $0x14131211;
	v38 =	vsel vm5, $0x3080, v38;
	v39 =	vsel vm5, $0x3100, v39  }
0x128: {  	v47 =	vsel vm2, $0x280, v47;
	v48 =	vsel vm2, $0x300, v48;
	v0 =	vsel vm2, $0x800, v0  }
0x129: {  	v38 =	vsel vm4, $0x3100, v38;
	v39 =	vsel vm4, $0x3180, v39;
	v47 =	vsel vm1, $0x300, v47  }
0x12a: {  	v56 =	vld [tilespmem:$0x1F930];
	v48 =	vsel vm1, $0x380, v48;
	v0 =	vsel vm1, $0x880, v0;
	v38 =	vsel vm3, $0x3180, v38  }
0x12b: {  	v57 =	vld [tilespmem:$0x1F940];
	v39 =	vsel vm3, $0x3200, v39;
	v47 =	vsel vm0, $0x380, v47;
	v58 =	vsel vm0, $0x800, v48  }
0x12c: {  	v59 =	vld [tilespmem:$0x1F960];
	v0 =	vsel vm0, $0x900, v0;
	v48 =	vsel vm9, $0x1280, v5;
	v38 =	vsel vm2, $0x3200, v38;
	[tilespmem:$0x1F890] =	vst v47  }
0x12d: {  	v39 =	vsel vm2, $0x3280, v39;
	[tilespmem:$0x1F8C0] =	vst v0;
	v0 =	vsel vm5, $0x380, v63;
	v47 =	vsel vm9, $0x200, v4  }
0x12e: {  	v2 =	vsel vm7, $0x1300, v48;
	v63 =	vunpack.c.0.s8.s32 v62;
	v48 =	vimm.s32 $0x18171615  }
0x12f: {  	v62 =	vsel vm1, $0x1380, v8;
	v0 =	vsel vm4, $0x800, v0;
	v1 =	vsel vm7, $0x280, v47  }
0x130: {  	v2 =	vsel vm8, $0x1380, v2;
	v3 =	vsel vm9, $0x1880, v56;
	v4 =	vsel vm9, $0x1900, v57  }
0x131: {  	v46 =	vsel vm9, $0x1A00, v59;
	v47 =	vunpack.c.0.s8.s32 v60;
	v56 =	vimm.s32 $0x11101F1E  }
0x132: {  	v57 =	vimm.s32 $0x15141312;
	v62 =	vsel vm0, $0x1800, v62;
	v0 =	vsel vm3, $0x880, v0  }
0x133: {  	v1 =	vsel vm8, $0x300, v1;
	v2 =	vsel vm6, $0x1800, v2;
	v3 =	vsel vm7, $0x1900, v3  }
0x134: {  	v4 =	vsel vm7, $0x1980, v4;
	v46 =	vsel vm7, $0x1A80, v46;
	[tilespmem:$0x1F990] =	vst v63;
	v63 =	vsel vm1, $0x1800, v9  }
0x135: {  	v9 =	vsel vm1, $0x1880, v10;
	v10 =	vsel vm1, $0x1900, v11;
	v11 =	vsel vm1, $0x1980, v12  }
0x136: {  	v12 =	vsel vm1, $0x1A00, v13;
	v13 =	vsel vm1, $0x2A80, v14;
	v14 =	vsel vm1, $0x2B00, v15  }
0x137: {  	v15 =	vsel vm1, $0x2B80, v16;
	v16 =	vsel vm1, $0x2000, v17;
	v17 =	vsel vm1, $0x2080, v18  }
0x138: {  	v18 =	vsel vm1, $0x2100, v19;
	v19 =	vsel vm1, $0x2180, v20;
	v20 =	vsel vm1, $0x2200, v21  }
0x139: {  	v21 =	vsel vm1, $0x2280, v22;
	v22 =	vsel vm1, $0x2300, v23;
	v23 =	vsel vm1, $0x2380, v24  }
0x13a: {  	v24 =	vsel vm1, $0x2800, v25;
	v25 =	vsel vm1, $0x2880, v26;
	v0 =	vsel vm2, $0x900, v0  }
0x13b: {  	[tilespmem:$0x1F8A0] =	vst v58;
	v1 =	vsel vm6, $0x380, v1;
	v2 =	vsel vm5, $0x1880, v2;
	v3 =	vsel vm8, $0x1980, v3  }
0x13c: {  	v58 =	vld [tilespmem:$0x1F950];
	[tilespmem:$0x1F970] =	vst v47;
	v4 =	vsel vm8, $0x1A00, v4;
	v46 =	vsel vm8, $0x1B00, v46;
	v47 =	vunpack.c.0.s8.s32 v61  }
0x13d: {  	v63 =	vsel vm0, $0x1880, v63;
	v8 =	vsel vm0, $0x2B00, v13;
	v13 =	vsel vm0, $0x2180, v18  }
0x13e: {  	[tilespmem:$0x1F830] =	vst v50;
	v0 =	vsel vm1, $0x980, v0;
	v1 =	vsel vm5, $0x800, v1;
	v50 =	vsel vm4, $0x1900, v2  }
0x13f: {  	v55 =	vld [tilespmem:$0x1F920];
	v2 =	vsel vm7, $0x1380, v51;
	v3 =	vsel vm6, $0x1A00, v3;
	v4 =	vsel vm6, $0x1A80, v4  }
0x140: {  	v46 =	vsel vm6, $0x1B80, v46;
	v0 =	vsel vm0, $0xA00, v0;
	v49 =	vsel vm4, $0x880, v1  }
0x141: {  	[tilespmem:$0x1F870] =	vst v52;
	v1 =	vsel vm3, $0x1980, v50;
	v2 =	vsel vm8, $0x1800, v2;
	v5 =	vsel vm9, $0x1980, v58  }
0x142: {  	[tilespmem:$0x1F980] =	vst v47;
	v47 =	vunpack.c.0.s8.s32 v48;
	v51 =	vsel vm5, $0x1A80, v3;
	v58 =	vimm.s32 $0x19181716  }
0x143: {  	v48 =	vsel vm0, $0x2380, v22;
	[tilespmem:$0x1F8E0] =	vst v0;
	v0 =	vsel vm3, $0x900, v49;
	v1 =	vsel vm2, $0x1A00, v1  }
0x144: {  	[tilespmem:$0x1FA70] =	vst v62;
	v53 =	vsel vm6, $0x1880, v2;
	v2 =	vsel vm9, $0x1800, v55;
	v5 =	vsel vm7, $0x1A00, v5  }
0x145: {  	v55 =	vimm.s32 $0x1D1C1B1A;
	v1 =	vsel vm1, $0x1A80, v1;
	[tilespmem:$0x1F9A0] =	vst v47;
	v47 =	vsel vm1, $0x3B80, v32  }
0x146: {  	[tilespmem:$0x1FA80] =	vst v63;
	v32 =	vsel vm1, $0x3000, v33;
	v33 =	vsel vm1, $0x3080, v34;
	v34 =	vsel vm1, $0x3100, v35  }
0x147: {  	v54 =	vld [tilespmem:$0x1F910];
	[tilespmem:$0x1FAD0] =	vst v8;
	v35 =	vsel vm1, $0x3180, v36;
	v36 =	vsel vm1, $0x3200, v37;
	v37 =	vsel vm1, $0x3280, v38  }
0x148: {  	[tilespmem:$0x1FB20] =	vst v13;
	v38 =	vsel vm1, $0x3300, v39;
	v39 =	vsel vm1, $0x3380, v40;
	v40 =	vsel vm1, $0x3800, v41  }
0x149: {  	[tilespmem:$0x1FB60] =	vst v48;
	v41 =	vsel vm1, $0x3880, v42;
	v42 =	vsel vm1, $0x3900, v43;
	v43 =	vsel vm0, $0x2280, v20  }
0x14a: {  	v0 =	vsel vm2, $0x980, v0;
	v2 =	vsel vm7, $0x1880, v2;
	v52 =	vsel vm0, $0x1B00, v1;
	[tilespmem:$0x1FB40] =	vst v43  }
0x14b: {  	v5 =	vsel vm8, $0x1A80, v5;
	v0 =	vsel vm1, $0xA00, v0;
	v62 =	vsel vm0, $0x3180, v34;
	[tilespmem:$0x1F900] =	vst v52  }
0x14c: {  	v1 =	vsel vm9, $0x1380, v54;
	v2 =	vsel vm8, $0x1900, v2;
	v63 =	vsel vm0, $0x3200, v35;
	[tilespmem:$0x1FC50] =	vst v62  }
0x14d: {  	v54 =	vsel vm5, $0x1000, v46;
	v46 =	vunpack.c.0.s8.s32 v55;
	v8 =	vsel vm0, $0x3880, v40;
	[tilespmem:$0x1FC60] =	vst v63  }
0x14e: {  	v5 =	vsel vm6, $0x1B00, v5;
	v0 =	vsel vm0, $0xA80, v0;
	v1 =	vsel vm7, $0x1800, v1;
	[tilespmem:$0x1FCF0] =	vst v8  }
0x14f: {  	v2 =	vsel vm6, $0x1980, v2;
	v52 =	vsel vm5, $0x1B00, v4;
	[tilespmem:$0x1F9C0] =	vst v46;
	v46 =	vunpack.c.0.s8.s32 v56  }
0x150: {  	[tilespmem:$0x1F8F0] =	vst v0;
	v56 =	vsel vm1, $0x1280, v6;
	v6 =	vsel vm1, $0x1300, v7;
	v7 =	vsel vm0, $0x1A80, v12  }
0x151: {  	v0 =	vsel vm5, $0x1900, v53;
	v1 =	vsel vm8, $0x1880, v1;
	v12 =	vsel vm0, $0x2100, v17;
	[tilespmem:$0x1FAC0] =	vst v7  }
0x152: {  	v50 =	vsel vm5, $0x1A00, v2;
	v3 =	vsel vm4, $0x1B80, v52;
	v52 =	vsel vm0, $0x2880, v24;
	[tilespmem:$0x1FB10] =	vst v12  }
0x153: {  	v53 =	vsel vm5, $0x1B80, v5;
	v2 =	vsel vm4, $0x1B00, v51;
	v5 =	vsel vm4, $0x1080, v54;
	[tilespmem:$0x1FB80] =	vst v52  }
0x154: {  	v1 =	vsel vm6, $0x1900, v1;
	v4 =	vsel vm4, $0x1000, v53;
	v53 =	vsel vm0, $0x2900, v25;
	[tilespmem:$0x1F9D0] =	vst v46  }
0x155: {  	v5 =	vsel vm3, $0x1100, v5;
	v7 =	vsel vm0, $0x3800, v39;
	v46 =	vunpack.c.0.s8.s32 v57;
	[tilespmem:$0x1FB90] =	vst v53  }
0x156: {  	v2 =	vsel vm3, $0x1B80, v2;
	v1 =	vsel vm5, $0x1980, v1;
	v5 =	vsel vm2, $0x1180, v5;
	[tilespmem:$0x1FCE0] =	vst v7  }
0x157: {  	v4 =	vsel vm3, $0x1080, v4;
	v55 =	vsel vm1, $0x1200, v5;
	v5 =	vsel vm0, $0x1980, v10;
	[tilespmem:$0x1F9E0] =	vst v46  }
0x158: {  	v2 =	vsel vm2, $0x1000, v2;
	v49 =	vsel vm4, $0x1A00, v1;
	v10 =	vsel vm0, $0x2000, v15;
	[tilespmem:$0x1FAA0] =	vst v5  }
0x159: {  	v1 =	vsel vm4, $0x1A80, v50;
	v60 =	vsel vm1, $0x1080, v2;
	v50 =	vsel vm0, $0x2800, v23;
	[tilespmem:$0x1FAF0] =	vst v10  }
0x15a: {  	v4 =	vsel vm2, $0x1100, v4;
	v46 =	vunpack.c.0.s8.s32 v58;
	v58 =	vsel vm0, $0x1100, v60;
	[tilespmem:$0x1FB70] =	vst v50  }
0x15b: {  	v0 =	vsel vm4, $0x1980, v0;
	v54 =	vsel vm1, $0x1180, v4;
	v4 =	vsel vm0, $0x1900, v9;
	[tilespmem:$0x1FA30] =	vst v58  }
0x15c: {  	v45 =	vsel vm5, $0x3800, v45;
	v0 =	vsel vm3, $0x1A00, v0;
	v9 =	vsel vm0, $0x2B80, v14;
	[tilespmem:$0x1FA90] =	vst v4  }
0x15d: {  	v27 =	vsel vm4, $0x2380, v27;
	v0 =	vsel vm2, $0x1A80, v0;
	v14 =	vsel vm0, $0x2200, v19;
	[tilespmem:$0x1FAE0] =	vst v9  }
0x15e: {  	v44 =	vsel vm4, $0x3800, v44;
	v0 =	vsel vm1, $0x1B00, v0;
	v5 =	vsel vm0, $0x3300, v37;
	[tilespmem:$0x1FB30] =	vst v14  }
0x15f: {  	v31 =	vsel vm3, $0x3A00, v31;
	v27 =	vsel vm3, $0x2800, v27;
	v0 =	vsel vm0, $0x1B80, v0;
	[tilespmem:$0x1FCA0] =	vst v5  }
0x160: {  	v45 =	vsel vm4, $0x3880, v45;
	v44 =	vsel vm3, $0x3880, v44;
	v27 =	vsel vm2, $0x2880, v27;
	[tilespmem:$0x1F9B0] =	vst v0  }
0x161: {  	v31 =	vsel vm2, $0x3A80, v31;
	v26 =	vsel vm1, $0x2900, v27;
	v60 =	vsel vm0, $0x1200, v54;
	[tilespmem:$0x1F9F0] =	vst v46  }
0x162: {  	v45 =	vsel vm3, $0x3900, v45;
	v44 =	vsel vm2, $0x3900, v44;
	v54 =	vsel vm0, $0x2980, v26;
	[tilespmem:$0x1FA50] =	vst v60  }
0x163: {  	v45 =	vsel vm2, $0x3980, v45;
	v1 =	vsel vm3, $0x1B00, v1;
	v58 =	vsel vm0, $0x3080, v32;
	[tilespmem:$0x1FBA0] =	vst v54  }
0x164: {  	v57 =	vimm.s32 $0x1E1D1C1B;
	v1 =	vsel vm2, $0x1B80, v1;
	v4 =	vsel vm0, $0x3280, v36;
	[tilespmem:$0x1FC10] =	vst v58  }
0x165: {  	v9 =	vsel vm0, $0x3980, v42;
	v0 =	vsel vm3, $0x1A80, v49;
	v46 =	vsel vm1, $0x3B00, v31;
	[tilespmem:$0x1FC80] =	vst v4  }
0x166: {  	v49 =	vsel vm1, $0x3980, v44;
	v31 =	vsel vm0, $0x1380, v6;
	v6 =	vsel vm0, $0x1A00, v11;
	[tilespmem:$0x1FD00] =	vst v9  }
0x167: {  	v44 =	vsel vm1, $0x3A00, v45;
	v11 =	vsel vm0, $0x2080, v16;
	v0 =	vsel vm2, $0x1B00, v0;
	[tilespmem:$0x1FAB0] =	vst v6  }
0x168: {  	v45 =	vunpack.c.0.s8.s32 v57;
	v57 =	vsel vm0, $0x3000, v47;
	[tilespmem:$0x1FB00] =	vst v11;
	v0 =	vsel vm1, $0x1B80, v0  }
0x169: {  	v30 =	vsel vm9, $0x3280, v30;
	v59 =	vsel vm1, $0x1000, v1;
	[tilespmem:$0x1FBF0] =	vst v57;
	v0 =	vsel vm0, $0x1000, v0  }
0x16a: {  	v29 =	vsel vm6, $0x2380, v29;
	v14 =	vimm.s32 $0x1F1E1D1C;
	[tilespmem:$0x1FA00] =	vst v0;
	v0 =	vsel vm0, $0x1080, v59  }
0x16b: {  	v35 =	vimm.s32 $0x13121110;
	v60 =	vsel vm0, $0x3100, v33;
	[tilespmem:$0x1FA20] =	vst v0;
	v0 =	vunpack.c.0.s8.s32 v14  }
0x16c: {  	v29 =	vsel vm5, $0x2800, v29;
	v37 =	vimm.s32 $0x17161514;
	v36 =	vunpack.c.0.s8.s32 v35;
	[tilespmem:$0x1FC30] =	vst v60  }
0x16d: {  	v30 =	vsel vm7, $0x3300, v30;
	v29 =	vsel vm4, $0x2880, v29;
	[tilespmem:$0x1FD20] =	vst v0;
	v0 =	vunpack.c.0.s8.s32 v37  }
0x16e: {  	v30 =	vsel vm8, $0x3380, v30;
	v29 =	vsel vm3, $0x2900, v29;
	v39 =	vimm.s32 $0x1B1A1918;
	[tilespmem:$0x1FD30] =	vst v36  }
0x16f: {  	v30 =	vsel vm6, $0x3800, v30;
	v29 =	vsel vm2, $0x2980, v29;
	[tilespmem:$0x1FD40] =	vst v0;
	v0 =	vunpack.c.0.s8.s32 v39  }
0x170: {  	v40 =	vimm.s32 $0x2C2B2A29;
	v3 =	vsel vm3, $0x1000, v3;
	v42 =	vimm.s32 $0x202F2E2D;
	[tilespmem:$0x1FA10] =	vst v45  }
0x171: {  	v4 =	vsel vm0, $0x3900, v41;
	v6 =	vsel vm0, $0x3380, v38;
	[tilespmem:$0x1FD50] =	vst v0;
	v0 =	vunpack.c.0.s8.s32 v42  }
0x172: {  	v41 =	vunpack.c.0.s8.s32 v40;
	v12 =	vsel vm0, $0x3A80, v44;
	v44 =	vimm.s32 $0x24232221;
	[tilespmem:$0x1FCC0] =	vst v6  }
0x173: {  	v51 =	vsel vm1, $0x2A00, v29;
	v3 =	vsel vm2, $0x1080, v3;
	[tilespmem:$0x1FD70] =	vst v0;
	v0 =	vunpack.c.0.s8.s32 v44  }
0x174: {  	v61 =	vsel vm1, $0x1100, v3;
	v35 =	vimm.s32 $0x34333231;
	v47 =	vimm.s32 $0x2D2C2B2A;
	[tilespmem:$0x1FD60] =	vst v41  }
0x175: {  	v19 =	vsel vm0, $0x3A00, v49;
	v45 =	vsel vm0, $0x2300, v21;
	[tilespmem:$0x1FD80] =	vst v0;
	v0 =	vunpack.c.0.s8.s32 v47  }
0x176: {  	v49 =	vimm.s32 $0x21202F2E;
	[tilespmem:$0x1FB50] =	vst v45;
	v59 =	vsel vm0, $0x1180, v61;
	v61 =	vsel vm0, $0x1280, v55  }
0x177: {  	v55 =	vsel vm0, $0x1300, v56;
	v56 =	vsel vm0, $0x2A80, v51;
	[tilespmem:$0x1FDA0] =	vst v0;
	v0 =	vunpack.c.0.s8.s32 v49  }
0x178: {  	v30 =	vsel vm5, $0x3880, v30;
	v36 =	vunpack.c.0.s8.s32 v35;
	[tilespmem:$0x1FBB0] =	vst v56;
	v56 =	vimm.s32 $0x29282726  }
0x179: {  	v10 =	vimm.s32 $0x1211101F;
	v60 =	vimm.s32 $0x2221202F;
	[tilespmem:$0x1FDB0] =	vst v0;
	v0 =	vunpack.c.0.s8.s32 v56  }
0x17a: {  	v20 =	vunpack.c.0.s8.s32 v10;
	v57 =	vimm.s32 $0x2E2D2C2B;
	v62 =	vunpack.c.0.s8.s32 v60;
	[tilespmem:$0x1FE80] =	vst v36  }
0x17b: {  	v10 =	vimm.s32 $0x2B2A2928;
	v11 =	vimm.s32 $0x16151413;
	[tilespmem:$0x1FDD0] =	vst v0;
	v0 =	vunpack.c.0.s8.s32 v57  }
0x17c: {  	v63 =	vimm.s32 $0x26252423;
	v23 =	vunpack.c.0.s8.s32 v11;
	v11 =	vunpack.c.0.s8.s32 v10;
	[tilespmem:$0x1FDF0] =	vst v62  }
0x17d: {  	v30 =	vsel vm4, $0x3900, v30;
	[tilespmem:$0x1FDE0] =	vst v0;
	v0 =	vunpack.c.0.s8.s32 v63  }
0x17e: {  	v30 =	vsel vm3, $0x3980, v30;
	v5 =	vimm.s32 $0x2A292827;
	[tilespmem:$0x1FE50] =	vst v11  }
0x17f: {  	v30 =	vsel vm2, $0x3A00, v30;
	[tilespmem:$0x1FE00] =	vst v0;
	v0 =	vunpack.c.0.s8.s32 v5  }
0x180: {  	v13 =	vimm.s32 $0x1A191817;
	v48 =	vld [tilespmem:$0x1FC90];
	v8 =	vimm.s32 $0x23222120;
	[tilespmem:$0x1FA40] =	vst v59  }
0x181: {  	v34 =	vld [tilespmem:$0x1FCB0];
	v29 =	vsel vm1, $0x3A80, v30;
	v6 =	vimm.s32 $0x2F2E2D2C;
	[tilespmem:$0x1FE10] =	vst v0;
	v0 =	vunpack.c.0.s8.s32 v8  }
0x182: {  	v43 =	vsel vm0, $0x3B00, v29;
	v29 =	vld [tilespmem:$0x1FBD0];
	v9 =	vimm.s32 $0x27262524;
	v7 =	vunpack.c.0.s8.s32 v6;
	[tilespmem:$0x1FA60] =	vst v61  }
0x183: {  	v24 =	vunpack.c.0.s8.s32 v13;
	v53 =	vld [tilespmem:$0x1FBE0];
	v45 =	vimm.s32 $0x28272625;
	[tilespmem:$0x1FE30] =	vst v0;
	v0 =	vunpack.c.0.s8.s32 v9  }
0x184: {  	v13 =	vimm.s32 $0x3C3B3A39;
	v32 =	vld [tilespmem:$0x1FC20];
	v50 =	vsel vm0, $0x3B80, v46;
	v46 =	vunpack.c.0.s8.s32 v45;
	[tilespmem:$0x1FE20] =	vst v7  }
0x185: {  	v33 =	vld [tilespmem:$0x1FC40];
	v51 =	vimm.s32 $0x25242322;
	[tilespmem:$0x1FE40] =	vst v0;
	v0 =	vunpack.c.0.s8.s32 v13  }
0x186: {  	v58 =	vld [tilespmem:$0x1FC70];
	v52 =	vunpack.c.0.s8.s32 v51;
	v14 =	vimm.s32 $0x303F3E3D;
	[tilespmem:$0x1FD90] =	vst v46  }
0x187: {  	s5 =	rddreg [dreg:$0x0];
	v54 =	vld [tilespmem:$0x1FD10];
	v40 =	vimm.s32 $0x31303F3E;
	[tilespmem:$0x1FE60] =	vst v0;
	v0 =	vunpack.c.0.s8.s32 v14  }
0x188: {  	s0 =	rddreg [dreg:$0x1];
	s2 =	simm.s32 $0x0;
	v38 =	vld [tilespmem:$0x1FCD0];
	v41 =	vunpack.c.0.s8.s32 v40;
	v45 =	vimm.s32 $0x3E3D3C3B;
	[tilespmem:$0x1FDC0] =	vst v52  }
0x189: {  	[smem:$0x7FF] =	sst s2;
	v59 =	vld [tilespmem:$0x1FBC0];
	v51 =	vimm.s32 $0x3A393837;
	v46 =	vunpack.c.0.s8.s32 v45;
	[tilespmem:$0x1FE70] =	vst v0  }
0x18a: {  	s7 =	rddreg [dreg:$0x2];
	v60 =	vimm.s32 $0x37363534;
	v61 =	vld [tilespmem:$0x1FC00];
	v52 =	vunpack.c.0.s8.s32 v51;
	_ =	strace $0x80000047;
	[tilespmem:$0x1FEB0] =	vst v41  }
0x18b: {  	v62 =	vunpack.c.0.s8.s32 v60;
	[tilespmem:$0x1FEE0] =	vst v46  }
0x18c: {  	[tilespmem:$0x1FF10] =	vst v52  }
0x18d: {  	v37 =	vimm.s32 $0x38373635;
	[tilespmem:$0x1FF40] =	vst v62  }
0x18e: {  	v0 =	vunpack.c.0.s8.s32 v37;
	[tilespmem:$0x1FF60] =	vst v50  }
0x18f: {  	v39 =	vimm.s32 $0x3D3C3B3A;
	[tilespmem:$0x1FF70] =	vst v4  }
0x190: {  	[tilespmem:$0x1FE90] =	vst v0;
	v0 =	vunpack.c.0.s8.s32 v39  }
0x191: {  	v42 =	vimm.s32 $0x35343332;
	[tilespmem:$0x1FF80] =	vst v19  }
0x192: {  	[tilespmem:$0x1FEA0] =	vst v0;
	v0 =	vunpack.c.0.s8.s32 v42  }
0x193: {  	v28 =	vsel vm9, $0x2180, v28;
	v44 =	vimm.s32 $0x39383736;
	[tilespmem:$0x1FF90] =	vst v12  }
0x194: {  	v28 =	vsel vm7, $0x2200, v28;
	[tilespmem:$0x1FEC0] =	vst v0;
	v0 =	vunpack.c.0.s8.s32 v44  }
0x195: {  	v28 =	vsel vm8, $0x2280, v28;
	v47 =	vimm.s32 $0x3231303F;
	[tilespmem:$0x1FFA0] =	vst v20  }
0x196: {  	s4 =	srdreg.scid;
	s3 =	stileid.u32;
	v28 =	vsel vm6, $0x2300, v28;
	[tilespmem:$0x1FED0] =	vst v0;
	v0 =	vunpack.c.0.s8.s32 v47  }
0x197: {  	s11 =	simm.s32 $0x5;
	s12 =	simm.s32 $0x100;
	s13 =	simm.s32 $0x200;
	v28 =	vsel vm5, $0x2380, v28;
	v49 =	vimm.s32 $0x36353433;
	[tilespmem:$0x1FFB0] =	vst v23  }
0x198: {  	s14 =	simm.s32 $0x600;
	s15 =	simm.s32 $0x300;
	s16 =	simm.s32 $0x8600;
	v28 =	vsel vm4, $0x2800, v28;
	[tilespmem:$0x1FEF0] =	vst v0;
	v0 =	vunpack.c.0.s8.s32 v49  }
0x199: {  	s17 =	simm.s32 $0x1;
	s18 =	simm.s32 $0x10600;
	s19 =	simm.s32 $0x800;
	v28 =	vsel vm3, $0x2880, v28;
	v56 =	vimm.s32 $0x3F3E3D3C;
	[tilespmem:$0x1FFC0] =	vst v24  }
0x19a: {  	s20 =	simm.s32 $0x20000;
	s21 =	simm.s32 $0x2;
	s22 =	simm.s32 $0x14600;
	v28 =	vsel vm2, $0x2900, v28;
	[tilespmem:$0x1FF00] =	vst v0;
	v0 =	vunpack.c.0.s8.s32 v56  }
0x19b: {  	s23 =	simm.s32 $0x3;
	s24 =	simm.s32 $0x4;
	s4 =	sand.u32 $0x1, s4;
	v27 =	vsel vm1, $0x2980, v28;
	v57 =	vimm.s32 $0x33323130;
	[tilespmem:$0x1FFD0] =	vst v43  }
0x19c: {  	s8 =	sshll.u32 s3, $0xA;
	s6 =	ssub.s32 $0x2, s4;
	s4 =	sshll.u32 s4, $0x9;
	v27 =	vsel vm0, $0x2A00, v27;
	[tilespmem:$0x1FF20] =	vst v0;
	v0 =	vunpack.c.0.s8.s32 v57  }
0x19d: {  	s25 =	simm.s32 $0x0;
	s9 =	sshrl.u32 s6, $0x1;
	s8 =	sor.u32 s4, s8;
	v63 =	vimm.s32 $0x3B3A3938;
	[tilespmem:$0x1FFE0] =	vst v27  }
0x19e: {  	s9 =	ssub.s32 s6, s9;
	s4 =	sadd.s32 s5, s8;
	s10 =	sor.u32 $0x100, s8;
	[tilespmem:$0x1FF30] =	vst v0;
	v0 =	vunpack.c.0.s8.s32 v63  }
0x19f: {  	s6 =	sadd.s32 s7, s8;
	s5 =	sadd.s32 s5, s10;
	s7 =	sadd.s32 s7, s10;
	[tilespmem:$0x1FFF0] =	vst v55  }
0x1a0: {  	s8 =	smax.u32 s9, $0x1;
	s9 =	simm.s32 $0x80;
	s10 =	simm.s32 $0x400;
	v17 =	vlaneseq.u32;
	vm0 =	vcmask $0x1F10;
	[tilespmem:$0x1FF50] =	vst v0  }
.LBB2_1:
0x1a1: {  	[tilespmem:s2], [sflag:$0x5] =	stream.strided.gather [hbm4b:s4+s9], $0x100, s10, s9, $0x38;
	[tilespmem:$0x18600] =	vst v63  }
0x1a2: {  	_ =	swait.ge [sflag:s11], $0x100  }
0x1a3: {  	[sflag:s11] =	ssyncset.done $0x0  }
0x1a4: {  	[sflag:s11] =	ssyncadd.s32 $0xFFFFFF00  }
0x1a5: {  	v0 =	vld [tilespmem:$0x0]  }
0x1a6: {  	v1 =	vld [tilespmem:$0x10]  }
0x1a7: {  	v2 =	vld [tilespmem:$0x20]  }
0x1a8: {  	v44 =	vld [tilespmem:$0x30]  }
0x1a9: {  	v47 =	vld [tilespmem:$0x40]  }
0x1aa: {  	v51 =	vld [tilespmem:$0x50];
	v3 =	vshrl.u32 v0, $0x1  }
0x1ab: {  	v57 =	vld [tilespmem:$0x60];
	v45 =	vshrl.u32 v1, $0x1;
	[tilespmem:$0x200] =	vst v3  }
0x1ac: {  	v63 =	vld [tilespmem:$0x70];
	v49 =	vshrl.u32 v2, $0x1;
	[tilespmem:$0x210] =	vst v45  }
0x1ad: {  	v6 =	vld [tilespmem:$0x80];
	v52 =	vshrl.u32 v44, $0x1;
	[tilespmem:$0x220] =	vst v49  }
0x1ae: {  	v9 =	vld [tilespmem:$0x90];
	v60 =	vshrl.u32 v47, $0x1;
	[tilespmem:$0x230] =	vst v52  }
0x1af: {  	v12 =	vld [tilespmem:$0xA0];
	v4 =	vshrl.u32 v51, $0x1;
	[tilespmem:$0x240] =	vst v60  }
0x1b0: {  	v35 =	vld [tilespmem:$0xB0];
	v7 =	vshrl.u32 v57, $0x1;
	[tilespmem:$0x250] =	vst v4  }
0x1b1: {  	v10 =	vshrl.u32 v63, $0x1;
	[tilespmem:$0x260] =	vst v7  }
0x1b2: {  	v13 =	vshrl.u32 v6, $0x1;
	[tilespmem:$0x270] =	vst v10  }
0x1b3: {  	v36 =	vshrl.u32 v9, $0x1;
	[tilespmem:$0x280] =	vst v13  }
0x1b4: {  	v40 =	vshrl.u32 v12, $0x1;
	[tilespmem:$0x290] =	vst v36  }
0x1b5: {  	v0 =	vshll.u32 v0, $0x6;
	v43 =	vshrl.u32 v35, $0x1;
	[tilespmem:$0x2A0] =	vst v40  }
0x1b6: {  	v1 =	vshll.u32 v1, $0x6;
	v0 =	vand.u32 $0x40, v0;
	[tilespmem:$0x2B0] =	vst v43  }
0x1b7: {  	v39 =	vld [tilespmem:$0xC0];
	v2 =	vshll.u32 v2, $0x6;
	v46 =	vand.u32 $0x40, v1;
	[tilespmem:$0x400] =	vst v0  }
0x1b8: {  	v42 =	vld [tilespmem:$0xD0];
	v50 =	vand.u32 $0x40, v2;
	v3 =	vshll.u32 v44, $0x6;
	[tilespmem:$0x410] =	vst v46  }
0x1b9: {  	v1 =	vshll.u32 v47, $0x6;
	[tilespmem:$0x420] =	vst v50;
	v56 =	vand.u32 $0x40, v3  }
0x1ba: {  	v2 =	vshll.u32 v51, $0x6;
	v62 =	vand.u32 $0x40, v1;
	[tilespmem:$0x430] =	vst v56  }
0x1bb: {  	v5 =	vand.u32 $0x40, v2;
	[tilespmem:$0x440] =	vst v62  }
0x1bc: {  	v46 =	vshrl.u32 v39, $0x1;
	[tilespmem:$0x450] =	vst v5  }
0x1bd: {  	v3 =	vshll.u32 v57, $0x6;
	v50 =	vshrl.u32 v42, $0x1;
	[tilespmem:$0x2C0] =	vst v46  }
0x1be: {  	v1 =	vshll.u32 v63, $0x6;
	v8 =	vand.u32 $0x40, v3;
	[tilespmem:$0x2D0] =	vst v50  }
0x1bf: {  	v2 =	vshll.u32 v6, $0x6;
	v11 =	vand.u32 $0x40, v1;
	[tilespmem:$0x460] =	vst v8  }
0x1c0: {  	v14 =	vand.u32 $0x40, v2;
	v3 =	vshll.u32 v9, $0x6;
	[tilespmem:$0x470] =	vst v11  }
0x1c1: {  	v45 =	vld [tilespmem:$0xE0];
	v1 =	vshll.u32 v12, $0x6;
	[tilespmem:$0x480] =	vst v14;
	v37 =	vand.u32 $0x40, v3  }
0x1c2: {  	v49 =	vld [tilespmem:$0xF0];
	v2 =	vshll.u32 v35, $0x6;
	v41 =	vand.u32 $0x40, v1;
	[tilespmem:$0x490] =	vst v37  }
0x1c3: {  	v44 =	vand.u32 $0x40, v2;
	v3 =	vshll.u32 v39, $0x6;
	[tilespmem:$0x4A0] =	vst v41  }
0x1c4: {  	v1 =	vshll.u32 v42, $0x6;
	[tilespmem:$0x4B0] =	vst v44;
	v47 =	vand.u32 $0x40, v3  }
0x1c5: {  	v51 =	vand.u32 $0x40, v1;
	[tilespmem:$0x4C0] =	vst v47  }
0x1c6: {  	[tilespmem:$0x4D0] =	vst v51;
	v52 =	vshrl.u32 v45, $0x1  }
0x1c7: {  	v56 =	vshll.u32 v45, $0x6;
	v60 =	vshrl.u32 v49, $0x1;
	[tilespmem:$0x2E0] =	vst v52  }
0x1c8: {  	v62 =	vshll.u32 v49, $0x6;
	v57 =	vand.u32 $0x40, v56;
	[tilespmem:$0x2F0] =	vst v60  }
0x1c9: {  	v63 =	vand.u32 $0x40, v62;
	[tilespmem:$0x4E0] =	vst v57  }
0x1ca: {  	s26 =	simm.s32 $0x0;
	[tilespmem:$0x4F0] =	vst v63  }
0x1cb: {  	[tilespmem:s14], [sflag:$0x1] =	stream.indirect.gather [hbm4b:s0+s12], $0x80, s13, s12, $0xb8;
	[tilespmem:$0x18600] =	vst v63  }
.LBB2_2:
0x1cc: {  	s28 =	sshll.u32 s26, $0xB;
	s29 =	sshll.u32 s26, $0x4  }
0x1cd: {  	_ =	swait.ge [sflag:s17], $0x8000;
	s28 =	sand.u32 $0x1C000, s28;
	s29 =	sand.u32 $0x70, s29  }
0x1ce: {  	[sflag:s17] =	ssyncset.done $0x0;
	s28 =	sor.u32 s29, s28  }
0x1cf: {  	[sflag:s17] =	ssyncadd.s32 $0xFFFF8000;
	s28 =	sadd.s32 s28, s5  }
0x1d0: {  	[tilespmem:s12], [sflag:$0x5] =	stream.strided.gather [hbm4b:s28+s9], $0x100, s10, s9, $0x38;
	[tilespmem:$0x18600] =	vst v63  }
0x1d1: {  	_ =	swait.ge [sflag:s11], $0x100  }
0x1d2: {  	[sflag:s11] =	ssyncset.done $0x0  }
0x1d3: {  	[sflag:s11] =	ssyncadd.s32 $0xFFFFFF00  }
0x1d4: {  	v0 =	vld [tilespmem:$0x100]  }
0x1d5: {  	v1 =	vld [tilespmem:$0x110]  }
0x1d6: {  	v2 =	vld [tilespmem:$0x120]  }
0x1d7: {  	v44 =	vld [tilespmem:$0x130]  }
0x1d8: {  	v47 =	vld [tilespmem:$0x140]  }
0x1d9: {  	v51 =	vld [tilespmem:$0x150];
	v3 =	vshrl.u32 v0, $0x1  }
0x1da: {  	v57 =	vld [tilespmem:$0x160];
	v45 =	vshrl.u32 v1, $0x1;
	[tilespmem:$0x300] =	vst v3  }
0x1db: {  	v63 =	vld [tilespmem:$0x170];
	v49 =	vshrl.u32 v2, $0x1;
	[tilespmem:$0x310] =	vst v45  }
0x1dc: {  	v6 =	vld [tilespmem:$0x180];
	v52 =	vshrl.u32 v44, $0x1;
	[tilespmem:$0x320] =	vst v49  }
0x1dd: {  	v9 =	vld [tilespmem:$0x190];
	v60 =	vshrl.u32 v47, $0x1;
	[tilespmem:$0x330] =	vst v52  }
0x1de: {  	v12 =	vld [tilespmem:$0x1A0];
	v4 =	vshrl.u32 v51, $0x1;
	[tilespmem:$0x340] =	vst v60  }
0x1df: {  	v35 =	vld [tilespmem:$0x1B0];
	v7 =	vshrl.u32 v57, $0x1;
	[tilespmem:$0x350] =	vst v4  }
0x1e0: {  	v10 =	vshrl.u32 v63, $0x1;
	[tilespmem:$0x360] =	vst v7  }
0x1e1: {  	v13 =	vshrl.u32 v6, $0x1;
	[tilespmem:$0x370] =	vst v10  }
0x1e2: {  	v36 =	vshrl.u32 v9, $0x1;
	[tilespmem:$0x380] =	vst v13  }
0x1e3: {  	v40 =	vshrl.u32 v12, $0x1;
	[tilespmem:$0x390] =	vst v36  }
0x1e4: {  	v0 =	vshll.u32 v0, $0x6;
	v43 =	vshrl.u32 v35, $0x1;
	[tilespmem:$0x3A0] =	vst v40  }
0x1e5: {  	v1 =	vshll.u32 v1, $0x6;
	v0 =	vand.u32 $0x40, v0;
	[tilespmem:$0x3B0] =	vst v43  }
0x1e6: {  	v39 =	vld [tilespmem:$0x1C0];
	v2 =	vshll.u32 v2, $0x6;
	v46 =	vand.u32 $0x40, v1;
	[tilespmem:$0x500] =	vst v0  }
0x1e7: {  	v42 =	vld [tilespmem:$0x1D0];
	v50 =	vand.u32 $0x40, v2;
	v3 =	vshll.u32 v44, $0x6;
	[tilespmem:$0x510] =	vst v46  }
0x1e8: {  	v1 =	vshll.u32 v47, $0x6;
	[tilespmem:$0x520] =	vst v50;
	v56 =	vand.u32 $0x40, v3  }
0x1e9: {  	v2 =	vshll.u32 v51, $0x6;
	v62 =	vand.u32 $0x40, v1;
	[tilespmem:$0x530] =	vst v56  }
0x1ea: {  	v5 =	vand.u32 $0x40, v2;
	[tilespmem:$0x540] =	vst v62  }
0x1eb: {  	v46 =	vshrl.u32 v39, $0x1;
	[tilespmem:$0x550] =	vst v5  }
0x1ec: {  	v3 =	vshll.u32 v57, $0x6;
	v50 =	vshrl.u32 v42, $0x1;
	[tilespmem:$0x3C0] =	vst v46  }
0x1ed: {  	v1 =	vshll.u32 v63, $0x6;
	v8 =	vand.u32 $0x40, v3;
	[tilespmem:$0x3D0] =	vst v50  }
0x1ee: {  	v2 =	vshll.u32 v6, $0x6;
	v11 =	vand.u32 $0x40, v1;
	[tilespmem:$0x560] =	vst v8  }
0x1ef: {  	v14 =	vand.u32 $0x40, v2;
	v3 =	vshll.u32 v9, $0x6;
	[tilespmem:$0x570] =	vst v11  }
0x1f0: {  	v45 =	vld [tilespmem:$0x1E0];
	v1 =	vshll.u32 v12, $0x6;
	[tilespmem:$0x580] =	vst v14;
	v37 =	vand.u32 $0x40, v3  }
0x1f1: {  	v49 =	vld [tilespmem:$0x1F0];
	v2 =	vshll.u32 v35, $0x6;
	v41 =	vand.u32 $0x40, v1;
	[tilespmem:$0x590] =	vst v37  }
0x1f2: {  	v44 =	vand.u32 $0x40, v2;
	v3 =	vshll.u32 v39, $0x6;
	[tilespmem:$0x5A0] =	vst v41  }
0x1f3: {  	v1 =	vshll.u32 v42, $0x6;
	[tilespmem:$0x5B0] =	vst v44;
	v47 =	vand.u32 $0x40, v3  }
0x1f4: {  	v51 =	vand.u32 $0x40, v1;
	[tilespmem:$0x5C0] =	vst v47  }
0x1f5: {  	[tilespmem:$0x5D0] =	vst v51;
	v52 =	vshrl.u32 v45, $0x1  }
0x1f6: {  	v56 =	vshll.u32 v45, $0x6;
	v60 =	vshrl.u32 v49, $0x1;
	[tilespmem:$0x3E0] =	vst v52  }
0x1f7: {  	v62 =	vshll.u32 v49, $0x6;
	v57 =	vand.u32 $0x40, v56;
	[tilespmem:$0x3F0] =	vst v60  }
0x1f8: {  	p0 =	seq.s32 s26, $0x0;
	v63 =	vand.u32 $0x40, v62;
	[tilespmem:$0x5E0] =	vst v57  }
0x1f9: {  	s28 =	simm.s32 @!p0 $0x3;
	[tilespmem:$0x5F0] =	vst v63  }
0x1fa: {  	[tilespmem:s16], [sflag:$0x2] =	stream.indirect.gather [hbm4b:s0+s12], $0x80, s15, s12, $0xb8;
	[tilespmem:$0x18600] =	vst v63  }
0x1fb: {  	_ =	swait.ge @!p0 [sflag:s28], $0x4000  }
0x1fc: {  	s30 =	simm.s32 $0x410;
	[sflag:s28] =	ssyncset.done @!p0 $0x0  }
0x1fd: {  	s29 =	sshll.u32 s26, $0x1;
	[sflag:s28] =	ssyncadd.s32 @!p0 $0xFFFFC000;
	s28 =	simm.s32 $0x0  }
.LBB2_3:
0x1fe: {  	v3 =	vld [tilespmem:s30+$0xFFFFFFF0];
	_ =	sdelay $0x2  }
0x1ff: {  	v2 =	vld [tilespmem:s30+$0x0];
	_ =	sdelay $0x1  }
0x200: {  	v0 =	vor.u32 s28, v17;
	v5 =	vmov s28;
	v1 =	vadd.s32 v17, v3  }
0x201: {  	v6 =	vshll.u32 v0, $0x7;
	v0 =	vand.u32 $0x6F, v0;
	v4 =	vand.u32 $0xFFFFFF80, v1  }
0x202: {  	s31 =	sadd.s32 $0x10, s28;
	v5 =	vshll.u32 v5, $0x3;
	v1 =	vand.u32 $0x7F, v1;
	v4 =	vadd.s32 v6, v4  }
0x203: {  	v7 =	vadd.s32 v17, v2;
	v1 =	vor.u32 v1, v4;
	v4 =	vor.u32 s31, v17  }
0x204: {  	v11 =	vmov s31;
	v8 =	vand.u32 $0xFFFFFF80, v7;
	v10 =	vshll.u32 v4, $0x7  }
0x205: {  	v5 =	vand.u32 $0x400, v5;
	v9 =	vand.u32 $0x7F, v7;
	v8 =	vadd.s32 v10, v8  }
0x206: {  	v11 =	vshll.u32 v11, $0x3;
	v7 =	vor.u32 v5, v0;
	v5 =	vor.u32 v9, v8  }
0x207: {  	v36 =	vmov v29;
	v11 =	vand.u32 $0x400, v11;
	v0 =	vadd.s32 v29, v3  }
0x208: {  	v12 =	vadd.s32 v36, v2;
	v4 =	vand.u32 $0x7F, v4;
	v9 =	vand.u32 $0xFFFFFF80, v0  }
0x209: {  	v8 =	vor.u32 v59, v7;
	v0 =	vand.u32 $0x7F, v0;
	v9 =	vadd.s32 v6, v9;
	v1 =	vld.idx.msk [tilespmem:v1+s14+$0x0], $0xffff  }
0x20a: {  	v11 =	vor.u32 v11, v4;
	v4 =	vand.u32 $0xFFFFFF80, v12;
	v0 =	vor.u32 v0, v9  }
0x20b: {  	v12 =	vand.u32 $0x7F, v12;
	v4 =	vadd.s32 v10, v4;
	v9 =	vor.u32 v59, v11;
	v5 =	vld.idx.msk [tilespmem:v5+s14+$0x0], $0xffff  }
0x20c: {  	v4 =	vor.u32 v12, v4  }
0x20d: {  	v12 =	vadd.s32 v61, v3  }
0x20e: {  	v13 =	vadd.s32 v61, v2;
	[tilespmem:v8+s18+$0x0] =	vst.idx.msk $0xffff, v1;
	v8 =	vand.u32 $0xFFFFFF80, v12  }
0x20f: {  	v1 =	vor.u32 v53, v7;
	v12 =	vand.u32 $0x7F, v12;
	v0 =	vld.idx.msk [tilespmem:v0+s14+$0x0], $0xffff;
	v8 =	vadd.s32 v6, v8  }
0x210: {  	v8 =	vor.u32 v12, v8;
	[tilespmem:v9+s18+$0x0] =	vst.idx.msk $0xffff, v5;
	v5 =	vand.u32 $0xFFFFFF80, v13  }
0x211: {  	v12 =	vand.u32 $0x7F, v13;
	v9 =	vor.u32 v53, v11;
	v4 =	vld.idx.msk [tilespmem:v4+s14+$0x0], $0xffff;
	v5 =	vadd.s32 v10, v5  }
0x212: {  	v5 =	vor.u32 v12, v5  }
0x213: {  	v12 =	vadd.s32 v33, v3  }
0x214: {  	v13 =	vadd.s32 v33, v2;
	[tilespmem:v1+s18+$0x0] =	vst.idx.msk $0xffff, v0;
	v1 =	vand.u32 $0xFFFFFF80, v12  }
0x215: {  	v0 =	vor.u32 v32, v7;
	v12 =	vand.u32 $0x7F, v12;
	v8 =	vld.idx.msk [tilespmem:v8+s14+$0x0], $0xffff;
	v1 =	vadd.s32 v6, v1  }
0x216: {  	v14 =	vld [tilespmem:$0x1F790];
	v1 =	vor.u32 v12, v1;
	[tilespmem:v9+s18+$0x0] =	vst.idx.msk $0xffff, v4;
	v4 =	vand.u32 $0xFFFFFF80, v13  }
0x217: {  	v12 =	vand.u32 $0x7F, v13;
	v9 =	vor.u32 v32, v11;
	v5 =	vld.idx.msk [tilespmem:v5+s14+$0x0], $0xffff;
	v4 =	vadd.s32 v10, v4  }
0x218: {  	v4 =	vor.u32 v12, v4;
	_ =	sdelay $0x1  }
0x219: {  	[tilespmem:v0+s18+$0x0] =	vst.idx.msk $0xffff, v8  }
0x21a: {  	v12 =	vadd.s32 v58, v3;
	v0 =	vor.u32 v14, v7;
	v1 =	vld.idx.msk [tilespmem:v1+s14+$0x0], $0xffff  }
0x21b: {  	v13 =	vadd.s32 v58, v2;
	v8 =	vand.u32 $0xFFFFFF80, v12;
	v12 =	vand.u32 $0x7F, v12;
	[tilespmem:v9+s18+$0x0] =	vst.idx.msk $0xffff, v5  }
0x21c: {  	v8 =	vadd.s32 v6, v8;
	v5 =	vand.u32 $0xFFFFFF80, v13;
	v9 =	vor.u32 v14, v11;
	v4 =	vld.idx.msk [tilespmem:v4+s14+$0x0], $0xffff  }
0x21d: {  	v8 =	vor.u32 v12, v8;
	v12 =	vand.u32 $0x7F, v13;
	v5 =	vadd.s32 v10, v5  }
0x21e: {  	v5 =	vor.u32 v12, v5;
	v12 =	vadd.s32 v34, v3  }
0x21f: {  	[tilespmem:v0+s18+$0x0] =	vst.idx.msk $0xffff, v1;
	v1 =	vand.u32 $0xFFFFFF80, v12  }
0x220: {  	v13 =	vadd.s32 v34, v2;
	v12 =	vand.u32 $0x7F, v12;
	v1 =	vadd.s32 v6, v1  }
0x221: {  	v1 =	vor.u32 v12, v1;
	v12 =	vand.u32 $0x7F, v13;
	[tilespmem:v9+s18+$0x0] =	vst.idx.msk $0xffff, v4;
	v4 =	vand.u32 $0xFFFFFF80, v13;
	v13 =	vld [tilespmem:$0x1F800]  }
0x222: {  	v0 =	vor.u32 v48, v7;
	v8 =	vld.idx.msk [tilespmem:v8+s14+$0x0], $0xffff;
	_ =	sdelay $0x1  }
0x223: {  	v9 =	vor.u32 v48, v11;
	v5 =	vld.idx.msk [tilespmem:v5+s14+$0x0], $0xffff  }
0x224: {  	v4 =	vadd.s32 v10, v4  }
0x225: {  	v4 =	vor.u32 v12, v4;
	v12 =	vadd.s32 v13, v3  }
0x226: {  	v14 =	vld [tilespmem:$0x1F850];
	[tilespmem:v0+s18+$0x0] =	vst.idx.msk $0xffff, v8;
	v0 =	vor.u32 v54, v7;
	v8 =	vand.u32 $0xFFFFFF80, v12  }
0x227: {  	v1 =	vld.idx.msk [tilespmem:v1+s14+$0x0], $0xffff;
	v13 =	vadd.s32 v13, v2;
	v12 =	vand.u32 $0x7F, v12;
	v8 =	vadd.s32 v6, v8  }
0x228: {  	[tilespmem:v9+s18+$0x0] =	vst.idx.msk $0xffff, v5;
	v5 =	vand.u32 $0xFFFFFF80, v13;
	v8 =	vor.u32 v12, v8;
	v12 =	vand.u32 $0x7F, v13;
	v13 =	vld [tilespmem:$0x1F860];
	_ =	sdelay $0x1  }
0x229: {  	v9 =	vor.u32 v54, v11;
	v4 =	vld.idx.msk [tilespmem:v4+s14+$0x0], $0xffff;
	_ =	sdelay $0x1  }
0x22a: {  	v5 =	vadd.s32 v10, v5;
	[tilespmem:v0+s18+$0x0] =	vst.idx.msk $0xffff, v1  }
0x22b: {  	v5 =	vor.u32 v12, v5;
	v0 =	vor.u32 v14, v7;
	v12 =	vadd.s32 v13, v3;
	v8 =	vld.idx.msk [tilespmem:v8+s14+$0x0], $0xffff  }
0x22c: {  	v13 =	vadd.s32 v13, v2;
	v1 =	vand.u32 $0xFFFFFF80, v12  }
0x22d: {  	[tilespmem:v9+s18+$0x0] =	vst.idx.msk $0xffff, v4;
	v12 =	vand.u32 $0x7F, v12;
	v4 =	vand.u32 $0xFFFFFF80, v13;
	v1 =	vadd.s32 v6, v1  }
0x22e: {  	v4 =	vadd.s32 v10, v4;
	v1 =	vor.u32 v12, v1;
	v12 =	vand.u32 $0x7F, v13  }
0x22f: {  	v4 =	vor.u32 v12, v4;
	v12 =	vadd.s32 v38, v3  }
0x230: {  	v15 =	vld [tilespmem:$0x1F740];
	[tilespmem:v0+s18+$0x0] =	vst.idx.msk $0xffff, v8;
	v8 =	vand.u32 $0xFFFFFF80, v12  }
0x231: {  	v9 =	vor.u32 v14, v11;
	v14 =	vld [tilespmem:$0x1F870];
	v12 =	vand.u32 $0x7F, v12;
	v8 =	vadd.s32 v6, v8  }
0x232: {  	v8 =	vor.u32 v12, v8;
	v12 =	vld [tilespmem:$0x1F730];
	_ =	sdelay $0x1  }
0x233: {  	v5 =	vld.idx.msk [tilespmem:v5+s14+$0x0], $0xffff;
	_ =	sdelay $0x1  }
0x234: {  	v0 =	vor.u32 v14, v7;
	v1 =	vld.idx.msk [tilespmem:v1+s14+$0x0], $0xffff  }
0x235: {  	v12 =	vcombine.low v12, v15  }
0x236: {  	v13 =	vadd.s32 v38, v2  }
0x237: {  	[tilespmem:v9+s18+$0x0] =	vst.idx.msk $0xffff, v5;
	v5 =	vand.u32 $0xFFFFFF80, v13;
	v15 =	vand.u32 $0xF, v12  }
0x238: {  	v13 =	vand.u32 $0x7F, v13;
	v5 =	vadd.s32 v10, v5;
	v12 =	vadd.s32 v15, v3  }
0x239: {  	v9 =	vor.u32 v14, v11;
	v14 =	vld [tilespmem:$0x1F880];
	v5 =	vor.u32 v13, v5;
	[tilespmem:v0+s18+$0x0] =	vst.idx.msk $0xffff, v1;
	v1 =	vand.u32 $0xFFFFFF80, v12  }
0x23a: {  	[tilespmem:$0x1F540] =	vst v15;
	v13 =	vadd.s32 v15, v2;
	v15 =	vld [tilespmem:$0x1F760];
	v12 =	vand.u32 $0x7F, v12;
	v1 =	vadd.s32 v6, v1  }
0x23b: {  	v1 =	vor.u32 v12, v1;
	v12 =	vld [tilespmem:$0x1F750];
	_ =	sdelay $0x1  }
0x23c: {  	v4 =	vld.idx.msk [tilespmem:v4+s14+$0x0], $0xffff;
	_ =	sdelay $0x1  }
0x23d: {  	v0 =	vor.u32 v14, v7;
	v8 =	vld.idx.msk [tilespmem:v8+s14+$0x0], $0xffff  }
0x23e: {  	v12 =	vcombine.low v12, v15;
	_ =	sdelay $0x1  }
0x23f: {  	[tilespmem:v9+s18+$0x0] =	vst.idx.msk $0xffff, v4;
	v4 =	vand.u32 $0xFFFFFF80, v13;
	v15 =	vand.u32 $0xF, v12  }
0x240: {  	v13 =	vand.u32 $0x7F, v13;
	v4 =	vadd.s32 v10, v4;
	v12 =	vadd.s32 v15, v3  }
0x241: {  	v9 =	vor.u32 v14, v11;
	v14 =	vld [tilespmem:$0x1F890];
	v4 =	vor.u32 v13, v4;
	[tilespmem:v0+s18+$0x0] =	vst.idx.msk $0xffff, v8;
	v8 =	vand.u32 $0xFFFFFF80, v12  }
0x242: {  	[tilespmem:$0x1F550] =	vst v15;
	v13 =	vadd.s32 v15, v2;
	v15 =	vld [tilespmem:$0x1F780];
	v12 =	vand.u32 $0x7F, v12;
	v8 =	vadd.s32 v6, v8  }
0x243: {  	v8 =	vor.u32 v12, v8;
	v12 =	vld [tilespmem:$0x1F770];
	_ =	sdelay $0x1  }
0x244: {  	v5 =	vld.idx.msk [tilespmem:v5+s14+$0x0], $0xffff;
	_ =	sdelay $0x1  }
0x245: {  	v0 =	vor.u32 v14, v7;
	v1 =	vld.idx.msk [tilespmem:v1+s14+$0x0], $0xffff  }
0x246: {  	v12 =	vcombine.low v12, v15;
	_ =	sdelay $0x1  }
0x247: {  	[tilespmem:v9+s18+$0x0] =	vst.idx.msk $0xffff, v5;
	v9 =	vor.u32 v14, v11;
	v5 =	vand.u32 $0xFFFFFF80, v13;
	v14 =	vand.u32 $0xF, v12  }
0x248: {  	v13 =	vand.u32 $0x7F, v13;
	v5 =	vadd.s32 v10, v5;
	v12 =	vadd.s32 v14, v3  }
0x249: {  	[tilespmem:v0+s18+$0x0] =	vst.idx.msk $0xffff, v1;
	v5 =	vor.u32 v13, v5;
	v15 =	vld [tilespmem:$0x1F8A0];
	v1 =	vand.u32 $0xFFFFFF80, v12  }
0x24a: {  	[tilespmem:$0x1F560] =	vst v14;
	v13 =	vadd.s32 v14, v2;
	v14 =	vld [tilespmem:$0x1F7B0];
	v12 =	vand.u32 $0x7F, v12;
	v1 =	vadd.s32 v6, v1  }
0x24b: {  	v1 =	vor.u32 v12, v1;
	v12 =	vld [tilespmem:$0x1F7A0];
	_ =	sdelay $0x1  }
0x24c: {  	v4 =	vld.idx.msk [tilespmem:v4+s14+$0x0], $0xffff;
	_ =	sdelay $0x1  }
0x24d: {  	v8 =	vld.idx.msk [tilespmem:v8+s14+$0x0], $0xffff;
	v0 =	vor.u32 v15, v7  }
0x24e: {  	v12 =	vcombine.low v12, v14;
	_ =	sdelay $0x1  }
0x24f: {  	[tilespmem:v9+s18+$0x0] =	vst.idx.msk $0xffff, v4;
	v4 =	vand.u32 $0xFFFFFF80, v13;
	v9 =	vor.u32 v15, v11;
	v15 =	vand.u32 $0xF, v12  }
0x250: {  	v13 =	vand.u32 $0x7F, v13;
	v4 =	vadd.s32 v10, v4;
	v12 =	vadd.s32 v15, v3  }
0x251: {  	v4 =	vor.u32 v13, v4;
	[tilespmem:v0+s18+$0x0] =	vst.idx.msk $0xffff, v8;
	v14 =	vld [tilespmem:$0x1F8B0];
	v8 =	vand.u32 $0xFFFFFF80, v12  }
0x252: {  	[tilespmem:$0x1F570] =	vst v15;
	v13 =	vadd.s32 v15, v2;
	v15 =	vld [tilespmem:$0x1F7D0];
	v12 =	vand.u32 $0x7F, v12;
	v8 =	vadd.s32 v6, v8  }
0x253: {  	v8 =	vor.u32 v12, v8;
	v12 =	vld [tilespmem:$0x1F7C0];
	_ =	sdelay $0x1  }
0x254: {  	v5 =	vld.idx.msk [tilespmem:v5+s14+$0x0], $0xffff;
	_ =	sdelay $0x1  }
0x255: {  	v1 =	vld.idx.msk [tilespmem:v1+s14+$0x0], $0xffff;
	v0 =	vor.u32 v14, v7  }
0x256: {  	v12 =	vcombine.low v12, v15;
	_ =	sdelay $0x1  }
0x257: {  	[tilespmem:v9+s18+$0x0] =	vst.idx.msk $0xffff, v5;
	v5 =	vand.u32 $0xFFFFFF80, v13;
	v9 =	vor.u32 v14, v11;
	v14 =	vand.u32 $0xF, v12  }
0x258: {  	v13 =	vand.u32 $0x7F, v13;
	v5 =	vadd.s32 v10, v5;
	v12 =	vadd.s32 v14, v3  }
0x259: {  	v5 =	vor.u32 v13, v5;
	[tilespmem:v0+s18+$0x0] =	vst.idx.msk $0xffff, v1;
	v15 =	vld [tilespmem:$0x1F8C0];
	v1 =	vand.u32 $0xFFFFFF80, v12  }
0x25a: {  	[tilespmem:$0x1F580] =	vst v14;
	v13 =	vadd.s32 v14, v2;
	v14 =	vld [tilespmem:$0x1F7F0];
	v12 =	vand.u32 $0x7F, v12;
	v1 =	vadd.s32 v6, v1  }
0x25b: {  	v1 =	vor.u32 v12, v1;
	v12 =	vld [tilespmem:$0x1F7E0];
	_ =	sdelay $0x1  }
0x25c: {  	v4 =	vld.idx.msk [tilespmem:v4+s14+$0x0], $0xffff;
	_ =	sdelay $0x1  }
0x25d: {  	v8 =	vld.idx.msk [tilespmem:v8+s14+$0x0], $0xffff;
	v0 =	vor.u32 v15, v7  }
0x25e: {  	v12 =	vcombine.low v12, v14;
	_ =	sdelay $0x1  }
0x25f: {  	[tilespmem:v9+s18+$0x0] =	vst.idx.msk $0xffff, v4;
	v4 =	vand.u32 $0xFFFFFF80, v13;
	v14 =	vand.u32 $0xF, v12  }
0x260: {  	v5 =	vld.idx.msk [tilespmem:v5+s14+$0x0], $0xffff;
	v13 =	vand.u32 $0x7F, v13;
	v4 =	vadd.s32 v10, v4;
	v12 =	vadd.s32 v14, v3  }
0x261: {  	v9 =	vor.u32 v15, v11;
	v15 =	vld [tilespmem:$0x1F8D0];
	v4 =	vor.u32 v13, v4;
	[tilespmem:v0+s18+$0x0] =	vst.idx.msk $0xffff, v8;
	v8 =	vand.u32 $0xFFFFFF80, v12  }
0x262: {  	[tilespmem:$0x1F590] =	vst v14;
	v13 =	vadd.s32 v14, v2;
	v14 =	vld [tilespmem:$0x1F840];
	v12 =	vand.u32 $0x7F, v12;
	v8 =	vadd.s32 v6, v8  }
0x263: {  	v8 =	vor.u32 v12, v8;
	v12 =	vld [tilespmem:$0x1F830];
	_ =	sdelay $0x1  }
0x264: {  	v16 =	vld [tilespmem:$0x1F8F0]  }
0x265: {  	v0 =	vor.u32 v15, v7;
	[tilespmem:v9+s18+$0x0] =	vst.idx.msk $0xffff, v5;
	v1 =	vld.idx.msk [tilespmem:v1+s14+$0x0], $0xffff  }
0x266: {  	v9 =	vor.u32 v15, v11;
	v4 =	vld.idx.msk [tilespmem:v4+s14+$0x0], $0xffff  }
0x267: {  	v5 =	vand.u32 $0xFFFFFF80, v13;
	v12 =	vcombine.low v12, v14;
	v14 =	vld [tilespmem:$0x1F8E0]  }
0x268: {  	v25 =	vld [tilespmem:$0x1F970];
	v13 =	vand.u32 $0x7F, v13;
	v5 =	vadd.s32 v10, v5  }
0x269: {  	v26 =	vld [tilespmem:$0x1F980];
	v5 =	vor.u32 v13, v5;
	v15 =	vand.u32 $0xF, v12  }
0x26a: {  	v62 =	vld [tilespmem:$0x1F990];
	[tilespmem:v0+s18+$0x0] =	vst.idx.msk $0xffff, v1;
	v12 =	vadd.s32 v15, v3  }
0x26b: {  	v39 =	vld [tilespmem:$0x1F9A0];
	[tilespmem:v9+s18+$0x0] =	vst.idx.msk $0xffff, v4;
	v13 =	vadd.s32 v15, v2;
	v1 =	vand.u32 $0xFFFFFF80, v12  }
0x26c: {  	v8 =	vld.idx.msk [tilespmem:v8+s14+$0x0], $0xffff;
	v12 =	vand.u32 $0x7F, v12;
	v0 =	vor.u32 v14, v7;
	v1 =	vadd.s32 v6, v1  }
0x26d: {  	v40 =	vld [tilespmem:$0x1F9C0];
	[tilespmem:$0x1F5A0] =	vst v15;
	v15 =	vor.u32 $0x10, v17;
	v4 =	vand.u32 $0xFFFFFF80, v13;
	v1 =	vor.u32 v12, v1  }
0x26e: {  	v5 =	vld.idx.msk [tilespmem:v5+s14+$0x0], $0xffff;
	v9 =	vor.u32 v14, v11;
	v4 =	vadd.s32 v10, v4;
	v12 =	vand.u32 $0x7F, v13  }
0x26f: {  	v41 =	vld [tilespmem:$0x1F9D0];
	v13 =	vadd.s32 v15, v3;
	v4 =	vor.u32 v12, v4  }
0x270: {  	v44 =	vld [tilespmem:$0x1F9E0];
	[tilespmem:$0x1F5B0] =	vst v15;
	v12 =	vand.u32 $0xFFFFFF80, v13  }
0x271: {  	v45 =	vld [tilespmem:$0x1F9F0];
	v15 =	vadd.s32 v15, v2;
	v13 =	vand.u32 $0x7F, v13;
	v12 =	vadd.s32 v6, v12;
	[tilespmem:v0+s18+$0x0] =	vst.idx.msk $0xffff, v8  }
0x272: {  	v8 =	vor.u32 v16, v7;
	v0 =	vsel vm0, v26, v25;
	v14 =	vld.idx.msk [tilespmem:v1+s14+$0x0], $0xffff;
	v1 =	vsel vm0, v39, v62  }
0x273: {  	v18 =	vld [tilespmem:$0x1F900];
	v12 =	vor.u32 v13, v12;
	[tilespmem:v9+s18+$0x0] =	vst.idx.msk $0xffff, v5;
	v5 =	vand.u32 $0xFFFFFF80, v15;
	v17 =	vcombine.low v1, v0  }
0x274: {  	v13 =	vor.u32 v16, v11;
	v5 =	vadd.s32 v10, v5;
	v9 =	vld.idx.msk [tilespmem:v4+s14+$0x0], $0xffff;
	v4 =	vand.u32 $0x7F, v15  }
0x275: {  	v16 =	vor.u32 v4, v5;
	v15 =	vadd.s32 v17, v3  }
0x276: {  	v21 =	vld [tilespmem:$0x1F9B0];
	v5 =	vsel vm0, v45, v44;
	[tilespmem:$0x1F5C0] =	vst v17;
	v4 =	vand.u32 $0xFFFFFF80, v15  }
0x277: {  	v46 =	vld [tilespmem:$0x1FA10];
	[tilespmem:v8+s18+$0x0] =	vst.idx.msk $0xffff, v14;
	v14 =	vand.u32 $0x7F, v15;
	v15 =	vadd.s32 v6, v4;
	v4 =	vsel vm0, v41, v40  }
0x278: {  	v17 =	vadd.s32 v17, v2;
	v8 =	vor.u32 v18, v7;
	v12 =	vld.idx.msk [tilespmem:v12+s14+$0x0], $0xffff;
	v19 =	vcombine.low v5, v4  }
0x279: {  	v47 =	vld [tilespmem:$0x1FD20];
	v14 =	vor.u32 v14, v15;
	[tilespmem:v13+s18+$0x0] =	vst.idx.msk $0xffff, v9;
	v9 =	vand.u32 $0xFFFFFF80, v17;
	v15 =	vor.u32 v18, v11  }
0x27a: {  	v13 =	vld.idx.msk [tilespmem:v16+s14+$0x0], $0xffff;
	v16 =	vand.u32 $0x7F, v17;
	v9 =	vadd.s32 v10, v9;
	v17 =	vadd.s32 v19, v3  }
0x27b: {  	v49 =	vld [tilespmem:$0x1FD30];
	v16 =	vor.u32 v16, v9;
	v9 =	vand.u32 $0xFFFFFF80, v17  }
0x27c: {  	v51 =	vld [tilespmem:$0x1FD40];
	[tilespmem:$0x1F5D0] =	vst v19;
	v19 =	vadd.s32 v19, v2;
	v18 =	vadd.s32 v6, v9  }
0x27d: {  	v63 =	vld [tilespmem:$0x1FD50];
	v9 =	vsel vm0, v24, v23;
	[tilespmem:v8+s18+$0x0] =	vst.idx.msk $0xffff, v12;
	v8 =	vsel vm0, v20, v46  }
0x27e: {  	v17 =	vand.u32 $0x7F, v17;
	v12 =	vor.u32 v21, v7;
	v14 =	vld.idx.msk [tilespmem:v14+s14+$0x0], $0xffff;
	v23 =	vcombine.low v9, v8  }
0x27f: {  	v22 =	vld [tilespmem:$0x1FA00];
	v17 =	vor.u32 v17, v18;
	v18 =	vand.u32 $0x7F, v19;
	[tilespmem:v15+s18+$0x0] =	vst.idx.msk $0xffff, v13;
	v13 =	vand.u32 $0xFFFFFF80, v19  }
0x280: {  	v15 =	vld.idx.msk [tilespmem:v16+s14+$0x0], $0xffff;
	v16 =	vor.u32 v21, v11;
	v13 =	vadd.s32 v10, v13;
	v19 =	vadd.s32 v23, v3  }
0x281: {  	v18 =	vor.u32 v18, v13;
	v13 =	vand.u32 $0xFFFFFF80, v19  }
0x282: {  	v21 =	vadd.s32 v23, v2;
	v20 =	vadd.s32 v6, v13  }
0x283: {  	v13 =	vsel vm0, v63, v51;
	[tilespmem:v12+s18+$0x0] =	vst.idx.msk $0xffff, v14;
	v12 =	vsel vm0, v49, v47  }
0x284: {  	[tilespmem:$0x1F5E0] =	vst v23;
	v19 =	vand.u32 $0x7F, v19;
	v14 =	vor.u32 v22, v7;
	v17 =	vld.idx.msk [tilespmem:v17+s14+$0x0], $0xffff;
	v23 =	vcombine.low v13, v12  }
0x285: {  	v24 =	vld [tilespmem:$0x1FA20];
	v19 =	vor.u32 v19, v20;
	v20 =	vand.u32 $0x7F, v21;
	[tilespmem:v16+s18+$0x0] =	vst.idx.msk $0xffff, v15;
	v15 =	vand.u32 $0xFFFFFF80, v21  }
0x286: {  	v16 =	vld.idx.msk [tilespmem:v18+s14+$0x0], $0xffff;
	v18 =	vor.u32 v22, v11;
	v15 =	vadd.s32 v10, v15;
	v21 =	vadd.s32 v23, v3  }
0x287: {  	v20 =	vor.u32 v20, v15;
	v15 =	vand.u32 $0xFFFFFF80, v21  }
0x288: {  	[tilespmem:$0x1F5F0] =	vst v23;
	v23 =	vadd.s32 v23, v2;
	v22 =	vadd.s32 v6, v15  }
0x289: {  	v15 =	vsel vm0, v25, v39;
	[tilespmem:v14+s18+$0x0] =	vst.idx.msk $0xffff, v17;
	v14 =	vsel vm0, v62, v26  }
0x28a: {  	v21 =	vand.u32 $0x7F, v21;
	v17 =	vor.u32 v24, v7;
	v19 =	vld.idx.msk [tilespmem:v19+s14+$0x0], $0xffff;
	v25 =	vcombine.low v15, v14  }
0x28b: {  	v21 =	vor.u32 v21, v22;
	v22 =	vand.u32 $0x7F, v23;
	v26 =	vld [tilespmem:$0x1FA30];
	[tilespmem:v18+s18+$0x0] =	vst.idx.msk $0xffff, v16;
	v16 =	vand.u32 $0xFFFFFF80, v23  }
0x28c: {  	v18 =	vld.idx.msk [tilespmem:v20+s14+$0x0], $0xffff;
	v20 =	vor.u32 v24, v11;
	v16 =	vadd.s32 v10, v16;
	v23 =	vadd.s32 v25, v3  }
0x28d: {  	v22 =	vor.u32 v22, v16;
	v16 =	vand.u32 $0xFFFFFF80, v23  }
0x28e: {  	[tilespmem:$0x1F600] =	vst v25;
	v25 =	vadd.s32 v25, v2;
	v24 =	vadd.s32 v6, v16  }
0x28f: {  	v16 =	vsel vm0, v44, v41;
	[tilespmem:v17+s18+$0x0] =	vst.idx.msk $0xffff, v19;
	v17 =	vsel vm0, v40, v45  }
0x290: {  	v23 =	vand.u32 $0x7F, v23;
	v19 =	vor.u32 v26, v7;
	v21 =	vld.idx.msk [tilespmem:v21+s14+$0x0], $0xffff;
	v43 =	vcombine.low v17, v16  }
0x291: {  	v23 =	vor.u32 v23, v24;
	[tilespmem:v20+s18+$0x0] =	vst.idx.msk $0xffff, v18;
	v18 =	vand.u32 $0xFFFFFF80, v25  }
0x292: {  	v24 =	vand.u32 $0x7F, v25;
	v18 =	vadd.s32 v10, v18;
	v25 =	vadd.s32 v43, v3  }
0x293: {  	v20 =	vld.idx.msk [tilespmem:v22+s14+$0x0], $0xffff;
	v24 =	vor.u32 v24, v18;
	v18 =	vand.u32 $0xFFFFFF80, v25  }
0x294: {  	v22 =	vor.u32 v26, v11;
	v26 =	vadd.s32 v6, v18;
	v18 =	vld [tilespmem:$0x1FFA0]  }
0x295: {  	[tilespmem:v19+s18+$0x0] =	vst.idx.msk $0xffff, v21;
	v19 =	vld [tilespmem:$0x1FFB0];
	_ =	sdelay $0x3  }
0x296: {  	v44 =	vld [tilespmem:$0x1FA40]  }
0x297: {  	v18 =	vsel vm0, v19, v18;
	v19 =	vld [tilespmem:$0x1FFC0];
	_ =	sdelay $0x3  }
0x298: {  	v25 =	vand.u32 $0x7F, v25;
	v21 =	vor.u32 v44, v7;
	v23 =	vld.idx.msk [tilespmem:v23+s14+$0x0], $0xffff  }
0x299: {  	v50 =	vld [tilespmem:$0x1FA50];
	v45 =	vadd.s32 v43, v2;
	v25 =	vor.u32 v25, v26;
	v19 =	vsel vm0, v46, v19  }
0x29a: {  	[tilespmem:v22+s18+$0x0] =	vst.idx.msk $0xffff, v20;
	v20 =	vand.u32 $0xFFFFFF80, v45;
	v46 =	vcombine.low v19, v18  }
0x29b: {  	v26 =	vand.u32 $0x7F, v45;
	v22 =	vld.idx.msk [tilespmem:v24+s14+$0x0], $0xffff;
	v24 =	vor.u32 v44, v11;
	v20 =	vadd.s32 v10, v20  }
0x29c: {  	v52 =	vmov v48;
	v20 =	vor.u32 v26, v20;
	v48 =	vadd.s32 v46, v3  }
0x29d: {  	v56 =	vsel vm0, v47, v63;
	[tilespmem:v21+s18+$0x0] =	vst.idx.msk $0xffff, v23;
	v26 =	vand.u32 $0xFFFFFF80, v48  }
0x29e: {  	v37 =	vmovc v53;
	v21 =	vor.u32 v50, v7;
	v25 =	vld.idx.msk [tilespmem:v25+s14+$0x0], $0xffff;
	v23 =	vand.u32 $0x7F, v48;
	v26 =	vadd.s32 v6, v26  }
0x29f: {  	v29 =	vmovc v59;
	v59 =	vld [tilespmem:$0x1FA60];
	v53 =	vsel vm0, v51, v49;
	v57 =	vadd.s32 v46, v2;
	v23 =	vor.u32 v23, v26  }
0x2a0: {  	v28 =	vmov v58;
	v58 =	vcombine.low v56, v53;
	[tilespmem:v24+s18+$0x0] =	vst.idx.msk $0xffff, v22;
	v22 =	vand.u32 $0xFFFFFF80, v57  }
0x2a1: {  	v24 =	vor.u32 v50, v11;
	v20 =	vld.idx.msk [tilespmem:v20+s14+$0x0], $0xffff;
	v22 =	vadd.s32 v10, v22;
	v26 =	vand.u32 $0x7F, v57  }
0x2a2: {  	v22 =	vor.u32 v26, v22;
	v26 =	vadd.s32 v58, v3  }
0x2a3: {  	[tilespmem:v21+s18+$0x0] =	vst.idx.msk $0xffff, v25;
	v25 =	vand.u32 $0xFFFFFF80, v26  }
0x2a4: {  	v21 =	vor.u32 v59, v7;
	v26 =	vand.u32 $0x7F, v26;
	v25 =	vadd.s32 v6, v25;
	v23 =	vld.idx.msk [tilespmem:v23+s14+$0x0], $0xffff  }
0x2a5: {  	v39 =	vadd.s32 v58, v2;
	v25 =	vor.u32 v26, v25  }
0x2a6: {  	[tilespmem:v24+s18+$0x0] =	vst.idx.msk $0xffff, v20;
	v26 =	vcombine.low v0, v1;
	v0 =	vand.u32 $0xFFFFFF80, v39  }
0x2a7: {  	v0 =	vadd.s32 v10, v0;
	v1 =	vld.idx.msk [tilespmem:v22+s14+$0x0], $0xffff;
	v22 =	vand.u32 $0x7F, v39  }
0x2a8: {  	v0 =	vor.u32 v22, v0;
	v22 =	vadd.s32 v26, v3  }
0x2a9: {  	v20 =	vor.u32 v59, v11;
	[tilespmem:v21+s18+$0x0] =	vst.idx.msk $0xffff, v23;
	v23 =	vand.u32 $0xFFFFFF80, v22  }
0x2aa: {  	v21 =	vor.u32 v55, v7;
	v22 =	vand.u32 $0x7F, v22;
	v24 =	vld.idx.msk [tilespmem:v25+s14+$0x0], $0xffff;
	v23 =	vadd.s32 v6, v23  }
0x2ab: {  	v22 =	vor.u32 v22, v23;
	_ =	sdelay $0x2  }
0x2ac: {  	v25 =	vadd.s32 v26, v2;
	[tilespmem:v20+s18+$0x0] =	vst.idx.msk $0xffff, v1;
	v23 =	vcombine.low v4, v5  }
0x2ad: {  	v1 =	vand.u32 $0xFFFFFF80, v25;
	v0 =	vld.idx.msk [tilespmem:v0+s14+$0x0], $0xffff;
	v4 =	vor.u32 v55, v11;
	[tilespmem:v21+s18+$0x0] =	vst.idx.msk $0xffff, v24  }
0x2ae: {  	v20 =	vor.u32 v31, v7;
	v5 =	vand.u32 $0x7F, v25;
	v1 =	vadd.s32 v10, v1;
	v22 =	vld.idx.msk [tilespmem:v22+s14+$0x0], $0xffff  }
0x2af: {  	v1 =	vor.u32 v5, v1  }
0x2b0: {  	v5 =	vadd.s32 v23, v3  }
0x2b1: {  	[tilespmem:$0x1F650] =	vst v23;
	v21 =	vand.u32 $0xFFFFFF80, v5  }
0x2b2: {  	v23 =	vadd.s32 v23, v2;
	v5 =	vand.u32 $0x7F, v5;
	v21 =	vadd.s32 v6, v21;
	[tilespmem:v4+s18+$0x0] =	vst.idx.msk $0xffff, v0  }
0x2b3: {  	v0 =	vand.u32 $0xFFFFFF80, v23;
	v4 =	vor.u32 v31, v11;
	v5 =	vor.u32 v5, v21;
	[tilespmem:v20+s18+$0x0] =	vst.idx.msk $0xffff, v22;
	v22 =	vld [tilespmem:$0x1FA70]  }
0x2b4: {  	v21 =	vcombine.low v8, v9;
	v8 =	vand.u32 $0x7F, v23;
	v0 =	vadd.s32 v10, v0;
	v1 =	vld.idx.msk [tilespmem:v1+s14+$0x0], $0xffff  }
0x2b5: {  	v0 =	vor.u32 v8, v0  }
0x2b6: {  	v8 =	vadd.s32 v21, v3  }
0x2b7: {  	[tilespmem:$0x1F660] =	vst v21;
	v21 =	vadd.s32 v21, v2;
	v20 =	vand.u32 $0xFFFFFF80, v8  }
0x2b8: {  	v8 =	vand.u32 $0x7F, v8;
	v5 =	vld.idx.msk [tilespmem:v5+s14+$0x0], $0xffff;
	v20 =	vadd.s32 v6, v20;
	v9 =	vor.u32 v22, v7  }
0x2b9: {  	v13 =	vcombine.low v12, v13;
	v8 =	vor.u32 v8, v20;
	[tilespmem:v4+s18+$0x0] =	vst.idx.msk $0xffff, v1;
	v1 =	vand.u32 $0xFFFFFF80, v21;
	v20 =	vld [tilespmem:$0x1FA80]  }
0x2ba: {  	v12 =	vand.u32 $0x7F, v21;
	v0 =	vld.idx.msk [tilespmem:v0+s14+$0x0], $0xffff;
	v1 =	vadd.s32 v10, v1;
	v4 =	vor.u32 v22, v11  }
0x2bb: {  	v1 =	vor.u32 v12, v1  }
0x2bc: {  	[tilespmem:$0x1F670] =	vst v13;
	v12 =	vadd.s32 v13, v3  }
0x2bd: {  	v13 =	vadd.s32 v13, v2;
	[tilespmem:v9+s18+$0x0] =	vst.idx.msk $0xffff, v5;
	v9 =	vand.u32 $0xFFFFFF80, v12  }
0x2be: {  	v5 =	vor.u32 v20, v7;
	v12 =	vand.u32 $0x7F, v12;
	v8 =	vld.idx.msk [tilespmem:v8+s14+$0x0], $0xffff;
	v9 =	vadd.s32 v6, v9  }
0x2bf: {  	v15 =	vcombine.low v14, v15;
	v14 =	vld [tilespmem:$0x1FA90];
	[tilespmem:v4+s18+$0x0] =	vst.idx.msk $0xffff, v0;
	v0 =	vand.u32 $0xFFFFFF80, v13;
	v9 =	vor.u32 v12, v9  }
0x2c0: {  	v4 =	vor.u32 v20, v11;
	v1 =	vld.idx.msk [tilespmem:v1+s14+$0x0], $0xffff;
	v0 =	vadd.s32 v10, v0;
	v12 =	vand.u32 $0x7F, v13  }
0x2c1: {  	v0 =	vor.u32 v12, v0  }
0x2c2: {  	v12 =	vadd.s32 v15, v3  }
0x2c3: {  	v60 =	vld [tilespmem:$0x1FE00];
	v13 =	vadd.s32 v15, v2;
	[tilespmem:v5+s18+$0x0] =	vst.idx.msk $0xffff, v8;
	v8 =	vand.u32 $0xFFFFFF80, v12  }
0x2c4: {  	v5 =	vor.u32 v14, v7;
	v12 =	vand.u32 $0x7F, v12;
	v9 =	vld.idx.msk [tilespmem:v9+s14+$0x0], $0xffff;
	v8 =	vadd.s32 v6, v8  }
0x2c5: {  	[tilespmem:v4+s18+$0x0] =	vst.idx.msk $0xffff, v1;
	v1 =	vand.u32 $0xFFFFFF80, v13;
	v4 =	vor.u32 v14, v11;
	v14 =	vld [tilespmem:$0x1FAA0];
	v8 =	vor.u32 v12, v8  }
0x2c6: {  	[tilespmem:$0x1F680] =	vst v15;
	v15 =	vcombine.low v16, v17;
	v1 =	vadd.s32 v10, v1;
	v0 =	vld.idx.msk [tilespmem:v0+s14+$0x0], $0xffff;
	v12 =	vand.u32 $0x7F, v13  }
0x2c7: {  	v61 =	vld [tilespmem:$0x1FE10];
	v1 =	vor.u32 v12, v1  }
0x2c8: {  	v38 =	vld [tilespmem:$0x1FD90];
	v12 =	vadd.s32 v15, v3  }
0x2c9: {  	v41 =	vld [tilespmem:$0x1FDC0];
	v13 =	vadd.s32 v15, v2;
	[tilespmem:v5+s18+$0x0] =	vst.idx.msk $0xffff, v9;
	v9 =	vand.u32 $0xFFFFFF80, v12  }
0x2ca: {  	v5 =	vor.u32 v14, v7;
	v12 =	vand.u32 $0x7F, v12;
	v8 =	vld.idx.msk [tilespmem:v8+s14+$0x0], $0xffff;
	v9 =	vadd.s32 v6, v9  }
0x2cb: {  	[tilespmem:v4+s18+$0x0] =	vst.idx.msk $0xffff, v0;
	v0 =	vand.u32 $0xFFFFFF80, v13;
	v4 =	vor.u32 v14, v11;
	v14 =	vld [tilespmem:$0x1FAB0];
	v9 =	vor.u32 v12, v9  }
0x2cc: {  	[tilespmem:$0x1F690] =	vst v15;
	v15 =	vcombine.low v18, v19;
	v1 =	vld.idx.msk [tilespmem:v1+s14+$0x0], $0xffff;
	v12 =	vand.u32 $0x7F, v13;
	v0 =	vadd.s32 v10, v0  }
0x2cd: {  	[tilespmem:$0x1F640] =	vst v26;
	v26 =	vld [tilespmem:$0x1FD80];
	v0 =	vor.u32 v12, v0  }
0x2ce: {  	v25 =	vld [tilespmem:$0x1FD70];
	v12 =	vadd.s32 v15, v3  }
0x2cf: {  	v16 =	vld [tilespmem:$0x1FAC0];
	v13 =	vadd.s32 v15, v2;
	[tilespmem:v5+s18+$0x0] =	vst.idx.msk $0xffff, v8;
	v8 =	vand.u32 $0xFFFFFF80, v12  }
0x2d0: {  	v5 =	vor.u32 v14, v7;
	v12 =	vand.u32 $0x7F, v12;
	v9 =	vld.idx.msk [tilespmem:v9+s14+$0x0], $0xffff;
	v8 =	vadd.s32 v6, v8  }
0x2d1: {  	v42 =	vlaneseq.u32;
	v23 =	vld [tilespmem:$0x1FD60];
	[tilespmem:v4+s18+$0x0] =	vst.idx.msk $0xffff, v1;
	v1 =	vand.u32 $0xFFFFFF80, v13;
	v8 =	vor.u32 v12, v8  }
0x2d2: {  	v4 =	vld.idx.msk [tilespmem:v0+s14+$0x0], $0xffff;
	v12 =	vor.u32 v14, v11;
	v0 =	vand.u32 $0x7F, v13;
	v1 =	vadd.s32 v10, v1  }
0x2d3: {  	v40 =	vld [tilespmem:$0x1FDB0];
	[tilespmem:$0x1F6A0] =	vst v15;
	v15 =	vor.u32 $0x20, v42;
	v14 =	vor.u32 v0, v1  }
0x2d4: {  	v44 =	vld [tilespmem:$0x1FDD0];
	[tilespmem:$0x1F6B0] =	vst v15;
	v13 =	vadd.s32 v15, v3;
	v15 =	vadd.s32 v15, v2  }
0x2d5: {  	v39 =	vld [tilespmem:$0x1FDA0];
	v0 =	vand.u32 $0xFFFFFF80, v13;
	v1 =	vsel vm0, v38, v26;
	[tilespmem:v5+s18+$0x0] =	vst.idx.msk $0xffff, v9;
	v5 =	vor.u32 v16, v7  }
0x2d6: {  	v9 =	vand.u32 $0x7F, v13;
	v13 =	vadd.s32 v6, v0;
	v0 =	vsel vm0, v25, v23;
	v8 =	vld.idx.msk [tilespmem:v8+s14+$0x0], $0xffff  }
0x2d7: {  	v18 =	vld [tilespmem:$0x1FAD0];
	v9 =	vor.u32 v9, v13;
	v17 =	vcombine.low v1, v0;
	[tilespmem:v12+s18+$0x0] =	vst.idx.msk $0xffff, v4;
	v4 =	vand.u32 $0xFFFFFF80, v15  }
0x2d8: {  	v13 =	vor.u32 v16, v11;
	v12 =	vld.idx.msk [tilespmem:v14+s14+$0x0], $0xffff;
	v14 =	vand.u32 $0x7F, v15;
	v4 =	vadd.s32 v10, v4  }
0x2d9: {  	v56 =	vld [tilespmem:$0x1FE40];
	[tilespmem:$0x1F620] =	vst v46;
	v15 =	vadd.s32 v17, v3;
	v14 =	vor.u32 v14, v4  }
0x2da: {  	v45 =	vld [tilespmem:$0x1FDE0];
	[tilespmem:$0x1F6C0] =	vst v17;
	v4 =	vand.u32 $0xFFFFFF80, v15  }
0x2db: {  	v20 =	vld [tilespmem:$0x1FAE0];
	v17 =	vadd.s32 v17, v2;
	v15 =	vand.u32 $0x7F, v15;
	v16 =	vadd.s32 v6, v4;
	[tilespmem:v5+s18+$0x0] =	vst.idx.msk $0xffff, v8  }
0x2dc: {  	v4 =	vsel vm0, v40, v39;
	v8 =	vor.u32 v18, v7;
	v5 =	vsel vm0, v44, v41;
	v9 =	vld.idx.msk [tilespmem:v9+s14+$0x0], $0xffff  }
0x2dd: {  	v46 =	vld [tilespmem:$0x1FDF0];
	v15 =	vor.u32 v15, v16;
	v16 =	vand.u32 $0x7F, v17;
	[tilespmem:v13+s18+$0x0] =	vst.idx.msk $0xffff, v12;
	v12 =	vand.u32 $0xFFFFFF80, v17  }
0x2de: {  	v19 =	vcombine.low v5, v4;
	v13 =	vld.idx.msk [tilespmem:v14+s14+$0x0], $0xffff;
	v14 =	vor.u32 v18, v11;
	v12 =	vadd.s32 v10, v12  }
0x2df: {  	v63 =	vld [tilespmem:$0x1FE30];
	v12 =	vor.u32 v16, v12  }
0x2e0: {  	v57 =	vld [tilespmem:$0x1FE50];
	v18 =	vor.u32 v20, v7;
	v17 =	vadd.s32 v19, v3;
	[tilespmem:$0x1F6D0] =	vst v19  }
0x2e1: {  	v22 =	vld [tilespmem:$0x1FAF0];
	v19 =	vadd.s32 v19, v2;
	v16 =	vand.u32 $0xFFFFFF80, v17;
	v17 =	vand.u32 $0x7F, v17;
	[tilespmem:v8+s18+$0x0] =	vst.idx.msk $0xffff, v9  }
0x2e2: {  	v16 =	vadd.s32 v6, v16;
	v8 =	vsel vm0, v46, v45;
	v9 =	vsel vm0, v61, v60;
	v15 =	vld.idx.msk [tilespmem:v15+s14+$0x0], $0xffff  }
0x2e3: {  	v62 =	vld [tilespmem:$0x1FE20];
	v16 =	vor.u32 v17, v16;
	v17 =	vor.u32 v20, v11;
	[tilespmem:v14+s18+$0x0] =	vst.idx.msk $0xffff, v13;
	v13 =	vand.u32 $0xFFFFFF80, v19  }
0x2e4: {  	v21 =	vcombine.low v9, v8;
	v14 =	vld.idx.msk [tilespmem:v12+s14+$0x0], $0xffff;
	v12 =	vand.u32 $0x7F, v19;
	v13 =	vadd.s32 v10, v13  }
0x2e5: {  	v20 =	vor.u32 v12, v13  }
0x2e6: {  	v19 =	vadd.s32 v21, v3;
	v13 =	vsel vm0, v57, v56;
	[tilespmem:$0x1F6E0] =	vst v21  }
0x2e7: {  	v21 =	vadd.s32 v21, v2;
	v12 =	vand.u32 $0xFFFFFF80, v19;
	[tilespmem:v18+s18+$0x0] =	vst.idx.msk $0xffff, v15;
	v15 =	vor.u32 v22, v7  }
0x2e8: {  	[tilespmem:$0x1F610] =	vst v43;
	v18 =	vand.u32 $0x7F, v19;
	v19 =	vadd.s32 v6, v12;
	v12 =	vsel vm0, v63, v62;
	v16 =	vld.idx.msk [tilespmem:v16+s14+$0x0], $0xffff  }
0x2e9: {  	v24 =	vld [tilespmem:$0x1FB00];
	v18 =	vor.u32 v18, v19;
	v43 =	vcombine.low v13, v12;
	[tilespmem:v17+s18+$0x0] =	vst.idx.msk $0xffff, v14;
	v14 =	vand.u32 $0xFFFFFF80, v21  }
0x2ea: {  	v19 =	vor.u32 v22, v11;
	v17 =	vld.idx.msk [tilespmem:v20+s14+$0x0], $0xffff;
	v20 =	vand.u32 $0x7F, v21;
	v14 =	vadd.s32 v10, v14  }
0x2eb: {  	v21 =	vadd.s32 v43, v3;
	v20 =	vor.u32 v20, v14  }
0x2ec: {  	v14 =	vand.u32 $0xFFFFFF80, v21  }
0x2ed: {  	v21 =	vand.u32 $0x7F, v21;
	v22 =	vadd.s32 v6, v14;
	v14 =	vsel vm0, v26, v25;
	[tilespmem:v15+s18+$0x0] =	vst.idx.msk $0xffff, v16  }
0x2ee: {  	v16 =	vor.u32 v24, v7;
	v15 =	vsel vm0, v23, v38;
	v23 =	vadd.s32 v43, v2;
	v18 =	vld.idx.msk [tilespmem:v18+s14+$0x0], $0xffff  }
0x2ef: {  	v26 =	vld [tilespmem:$0x1FB10];
	v21 =	vor.u32 v21, v22;
	v25 =	vcombine.low v15, v14;
	[tilespmem:v19+s18+$0x0] =	vst.idx.msk $0xffff, v17;
	v17 =	vand.u32 $0xFFFFFF80, v23  }
0x2f0: {  	v22 =	vand.u32 $0x7F, v23;
	v19 =	vld.idx.msk [tilespmem:v20+s14+$0x0], $0xffff;
	v20 =	vor.u32 v24, v11;
	v17 =	vadd.s32 v10, v17  }
0x2f1: {  	v23 =	vadd.s32 v25, v3;
	v22 =	vor.u32 v22, v17  }
0x2f2: {  	[tilespmem:$0x1F700] =	vst v25;
	v17 =	vand.u32 $0xFFFFFF80, v23  }
0x2f3: {  	v25 =	vadd.s32 v25, v2;
	v23 =	vand.u32 $0x7F, v23;
	v24 =	vadd.s32 v6, v17;
	[tilespmem:v16+s18+$0x0] =	vst.idx.msk $0xffff, v18  }
0x2f4: {  	v17 =	vsel vm0, v39, v44;
	v18 =	vor.u32 v26, v7;
	v16 =	vsel vm0, v41, v40;
	v21 =	vld.idx.msk [tilespmem:v21+s14+$0x0], $0xffff  }
0x2f5: {  	v48 =	vld [tilespmem:$0x1FB20];
	v23 =	vor.u32 v23, v24;
	v44 =	vcombine.low v17, v16;
	[tilespmem:v20+s18+$0x0] =	vst.idx.msk $0xffff, v19;
	v19 =	vand.u32 $0xFFFFFF80, v25  }
0x2f6: {  	v24 =	vand.u32 $0x7F, v25;
	v20 =	vld.idx.msk [tilespmem:v22+s14+$0x0], $0xffff;
	v22 =	vor.u32 v26, v11;
	v19 =	vadd.s32 v10, v19  }
0x2f7: {  	v25 =	vadd.s32 v44, v3;
	v24 =	vor.u32 v24, v19  }
0x2f8: {  	v19 =	vand.u32 $0xFFFFFF80, v25  }
0x2f9: {  	v49 =	vadd.s32 v44, v2;
	v25 =	vand.u32 $0x7F, v25;
	v26 =	vadd.s32 v6, v19;
	[tilespmem:v18+s18+$0x0] =	vst.idx.msk $0xffff, v21  }
0x2fa: {  	v19 =	vsel vm0, v45, v61;
	v21 =	vor.u32 v48, v7;
	v18 =	vsel vm0, v60, v46;
	v23 =	vld.idx.msk [tilespmem:v23+s14+$0x0], $0xffff  }
0x2fb: {  	v55 =	vld [tilespmem:$0x1FB30];
	v25 =	vor.u32 v25, v26;
	v26 =	vand.u32 $0x7F, v49;
	[tilespmem:v22+s18+$0x0] =	vst.idx.msk $0xffff, v20;
	v20 =	vand.u32 $0xFFFFFF80, v49  }
0x2fc: {  	v50 =	vcombine.low v19, v18;
	v22 =	vld.idx.msk [tilespmem:v24+s14+$0x0], $0xffff;
	v24 =	vor.u32 v48, v11;
	v20 =	vadd.s32 v10, v20  }
0x2fd: {  	v20 =	vor.u32 v26, v20  }
0x2fe: {  	[tilespmem:$0x1F630] =	vst v58;
	v56 =	vsel vm0, v56, v63;
	v53 =	vadd.s32 v50, v3  }
0x2ff: {  	v57 =	vsel vm0, v62, v57;
	v58 =	vadd.s32 v50, v2;
	v26 =	vand.u32 $0xFFFFFF80, v53;
	[tilespmem:v21+s18+$0x0] =	vst.idx.msk $0xffff, v23  }
0x300: {  	v26 =	vadd.s32 v6, v26;
	v21 =	vor.u32 v55, v7;
	v23 =	vand.u32 $0x7F, v53;
	v25 =	vld.idx.msk [tilespmem:v25+s14+$0x0], $0xffff  }
0x301: {  	v59 =	vld [tilespmem:$0x1FB40];
	v35 =	vcombine.low v57, v56;
	v23 =	vor.u32 v23, v26;
	[tilespmem:v24+s18+$0x0] =	vst.idx.msk $0xffff, v22;
	v22 =	vand.u32 $0xFFFFFF80, v58  }
0x302: {  	v24 =	vor.u32 v55, v11;
	v26 =	vand.u32 $0x7F, v58;
	v20 =	vld.idx.msk [tilespmem:v20+s14+$0x0], $0xffff;
	v22 =	vadd.s32 v10, v22  }
0x303: {  	v22 =	vor.u32 v26, v22  }
0x304: {  	v26 =	vadd.s32 v35, v3  }
0x305: {  	v39 =	vadd.s32 v35, v2;
	[tilespmem:v21+s18+$0x0] =	vst.idx.msk $0xffff, v25;
	v25 =	vand.u32 $0xFFFFFF80, v26  }
0x306: {  	v21 =	vor.u32 v59, v7;
	v26 =	vand.u32 $0x7F, v26;
	v23 =	vld.idx.msk [tilespmem:v23+s14+$0x0], $0xffff;
	v25 =	vadd.s32 v6, v25  }
0x307: {  	v63 =	vcombine.low v0, v1;
	v0 =	vld [tilespmem:$0x1FB50];
	v1 =	vand.u32 $0xFFFFFF80, v39;
	[tilespmem:v24+s18+$0x0] =	vst.idx.msk $0xffff, v20;
	v25 =	vor.u32 v26, v25  }
0x308: {  	v1 =	vadd.s32 v10, v1;
	v24 =	vand.u32 $0x7F, v39;
	v20 =	vld.idx.msk [tilespmem:v22+s14+$0x0], $0xffff;
	v22 =	vor.u32 v59, v11  }
0x309: {  	v24 =	vor.u32 v24, v1  }
0x30a: {  	v1 =	vadd.s32 v63, v3  }
0x30b: {  	v60 =	vcombine.low v4, v5;
	v26 =	vadd.s32 v63, v2;
	[tilespmem:v21+s18+$0x0] =	vst.idx.msk $0xffff, v23;
	v23 =	vand.u32 $0xFFFFFF80, v1  }
0x30c: {  	v21 =	vor.u32 v0, v7;
	v1 =	vand.u32 $0x7F, v1;
	v25 =	vld.idx.msk [tilespmem:v25+s14+$0x0], $0xffff;
	v23 =	vadd.s32 v6, v23  }
0x30d: {  	v4 =	vand.u32 $0xFFFFFF80, v26;
	[tilespmem:v22+s18+$0x0] =	vst.idx.msk $0xffff, v20;
	v20 =	vor.u32 v0, v11;
	v0 =	vld [tilespmem:$0x1FB60];
	v23 =	vor.u32 v1, v23  }
0x30e: {  	v4 =	vadd.s32 v10, v4;
	v22 =	vand.u32 $0x7F, v26;
	v5 =	vld.idx.msk [tilespmem:v24+s14+$0x0], $0xffff  }
0x30f: {  	v22 =	vor.u32 v22, v4  }
0x310: {  	v4 =	vadd.s32 v60, v3  }
0x311: {  	v1 =	vld [tilespmem:$0x1FB70];
	v24 =	vand.u32 $0xFFFFFF80, v4;
	v4 =	vand.u32 $0x7F, v4;
	[tilespmem:v21+s18+$0x0] =	vst.idx.msk $0xffff, v25  }
0x312: {  	v24 =	vadd.s32 v6, v24;
	v21 =	vor.u32 v0, v7;
	v25 =	vadd.s32 v60, v2;
	v23 =	vld.idx.msk [tilespmem:v23+s14+$0x0], $0xffff  }
0x313: {  	v57 =	vcombine.low v8, v9;
	v24 =	vor.u32 v4, v24;
	[tilespmem:v20+s18+$0x0] =	vst.idx.msk $0xffff, v5;
	v5 =	vand.u32 $0xFFFFFF80, v25  }
0x314: {  	v9 =	vor.u32 v0, v11;
	v20 =	vand.u32 $0x7F, v25;
	v8 =	vld.idx.msk [tilespmem:v22+s14+$0x0], $0xffff;
	v5 =	vadd.s32 v10, v5  }
0x315: {  	v20 =	vor.u32 v20, v5  }
0x316: {  	v0 =	vcombine.low v12, v13  }
0x317: {  	v12 =	vor.u32 v1, v11;
	v5 =	vadd.s32 v57, v3;
	[tilespmem:v21+s18+$0x0] =	vst.idx.msk $0xffff, v23  }
0x318: {  	v22 =	vand.u32 $0xFFFFFF80, v5;
	v5 =	vand.u32 $0x7F, v5;
	v23 =	vld.idx.msk [tilespmem:v24+s14+$0x0], $0xffff;
	v24 =	vadd.s32 v57, v2  }
0x319: {  	v22 =	vadd.s32 v6, v22;
	v21 =	vor.u32 v1, v7;
	v1 =	vld [tilespmem:$0x1FB80];
	[tilespmem:v9+s18+$0x0] =	vst.idx.msk $0xffff, v8;
	v8 =	vand.u32 $0xFFFFFF80, v24  }
0x31a: {  	v22 =	vor.u32 v5, v22;
	v9 =	vld.idx.msk [tilespmem:v20+s14+$0x0], $0xffff;
	v13 =	vand.u32 $0x7F, v24;
	v8 =	vadd.s32 v10, v8  }
0x31b: {  	v13 =	vor.u32 v13, v8;
	_ =	sdelay $0x2  }
0x31c: {  	v8 =	vadd.s32 v0, v3;
	[tilespmem:v21+s18+$0x0] =	vst.idx.msk $0xffff, v23  }
0x31d: {  	v20 =	vor.u32 v1, v7;
	v21 =	vand.u32 $0xFFFFFF80, v8;
	v22 =	vld.idx.msk [tilespmem:v22+s14+$0x0], $0xffff;
	[tilespmem:v12+s18+$0x0] =	vst.idx.msk $0xffff, v9  }
0x31e: {  	v8 =	vand.u32 $0x7F, v8;
	v23 =	vadd.s32 v0, v2;
	v21 =	vadd.s32 v6, v21;
	v12 =	vld.idx.msk [tilespmem:v13+s14+$0x0], $0xffff  }
0x31f: {  	v9 =	vand.u32 $0xFFFFFF80, v23;
	v21 =	vor.u32 v8, v21;
	v13 =	vor.u32 v1, v11;
	v1 =	vld [tilespmem:$0x1FB90]  }
0x320: {  	v5 =	vcombine.low v14, v15;
	v14 =	vand.u32 $0x7F, v23;
	v9 =	vadd.s32 v10, v9  }
0x321: {  	v14 =	vor.u32 v14, v9  }
0x322: {  	v9 =	vadd.s32 v5, v3  }
0x323: {  	v8 =	vcombine.low v16, v17;
	[tilespmem:v20+s18+$0x0] =	vst.idx.msk $0xffff, v22;
	v20 =	vand.u32 $0xFFFFFF80, v9;
	v9 =	vand.u32 $0x7F, v9  }
0x324: {  	v22 =	vadd.s32 v5, v2;
	v21 =	vld.idx.msk [tilespmem:v21+s14+$0x0], $0xffff;
	v20 =	vadd.s32 v6, v20;
	v15 =	vor.u32 v1, v7  }
0x325: {  	v20 =	vor.u32 v9, v20;
	[tilespmem:v13+s18+$0x0] =	vst.idx.msk $0xffff, v12;
	v12 =	vand.u32 $0xFFFFFF80, v22;
	v16 =	vor.u32 v1, v11;
	v1 =	vld [tilespmem:$0x1FBA0]  }
0x326: {  	v13 =	vand.u32 $0x7F, v22;
	v14 =	vld.idx.msk [tilespmem:v14+s14+$0x0], $0xffff;
	v12 =	vadd.s32 v10, v12  }
0x327: {  	v33 =	vld [tilespmem:$0x1FF00];
	v12 =	vor.u32 v13, v12  }
0x328: {  	v32 =	vld [tilespmem:$0x1FF10];
	v13 =	vadd.s32 v8, v3  }
0x329: {  	v54 =	vld [tilespmem:$0x1FEB0];
	v17 =	vand.u32 $0xFFFFFF80, v13;
	v13 =	vand.u32 $0x7F, v13;
	[tilespmem:v15+s18+$0x0] =	vst.idx.msk $0xffff, v21  }
0x32a: {  	v17 =	vadd.s32 v6, v17;
	v15 =	vor.u32 v1, v7;
	v21 =	vadd.s32 v8, v2;
	v20 =	vld.idx.msk [tilespmem:v20+s14+$0x0], $0xffff  }
0x32b: {  	v38 =	vld [tilespmem:$0x1FE80];
	v9 =	vcombine.low v18, v19;
	v17 =	vor.u32 v13, v17;
	[tilespmem:v16+s18+$0x0] =	vst.idx.msk $0xffff, v14;
	v14 =	vand.u32 $0xFFFFFF80, v21  }
0x32c: {  	v16 =	vor.u32 v1, v11;
	v18 =	vand.u32 $0x7F, v21;
	v12 =	vld.idx.msk [tilespmem:v12+s14+$0x0], $0xffff;
	v14 =	vadd.s32 v10, v14  }
0x32d: {  	v39 =	vld [tilespmem:$0x1FE90];
	v18 =	vor.u32 v18, v14  }
0x32e: {  	v4 =	vld [tilespmem:$0x1FE60];
	v14 =	vadd.s32 v9, v3  }
0x32f: {  	v13 =	vld [tilespmem:$0x1FE70];
	v19 =	vand.u32 $0xFFFFFF80, v14;
	v14 =	vand.u32 $0x7F, v14;
	[tilespmem:v15+s18+$0x0] =	vst.idx.msk $0xffff, v20  }
0x330: {  	v19 =	vadd.s32 v6, v19;
	v15 =	vor.u32 v27, v7;
	v20 =	vadd.s32 v9, v2;
	v17 =	vld.idx.msk [tilespmem:v17+s14+$0x0], $0xffff  }
0x331: {  	v1 =	vld [tilespmem:$0x1FBB0];
	v19 =	vor.u32 v14, v19;
	v14 =	vor.u32 $0x30, v42;
	[tilespmem:v16+s18+$0x0] =	vst.idx.msk $0xffff, v12;
	v12 =	vand.u32 $0xFFFFFF80, v20  }
0x332: {  	v20 =	vand.u32 $0x7F, v20;
	v16 =	vld.idx.msk [tilespmem:v18+s14+$0x0], $0xffff;
	v18 =	vor.u32 v27, v11;
	v12 =	vadd.s32 v10, v12  }
0x333: {  	v51 =	vld [tilespmem:$0x1FEA0];
	v21 =	vadd.s32 v14, v3;
	v12 =	vor.u32 v20, v12  }
0x334: {  	v56 =	vld [tilespmem:$0x1FEC0];
	v41 =	vsel vm0, v13, v4;
	v20 =	vand.u32 $0xFFFFFF80, v21  }
0x335: {  	v58 =	vld [tilespmem:$0x1FED0];
	v42 =	vsel vm0, v39, v38;
	v20 =	vadd.s32 v6, v20;
	[tilespmem:v15+s18+$0x0] =	vst.idx.msk $0xffff, v17  }
0x336: {  	[tilespmem:$0x1F6F0] =	vst v43;
	v17 =	vor.u32 v1, v7;
	v15 =	vand.u32 $0x7F, v21;
	v21 =	vadd.s32 v14, v2;
	v19 =	vld.idx.msk [tilespmem:v19+s14+$0x0], $0xffff  }
0x337: {  	v43 =	vld [tilespmem:$0x1FFD0];
	v20 =	vor.u32 v15, v20;
	v15 =	vcombine.low v42, v41;
	[tilespmem:v18+s18+$0x0] =	vst.idx.msk $0xffff, v16;
	v16 =	vand.u32 $0xFFFFFF80, v21  }
0x338: {  	v18 =	vor.u32 v1, v11;
	v21 =	vand.u32 $0x7F, v21;
	v12 =	vld.idx.msk [tilespmem:v12+s14+$0x0], $0xffff;
	v16 =	vadd.s32 v10, v16  }
0x339: {  	v30 =	vmov v34;
	v34 =	vld [tilespmem:$0x1FF30];
	v22 =	vadd.s32 v15, v3;
	v21 =	vor.u32 v21, v16  }
0x33a: {  	v46 =	vsel vm0, v54, v51;
	v48 =	vld [tilespmem:$0x1FEE0];
	v16 =	vand.u32 $0xFFFFFF80, v22  }
0x33b: {  	v53 =	vld [tilespmem:$0x1FEF0];
	v47 =	vsel vm0, v58, v56;
	v16 =	vadd.s32 v6, v16;
	[tilespmem:v17+s18+$0x0] =	vst.idx.msk $0xffff, v19  }
0x33c: {  	[tilespmem:$0x1F720] =	vst v50;
	v17 =	vor.u32 v43, v7;
	v19 =	vand.u32 $0x7F, v22;
	v22 =	vadd.s32 v15, v2;
	v20 =	vld.idx.msk [tilespmem:v20+s14+$0x0], $0xffff  }
0x33d: {  	v50 =	vld [tilespmem:$0x1FF60];
	v23 =	vor.u32 v43, v11;
	v19 =	vor.u32 v19, v16;
	[tilespmem:v18+s18+$0x0] =	vst.idx.msk $0xffff, v12;
	v12 =	vand.u32 $0xFFFFFF80, v22  }
0x33e: {  	v16 =	vcombine.low v47, v46;
	v18 =	vld.idx.msk [tilespmem:v21+s14+$0x0], $0xffff;
	v21 =	vand.u32 $0x7F, v22;
	v12 =	vadd.s32 v10, v12  }
0x33f: {  	v61 =	vld [tilespmem:$0x1FF20];
	v12 =	vor.u32 v21, v12  }
0x340: {  	[tilespmem:$0x1F710] =	vst v44;
	v45 =	vsel vm0, v32, v33;
	v55 =	vld [tilespmem:$0x1FF50];
	v22 =	vadd.s32 v16, v3  }
0x341: {  	v44 =	vsel vm0, v53, v48;
	v1 =	vld [tilespmem:$0x1FBF0];
	v24 =	vadd.s32 v16, v2;
	[tilespmem:v17+s18+$0x0] =	vst.idx.msk $0xffff, v20;
	v20 =	vand.u32 $0xFFFFFF80, v22  }
0x342: {  	v17 =	vor.u32 v50, v7;
	v22 =	vand.u32 $0x7F, v22;
	v19 =	vld.idx.msk [tilespmem:v19+s14+$0x0], $0xffff;
	v20 =	vadd.s32 v6, v20  }
0x343: {  	v59 =	vld [tilespmem:$0x1FF40];
	v21 =	vcombine.low v45, v44;
	[tilespmem:v23+s18+$0x0] =	vst.idx.msk $0xffff, v18;
	v18 =	vand.u32 $0xFFFFFF80, v24;
	v20 =	vor.u32 v22, v20  }
0x344: {  	v25 =	vor.u32 v50, v11;
	v23 =	vld.idx.msk [tilespmem:v12+s14+$0x0], $0xffff;
	v12 =	vand.u32 $0x7F, v24;
	v18 =	vadd.s32 v10, v18  }
0x345: {  	v22 =	vadd.s32 v21, v3;
	v18 =	vor.u32 v12, v18  }
0x346: {  	v49 =	vsel vm0, v34, v61;
	v24 =	vand.u32 $0xFFFFFF80, v22  }
0x347: {  	v12 =	vand.u32 $0x7F, v22;
	v22 =	vadd.s32 v6, v24;
	v24 =	vor.u32 v1, v7;
	[tilespmem:v17+s18+$0x0] =	vst.idx.msk $0xffff, v19  }
0x348: {  	v17 =	vor.u32 v12, v22;
	v12 =	vsel vm0, v55, v59;
	v19 =	vld.idx.msk [tilespmem:v20+s14+$0x0], $0xffff;
	v20 =	vadd.s32 v21, v2  }
0x349: {  	[tilespmem:v25+s18+$0x0] =	vst.idx.msk $0xffff, v23;
	v22 =	vcombine.low v12, v49;
	v25 =	vor.u32 v1, v11;
	v1 =	vld [tilespmem:$0x1FC10];
	v23 =	vand.u32 $0xFFFFFF80, v20  }
0x34a: {  	v18 =	vld.idx.msk [tilespmem:v18+s14+$0x0], $0xffff;
	v20 =	vand.u32 $0x7F, v20;
	v23 =	vadd.s32 v10, v23  }
0x34b: {  	v20 =	vor.u32 v20, v23;
	v23 =	vadd.s32 v22, v3  }
0x34c: {  	v26 =	vand.u32 $0xFFFFFF80, v23  }
0x34d: {  	v23 =	vand.u32 $0x7F, v23;
	v26 =	vadd.s32 v6, v26;
	[tilespmem:v24+s18+$0x0] =	vst.idx.msk $0xffff, v19  }
0x34e: {  	v62 =	vor.u32 v1, v11;
	v19 =	vor.u32 v23, v26;
	v24 =	vld.idx.msk [tilespmem:v17+s14+$0x0], $0xffff  }
0x34f: {  	v23 =	vor.u32 v1, v7;
	[tilespmem:v25+s18+$0x0] =	vst.idx.msk $0xffff, v18;
	v18 =	vadd.s32 v22, v2;
	v1 =	vld [tilespmem:$0x1FC30]  }
0x350: {  	v17 =	vsel vm0, v38, v13;
	v25 =	vand.u32 $0xFFFFFF80, v18;
	v26 =	vld.idx.msk [tilespmem:v20+s14+$0x0], $0xffff;
	v20 =	vsel vm0, v4, v39  }
0x351: {  	v18 =	vand.u32 $0x7F, v18;
	v50 =	vadd.s32 v10, v25;
	v25 =	vcombine.low v20, v17  }
0x352: {  	v40 =	vor.u32 v18, v50  }
0x353: {  	v18 =	vadd.s32 v25, v3  }
0x354: {  	v13 =	vmov v29;
	[tilespmem:v23+s18+$0x0] =	vst.idx.msk $0xffff, v24;
	v39 =	vor.u32 v1, v7;
	v29 =	vor.u32 v1, v11  }
0x355: {  	v4 =	vld [tilespmem:$0x1FC50];
	v23 =	vand.u32 $0xFFFFFF80, v18;
	v24 =	vand.u32 $0x7F, v18;
	v18 =	vsel vm0, v56, v54;
	[tilespmem:v62+s18+$0x0] =	vst.idx.msk $0xffff, v26  }
0x356: {  	v62 =	vmovc v27;
	v27 =	vld.idx.msk [tilespmem:v19+s14+$0x0], $0xffff;
	v19 =	vsel vm0, v51, v58;
	v58 =	vmov v28;
	v28 =	vadd.s32 v25, v2  }
0x357: {  	v1 =	vmovc v30;
	v23 =	vadd.s32 v6, v23;
	v40 =	vld.idx.msk [tilespmem:v40+s14+$0x0], $0xffff;
	v26 =	vcombine.low v19, v18;
	v30 =	vand.u32 $0xFFFFFF80, v28  }
0x358: {  	v23 =	vor.u32 v24, v23;
	v24 =	vand.u32 $0x7F, v28;
	v28 =	vadd.s32 v10, v30  }
0x359: {  	v24 =	vor.u32 v24, v28;
	v28 =	vadd.s32 v26, v3  }
0x35a: {  	v51 =	vmov v31;
	v30 =	vand.u32 $0xFFFFFF80, v28  }
0x35b: {  	v31 =	vor.u32 v4, v11;
	[tilespmem:v39+s18+$0x0] =	vst.idx.msk $0xffff, v27;
	v27 =	vand.u32 $0x7F, v28;
	v28 =	vadd.s32 v6, v30  }
0x35c: {  	v30 =	vadd.s32 v26, v2;
	[tilespmem:v29+s18+$0x0] =	vst.idx.msk $0xffff, v40;
	v27 =	vor.u32 v27, v28  }
0x35d: {  	v28 =	vld.idx.msk [tilespmem:v23+s14+$0x0], $0xffff;
	v29 =	vor.u32 v4, v7;
	v23 =	vsel vm0, v33, v53;
	v54 =	vand.u32 $0xFFFFFF80, v30  }
0x35e: {  	v30 =	vand.u32 $0x7F, v30;
	v56 =	vadd.s32 v10, v54;
	v40 =	vld.idx.msk [tilespmem:v24+s14+$0x0], $0xffff;
	v24 =	vsel vm0, v48, v32  }
0x35f: {  	v4 =	vld [tilespmem:$0x1FC60];
	v30 =	vor.u32 v30, v56;
	v39 =	vcombine.low v24, v23;
	_ =	sdelay $0x1  }
0x360: {  	v43 =	vadd.s32 v39, v3  }
0x361: {  	[tilespmem:v29+s18+$0x0] =	vst.idx.msk $0xffff, v28;
	v28 =	vand.u32 $0xFFFFFF80, v43  }
0x362: {  	v29 =	vand.u32 $0x7F, v43;
	v27 =	vld.idx.msk [tilespmem:v27+s14+$0x0], $0xffff;
	[tilespmem:v31+s18+$0x0] =	vst.idx.msk $0xffff, v40;
	v28 =	vadd.s32 v6, v28  }
0x363: {  	v31 =	vadd.s32 v39, v2;
	v28 =	vor.u32 v29, v28;
	v29 =	vor.u32 v4, v7;
	v30 =	vld.idx.msk [tilespmem:v30+s14+$0x0], $0xffff  }
0x364: {  	v53 =	vsel vm0, v59, v34;
	v50 =	vor.u32 v4, v11;
	v48 =	vand.u32 $0xFFFFFF80, v31;
	v4 =	vld [tilespmem:$0x1FC80]  }
0x365: {  	v54 =	vsel vm0, v61, v55;
	v31 =	vand.u32 $0x7F, v31;
	v32 =	vadd.s32 v10, v48  }
0x366: {  	v40 =	vcombine.low v54, v53;
	v31 =	vor.u32 v31, v32;
	_ =	sdelay $0x1  }
0x367: {  	[tilespmem:v29+s18+$0x0] =	vst.idx.msk $0xffff, v27;
	v27 =	vadd.s32 v40, v3  }
0x368: {  	[tilespmem:v50+s18+$0x0] =	vst.idx.msk $0xffff, v30;
	v30 =	vor.u32 v4, v7;
	v59 =	vor.u32 v4, v11;
	v4 =	vld [tilespmem:$0x1FCA0]  }
0x369: {  	v55 =	vadd.s32 v40, v2;
	v29 =	vand.u32 $0xFFFFFF80, v27;
	v28 =	vld.idx.msk [tilespmem:v28+s14+$0x0], $0xffff  }
0x36a: {  	v61 =	vand.u32 $0xFFFFFF80, v55;
	v27 =	vand.u32 $0x7F, v27;
	v29 =	vadd.s32 v6, v29;
	v31 =	vld.idx.msk [tilespmem:v31+s14+$0x0], $0xffff  }
0x36b: {  	v38 =	vadd.s32 v10, v61;
	v27 =	vor.u32 v27, v29;
	v29 =	vand.u32 $0x7F, v55  }
0x36c: {  	v29 =	vor.u32 v29, v38  }
0x36d: {  	v41 =	vcombine.low v41, v42  }
0x36e: {  	v48 =	vor.u32 v4, v11;
	[tilespmem:v30+s18+$0x0] =	vst.idx.msk $0xffff, v28  }
0x36f: {  	v28 =	vadd.s32 v41, v3;
	[tilespmem:v59+s18+$0x0] =	vst.idx.msk $0xffff, v31;
	v31 =	vor.u32 v4, v7;
	v4 =	vld [tilespmem:$0x1FCC0]  }
0x370: {  	v43 =	vadd.s32 v41, v2;
	v30 =	vand.u32 $0xFFFFFF80, v28;
	v27 =	vld.idx.msk [tilespmem:v27+s14+$0x0], $0xffff  }
0x371: {  	v50 =	vand.u32 $0xFFFFFF80, v43;
	v28 =	vand.u32 $0x7F, v28;
	v30 =	vadd.s32 v6, v30;
	v29 =	vld.idx.msk [tilespmem:v29+s14+$0x0], $0xffff  }
0x372: {  	v53 =	vadd.s32 v10, v50;
	v28 =	vor.u32 v28, v30;
	v30 =	vand.u32 $0x7F, v43  }
0x373: {  	v42 =	vcombine.low v46, v47;
	v30 =	vor.u32 v30, v53;
	_ =	sdelay $0x1  }
0x374: {  	v54 =	vadd.s32 v42, v2;
	[tilespmem:v31+s18+$0x0] =	vst.idx.msk $0xffff, v27;
	v27 =	vadd.s32 v42, v3  }
0x375: {  	v55 =	vor.u32 v4, v11;
	v31 =	vor.u32 v4, v7;
	v4 =	vld [tilespmem:$0x1FCE0];
	[tilespmem:v48+s18+$0x0] =	vst.idx.msk $0xffff, v29;
	v29 =	vand.u32 $0xFFFFFF80, v27  }
0x376: {  	v59 =	vand.u32 $0xFFFFFF80, v54;
	v28 =	vld.idx.msk [tilespmem:v28+s14+$0x0], $0xffff;
	v27 =	vand.u32 $0x7F, v27;
	v29 =	vadd.s32 v6, v29  }
0x377: {  	v61 =	vadd.s32 v10, v59;
	v30 =	vld.idx.msk [tilespmem:v30+s14+$0x0], $0xffff;
	v27 =	vor.u32 v27, v29;
	v29 =	vand.u32 $0x7F, v54  }
0x378: {  	v29 =	vor.u32 v29, v61  }
0x379: {  	v44 =	vcombine.low v44, v45  }
0x37a: {  	v43 =	vor.u32 v4, v11  }
0x37b: {  	[tilespmem:v31+s18+$0x0] =	vst.idx.msk $0xffff, v28;
	v28 =	vadd.s32 v44, v3;
	v31 =	vor.u32 v4, v7;
	v4 =	vld [tilespmem:$0x1FCF0]  }
0x37c: {  	v38 =	vadd.s32 v44, v2;
	[tilespmem:v55+s18+$0x0] =	vst.idx.msk $0xffff, v30;
	v30 =	vand.u32 $0xFFFFFF80, v28;
	v27 =	vld.idx.msk [tilespmem:v27+s14+$0x0], $0xffff  }
0x37d: {  	v48 =	vand.u32 $0xFFFFFF80, v38;
	v28 =	vand.u32 $0x7F, v28;
	v30 =	vadd.s32 v6, v30;
	v29 =	vld.idx.msk [tilespmem:v29+s14+$0x0], $0xffff  }
0x37e: {  	v50 =	vadd.s32 v10, v48;
	v28 =	vor.u32 v28, v30;
	v30 =	vand.u32 $0x7F, v38  }
0x37f: {  	v45 =	vcombine.low v49, v12;
	v12 =	vor.u32 v30, v50;
	_ =	sdelay $0x1  }
0x380: {  	v30 =	vor.u32 v4, v7;
	[tilespmem:v31+s18+$0x0] =	vst.idx.msk $0xffff, v27;
	v27 =	vadd.s32 v45, v3  }
0x381: {  	v59 =	vor.u32 v4, v11;
	v31 =	vadd.s32 v45, v2;
	[tilespmem:v43+s18+$0x0] =	vst.idx.msk $0xffff, v29;
	v29 =	vand.u32 $0xFFFFFF80, v27  }
0x382: {  	v28 =	vld.idx.msk [tilespmem:v28+s14+$0x0], $0xffff;
	v27 =	vand.u32 $0x7F, v27;
	v61 =	vand.u32 $0xFFFFFF80, v31;
	v29 =	vadd.s32 v6, v29  }
0x383: {  	v12 =	vld.idx.msk [tilespmem:v12+s14+$0x0], $0xffff;
	v27 =	vor.u32 v27, v29;
	v29 =	vand.u32 $0x7F, v31;
	v31 =	vadd.s32 v10, v61  }
0x384: {  	v46 =	vcombine.low v17, v20;
	v4 =	vld [tilespmem:$0x1FF70];
	v17 =	vor.u32 v29, v31;
	_ =	sdelay $0x2  }
0x385: {  	v20 =	vadd.s32 v46, v3;
	v29 =	vadd.s32 v46, v2;
	[tilespmem:v30+s18+$0x0] =	vst.idx.msk $0xffff, v28  }
0x386: {  	v31 =	vand.u32 $0xFFFFFF80, v29;
	[tilespmem:v59+s18+$0x0] =	vst.idx.msk $0xffff, v12;
	v12 =	vand.u32 $0xFFFFFF80, v20  }
0x387: {  	v30 =	vor.u32 v4, v11;
	v20 =	vand.u32 $0x7F, v20;
	v12 =	vadd.s32 v6, v12;
	v17 =	vld.idx.msk [tilespmem:v17+s14+$0x0], $0xffff  }
0x388: {  	v12 =	vor.u32 v20, v12;
	v20 =	vand.u32 $0x7F, v29;
	v29 =	vadd.s32 v10, v31  }
0x389: {  	v47 =	vcombine.low v18, v19;
	v34 =	vmov v1;
	v1 =	vld [tilespmem:$0x1FD00];
	v18 =	vor.u32 v20, v29;
	_ =	sdelay $0x1  }
0x38a: {  	v19 =	vadd.s32 v47, v3  }
0x38b: {  	v28 =	vor.u32 v4, v7;
	v27 =	vld.idx.msk [tilespmem:v27+s14+$0x0], $0xffff;
	[tilespmem:v30+s18+$0x0] =	vst.idx.msk $0xffff, v17;
	v17 =	vand.u32 $0xFFFFFF80, v19  }
0x38c: {  	v19 =	vand.u32 $0x7F, v19;
	v17 =	vadd.s32 v6, v17  }
0x38d: {  	v18 =	vld.idx.msk [tilespmem:v18+s14+$0x0], $0xffff;
	v17 =	vor.u32 v19, v17;
	v19 =	vor.u32 v1, v11;
	_ =	sdelay $0x2  }
0x38e: {  	[tilespmem:v28+s18+$0x0] =	vst.idx.msk $0xffff, v27  }
0x38f: {  	v20 =	vor.u32 v1, v7;
	v12 =	vld.idx.msk [tilespmem:v12+s14+$0x0], $0xffff  }
0x390: {  	[tilespmem:v19+s18+$0x0] =	vst.idx.msk $0xffff, v18;
	v19 =	vld [tilespmem:$0x1FF80]  }
0x391: {  	v49 =	vcombine.low v23, v24;
	v27 =	vadd.s32 v47, v2  }
0x392: {  	v28 =	vand.u32 $0xFFFFFF80, v27  }
0x393: {  	v3 =	vadd.s32 v49, v3;
	v23 =	vand.u32 $0x7F, v27;
	v24 =	vadd.s32 v10, v28  }
0x394: {  	v23 =	vor.u32 v23, v24;
	[tilespmem:v20+s18+$0x0] =	vst.idx.msk $0xffff, v12;
	v12 =	vand.u32 $0xFFFFFF80, v3  }
0x395: {  	v6 =	vadd.s32 v6, v12;
	v12 =	vld.idx.msk [tilespmem:v17+s14+$0x0], $0xffff;
	v17 =	vor.u32 v19, v7;
	_ =	sdelay $0x2  }
0x396: {  	v2 =	vadd.s32 v49, v2;
	v3 =	vand.u32 $0x7F, v3  }
0x397: {  	v3 =	vor.u32 v3, v6;
	v6 =	vand.u32 $0xFFFFFF80, v2;
	v18 =	vld.idx.msk [tilespmem:v23+s14+$0x0], $0xffff  }
0x398: {  	v2 =	vand.u32 $0x7F, v2;
	v6 =	vadd.s32 v10, v6;
	v10 =	vor.u32 v19, v11;
	[tilespmem:v17+s18+$0x0] =	vst.idx.msk $0xffff, v12;
	v12 =	vld [tilespmem:$0x1FF90]  }
0x399: {  	v33 =	vld [tilespmem:$0x1FC40];
	v2 =	vor.u32 v2, v6  }
0x39a: {  	v56 =	vld [tilespmem:$0x1FFF0]  }
0x39b: {  	v32 =	vld [tilespmem:$0x1FC20]  }
0x39c: {  	v54 =	vld [tilespmem:$0x1FD10]  }
0x39d: {  	[tilespmem:v10+s18+$0x0] =	vst.idx.msk $0xffff, v18;
	v3 =	vld.idx.msk [tilespmem:v3+s14+$0x0], $0xffff;
	v6 =	vor.u32 v12, v7  }
0x39e: {  	p0 =	slt.u32 s28, $0xE0;
	v2 =	vld.idx.msk [tilespmem:v2+s14+$0x0], $0xffff;
	v7 =	vor.u32 v12, v11  }
.Ltmp0:
0x39f: {  	v38 =	vld [tilespmem:$0x1FCD0];
	(pc) =	sbr.rel @p0 .LBB2_3-.Ltmp0, $4  }
0x3a0: {  	v61 =	vld [tilespmem:$0x1FC00]  }
0x3a1: {  	v24 =	vld [tilespmem:$0x1FFC0]  }
0x3a2: {  	v53 =	vmov v37;
	v48 =	vmov v52;
	v55 =	vmov v56;
	v20 =	vld [tilespmem:$0x1FFA0];
	[tilespmem:v6+s18+$0x0] =	vst.idx.msk $0xffff, v3  }
0x3a3: {  	s30 =	sadd.s32 $0x20, s30;
	s28 =	sadd.s32 $0x20, s28;
	v59 =	vmovc v13;
	v31 =	vmovc v51;
	v29 =	vmov v36;
	v27 =	vmov v62;
	v23 =	vld [tilespmem:$0x1FFB0];
	v17 =	vlaneseq.u32;
	[tilespmem:v7+s18+$0x0] =	vst.idx.msk $0xffff, v2  }
0x3a4: {  	[tilespmem:$0x1F500] =	vst v26  }
0x3a5: {  	[tilespmem:$0x1F510] =	vst v8;
	s28 =	sshll.u32 s26, $0x11;
	p0 =	seq.s32 s26, $0x31  }
0x3a6: {  	[tilespmem:$0x1F520] =	vst v5;
	s30 =	sadd.s32 s28, s6;
	s29 =	sadd.s32 @!p0 $0x2, s29  }
0x3a7: {  	[hbm4b:s30+s19] =	stream.strided.scatter [tilespmem:s18], [sflag:$0x3], $0x4000, s20, s19, $0x38;
	[tilespmem:$0x18600] =	vst v63  }
0x3a8: {  	[tilespmem:$0x1F530] =	vst v35;
	s31 =	simm.s32 @!p0 $0x400;
	s30 =	sshll.u32 @!p0 s29, $0xA;
	s29 =	sshll.u32 @!p0 s29, $0x3  }
0x3a9: {  	_ =	swait.ge [sflag:s21], $0x8000;
	s30 =	sand.u32 @!p0 $0x3C000, s30;
	s29 =	sand.u32 @!p0 $0x70, s29  }
0x3aa: {  	s1 =	simm.s32 @!p0 $0x0;
	[sflag:s21] =	ssyncset.done $0x0;
	s29 =	sor.u32 @!p0 s29, s30  }
0x3ab: {  	s30 =	simm.s32 @!p0 $0x80;
	[sflag:s21] =	ssyncadd.s32 $0xFFFF8000;
	s29 =	sadd.s32 @!p0 s29, s4  }
0x3ac: {  	[tilespmem:s1], [sflag:$0x5] =	stream.strided.gather @!p0 [hbm4b:s29+s30], $0x100, s31, s30, $0x38;
	[tilespmem:$0x18600] =	vst v63  }
0x3ad: {  	s1 =	simm.s32 @!p0 $0x5  }
0x3ae: {  	_ =	swait.ge @!p0 [sflag:s1], $0x100  }
0x3af: {  	[sflag:s1] =	ssyncset.done @!p0 $0x0  }
0x3b0: {  	[sflag:s1] =	ssyncadd.s32 @!p0 $0xFFFFFF00  }
0x3b1: {  	v2 =	vld @!p0 [tilespmem:$0x0];
	_ =	sdelay $0x1  }
0x3b2: {  	v3 =	vld @!p0 [tilespmem:$0x10];
	_ =	sdelay $0x1  }
0x3b3: {  	v6 =	vld @!p0 [tilespmem:$0x20]  }
0x3b4: {  	v7 =	vshrl.u32 @!p0 v2, $0x1;
	v2 =	vshll.u32 @!p0 v2, $0x6  }
0x3b5: {  	[tilespmem:$0x200] =	vst @!p0 v7;
	v2 =	vand.u32 @!p0 $0x40, v2;
	v7 =	vld @!p0 [tilespmem:$0x30]  }
0x3b6: {  	[tilespmem:$0x400] =	vst @!p0 v2;
	v2 =	vshrl.u32 @!p0 v3, $0x1;
	v3 =	vshll.u32 @!p0 v3, $0x6  }
0x3b7: {  	[tilespmem:$0x210] =	vst @!p0 v2;
	v2 =	vand.u32 @!p0 $0x40, v3;
	v3 =	vld @!p0 [tilespmem:$0x40]  }
0x3b8: {  	[tilespmem:$0x410] =	vst @!p0 v2;
	v2 =	vshrl.u32 @!p0 v6, $0x1;
	v6 =	vshll.u32 @!p0 v6, $0x6  }
0x3b9: {  	[tilespmem:$0x220] =	vst @!p0 v2;
	v2 =	vand.u32 @!p0 $0x40, v6;
	v6 =	vld @!p0 [tilespmem:$0x50]  }
0x3ba: {  	[tilespmem:$0x420] =	vst @!p0 v2;
	v2 =	vshrl.u32 @!p0 v7, $0x1;
	v7 =	vshll.u32 @!p0 v7, $0x6  }
0x3bb: {  	[tilespmem:$0x230] =	vst @!p0 v2;
	v2 =	vand.u32 @!p0 $0x40, v7;
	v7 =	vld @!p0 [tilespmem:$0x60]  }
0x3bc: {  	[tilespmem:$0x430] =	vst @!p0 v2;
	v2 =	vshrl.u32 @!p0 v3, $0x1;
	v3 =	vshll.u32 @!p0 v3, $0x6  }
0x3bd: {  	[tilespmem:$0x240] =	vst @!p0 v2;
	v2 =	vand.u32 @!p0 $0x40, v3;
	v3 =	vld @!p0 [tilespmem:$0x70]  }
0x3be: {  	[tilespmem:$0x440] =	vst @!p0 v2;
	v2 =	vshrl.u32 @!p0 v6, $0x1;
	v6 =	vshll.u32 @!p0 v6, $0x6  }
0x3bf: {  	[tilespmem:$0x250] =	vst @!p0 v2;
	v2 =	vand.u32 @!p0 $0x40, v6;
	v6 =	vld @!p0 [tilespmem:$0x80]  }
0x3c0: {  	[tilespmem:$0x450] =	vst @!p0 v2;
	v2 =	vshrl.u32 @!p0 v7, $0x1;
	v7 =	vshll.u32 @!p0 v7, $0x6  }
0x3c1: {  	[tilespmem:$0x260] =	vst @!p0 v2;
	v2 =	vand.u32 @!p0 $0x40, v7;
	v7 =	vld @!p0 [tilespmem:$0x90]  }
0x3c2: {  	[tilespmem:$0x460] =	vst @!p0 v2;
	v2 =	vshrl.u32 @!p0 v3, $0x1;
	v3 =	vshll.u32 @!p0 v3, $0x6  }
0x3c3: {  	[tilespmem:$0x270] =	vst @!p0 v2;
	v2 =	vand.u32 @!p0 $0x40, v3;
	v3 =	vld @!p0 [tilespmem:$0xA0]  }
0x3c4: {  	[tilespmem:$0x470] =	vst @!p0 v2;
	v2 =	vshrl.u32 @!p0 v6, $0x1;
	v6 =	vshll.u32 @!p0 v6, $0x6  }
0x3c5: {  	[tilespmem:$0x280] =	vst @!p0 v2;
	v2 =	vand.u32 @!p0 $0x40, v6;
	v6 =	vld @!p0 [tilespmem:$0xB0]  }
0x3c6: {  	[tilespmem:$0x480] =	vst @!p0 v2;
	v2 =	vshrl.u32 @!p0 v7, $0x1;
	v7 =	vshll.u32 @!p0 v7, $0x6  }
0x3c7: {  	[tilespmem:$0x290] =	vst @!p0 v2;
	v2 =	vand.u32 @!p0 $0x40, v7;
	v7 =	vld @!p0 [tilespmem:$0xC0]  }
0x3c8: {  	[tilespmem:$0x490] =	vst @!p0 v2;
	v2 =	vshrl.u32 @!p0 v3, $0x1;
	v3 =	vshll.u32 @!p0 v3, $0x6  }
0x3c9: {  	[tilespmem:$0x2A0] =	vst @!p0 v2;
	v2 =	vand.u32 @!p0 $0x40, v3;
	v3 =	vld @!p0 [tilespmem:$0xD0]  }
0x3ca: {  	[tilespmem:$0x4A0] =	vst @!p0 v2;
	v2 =	vshrl.u32 @!p0 v6, $0x1;
	v6 =	vshll.u32 @!p0 v6, $0x6  }
0x3cb: {  	[tilespmem:$0x2B0] =	vst @!p0 v2;
	v2 =	vand.u32 @!p0 $0x40, v6;
	v6 =	vld @!p0 [tilespmem:$0xE0]  }
0x3cc: {  	[tilespmem:$0x4B0] =	vst @!p0 v2;
	v2 =	vshrl.u32 @!p0 v7, $0x1;
	v7 =	vshll.u32 @!p0 v7, $0x6  }
0x3cd: {  	[tilespmem:$0x2C0] =	vst @!p0 v2;
	v2 =	vand.u32 @!p0 $0x40, v7;
	v7 =	vld @!p0 [tilespmem:$0xF0]  }
0x3ce: {  	[tilespmem:$0x4C0] =	vst @!p0 v2;
	v2 =	vshrl.u32 @!p0 v3, $0x1;
	v3 =	vshll.u32 @!p0 v3, $0x6  }
0x3cf: {  	[tilespmem:$0x2D0] =	vst @!p0 v2;
	v2 =	vand.u32 @!p0 $0x40, v3  }
0x3d0: {  	[tilespmem:$0x4D0] =	vst @!p0 v2;
	v2 =	vshrl.u32 @!p0 v6, $0x1;
	v3 =	vshll.u32 @!p0 v6, $0x6  }
0x3d1: {  	[tilespmem:$0x2E0] =	vst @!p0 v2;
	v2 =	vand.u32 @!p0 $0x40, v3  }
0x3d2: {  	[tilespmem:$0x4E0] =	vst @!p0 v2;
	v2 =	vshrl.u32 @!p0 v7, $0x1;
	v3 =	vshll.u32 @!p0 v7, $0x6  }
0x3d3: {  	p1 =	seq.s32 @!p0 s26, $0x0;
	[tilespmem:$0x2F0] =	vst @!p0 v2;
	v2 =	vand.u32 @!p0 $0x40, v3  }
0x3d4: {  	s29 =	simm.s32 @!p0 $0x200;
	s30 =	simm.s32 @!p0 $0x600;
	s1 =	simm.s32 @!p0 $0x100;
	[tilespmem:$0x4F0] =	vst @!p0 v2  }
0x3d5: {  	[tilespmem:s30], [sflag:$0x1] =	stream.indirect.gather @!p0 [hbm4b:s0+s1], $0x80, s29, s1, $0xb8;
	[tilespmem:$0x18600] =	vst v63  }
0x3d6: {  	p0 =	por p0, !p1  }
0x3d7: {  	_ =	swait.ge @p0 [sflag:s24], $0x4000  }
0x3d8: {  	v37 =	vld [tilespmem:$0x1FF60]  }
0x3d9: {  	v4 =	vld [tilespmem:$0x1F6D0]  }
0x3da: {  	v31 =	vmov v51;
	v51 =	vld [tilespmem:$0x1F6E0]  }
0x3db: {  	v35 =	vld [tilespmem:$0x1F6F0]  }
0x3dc: {  	v26 =	vmov v25;
	v25 =	vmov v22;
	v8 =	vld [tilespmem:$0x1F700]  }
0x3dd: {  	v22 =	vmovc v21;
	v21 =	vmovc v16;
	v16 =	vmov v15;
	v15 =	vmov v14;
	v14 =	vmov v9;
	v9 =	vld [tilespmem:$0x1F710]  }
0x3de: {  	v50 =	vld [tilespmem:$0x1F720]  }
0x3df: {  	v30 =	vmov v0;
	v0 =	vld [tilespmem:$0x1F530]  }
0x3e0: {  	v13 =	vmov v57;
	v57 =	vmov v30;
	v30 =	vld [tilespmem:$0x1F520]  }
0x3e1: {  	v28 =	vmovc v56;
	v62 =	vmov v63;
	v1 =	vmov v14;
	v5 =	vmov v26;
	[sflag:s24] =	ssyncset.done @p0 $0x0;
	v63 =	vld [tilespmem:$0x1F510]  }
0x3e2: {  	v14 =	vmovc v15;
	v15 =	vmovc v16;
	v16 =	vmov v21;
	v21 =	vmov v22;
	v22 =	vmov v25;
	s29 =	simm.s32 $0x0;
	s30 =	simm.s32 $0x510;
	v26 =	vld [tilespmem:$0x1F500];
	[sflag:s24] =	ssyncadd.s32 @p0 $0xFFFFC000  }
.LBB2_5:
0x3e3: {  	v3 =	vld [tilespmem:s30+$0xFFFFFFF0];
	_ =	sdelay $0x3  }
0x3e4: {  	v2 =	vld [tilespmem:s30+$0x0]  }
0x3e5: {  	v7 =	vor.u32 s29, v17;
	v10 =	vadd.s32 v17, v3  }
0x3e6: {  	v6 =	vshll.u32 v7, $0x7;
	v11 =	vand.u32 $0xFFFFFF80, v10  }
0x3e7: {  	v12 =	vmov s29;
	v10 =	vand.u32 $0x7F, v10;
	v11 =	vadd.s32 v6, v11  }
0x3e8: {  	s1 =	sadd.s32 $0x10, s29;
	v7 =	vand.u32 $0x6F, v7;
	v11 =	vor.u32 v10, v11;
	v10 =	vlaneseq.u32  }
0x3e9: {  	v12 =	vshll.u32 v12, $0x3;
	v17 =	vor.u32 s1, v17;
	v18 =	vadd.s32 v10, v2  }
0x3ea: {  	v23 =	vmov s1;
	v10 =	vshll.u32 v17, $0x7;
	v19 =	vand.u32 $0xFFFFFF80, v18  }
0x3eb: {  	v12 =	vand.u32 $0x400, v12;
	v18 =	vand.u32 $0x7F, v18;
	v19 =	vadd.s32 v10, v19  }
0x3ec: {  	v7 =	vor.u32 v12, v7;
	v12 =	vadd.s32 v29, v3;
	v18 =	vor.u32 v18, v19  }
0x3ed: {  	v23 =	vshll.u32 v23, $0x3;
	v20 =	vand.u32 $0xFFFFFF80, v12  }
0x3ee: {  	v12 =	vand.u32 $0x7F, v12;
	v20 =	vadd.s32 v6, v20;
	v19 =	vor.u32 v59, v7  }
0x3ef: {  	v24 =	vld.idx.msk [tilespmem:v11+s16+$0x0], $0xffff;
	v11 =	vand.u32 $0x7F, v17;
	v17 =	vand.u32 $0x400, v23;
	v23 =	vadd.s32 v29, v2  }
0x3f0: {  	v12 =	vor.u32 v12, v20;
	v11 =	vor.u32 v17, v11;
	v17 =	vand.u32 $0xFFFFFF80, v23  }
0x3f1: {  	v23 =	vand.u32 $0x7F, v23;
	v20 =	vor.u32 v59, v11;
	v17 =	vadd.s32 v10, v17;
	v18 =	vld.idx.msk [tilespmem:v18+s16+$0x0], $0xffff  }
0x3f2: {  	v17 =	vor.u32 v23, v17  }
0x3f3: {  	v23 =	vadd.s32 v61, v3  }
0x3f4: {  	v27 =	vadd.s32 v61, v2;
	[tilespmem:v19+s22+$0x0] =	vst.idx.msk $0xffff, v24;
	v24 =	vand.u32 $0xFFFFFF80, v23  }
0x3f5: {  	v19 =	vor.u32 v53, v7;
	v23 =	vand.u32 $0x7F, v23;
	v12 =	vld.idx.msk [tilespmem:v12+s16+$0x0], $0xffff;
	v24 =	vadd.s32 v6, v24  }
0x3f6: {  	v23 =	vor.u32 v23, v24;
	[tilespmem:v20+s22+$0x0] =	vst.idx.msk $0xffff, v18;
	v18 =	vand.u32 $0xFFFFFF80, v27  }
0x3f7: {  	v24 =	vand.u32 $0x7F, v27;
	v20 =	vor.u32 v53, v11;
	v17 =	vld.idx.msk [tilespmem:v17+s16+$0x0], $0xffff;
	v18 =	vadd.s32 v10, v18  }
0x3f8: {  	v18 =	vor.u32 v24, v18  }
0x3f9: {  	v24 =	vadd.s32 v33, v3  }
0x3fa: {  	v27 =	vadd.s32 v33, v2;
	[tilespmem:v19+s22+$0x0] =	vst.idx.msk $0xffff, v12;
	v19 =	vand.u32 $0xFFFFFF80, v24  }
0x3fb: {  	v12 =	vor.u32 v32, v7;
	v23 =	vld.idx.msk [tilespmem:v23+s16+$0x0], $0xffff;
	v24 =	vand.u32 $0x7F, v24;
	v19 =	vadd.s32 v6, v19  }
0x3fc: {  	v25 =	vld [tilespmem:$0x1F790];
	v19 =	vor.u32 v24, v19;
	[tilespmem:v20+s22+$0x0] =	vst.idx.msk $0xffff, v17;
	v17 =	vand.u32 $0xFFFFFF80, v27  }
0x3fd: {  	v24 =	vand.u32 $0x7F, v27;
	v20 =	vor.u32 v32, v11;
	v18 =	vld.idx.msk [tilespmem:v18+s16+$0x0], $0xffff;
	v17 =	vadd.s32 v10, v17  }
0x3fe: {  	v17 =	vor.u32 v24, v17  }
0x3ff: {  	v24 =	vadd.s32 v58, v3  }
0x400: {  	v27 =	vadd.s32 v58, v2;
	[tilespmem:v12+s22+$0x0] =	vst.idx.msk $0xffff, v23;
	v23 =	vand.u32 $0xFFFFFF80, v24  }
0x401: {  	v12 =	vor.u32 v25, v7;
	v24 =	vand.u32 $0x7F, v24;
	v19 =	vld.idx.msk [tilespmem:v19+s16+$0x0], $0xffff;
	v23 =	vadd.s32 v6, v23  }
0x402: {  	v23 =	vor.u32 v24, v23;
	[tilespmem:v20+s22+$0x0] =	vst.idx.msk $0xffff, v18;
	v18 =	vand.u32 $0xFFFFFF80, v27  }
0x403: {  	v24 =	vand.u32 $0x7F, v27;
	v20 =	vor.u32 v25, v11;
	v17 =	vld.idx.msk [tilespmem:v17+s16+$0x0], $0xffff;
	v18 =	vadd.s32 v10, v18  }
0x404: {  	v18 =	vor.u32 v24, v18  }
0x405: {  	v24 =	vadd.s32 v34, v3  }
0x406: {  	v27 =	vadd.s32 v34, v2;
	v25 =	vld [tilespmem:$0x1F800];
	[tilespmem:v12+s22+$0x0] =	vst.idx.msk $0xffff, v19;
	v19 =	vand.u32 $0xFFFFFF80, v24  }
0x407: {  	v12 =	vor.u32 v48, v7;
	v24 =	vand.u32 $0x7F, v24;
	v23 =	vld.idx.msk [tilespmem:v23+s16+$0x0], $0xffff;
	v19 =	vadd.s32 v6, v19  }
0x408: {  	v19 =	vor.u32 v24, v19;
	[tilespmem:v20+s22+$0x0] =	vst.idx.msk $0xffff, v17;
	v17 =	vand.u32 $0xFFFFFF80, v27  }
0x409: {  	v24 =	vand.u32 $0x7F, v27;
	v20 =	vor.u32 v48, v11;
	v18 =	vld.idx.msk [tilespmem:v18+s16+$0x0], $0xffff;
	v17 =	vadd.s32 v10, v17  }
0x40a: {  	v17 =	vor.u32 v24, v17  }
0x40b: {  	v24 =	vadd.s32 v25, v3  }
0x40c: {  	v27 =	vadd.s32 v25, v2;
	v25 =	vld [tilespmem:$0x1F860];
	[tilespmem:v12+s22+$0x0] =	vst.idx.msk $0xffff, v23;
	v23 =	vand.u32 $0xFFFFFF80, v24  }
0x40d: {  	v12 =	vor.u32 v54, v7;
	v24 =	vand.u32 $0x7F, v24;
	v19 =	vld.idx.msk [tilespmem:v19+s16+$0x0], $0xffff;
	v23 =	vadd.s32 v6, v23  }
0x40e: {  	v55 =	vld [tilespmem:$0x1F850];
	v23 =	vor.u32 v24, v23;
	[tilespmem:v20+s22+$0x0] =	vst.idx.msk $0xffff, v18;
	v18 =	vand.u32 $0xFFFFFF80, v27  }
0x40f: {  	v24 =	vand.u32 $0x7F, v27;
	v20 =	vor.u32 v54, v11;
	v17 =	vld.idx.msk [tilespmem:v17+s16+$0x0], $0xffff;
	v18 =	vadd.s32 v10, v18  }
0x410: {  	v18 =	vor.u32 v24, v18  }
0x411: {  	v24 =	vadd.s32 v25, v3  }
0x412: {  	v27 =	vadd.s32 v25, v2;
	[tilespmem:v12+s22+$0x0] =	vst.idx.msk $0xffff, v19;
	v19 =	vand.u32 $0xFFFFFF80, v24  }
0x413: {  	v12 =	vor.u32 v55, v7;
	v24 =	vand.u32 $0x7F, v24;
	v23 =	vld.idx.msk [tilespmem:v23+s16+$0x0], $0xffff;
	v19 =	vadd.s32 v6, v19  }
0x414: {  	v36 =	vld [tilespmem:$0x1F870];
	v19 =	vor.u32 v24, v19;
	[tilespmem:v20+s22+$0x0] =	vst.idx.msk $0xffff, v17;
	v17 =	vand.u32 $0xFFFFFF80, v27  }
0x415: {  	v24 =	vand.u32 $0x7F, v27;
	v20 =	vor.u32 v55, v11;
	v18 =	vld.idx.msk [tilespmem:v18+s16+$0x0], $0xffff;
	v17 =	vadd.s32 v10, v17  }
0x416: {  	v17 =	vor.u32 v24, v17  }
0x417: {  	v24 =	vadd.s32 v38, v3  }
0x418: {  	v25 =	vld [tilespmem:$0x1F540];
	v27 =	vadd.s32 v38, v2;
	[tilespmem:v12+s22+$0x0] =	vst.idx.msk $0xffff, v23;
	v23 =	vand.u32 $0xFFFFFF80, v24  }
0x419: {  	v12 =	vor.u32 v36, v7;
	v24 =	vand.u32 $0x7F, v24;
	v19 =	vld.idx.msk [tilespmem:v19+s16+$0x0], $0xffff;
	v23 =	vadd.s32 v6, v23  }
0x41a: {  	v43 =	vld [tilespmem:$0x1F880];
	v23 =	vor.u32 v24, v23;
	[tilespmem:v20+s22+$0x0] =	vst.idx.msk $0xffff, v18;
	v18 =	vand.u32 $0xFFFFFF80, v27  }
0x41b: {  	v24 =	vand.u32 $0x7F, v27;
	v20 =	vor.u32 v36, v11;
	v17 =	vld.idx.msk [tilespmem:v17+s16+$0x0], $0xffff;
	v18 =	vadd.s32 v10, v18  }
0x41c: {  	v18 =	vor.u32 v24, v18  }
0x41d: {  	v24 =	vadd.s32 v25, v3  }
0x41e: {  	v27 =	vadd.s32 v25, v2;
	v25 =	vld [tilespmem:$0x1F550];
	[tilespmem:v12+s22+$0x0] =	vst.idx.msk $0xffff, v19;
	v19 =	vand.u32 $0xFFFFFF80, v24  }
0x41f: {  	v12 =	vor.u32 v43, v7;
	v24 =	vand.u32 $0x7F, v24;
	v23 =	vld.idx.msk [tilespmem:v23+s16+$0x0], $0xffff;
	v19 =	vadd.s32 v6, v19  }
0x420: {  	v56 =	vld [tilespmem:$0x1F890];
	v19 =	vor.u32 v24, v19;
	[tilespmem:v20+s22+$0x0] =	vst.idx.msk $0xffff, v17;
	v17 =	vand.u32 $0xFFFFFF80, v27  }
0x421: {  	v24 =	vand.u32 $0x7F, v27;
	v20 =	vor.u32 v43, v11;
	v18 =	vld.idx.msk [tilespmem:v18+s16+$0x0], $0xffff;
	v17 =	vadd.s32 v10, v17  }
0x422: {  	v17 =	vor.u32 v24, v17  }
0x423: {  	v24 =	vadd.s32 v25, v3  }
0x424: {  	v27 =	vadd.s32 v25, v2;
	v25 =	vld [tilespmem:$0x1F8A0];
	[tilespmem:v12+s22+$0x0] =	vst.idx.msk $0xffff, v23;
	v23 =	vand.u32 $0xFFFFFF80, v24  }
0x425: {  	v12 =	vor.u32 v56, v7;
	v24 =	vand.u32 $0x7F, v24;
	v19 =	vld.idx.msk [tilespmem:v19+s16+$0x0], $0xffff;
	v23 =	vadd.s32 v6, v23  }
0x426: {  	v23 =	vor.u32 v24, v23;
	v24 =	vand.u32 $0x7F, v27;
	[tilespmem:v20+s22+$0x0] =	vst.idx.msk $0xffff, v18;
	v18 =	vand.u32 $0xFFFFFF80, v27;
	v27 =	vld [tilespmem:$0x1F560]  }
0x427: {  	v20 =	vor.u32 v56, v11;
	v17 =	vld.idx.msk [tilespmem:v17+s16+$0x0], $0xffff;
	_ =	sdelay $0x1  }
0x428: {  	v18 =	vadd.s32 v10, v18  }
0x429: {  	v18 =	vor.u32 v24, v18  }
0x42a: {  	[tilespmem:v12+s22+$0x0] =	vst.idx.msk $0xffff, v19;
	v24 =	vadd.s32 v27, v3  }
0x42b: {  	v12 =	vor.u32 v25, v7;
	v19 =	vand.u32 $0xFFFFFF80, v24;
	[tilespmem:v20+s22+$0x0] =	vst.idx.msk $0xffff, v17;
	v20 =	vor.u32 v25, v11;
	v25 =	vld [tilespmem:$0x1F570]  }
0x42c: {  	v23 =	vld.idx.msk [tilespmem:v23+s16+$0x0], $0xffff;
	v27 =	vadd.s32 v27, v2;
	v24 =	vand.u32 $0x7F, v24;
	v19 =	vadd.s32 v6, v19  }
0x42d: {  	v36 =	vld [tilespmem:$0x1F8B0];
	v17 =	vand.u32 $0xFFFFFF80, v27;
	v19 =	vor.u32 v24, v19  }
0x42e: {  	v18 =	vld.idx.msk [tilespmem:v18+s16+$0x0], $0xffff;
	v17 =	vadd.s32 v10, v17;
	v24 =	vand.u32 $0x7F, v27  }
0x42f: {  	v17 =	vor.u32 v24, v17  }
0x430: {  	v24 =	vadd.s32 v25, v3  }
0x431: {  	[tilespmem:v12+s22+$0x0] =	vst.idx.msk $0xffff, v23;
	v27 =	vadd.s32 v25, v2;
	v25 =	vld [tilespmem:$0x1F8C0];
	v23 =	vand.u32 $0xFFFFFF80, v24  }
0x432: {  	v12 =	vor.u32 v36, v7;
	v24 =	vand.u32 $0x7F, v24;
	v19 =	vld.idx.msk [tilespmem:v19+s16+$0x0], $0xffff;
	v23 =	vadd.s32 v6, v23  }
0x433: {  	[tilespmem:v20+s22+$0x0] =	vst.idx.msk $0xffff, v18;
	v18 =	vand.u32 $0xFFFFFF80, v27;
	v23 =	vor.u32 v24, v23;
	v24 =	vand.u32 $0x7F, v27;
	v27 =	vld [tilespmem:$0x1F580]  }
0x434: {  	v20 =	vor.u32 v36, v11;
	v17 =	vld.idx.msk [tilespmem:v17+s16+$0x0], $0xffff;
	_ =	sdelay $0x1  }
0x435: {  	v18 =	vadd.s32 v10, v18  }
0x436: {  	v18 =	vor.u32 v24, v18  }
0x437: {  	[tilespmem:v12+s22+$0x0] =	vst.idx.msk $0xffff, v19;
	v24 =	vadd.s32 v27, v3  }
0x438: {  	v12 =	vor.u32 v25, v7;
	[tilespmem:v20+s22+$0x0] =	vst.idx.msk $0xffff, v17;
	v20 =	vor.u32 v25, v11;
	v25 =	vld [tilespmem:$0x1F590];
	v19 =	vand.u32 $0xFFFFFF80, v24  }
0x439: {  	v23 =	vld.idx.msk [tilespmem:v23+s16+$0x0], $0xffff;
	v27 =	vadd.s32 v27, v2;
	v24 =	vand.u32 $0x7F, v24;
	v19 =	vadd.s32 v6, v19  }
0x43a: {  	v43 =	vld [tilespmem:$0x1F8D0];
	v17 =	vand.u32 $0xFFFFFF80, v27;
	v19 =	vor.u32 v24, v19  }
0x43b: {  	v18 =	vld.idx.msk [tilespmem:v18+s16+$0x0], $0xffff;
	v17 =	vadd.s32 v10, v17;
	v24 =	vand.u32 $0x7F, v27  }
0x43c: {  	v17 =	vor.u32 v24, v17  }
0x43d: {  	v24 =	vadd.s32 v25, v3  }
0x43e: {  	[tilespmem:v12+s22+$0x0] =	vst.idx.msk $0xffff, v23;
	v27 =	vadd.s32 v25, v2;
	v25 =	vld [tilespmem:$0x1F5A0];
	v23 =	vand.u32 $0xFFFFFF80, v24  }
0x43f: {  	v12 =	vor.u32 v43, v7;
	v24 =	vand.u32 $0x7F, v24;
	v23 =	vadd.s32 v6, v23;
	v19 =	vld.idx.msk [tilespmem:v19+s16+$0x0], $0xffff  }
0x440: {  	v36 =	vld [tilespmem:$0x1F8E0];
	[tilespmem:v20+s22+$0x0] =	vst.idx.msk $0xffff, v18;
	v18 =	vand.u32 $0xFFFFFF80, v27;
	v23 =	vor.u32 v24, v23  }
0x441: {  	v20 =	vor.u32 v43, v11;
	v18 =	vadd.s32 v10, v18;
	v24 =	vand.u32 $0x7F, v27;
	v17 =	vld.idx.msk [tilespmem:v17+s16+$0x0], $0xffff  }
0x442: {  	v18 =	vor.u32 v24, v18  }
0x443: {  	v24 =	vadd.s32 v25, v3  }
0x444: {  	v27 =	vadd.s32 v25, v2;
	v25 =	vld [tilespmem:$0x1F5B0];
	[tilespmem:v12+s22+$0x0] =	vst.idx.msk $0xffff, v19;
	v19 =	vand.u32 $0xFFFFFF80, v24  }
0x445: {  	v12 =	vor.u32 v36, v7;
	v24 =	vand.u32 $0x7F, v24;
	v23 =	vld.idx.msk [tilespmem:v23+s16+$0x0], $0xffff;
	v19 =	vadd.s32 v6, v19  }
0x446: {  	v43 =	vld [tilespmem:$0x1F8F0];
	[tilespmem:v20+s22+$0x0] =	vst.idx.msk $0xffff, v17;
	v17 =	vand.u32 $0xFFFFFF80, v27;
	v19 =	vor.u32 v24, v19  }
0x447: {  	v20 =	vor.u32 v36, v11;
	v18 =	vld.idx.msk [tilespmem:v18+s16+$0x0], $0xffff;
	v24 =	vand.u32 $0x7F, v27;
	v17 =	vadd.s32 v10, v17  }
0x448: {  	v17 =	vor.u32 v24, v17  }
0x449: {  	v24 =	vadd.s32 v25, v3  }
0x44a: {  	v27 =	vadd.s32 v25, v2;
	v25 =	vld [tilespmem:$0x1F5C0];
	[tilespmem:v12+s22+$0x0] =	vst.idx.msk $0xffff, v23;
	v23 =	vand.u32 $0xFFFFFF80, v24  }
0x44b: {  	v12 =	vor.u32 v43, v7;
	v24 =	vand.u32 $0x7F, v24;
	v19 =	vld.idx.msk [tilespmem:v19+s16+$0x0], $0xffff;
	v23 =	vadd.s32 v6, v23  }
0x44c: {  	v36 =	vld [tilespmem:$0x1F900];
	[tilespmem:v20+s22+$0x0] =	vst.idx.msk $0xffff, v18;
	v23 =	vor.u32 v24, v23  }
0x44d: {  	v18 =	vand.u32 $0xFFFFFF80, v27;
	v20 =	vor.u32 v43, v11;
	v17 =	vld.idx.msk [tilespmem:v17+s16+$0x0], $0xffff  }
0x44e: {  	v24 =	vand.u32 $0x7F, v27;
	v18 =	vadd.s32 v10, v18  }
0x44f: {  	v18 =	vor.u32 v24, v18;
	v24 =	vadd.s32 v25, v3  }
0x450: {  	v27 =	vadd.s32 v25, v2;
	[tilespmem:v12+s22+$0x0] =	vst.idx.msk $0xffff, v19;
	v19 =	vand.u32 $0xFFFFFF80, v24  }
0x451: {  	v12 =	vor.u32 v36, v7;
	v24 =	vand.u32 $0x7F, v24;
	v23 =	vld.idx.msk [tilespmem:v23+s16+$0x0], $0xffff;
	v19 =	vadd.s32 v6, v19  }
0x452: {  	[tilespmem:v20+s22+$0x0] =	vst.idx.msk $0xffff, v17;
	v17 =	vand.u32 $0xFFFFFF80, v27;
	v19 =	vor.u32 v24, v19;
	v24 =	vand.u32 $0x7F, v27;
	v27 =	vld [tilespmem:$0x1F5D0]  }
0x453: {  	v25 =	vld [tilespmem:$0x1F9B0]  }
0x454: {  	v20 =	vor.u32 v36, v11;
	v18 =	vld.idx.msk [tilespmem:v18+s16+$0x0], $0xffff  }
0x455: {  	v17 =	vadd.s32 v10, v17  }
0x456: {  	v17 =	vor.u32 v24, v17  }
0x457: {  	[tilespmem:v12+s22+$0x0] =	vst.idx.msk $0xffff, v23;
	v24 =	vadd.s32 v27, v3  }
0x458: {  	v12 =	vor.u32 v25, v7;
	v19 =	vld.idx.msk [tilespmem:v19+s16+$0x0], $0xffff;
	v27 =	vadd.s32 v27, v2;
	v23 =	vand.u32 $0xFFFFFF80, v24  }
0x459: {  	[tilespmem:v20+s22+$0x0] =	vst.idx.msk $0xffff, v18;
	v20 =	vor.u32 v25, v11;
	v25 =	vld [tilespmem:$0x1FA00];
	v24 =	vand.u32 $0x7F, v24;
	v23 =	vadd.s32 v6, v23  }
0x45a: {  	v18 =	vand.u32 $0xFFFFFF80, v27;
	v23 =	vor.u32 v24, v23;
	v24 =	vand.u32 $0x7F, v27;
	v27 =	vld [tilespmem:$0x1F5E0]  }
0x45b: {  	v17 =	vld.idx.msk [tilespmem:v17+s16+$0x0], $0xffff;
	_ =	sdelay $0x1  }
0x45c: {  	v18 =	vadd.s32 v10, v18  }
0x45d: {  	v18 =	vor.u32 v24, v18  }
0x45e: {  	[tilespmem:v12+s22+$0x0] =	vst.idx.msk $0xffff, v19;
	v24 =	vadd.s32 v27, v3  }
0x45f: {  	v12 =	vor.u32 v25, v7;
	[tilespmem:v20+s22+$0x0] =	vst.idx.msk $0xffff, v17;
	v20 =	vor.u32 v25, v11;
	v25 =	vld [tilespmem:$0x1FA20];
	v19 =	vand.u32 $0xFFFFFF80, v24  }
0x460: {  	v23 =	vld.idx.msk [tilespmem:v23+s16+$0x0], $0xffff;
	v27 =	vadd.s32 v27, v2;
	v24 =	vand.u32 $0x7F, v24;
	v19 =	vadd.s32 v6, v19  }
0x461: {  	v17 =	vand.u32 $0xFFFFFF80, v27;
	v19 =	vor.u32 v24, v19;
	v24 =	vand.u32 $0x7F, v27;
	v27 =	vld [tilespmem:$0x1F5F0]  }
0x462: {  	v18 =	vld.idx.msk [tilespmem:v18+s16+$0x0], $0xffff;
	_ =	sdelay $0x1  }
0x463: {  	v17 =	vadd.s32 v10, v17  }
0x464: {  	v17 =	vor.u32 v24, v17  }
0x465: {  	[tilespmem:v12+s22+$0x0] =	vst.idx.msk $0xffff, v23;
	v24 =	vadd.s32 v27, v3  }
0x466: {  	v12 =	vor.u32 v25, v7;
	[tilespmem:v20+s22+$0x0] =	vst.idx.msk $0xffff, v18;
	v20 =	vor.u32 v25, v11;
	v25 =	vld [tilespmem:$0x1FA30];
	v23 =	vand.u32 $0xFFFFFF80, v24  }
0x467: {  	v19 =	vld.idx.msk [tilespmem:v19+s16+$0x0], $0xffff;
	v27 =	vadd.s32 v27, v2;
	v24 =	vand.u32 $0x7F, v24;
	v23 =	vadd.s32 v6, v23  }
0x468: {  	v18 =	vand.u32 $0xFFFFFF80, v27;
	v23 =	vor.u32 v24, v23;
	v24 =	vand.u32 $0x7F, v27;
	v27 =	vld [tilespmem:$0x1F600]  }
0x469: {  	v17 =	vld.idx.msk [tilespmem:v17+s16+$0x0], $0xffff;
	_ =	sdelay $0x1  }
0x46a: {  	v18 =	vadd.s32 v10, v18  }
0x46b: {  	v18 =	vor.u32 v24, v18  }
0x46c: {  	[tilespmem:v12+s22+$0x0] =	vst.idx.msk $0xffff, v19;
	v24 =	vadd.s32 v27, v3  }
0x46d: {  	v12 =	vor.u32 v25, v7;
	[tilespmem:v20+s22+$0x0] =	vst.idx.msk $0xffff, v17;
	v20 =	vor.u32 v25, v11;
	v25 =	vld [tilespmem:$0x1FA40];
	v19 =	vand.u32 $0xFFFFFF80, v24  }
0x46e: {  	v23 =	vld.idx.msk [tilespmem:v23+s16+$0x0], $0xffff;
	v27 =	vadd.s32 v27, v2;
	v24 =	vand.u32 $0x7F, v24;
	v19 =	vadd.s32 v6, v19  }
0x46f: {  	v17 =	vand.u32 $0xFFFFFF80, v27;
	v19 =	vor.u32 v24, v19;
	v24 =	vand.u32 $0x7F, v27;
	v27 =	vld [tilespmem:$0x1F610]  }
0x470: {  	v18 =	vld.idx.msk [tilespmem:v18+s16+$0x0], $0xffff;
	_ =	sdelay $0x1  }
0x471: {  	v17 =	vadd.s32 v10, v17  }
0x472: {  	v17 =	vor.u32 v24, v17  }
0x473: {  	[tilespmem:v12+s22+$0x0] =	vst.idx.msk $0xffff, v23;
	v24 =	vadd.s32 v27, v3  }
0x474: {  	v12 =	vor.u32 v25, v7;
	[tilespmem:v20+s22+$0x0] =	vst.idx.msk $0xffff, v18;
	v20 =	vor.u32 v25, v11;
	v25 =	vld [tilespmem:$0x1FA50];
	v23 =	vand.u32 $0xFFFFFF80, v24  }
0x475: {  	v19 =	vld.idx.msk [tilespmem:v19+s16+$0x0], $0xffff;
	v27 =	vadd.s32 v27, v2;
	v24 =	vand.u32 $0x7F, v24;
	v23 =	vadd.s32 v6, v23  }
0x476: {  	v18 =	vand.u32 $0xFFFFFF80, v27;
	v23 =	vor.u32 v24, v23;
	v24 =	vand.u32 $0x7F, v27;
	v27 =	vld [tilespmem:$0x1F620]  }
0x477: {  	v17 =	vld.idx.msk [tilespmem:v17+s16+$0x0], $0xffff;
	_ =	sdelay $0x1  }
0x478: {  	v18 =	vadd.s32 v10, v18  }
0x479: {  	v18 =	vor.u32 v24, v18  }
0x47a: {  	[tilespmem:v12+s22+$0x0] =	vst.idx.msk $0xffff, v19;
	v24 =	vadd.s32 v27, v3  }
0x47b: {  	v12 =	vor.u32 v25, v7;
	[tilespmem:v20+s22+$0x0] =	vst.idx.msk $0xffff, v17;
	v20 =	vor.u32 v25, v11;
	v25 =	vld [tilespmem:$0x1FA60];
	v19 =	vand.u32 $0xFFFFFF80, v24  }
0x47c: {  	v23 =	vld.idx.msk [tilespmem:v23+s16+$0x0], $0xffff;
	v27 =	vadd.s32 v27, v2;
	v24 =	vand.u32 $0x7F, v24;
	v19 =	vadd.s32 v6, v19  }
0x47d: {  	v17 =	vand.u32 $0xFFFFFF80, v27;
	v19 =	vor.u32 v24, v19;
	v24 =	vand.u32 $0x7F, v27;
	v27 =	vld [tilespmem:$0x1F630]  }
0x47e: {  	v18 =	vld.idx.msk [tilespmem:v18+s16+$0x0], $0xffff;
	_ =	sdelay $0x1  }
0x47f: {  	v17 =	vadd.s32 v10, v17  }
0x480: {  	v17 =	vor.u32 v24, v17  }
0x481: {  	[tilespmem:v12+s22+$0x0] =	vst.idx.msk $0xffff, v23;
	v24 =	vadd.s32 v27, v3  }
0x482: {  	v12 =	vor.u32 v25, v7;
	[tilespmem:v20+s22+$0x0] =	vst.idx.msk $0xffff, v18;
	v20 =	vor.u32 v25, v11;
	v25 =	vld [tilespmem:$0x1F640];
	v23 =	vand.u32 $0xFFFFFF80, v24  }
0x483: {  	v19 =	vld.idx.msk [tilespmem:v19+s16+$0x0], $0xffff;
	v27 =	vadd.s32 v27, v2;
	v24 =	vand.u32 $0x7F, v24;
	v23 =	vadd.s32 v6, v23  }
0x484: {  	v18 =	vand.u32 $0xFFFFFF80, v27;
	v23 =	vor.u32 v24, v23  }
0x485: {  	v17 =	vld.idx.msk [tilespmem:v17+s16+$0x0], $0xffff;
	v18 =	vadd.s32 v10, v18;
	v24 =	vand.u32 $0x7F, v27  }
0x486: {  	v18 =	vor.u32 v24, v18  }
0x487: {  	v24 =	vadd.s32 v25, v3  }
0x488: {  	v27 =	vadd.s32 v25, v2;
	v25 =	vld [tilespmem:$0x1F650];
	[tilespmem:v12+s22+$0x0] =	vst.idx.msk $0xffff, v19;
	v19 =	vand.u32 $0xFFFFFF80, v24  }
0x489: {  	v12 =	vor.u32 v28, v7;
	v24 =	vand.u32 $0x7F, v24;
	v19 =	vadd.s32 v6, v19;
	v23 =	vld.idx.msk [tilespmem:v23+s16+$0x0], $0xffff  }
0x48a: {  	[tilespmem:v20+s22+$0x0] =	vst.idx.msk $0xffff, v17;
	v19 =	vor.u32 v24, v19  }
0x48b: {  	v17 =	vand.u32 $0xFFFFFF80, v27;
	v20 =	vor.u32 v28, v11;
	v18 =	vld.idx.msk [tilespmem:v18+s16+$0x0], $0xffff  }
0x48c: {  	v24 =	vand.u32 $0x7F, v27;
	v17 =	vadd.s32 v10, v17  }
0x48d: {  	v17 =	vor.u32 v24, v17;
	v24 =	vadd.s32 v25, v3  }
0x48e: {  	v27 =	vadd.s32 v25, v2;
	[tilespmem:v12+s22+$0x0] =	vst.idx.msk $0xffff, v23;
	v23 =	vand.u32 $0xFFFFFF80, v24  }
0x48f: {  	v12 =	vor.u32 v31, v7;
	v24 =	vand.u32 $0x7F, v24;
	v19 =	vld.idx.msk [tilespmem:v19+s16+$0x0], $0xffff;
	v23 =	vadd.s32 v6, v23  }
0x490: {  	[tilespmem:v20+s22+$0x0] =	vst.idx.msk $0xffff, v18;
	v18 =	vand.u32 $0xFFFFFF80, v27;
	v23 =	vor.u32 v24, v23;
	v24 =	vand.u32 $0x7F, v27;
	v27 =	vld [tilespmem:$0x1F660]  }
0x491: {  	v25 =	vld [tilespmem:$0x1FA70]  }
0x492: {  	v20 =	vor.u32 v31, v11;
	v17 =	vld.idx.msk [tilespmem:v17+s16+$0x0], $0xffff  }
0x493: {  	v18 =	vadd.s32 v10, v18  }
0x494: {  	v18 =	vor.u32 v24, v18  }
0x495: {  	[tilespmem:v12+s22+$0x0] =	vst.idx.msk $0xffff, v19;
	v24 =	vadd.s32 v27, v3  }
0x496: {  	v12 =	vor.u32 v25, v7;
	v23 =	vld.idx.msk [tilespmem:v23+s16+$0x0], $0xffff;
	v27 =	vadd.s32 v27, v2;
	v19 =	vand.u32 $0xFFFFFF80, v24  }
0x497: {  	[tilespmem:v20+s22+$0x0] =	vst.idx.msk $0xffff, v17;
	v20 =	vor.u32 v25, v11;
	v25 =	vld [tilespmem:$0x1FA80];
	v24 =	vand.u32 $0x7F, v24;
	v19 =	vadd.s32 v6, v19  }
0x498: {  	v17 =	vand.u32 $0xFFFFFF80, v27;
	v19 =	vor.u32 v24, v19;
	v24 =	vand.u32 $0x7F, v27;
	v27 =	vld [tilespmem:$0x1F670]  }
0x499: {  	v18 =	vld.idx.msk [tilespmem:v18+s16+$0x0], $0xffff;
	_ =	sdelay $0x1  }
0x49a: {  	v17 =	vadd.s32 v10, v17  }
0x49b: {  	v17 =	vor.u32 v24, v17  }
0x49c: {  	[tilespmem:v12+s22+$0x0] =	vst.idx.msk $0xffff, v23;
	v24 =	vadd.s32 v27, v3  }
0x49d: {  	v12 =	vor.u32 v25, v7;
	[tilespmem:v20+s22+$0x0] =	vst.idx.msk $0xffff, v18;
	v20 =	vor.u32 v25, v11;
	v25 =	vld [tilespmem:$0x1FA90];
	v23 =	vand.u32 $0xFFFFFF80, v24  }
0x49e: {  	v19 =	vld.idx.msk [tilespmem:v19+s16+$0x0], $0xffff;
	v27 =	vadd.s32 v27, v2;
	v24 =	vand.u32 $0x7F, v24;
	v23 =	vadd.s32 v6, v23  }
0x49f: {  	v18 =	vand.u32 $0xFFFFFF80, v27;
	v23 =	vor.u32 v24, v23;
	v24 =	vand.u32 $0x7F, v27;
	v27 =	vld [tilespmem:$0x1F680]  }
0x4a0: {  	v17 =	vld.idx.msk [tilespmem:v17+s16+$0x0], $0xffff;
	_ =	sdelay $0x1  }
0x4a1: {  	v18 =	vadd.s32 v10, v18  }
0x4a2: {  	v18 =	vor.u32 v24, v18  }
0x4a3: {  	[tilespmem:v12+s22+$0x0] =	vst.idx.msk $0xffff, v19;
	v24 =	vadd.s32 v27, v3  }
0x4a4: {  	v12 =	vor.u32 v25, v7;
	[tilespmem:v20+s22+$0x0] =	vst.idx.msk $0xffff, v17;
	v20 =	vor.u32 v25, v11;
	v25 =	vld [tilespmem:$0x1FAA0];
	v19 =	vand.u32 $0xFFFFFF80, v24  }
0x4a5: {  	v23 =	vld.idx.msk [tilespmem:v23+s16+$0x0], $0xffff;
	v27 =	vadd.s32 v27, v2;
	v24 =	vand.u32 $0x7F, v24;
	v19 =	vadd.s32 v6, v19  }
0x4a6: {  	v17 =	vand.u32 $0xFFFFFF80, v27;
	v19 =	vor.u32 v24, v19;
	v24 =	vand.u32 $0x7F, v27;
	v27 =	vld [tilespmem:$0x1F690]  }
0x4a7: {  	v18 =	vld.idx.msk [tilespmem:v18+s16+$0x0], $0xffff;
	_ =	sdelay $0x1  }
0x4a8: {  	v17 =	vadd.s32 v10, v17  }
0x4a9: {  	v17 =	vor.u32 v24, v17  }
0x4aa: {  	[tilespmem:v12+s22+$0x0] =	vst.idx.msk $0xffff, v23;
	v24 =	vadd.s32 v27, v3  }
0x4ab: {  	v12 =	vor.u32 v25, v7;
	[tilespmem:v20+s22+$0x0] =	vst.idx.msk $0xffff, v18;
	v20 =	vor.u32 v25, v11;
	v25 =	vld [tilespmem:$0x1FAB0];
	v23 =	vand.u32 $0xFFFFFF80, v24  }
0x4ac: {  	v19 =	vld.idx.msk [tilespmem:v19+s16+$0x0], $0xffff;
	v27 =	vadd.s32 v27, v2;
	v24 =	vand.u32 $0x7F, v24;
	v23 =	vadd.s32 v6, v23  }
0x4ad: {  	v18 =	vand.u32 $0xFFFFFF80, v27;
	v23 =	vor.u32 v24, v23;
	v24 =	vand.u32 $0x7F, v27;
	v27 =	vld [tilespmem:$0x1F6A0]  }
0x4ae: {  	v17 =	vld.idx.msk [tilespmem:v17+s16+$0x0], $0xffff;
	_ =	sdelay $0x1  }
0x4af: {  	v18 =	vadd.s32 v10, v18  }
0x4b0: {  	v18 =	vor.u32 v24, v18  }
0x4b1: {  	[tilespmem:v12+s22+$0x0] =	vst.idx.msk $0xffff, v19;
	v24 =	vadd.s32 v27, v3  }
0x4b2: {  	v12 =	vor.u32 v25, v7;
	[tilespmem:v20+s22+$0x0] =	vst.idx.msk $0xffff, v17;
	v20 =	vor.u32 v25, v11;
	v25 =	vld [tilespmem:$0x1FAC0];
	v19 =	vand.u32 $0xFFFFFF80, v24  }
0x4b3: {  	v23 =	vld.idx.msk [tilespmem:v23+s16+$0x0], $0xffff;
	v27 =	vadd.s32 v27, v2;
	v24 =	vand.u32 $0x7F, v24;
	v19 =	vadd.s32 v6, v19  }
0x4b4: {  	v17 =	vand.u32 $0xFFFFFF80, v27;
	v19 =	vor.u32 v24, v19;
	v24 =	vand.u32 $0x7F, v27;
	v27 =	vld [tilespmem:$0x1F6B0]  }
0x4b5: {  	v18 =	vld.idx.msk [tilespmem:v18+s16+$0x0], $0xffff;
	_ =	sdelay $0x2  }
0x4b6: {  	v17 =	vadd.s32 v10, v17  }
0x4b7: {  	v17 =	vor.u32 v24, v17;
	[tilespmem:v12+s22+$0x0] =	vst.idx.msk $0xffff, v23;
	v24 =	vadd.s32 v27, v3  }
0x4b8: {  	v12 =	vor.u32 v25, v7;
	[tilespmem:v20+s22+$0x0] =	vst.idx.msk $0xffff, v18;
	v20 =	vor.u32 v25, v11;
	v23 =	vand.u32 $0xFFFFFF80, v24  }
0x4b9: {  	v25 =	vld [tilespmem:$0x1FAD0];
	v27 =	vadd.s32 v27, v2;
	v24 =	vand.u32 $0x7F, v24;
	v23 =	vadd.s32 v6, v23  }
0x4ba: {  	v18 =	vand.u32 $0xFFFFFF80, v27;
	v23 =	vor.u32 v24, v23;
	v24 =	vand.u32 $0x7F, v27;
	v27 =	vld [tilespmem:$0x1F6C0]  }
0x4bb: {  	v19 =	vld.idx.msk [tilespmem:v19+s16+$0x0], $0xffff;
	_ =	sdelay $0x1  }
0x4bc: {  	v17 =	vld.idx.msk [tilespmem:v17+s16+$0x0], $0xffff;
	v18 =	vadd.s32 v10, v18  }
0x4bd: {  	v18 =	vor.u32 v24, v18  }
0x4be: {  	v24 =	vadd.s32 v27, v3  }
0x4bf: {  	[tilespmem:v12+s22+$0x0] =	vst.idx.msk $0xffff, v19;
	v12 =	vor.u32 v25, v7;
	v19 =	vand.u32 $0xFFFFFF80, v24  }
0x4c0: {  	v23 =	vld.idx.msk [tilespmem:v23+s16+$0x0], $0xffff;
	v27 =	vadd.s32 v27, v2;
	v24 =	vand.u32 $0x7F, v24;
	v19 =	vadd.s32 v6, v19  }
0x4c1: {  	[tilespmem:v20+s22+$0x0] =	vst.idx.msk $0xffff, v17;
	v20 =	vor.u32 v25, v11;
	v25 =	vld [tilespmem:$0x1FAE0];
	v17 =	vand.u32 $0xFFFFFF80, v27;
	v19 =	vor.u32 v24, v19  }
0x4c2: {  	v18 =	vld.idx.msk [tilespmem:v18+s16+$0x0], $0xffff;
	v17 =	vadd.s32 v10, v17;
	v24 =	vand.u32 $0x7F, v27  }
0x4c3: {  	v17 =	vor.u32 v24, v17  }
0x4c4: {  	v24 =	vadd.s32 v4, v3  }
0x4c5: {  	v27 =	vadd.s32 v4, v2;
	[tilespmem:v12+s22+$0x0] =	vst.idx.msk $0xffff, v23;
	v23 =	vand.u32 $0xFFFFFF80, v24  }
0x4c6: {  	v12 =	vor.u32 v25, v7;
	v24 =	vand.u32 $0x7F, v24;
	v23 =	vadd.s32 v6, v23;
	v19 =	vld.idx.msk [tilespmem:v19+s16+$0x0], $0xffff  }
0x4c7: {  	[tilespmem:v20+s22+$0x0] =	vst.idx.msk $0xffff, v18;
	v18 =	vand.u32 $0xFFFFFF80, v27;
	v20 =	vor.u32 v25, v11;
	v25 =	vld [tilespmem:$0x1FAF0];
	v23 =	vor.u32 v24, v23  }
0x4c8: {  	v24 =	vand.u32 $0x7F, v27;
	v18 =	vadd.s32 v10, v18;
	v17 =	vld.idx.msk [tilespmem:v17+s16+$0x0], $0xffff  }
0x4c9: {  	v18 =	vor.u32 v24, v18  }
0x4ca: {  	v24 =	vadd.s32 v51, v3  }
0x4cb: {  	v27 =	vadd.s32 v51, v2;
	[tilespmem:v12+s22+$0x0] =	vst.idx.msk $0xffff, v19;
	v19 =	vand.u32 $0xFFFFFF80, v24  }
0x4cc: {  	v12 =	vor.u32 v25, v7;
	v24 =	vand.u32 $0x7F, v24;
	v23 =	vld.idx.msk [tilespmem:v23+s16+$0x0], $0xffff;
	v19 =	vadd.s32 v6, v19  }
0x4cd: {  	[tilespmem:v20+s22+$0x0] =	vst.idx.msk $0xffff, v17;
	v17 =	vand.u32 $0xFFFFFF80, v27;
	v20 =	vor.u32 v25, v11;
	v25 =	vld [tilespmem:$0x1FB00];
	v19 =	vor.u32 v24, v19  }
0x4ce: {  	v18 =	vld.idx.msk [tilespmem:v18+s16+$0x0], $0xffff;
	v24 =	vand.u32 $0x7F, v27;
	v17 =	vadd.s32 v10, v17  }
0x4cf: {  	v17 =	vor.u32 v24, v17  }
0x4d0: {  	v24 =	vadd.s32 v35, v3  }
0x4d1: {  	v27 =	vadd.s32 v35, v2;
	[tilespmem:v12+s22+$0x0] =	vst.idx.msk $0xffff, v23;
	v23 =	vand.u32 $0xFFFFFF80, v24  }
0x4d2: {  	v12 =	vor.u32 v25, v7;
	v24 =	vand.u32 $0x7F, v24;
	v19 =	vld.idx.msk [tilespmem:v19+s16+$0x0], $0xffff;
	v23 =	vadd.s32 v6, v23  }
0x4d3: {  	[tilespmem:v20+s22+$0x0] =	vst.idx.msk $0xffff, v18;
	v18 =	vand.u32 $0xFFFFFF80, v27;
	v20 =	vor.u32 v25, v11;
	v25 =	vld [tilespmem:$0x1FB10];
	v23 =	vor.u32 v24, v23  }
0x4d4: {  	v17 =	vld.idx.msk [tilespmem:v17+s16+$0x0], $0xffff;
	v24 =	vand.u32 $0x7F, v27;
	v18 =	vadd.s32 v10, v18  }
0x4d5: {  	v18 =	vor.u32 v24, v18  }
0x4d6: {  	v24 =	vadd.s32 v8, v3  }
0x4d7: {  	v27 =	vadd.s32 v8, v2;
	[tilespmem:v12+s22+$0x0] =	vst.idx.msk $0xffff, v19;
	v19 =	vand.u32 $0xFFFFFF80, v24  }
0x4d8: {  	v12 =	vor.u32 v25, v7;
	v24 =	vand.u32 $0x7F, v24;
	v23 =	vld.idx.msk [tilespmem:v23+s16+$0x0], $0xffff;
	v19 =	vadd.s32 v6, v19  }
0x4d9: {  	[tilespmem:v20+s22+$0x0] =	vst.idx.msk $0xffff, v17;
	v17 =	vand.u32 $0xFFFFFF80, v27;
	v20 =	vor.u32 v25, v11;
	v25 =	vld [tilespmem:$0x1FB20];
	v19 =	vor.u32 v24, v19  }
0x4da: {  	v18 =	vld.idx.msk [tilespmem:v18+s16+$0x0], $0xffff;
	v24 =	vand.u32 $0x7F, v27;
	v17 =	vadd.s32 v10, v17  }
0x4db: {  	v17 =	vor.u32 v24, v17  }
0x4dc: {  	v24 =	vadd.s32 v9, v3  }
0x4dd: {  	v27 =	vadd.s32 v9, v2;
	[tilespmem:v12+s22+$0x0] =	vst.idx.msk $0xffff, v23;
	v23 =	vand.u32 $0xFFFFFF80, v24  }
0x4de: {  	v12 =	vor.u32 v25, v7;
	v24 =	vand.u32 $0x7F, v24;
	v19 =	vld.idx.msk [tilespmem:v19+s16+$0x0], $0xffff;
	v23 =	vadd.s32 v6, v23  }
0x4df: {  	[tilespmem:v20+s22+$0x0] =	vst.idx.msk $0xffff, v18;
	v18 =	vand.u32 $0xFFFFFF80, v27;
	v20 =	vor.u32 v25, v11;
	v25 =	vld [tilespmem:$0x1FB30];
	v23 =	vor.u32 v24, v23  }
0x4e0: {  	v17 =	vld.idx.msk [tilespmem:v17+s16+$0x0], $0xffff;
	v24 =	vand.u32 $0x7F, v27;
	v18 =	vadd.s32 v10, v18  }
0x4e1: {  	v18 =	vor.u32 v24, v18  }
0x4e2: {  	v24 =	vadd.s32 v50, v3  }
0x4e3: {  	v27 =	vadd.s32 v50, v2;
	[tilespmem:v12+s22+$0x0] =	vst.idx.msk $0xffff, v19;
	v19 =	vand.u32 $0xFFFFFF80, v24  }
0x4e4: {  	v12 =	vor.u32 v25, v7;
	v24 =	vand.u32 $0x7F, v24;
	v23 =	vld.idx.msk [tilespmem:v23+s16+$0x0], $0xffff;
	v19 =	vadd.s32 v6, v19  }
0x4e5: {  	[tilespmem:v20+s22+$0x0] =	vst.idx.msk $0xffff, v17;
	v17 =	vand.u32 $0xFFFFFF80, v27;
	v20 =	vor.u32 v25, v11;
	v25 =	vld [tilespmem:$0x1FB40];
	v19 =	vor.u32 v24, v19  }
0x4e6: {  	v18 =	vld.idx.msk [tilespmem:v18+s16+$0x0], $0xffff;
	v24 =	vand.u32 $0x7F, v27;
	v17 =	vadd.s32 v10, v17  }
0x4e7: {  	v17 =	vor.u32 v24, v17  }
0x4e8: {  	v24 =	vadd.s32 v0, v3  }
0x4e9: {  	v27 =	vadd.s32 v0, v2;
	[tilespmem:v12+s22+$0x0] =	vst.idx.msk $0xffff, v23;
	v23 =	vand.u32 $0xFFFFFF80, v24  }
0x4ea: {  	v12 =	vor.u32 v25, v7;
	v24 =	vand.u32 $0x7F, v24;
	v19 =	vld.idx.msk [tilespmem:v19+s16+$0x0], $0xffff;
	v23 =	vadd.s32 v6, v23  }
0x4eb: {  	[tilespmem:v20+s22+$0x0] =	vst.idx.msk $0xffff, v18;
	v18 =	vand.u32 $0xFFFFFF80, v27;
	v20 =	vor.u32 v25, v11;
	v25 =	vld [tilespmem:$0x1FB50];
	v23 =	vor.u32 v24, v23  }
0x4ec: {  	v17 =	vld.idx.msk [tilespmem:v17+s16+$0x0], $0xffff;
	v24 =	vand.u32 $0x7F, v27;
	v18 =	vadd.s32 v10, v18  }
0x4ed: {  	v18 =	vor.u32 v24, v18  }
0x4ee: {  	v24 =	vadd.s32 v62, v3  }
0x4ef: {  	v27 =	vadd.s32 v62, v2;
	[tilespmem:v12+s22+$0x0] =	vst.idx.msk $0xffff, v19;
	v19 =	vand.u32 $0xFFFFFF80, v24  }
0x4f0: {  	v12 =	vor.u32 v25, v7;
	v24 =	vand.u32 $0x7F, v24;
	v23 =	vld.idx.msk [tilespmem:v23+s16+$0x0], $0xffff;
	v19 =	vadd.s32 v6, v19  }
0x4f1: {  	[tilespmem:v20+s22+$0x0] =	vst.idx.msk $0xffff, v17;
	v17 =	vand.u32 $0xFFFFFF80, v27;
	v20 =	vor.u32 v25, v11;
	v25 =	vld [tilespmem:$0x1FB60];
	v19 =	vor.u32 v24, v19  }
0x4f2: {  	v18 =	vld.idx.msk [tilespmem:v18+s16+$0x0], $0xffff;
	v24 =	vand.u32 $0x7F, v27;
	v17 =	vadd.s32 v10, v17  }
0x4f3: {  	v17 =	vor.u32 v24, v17  }
0x4f4: {  	v24 =	vadd.s32 v60, v3  }
0x4f5: {  	v27 =	vadd.s32 v60, v2;
	[tilespmem:v12+s22+$0x0] =	vst.idx.msk $0xffff, v23;
	v23 =	vand.u32 $0xFFFFFF80, v24  }
0x4f6: {  	v12 =	vor.u32 v25, v7;
	v24 =	vand.u32 $0x7F, v24;
	v19 =	vld.idx.msk [tilespmem:v19+s16+$0x0], $0xffff;
	v23 =	vadd.s32 v6, v23  }
0x4f7: {  	[tilespmem:v20+s22+$0x0] =	vst.idx.msk $0xffff, v18;
	v18 =	vand.u32 $0xFFFFFF80, v27;
	v20 =	vor.u32 v25, v11;
	v25 =	vld [tilespmem:$0x1FB70];
	v23 =	vor.u32 v24, v23  }
0x4f8: {  	v17 =	vld.idx.msk [tilespmem:v17+s16+$0x0], $0xffff;
	v24 =	vand.u32 $0x7F, v27;
	v18 =	vadd.s32 v10, v18  }
0x4f9: {  	v18 =	vor.u32 v24, v18  }
0x4fa: {  	v24 =	vadd.s32 v13, v3  }
0x4fb: {  	v27 =	vadd.s32 v13, v2;
	[tilespmem:v12+s22+$0x0] =	vst.idx.msk $0xffff, v19;
	v19 =	vand.u32 $0xFFFFFF80, v24  }
0x4fc: {  	v12 =	vor.u32 v25, v7;
	v24 =	vand.u32 $0x7F, v24;
	v23 =	vld.idx.msk [tilespmem:v23+s16+$0x0], $0xffff;
	v19 =	vadd.s32 v6, v19  }
0x4fd: {  	[tilespmem:v20+s22+$0x0] =	vst.idx.msk $0xffff, v17;
	v17 =	vand.u32 $0xFFFFFF80, v27;
	v20 =	vor.u32 v25, v11;
	v25 =	vld [tilespmem:$0x1FB80];
	v19 =	vor.u32 v24, v19  }
0x4fe: {  	v18 =	vld.idx.msk [tilespmem:v18+s16+$0x0], $0xffff;
	v24 =	vand.u32 $0x7F, v27;
	v17 =	vadd.s32 v10, v17  }
0x4ff: {  	v17 =	vor.u32 v24, v17  }
0x500: {  	v24 =	vadd.s32 v57, v3  }
0x501: {  	v27 =	vadd.s32 v57, v2;
	[tilespmem:v12+s22+$0x0] =	vst.idx.msk $0xffff, v23;
	v23 =	vand.u32 $0xFFFFFF80, v24  }
0x502: {  	v12 =	vor.u32 v25, v7;
	v24 =	vand.u32 $0x7F, v24;
	v19 =	vld.idx.msk [tilespmem:v19+s16+$0x0], $0xffff;
	v23 =	vadd.s32 v6, v23  }
0x503: {  	[tilespmem:v20+s22+$0x0] =	vst.idx.msk $0xffff, v18;
	v18 =	vand.u32 $0xFFFFFF80, v27;
	v20 =	vor.u32 v25, v11;
	v25 =	vld [tilespmem:$0x1FB90];
	v23 =	vor.u32 v24, v23  }
0x504: {  	v17 =	vld.idx.msk [tilespmem:v17+s16+$0x0], $0xffff;
	v24 =	vand.u32 $0x7F, v27;
	v18 =	vadd.s32 v10, v18  }
0x505: {  	v18 =	vor.u32 v24, v18  }
0x506: {  	v24 =	vadd.s32 v30, v3  }
0x507: {  	v27 =	vadd.s32 v30, v2;
	[tilespmem:v12+s22+$0x0] =	vst.idx.msk $0xffff, v19;
	v19 =	vand.u32 $0xFFFFFF80, v24  }
0x508: {  	v12 =	vor.u32 v25, v7;
	v24 =	vand.u32 $0x7F, v24;
	v23 =	vld.idx.msk [tilespmem:v23+s16+$0x0], $0xffff;
	v19 =	vadd.s32 v6, v19  }
0x509: {  	[tilespmem:v20+s22+$0x0] =	vst.idx.msk $0xffff, v17;
	v17 =	vand.u32 $0xFFFFFF80, v27;
	v20 =	vor.u32 v25, v11;
	v25 =	vld [tilespmem:$0x1FBA0];
	v19 =	vor.u32 v24, v19  }
0x50a: {  	v18 =	vld.idx.msk [tilespmem:v18+s16+$0x0], $0xffff;
	v24 =	vand.u32 $0x7F, v27;
	v17 =	vadd.s32 v10, v17  }
0x50b: {  	v17 =	vor.u32 v24, v17  }
0x50c: {  	v24 =	vadd.s32 v63, v3  }
0x50d: {  	v27 =	vadd.s32 v63, v2;
	[tilespmem:v12+s22+$0x0] =	vst.idx.msk $0xffff, v23;
	v23 =	vand.u32 $0xFFFFFF80, v24  }
0x50e: {  	v12 =	vor.u32 v25, v7;
	v24 =	vand.u32 $0x7F, v24;
	v19 =	vld.idx.msk [tilespmem:v19+s16+$0x0], $0xffff;
	v23 =	vadd.s32 v6, v23  }
0x50f: {  	[tilespmem:v20+s22+$0x0] =	vst.idx.msk $0xffff, v18;
	v18 =	vand.u32 $0xFFFFFF80, v27;
	v20 =	vor.u32 v25, v11;
	v25 =	vld [tilespmem:$0x1FFE0];
	v23 =	vor.u32 v24, v23  }
0x510: {  	v17 =	vld.idx.msk [tilespmem:v17+s16+$0x0], $0xffff;
	v24 =	vand.u32 $0x7F, v27;
	v18 =	vadd.s32 v10, v18  }
0x511: {  	v18 =	vor.u32 v24, v18  }
0x512: {  	v24 =	vadd.s32 v1, v3  }
0x513: {  	v27 =	vadd.s32 v1, v2;
	[tilespmem:v12+s22+$0x0] =	vst.idx.msk $0xffff, v19;
	v19 =	vand.u32 $0xFFFFFF80, v24  }
0x514: {  	v12 =	vor.u32 v25, v7;
	v24 =	vand.u32 $0x7F, v24;
	v23 =	vld.idx.msk [tilespmem:v23+s16+$0x0], $0xffff;
	v19 =	vadd.s32 v6, v19  }
0x515: {  	[tilespmem:v20+s22+$0x0] =	vst.idx.msk $0xffff, v17;
	v17 =	vand.u32 $0xFFFFFF80, v27;
	v20 =	vor.u32 v25, v11;
	v25 =	vld [tilespmem:$0x1FBB0];
	v19 =	vor.u32 v24, v19  }
0x516: {  	v18 =	vld.idx.msk [tilespmem:v18+s16+$0x0], $0xffff;
	v24 =	vand.u32 $0x7F, v27;
	v17 =	vadd.s32 v10, v17  }
0x517: {  	v17 =	vor.u32 v24, v17  }
0x518: {  	v24 =	vadd.s32 v14, v3  }
0x519: {  	v27 =	vadd.s32 v14, v2;
	[tilespmem:v12+s22+$0x0] =	vst.idx.msk $0xffff, v23;
	v23 =	vand.u32 $0xFFFFFF80, v24  }
0x51a: {  	v12 =	vor.u32 v25, v7;
	v24 =	vand.u32 $0x7F, v24;
	v19 =	vld.idx.msk [tilespmem:v19+s16+$0x0], $0xffff;
	v23 =	vadd.s32 v6, v23  }
0x51b: {  	[tilespmem:v20+s22+$0x0] =	vst.idx.msk $0xffff, v18;
	v18 =	vand.u32 $0xFFFFFF80, v27;
	v20 =	vor.u32 v25, v11;
	v25 =	vld [tilespmem:$0x1FFD0];
	v23 =	vor.u32 v24, v23  }
0x51c: {  	v17 =	vld.idx.msk [tilespmem:v17+s16+$0x0], $0xffff;
	v24 =	vand.u32 $0x7F, v27;
	v18 =	vadd.s32 v10, v18  }
0x51d: {  	v18 =	vor.u32 v24, v18  }
0x51e: {  	v24 =	vadd.s32 v15, v3  }
0x51f: {  	v27 =	vadd.s32 v15, v2;
	[tilespmem:v12+s22+$0x0] =	vst.idx.msk $0xffff, v19;
	v19 =	vand.u32 $0xFFFFFF80, v24  }
0x520: {  	v12 =	vor.u32 v25, v7;
	v24 =	vand.u32 $0x7F, v24;
	v23 =	vld.idx.msk [tilespmem:v23+s16+$0x0], $0xffff;
	v19 =	vadd.s32 v6, v19  }
0x521: {  	[tilespmem:v20+s22+$0x0] =	vst.idx.msk $0xffff, v17;
	v17 =	vand.u32 $0xFFFFFF80, v27;
	v19 =	vor.u32 v24, v19  }
0x522: {  	v20 =	vor.u32 v25, v11;
	v18 =	vld.idx.msk [tilespmem:v18+s16+$0x0], $0xffff;
	v24 =	vand.u32 $0x7F, v27;
	v17 =	vadd.s32 v10, v17  }
0x523: {  	v17 =	vor.u32 v24, v17  }
0x524: {  	v24 =	vadd.s32 v16, v3  }
0x525: {  	v27 =	vadd.s32 v16, v2;
	[tilespmem:v12+s22+$0x0] =	vst.idx.msk $0xffff, v23;
	v23 =	vand.u32 $0xFFFFFF80, v24  }
0x526: {  	v12 =	vor.u32 v37, v7;
	v24 =	vand.u32 $0x7F, v24;
	v19 =	vld.idx.msk [tilespmem:v19+s16+$0x0], $0xffff;
	v23 =	vadd.s32 v6, v23  }
0x527: {  	v25 =	vld [tilespmem:$0x1FBF0];
	[tilespmem:v20+s22+$0x0] =	vst.idx.msk $0xffff, v18;
	v18 =	vand.u32 $0xFFFFFF80, v27;
	v23 =	vor.u32 v24, v23  }
0x528: {  	v20 =	vor.u32 v37, v11;
	v17 =	vld.idx.msk [tilespmem:v17+s16+$0x0], $0xffff;
	v24 =	vand.u32 $0x7F, v27;
	v18 =	vadd.s32 v10, v18  }
0x529: {  	v18 =	vor.u32 v24, v18  }
0x52a: {  	v24 =	vadd.s32 v21, v3  }
0x52b: {  	v27 =	vadd.s32 v21, v2;
	[tilespmem:v12+s22+$0x0] =	vst.idx.msk $0xffff, v19;
	v19 =	vand.u32 $0xFFFFFF80, v24  }
0x52c: {  	v12 =	vor.u32 v25, v7;
	v24 =	vand.u32 $0x7F, v24;
	v23 =	vld.idx.msk [tilespmem:v23+s16+$0x0], $0xffff;
	v19 =	vadd.s32 v6, v19  }
0x52d: {  	[tilespmem:v20+s22+$0x0] =	vst.idx.msk $0xffff, v17;
	v17 =	vand.u32 $0xFFFFFF80, v27;
	v20 =	vor.u32 v25, v11;
	v25 =	vld [tilespmem:$0x1FC10];
	v19 =	vor.u32 v24, v19  }
0x52e: {  	v18 =	vld.idx.msk [tilespmem:v18+s16+$0x0], $0xffff;
	v24 =	vand.u32 $0x7F, v27;
	v17 =	vadd.s32 v10, v17  }
0x52f: {  	v17 =	vor.u32 v24, v17  }
0x530: {  	v24 =	vadd.s32 v22, v3  }
0x531: {  	v27 =	vadd.s32 v22, v2;
	[tilespmem:v12+s22+$0x0] =	vst.idx.msk $0xffff, v23;
	v23 =	vand.u32 $0xFFFFFF80, v24  }
0x532: {  	v12 =	vor.u32 v25, v7;
	v24 =	vand.u32 $0x7F, v24;
	v19 =	vld.idx.msk [tilespmem:v19+s16+$0x0], $0xffff;
	v23 =	vadd.s32 v6, v23  }
0x533: {  	[tilespmem:v20+s22+$0x0] =	vst.idx.msk $0xffff, v18;
	v18 =	vand.u32 $0xFFFFFF80, v27;
	v20 =	vor.u32 v25, v11;
	v25 =	vld [tilespmem:$0x1FC30];
	v23 =	vor.u32 v24, v23  }
0x534: {  	v17 =	vld.idx.msk [tilespmem:v17+s16+$0x0], $0xffff;
	v24 =	vand.u32 $0x7F, v27;
	v18 =	vadd.s32 v10, v18  }
0x535: {  	v18 =	vor.u32 v24, v18  }
0x536: {  	v24 =	vadd.s32 v5, v3  }
0x537: {  	v27 =	vadd.s32 v5, v2;
	[tilespmem:v12+s22+$0x0] =	vst.idx.msk $0xffff, v19;
	v19 =	vand.u32 $0xFFFFFF80, v24  }
0x538: {  	v12 =	vor.u32 v25, v7;
	v24 =	vand.u32 $0x7F, v24;
	v23 =	vld.idx.msk [tilespmem:v23+s16+$0x0], $0xffff;
	v19 =	vadd.s32 v6, v19  }
0x539: {  	[tilespmem:v20+s22+$0x0] =	vst.idx.msk $0xffff, v17;
	v17 =	vand.u32 $0xFFFFFF80, v27;
	v20 =	vor.u32 v25, v11;
	v25 =	vld [tilespmem:$0x1FC50];
	v19 =	vor.u32 v24, v19  }
0x53a: {  	v18 =	vld.idx.msk [tilespmem:v18+s16+$0x0], $0xffff;
	v24 =	vand.u32 $0x7F, v27;
	v17 =	vadd.s32 v10, v17  }
0x53b: {  	v17 =	vor.u32 v24, v17  }
0x53c: {  	v24 =	vadd.s32 v26, v3  }
0x53d: {  	v27 =	vadd.s32 v26, v2;
	[tilespmem:v12+s22+$0x0] =	vst.idx.msk $0xffff, v23;
	v23 =	vand.u32 $0xFFFFFF80, v24  }
0x53e: {  	v12 =	vor.u32 v25, v7;
	v24 =	vand.u32 $0x7F, v24;
	v19 =	vld.idx.msk [tilespmem:v19+s16+$0x0], $0xffff;
	v23 =	vadd.s32 v6, v23  }
0x53f: {  	[tilespmem:v20+s22+$0x0] =	vst.idx.msk $0xffff, v18;
	v18 =	vand.u32 $0xFFFFFF80, v27;
	v20 =	vor.u32 v25, v11;
	v25 =	vld [tilespmem:$0x1FC60];
	v23 =	vor.u32 v24, v23  }
0x540: {  	v17 =	vld.idx.msk [tilespmem:v17+s16+$0x0], $0xffff;
	v24 =	vand.u32 $0x7F, v27;
	v18 =	vadd.s32 v10, v18  }
0x541: {  	v18 =	vor.u32 v24, v18  }
0x542: {  	v24 =	vadd.s32 v39, v3  }
0x543: {  	v27 =	vadd.s32 v39, v2;
	[tilespmem:v12+s22+$0x0] =	vst.idx.msk $0xffff, v19;
	v19 =	vand.u32 $0xFFFFFF80, v24  }
0x544: {  	v12 =	vor.u32 v25, v7;
	v24 =	vand.u32 $0x7F, v24;
	v23 =	vld.idx.msk [tilespmem:v23+s16+$0x0], $0xffff;
	v19 =	vadd.s32 v6, v19  }
0x545: {  	[tilespmem:v20+s22+$0x0] =	vst.idx.msk $0xffff, v17;
	v17 =	vand.u32 $0xFFFFFF80, v27;
	v20 =	vor.u32 v25, v11;
	v25 =	vld [tilespmem:$0x1FC80];
	v19 =	vor.u32 v24, v19  }
0x546: {  	v18 =	vld.idx.msk [tilespmem:v18+s16+$0x0], $0xffff;
	v24 =	vand.u32 $0x7F, v27;
	v17 =	vadd.s32 v10, v17  }
0x547: {  	v17 =	vor.u32 v24, v17  }
0x548: {  	v24 =	vadd.s32 v40, v3  }
0x549: {  	v27 =	vadd.s32 v40, v2;
	[tilespmem:v12+s22+$0x0] =	vst.idx.msk $0xffff, v23;
	v23 =	vand.u32 $0xFFFFFF80, v24  }
0x54a: {  	v12 =	vor.u32 v25, v7;
	v24 =	vand.u32 $0x7F, v24;
	v19 =	vld.idx.msk [tilespmem:v19+s16+$0x0], $0xffff;
	v23 =	vadd.s32 v6, v23  }
0x54b: {  	[tilespmem:v20+s22+$0x0] =	vst.idx.msk $0xffff, v18;
	v18 =	vand.u32 $0xFFFFFF80, v27;
	v20 =	vor.u32 v25, v11;
	v25 =	vld [tilespmem:$0x1FCA0];
	v23 =	vor.u32 v24, v23  }
0x54c: {  	v17 =	vld.idx.msk [tilespmem:v17+s16+$0x0], $0xffff;
	v24 =	vand.u32 $0x7F, v27;
	v18 =	vadd.s32 v10, v18  }
0x54d: {  	v18 =	vor.u32 v24, v18  }
0x54e: {  	v24 =	vadd.s32 v41, v3  }
0x54f: {  	v27 =	vadd.s32 v41, v2;
	[tilespmem:v12+s22+$0x0] =	vst.idx.msk $0xffff, v19;
	v19 =	vand.u32 $0xFFFFFF80, v24  }
0x550: {  	v12 =	vor.u32 v25, v7;
	v24 =	vand.u32 $0x7F, v24;
	v23 =	vld.idx.msk [tilespmem:v23+s16+$0x0], $0xffff;
	v19 =	vadd.s32 v6, v19  }
0x551: {  	[tilespmem:v20+s22+$0x0] =	vst.idx.msk $0xffff, v17;
	v17 =	vand.u32 $0xFFFFFF80, v27;
	v20 =	vor.u32 v25, v11;
	v25 =	vld [tilespmem:$0x1FCC0];
	v19 =	vor.u32 v24, v19  }
0x552: {  	v18 =	vld.idx.msk [tilespmem:v18+s16+$0x0], $0xffff;
	v24 =	vand.u32 $0x7F, v27;
	v17 =	vadd.s32 v10, v17  }
0x553: {  	v17 =	vor.u32 v24, v17  }
0x554: {  	v24 =	vadd.s32 v42, v3  }
0x555: {  	v27 =	vadd.s32 v42, v2;
	[tilespmem:v12+s22+$0x0] =	vst.idx.msk $0xffff, v23;
	v23 =	vand.u32 $0xFFFFFF80, v24  }
0x556: {  	v12 =	vor.u32 v25, v7;
	v24 =	vand.u32 $0x7F, v24;
	v19 =	vld.idx.msk [tilespmem:v19+s16+$0x0], $0xffff;
	v23 =	vadd.s32 v6, v23  }
0x557: {  	[tilespmem:v20+s22+$0x0] =	vst.idx.msk $0xffff, v18;
	v18 =	vand.u32 $0xFFFFFF80, v27;
	v20 =	vor.u32 v25, v11;
	v25 =	vld [tilespmem:$0x1FCE0];
	v23 =	vor.u32 v24, v23  }
0x558: {  	v17 =	vld.idx.msk [tilespmem:v17+s16+$0x0], $0xffff;
	v24 =	vand.u32 $0x7F, v27;
	v18 =	vadd.s32 v10, v18  }
0x559: {  	v18 =	vor.u32 v24, v18  }
0x55a: {  	v24 =	vadd.s32 v44, v3  }
0x55b: {  	v27 =	vadd.s32 v44, v2;
	[tilespmem:v12+s22+$0x0] =	vst.idx.msk $0xffff, v19;
	v19 =	vand.u32 $0xFFFFFF80, v24  }
0x55c: {  	v12 =	vor.u32 v25, v7;
	v24 =	vand.u32 $0x7F, v24;
	v23 =	vld.idx.msk [tilespmem:v23+s16+$0x0], $0xffff;
	v19 =	vadd.s32 v6, v19  }
0x55d: {  	[tilespmem:v20+s22+$0x0] =	vst.idx.msk $0xffff, v17;
	v17 =	vand.u32 $0xFFFFFF80, v27;
	v20 =	vor.u32 v25, v11;
	v25 =	vld [tilespmem:$0x1FCF0];
	v19 =	vor.u32 v24, v19  }
0x55e: {  	v18 =	vld.idx.msk [tilespmem:v18+s16+$0x0], $0xffff;
	v24 =	vand.u32 $0x7F, v27;
	v17 =	vadd.s32 v10, v17  }
0x55f: {  	v17 =	vor.u32 v24, v17  }
0x560: {  	v24 =	vadd.s32 v45, v3  }
0x561: {  	v27 =	vadd.s32 v45, v2;
	[tilespmem:v12+s22+$0x0] =	vst.idx.msk $0xffff, v23;
	v23 =	vand.u32 $0xFFFFFF80, v24  }
0x562: {  	v12 =	vor.u32 v25, v7;
	v24 =	vand.u32 $0x7F, v24;
	v19 =	vld.idx.msk [tilespmem:v19+s16+$0x0], $0xffff;
	v23 =	vadd.s32 v6, v23  }
0x563: {  	[tilespmem:v20+s22+$0x0] =	vst.idx.msk $0xffff, v18;
	v20 =	vor.u32 v25, v11;
	v25 =	vld [tilespmem:$0x1FF70];
	v23 =	vor.u32 v24, v23  }
0x564: {  	v18 =	vand.u32 $0xFFFFFF80, v27;
	v17 =	vld.idx.msk [tilespmem:v17+s16+$0x0], $0xffff  }
0x565: {  	v24 =	vand.u32 $0x7F, v27;
	v18 =	vadd.s32 v10, v18  }
0x566: {  	v18 =	vor.u32 v24, v18;
	v24 =	vadd.s32 v46, v3  }
0x567: {  	[tilespmem:v12+s22+$0x0] =	vst.idx.msk $0xffff, v19;
	v12 =	vand.u32 $0xFFFFFF80, v24  }
0x568: {  	v27 =	vor.u32 v25, v7;
	v19 =	vld.idx.msk [tilespmem:v23+s16+$0x0], $0xffff;
	v23 =	vand.u32 $0x7F, v24;
	v12 =	vadd.s32 v6, v12  }
0x569: {  	[tilespmem:v20+s22+$0x0] =	vst.idx.msk $0xffff, v17;
	v20 =	vor.u32 v25, v11;
	v25 =	vld [tilespmem:$0x1FD00];
	v12 =	vor.u32 v23, v12  }
0x56a: {  	v24 =	vadd.s32 v46, v2  }
0x56b: {  	v17 =	vand.u32 $0xFFFFFF80, v24  }
0x56c: {  	v18 =	vld.idx.msk [tilespmem:v18+s16+$0x0], $0xffff;
	v23 =	vand.u32 $0x7F, v24;
	v17 =	vadd.s32 v10, v17  }
0x56d: {  	v17 =	vor.u32 v23, v17;
	[tilespmem:v27+s22+$0x0] =	vst.idx.msk $0xffff, v19  }
0x56e: {  	v19 =	vor.u32 v25, v7;
	v12 =	vld.idx.msk [tilespmem:v12+s16+$0x0], $0xffff;
	_ =	sdelay $0x1  }
0x56f: {  	v23 =	vadd.s32 v47, v3  }
0x570: {  	v24 =	vand.u32 $0xFFFFFF80, v23;
	[tilespmem:v20+s22+$0x0] =	vst.idx.msk $0xffff, v18  }
0x571: {  	v23 =	vand.u32 $0x7F, v23;
	v20 =	vadd.s32 v6, v24;
	v17 =	vld.idx.msk [tilespmem:v17+s16+$0x0], $0xffff  }
0x572: {  	v24 =	vor.u32 v25, v11;
	v20 =	vor.u32 v23, v20;
	[tilespmem:v19+s22+$0x0] =	vst.idx.msk $0xffff, v12;
	v19 =	vld [tilespmem:$0x1FF80]  }
0x573: {  	v18 =	vadd.s32 v47, v2  }
0x574: {  	v27 =	vand.u32 $0xFFFFFF80, v18  }
0x575: {  	v3 =	vadd.s32 v49, v3;
	v18 =	vand.u32 $0x7F, v18;
	v23 =	vadd.s32 v10, v27  }
0x576: {  	v18 =	vor.u32 v18, v23;
	v12 =	vand.u32 $0xFFFFFF80, v3  }
0x577: {  	v6 =	vadd.s32 v6, v12;
	v12 =	vld.idx.msk [tilespmem:v20+s16+$0x0], $0xffff;
	[tilespmem:v24+s22+$0x0] =	vst.idx.msk $0xffff, v17;
	v17 =	vor.u32 v19, v7;
	_ =	sdelay $0x2  }
0x578: {  	v2 =	vadd.s32 v49, v2;
	v3 =	vand.u32 $0x7F, v3  }
0x579: {  	v3 =	vor.u32 v3, v6;
	v6 =	vand.u32 $0xFFFFFF80, v2;
	v18 =	vld.idx.msk [tilespmem:v18+s16+$0x0], $0xffff  }
0x57a: {  	v2 =	vand.u32 $0x7F, v2;
	v6 =	vadd.s32 v10, v6;
	v10 =	vor.u32 v19, v11;
	[tilespmem:v17+s22+$0x0] =	vst.idx.msk $0xffff, v12;
	v12 =	vld [tilespmem:$0x1FF90]  }
0x57b: {  	v2 =	vor.u32 v2, v6;
	_ =	sdelay $0x3  }
0x57c: {  	[tilespmem:v10+s22+$0x0] =	vst.idx.msk $0xffff, v18;
	v3 =	vld.idx.msk [tilespmem:v3+s16+$0x0], $0xffff;
	v6 =	vor.u32 v12, v7  }
0x57d: {  	p0 =	slt.u32 s29, $0xE0;
	v2 =	vld.idx.msk [tilespmem:v2+s16+$0x0], $0xffff;
	v7 =	vor.u32 v12, v11  }
.Ltmp1:
0x57e: {  	_ = 	snop;
	(pc) =	sbr.rel @p0 .LBB2_5-.Ltmp1, $3  }
0x57f: {  	_ =	sdelay $0x1  }
0x580: {  	[tilespmem:v6+s22+$0x0] =	vst.idx.msk $0xffff, v3  }
0x581: {  	s30 =	sadd.s32 $0x20, s30;
	s29 =	sadd.s32 $0x20, s29;
	v17 =	vlaneseq.u32;
	[tilespmem:v7+s22+$0x0] =	vst.idx.msk $0xffff, v2  }
0x582: {  	s26 =	sadd.s32 $0x1, s26  }
0x583: {  	p0 =	sne.s32 s26, $0x32  }
.Ltmp2:
0x584: {  	_ = 	snop;
	(pc) =	sbr.rel @p0 .LBB2_2-.Ltmp2, $4  }
0x585: {  	v27 =	vld [tilespmem:$0x1FFE0]  }
0x586: {  	v20 =	vld [tilespmem:$0x1FFA0]  }
0x587: {  	s1 =	sadd.s32 s28, s7;
	v23 =	vld [tilespmem:$0x1FFB0]  }
0x588: {  	v55 =	vmov v28;
	v24 =	vld [tilespmem:$0x1FFC0];
	[hbm4b:s1+s19] =	stream.strided.scatter [tilespmem:s22], [sflag:$0x4], $0x4000, s20, s19, $0x38  }
0x589: {  	s25 =	sadd.s32 $0x1, s25  }
0x58a: {  	_ =	swait.ge [sflag:s23], $0x4000;
	p0 =	sne.s32 s25, s8  }
.Ltmp3:
0x58b: {  	[sflag:s23] =	ssyncset.done $0x0;
	(pc) =	sbr.rel @p0 .LBB2_1-.Ltmp3, $4  }
0x58c: {  	[sflag:s23] =	ssyncadd.s32 $0xFFFFC000  }
0x58d: {  	_ =	swait.ge [sflag:s24], $0x4000  }
0x58e: {  	[sflag:s24] =	ssyncset.done $0x0  }
0x58f: {  	[sflag:s24] =	ssyncadd.s32 $0xFFFFC000  }
0x590: {  	_ =	sfence.sel $0x180000  }
0x591: {  	[bflag:$0x0] =	sbarrier.arrive $0xFFFF  }
0x592: {  	_ =	strace $0x90000047  }
0x593: {  	[bflag:$0x2] =	sbarrier.arrive $0xFFFF  }
0x594: {  	p0 =	sne.s32 s3, $0x0;
	s0 =	rddreg [dreg:$0x3]  }
0x595: {  	s0 =	sadd.s32 @!p0 $0x100000, s0  }
0x596: {  	[sflag:s0] =	ssyncadd.tile.s32 @!p0 $0x1;
	_ =	shalt  }
.Lfunc_end2:
_tile_overlayer_lowered:
.L_overlay_start_2:
0x597: {  	(tag) =	ssettag $0x2  }
0x598: {  	s0 =	rddreg [dreg:$0x0];
	s2 =	stileid.u32  }
0x599: {  	s1 =	rddreg [dreg:$0x1];
	p0 =	sne.s32 s2, $0x0  }
0x59a: {  	s3 =	rddreg [dreg:$0x2];
	[bflag:$0x3] =	sbarrier.arrive $0xFFFF;
	s2 =	simm.s32 @!p0 $0x1C05  }
0x59b: {  	[timem:s3], [sflag:s2] =	dma.local @!p0 [hbm:s0], s1  }
0x59c: {  	s0 =	simm.s32 @!p0 $0x5  }
0x59d: {  	_ =	swait.ge @!p0 [sflag:s0], s1  }
0x59e: {  	s1 =	ssub.s32 @!p0 $0x0, s1;
	[sflag:s0] =	ssyncset.done @!p0 $0x0  }
0x59f: {  	[sflag:s0] =	ssyncadd.s32 @!p0 s1  }
0x5a0: {  	[bflag:$0x3] =	sbarrier.arrive $0xFFFF  }
0x5a1: {  	_ =	shalt  }

</sc_bundles>
